<compile_context>
chip_gen: v7x
topology: tpu7x:2x2x1
jax: 0.10.2.dev20260603
libtpu: 0.0.44.dev20260713+nightly
codegen_flags: <defaults>
</compile_context>

<pallas_src>
import functools

import jax
import jax.numpy as jnp
from jax import lax
from jax.experimental import pallas as pl
from jax.experimental.pallas import tpu as pltpu
from jax.experimental.pallas import tpu_sc as plsc

_CB = 6

_B, _C, _H, _W = 2, 96, 512, 512
_HO, _WO = _H // 2 + 2, _W // 2 + 2




def _sc_fill_body(x_hbm, out_hbm, xv, pairv):
    wid = lax.axis_index("s") * 2 + lax.axis_index("c")

    def plane_step(t, carry):
        p = wid * 6 + t
        b = p // _C
        c = p % _C
        pltpu.sync_copy(x_hbm.at[b, c, :, pl.ds(384, 128)], xv)
        for s1 in range(2):
            for s2 in range(2):
                ch = c * 4 + 2 * s1 + s2
                for k in range(17):
                    ho = lax.iota(jnp.int32, 16) + k * 16
                    hsrc = 2 * jnp.clip(ho - 1, 0, 255) + s1
                    col = jnp.full((16,), 126 + s2, jnp.int32)
                    val = plsc.load_gather(xv, [hsrc, col])
                    plsc.store_scatter(pairv, [ho, jnp.zeros((16,), jnp.int32)], val)
                    plsc.store_scatter(pairv, [ho, jnp.ones((16,), jnp.int32)], val)
                pltpu.sync_copy(
                    pairv.at[pl.ds(0, _HO)],
                    out_hbm.at[b, ch, :, pl.ds(_WO - 2, 2)],
                )
        return carry

    lax.fori_loop(0, 6, plane_step, 0)


def _sc_fill(x):
    mesh = plsc.VectorSubcoreMesh(core_axis_name="c", subcore_axis_name="s")
    fn = pl.kernel(
        _sc_fill_body,
        out_type=jax.ShapeDtypeStruct((_B, 4 * _C, _HO, _WO), jnp.float32),
        mesh=mesh,
        scratch_types=[
            pltpu.VMEM((_H, 128), jnp.float32),
            pltpu.VMEM((272, 2), jnp.float32),
        ],
        compiler_params=pltpu.CompilerParams(
            use_tc_tiling_on_sc=True, needs_layout_passes=False
        ),
    )
    return fn(x)




def _ta(arr, idx):
    return jnp.take_along_axis(arr, idx, axis=1)


def _tc_bulk_kernel(x_ref, s_ref, o_ref):
    del s_ref
    ii = jax.lax.broadcasted_iota(jnp.int32, (256, 256), 0)
    jj = jax.lax.broadcasted_iota(jnp.int32, (256, 256), 1)
    D = (ii == 2 * (jj % 128) + jj // 128).astype(jnp.bfloat16)
    for ci in range(_CB):
        _one_plane(x_ref[0, ci], o_ref.at[0, 4 * ci : 4 * ci + 4], D)


def _one_plane(x, o_ref, D):
    xh = x.astype(jnp.bfloat16)
    xl = (x - xh.astype(jnp.float32)).astype(jnp.bfloat16)
    y = jnp.concatenate(
        [
            jnp.dot(
                xh[:, h * 256 : (h + 1) * 256],
                D,
                preferred_element_type=jnp.float32,
            )
            + jnp.dot(
                xl[:, h * 256 : (h + 1) * 256],
                D,
                preferred_element_type=jnp.float32,
            )
            for h in range(2)
        ],
        axis=1,
    )
    y4 = y.reshape(32, 2, 8, 512)
    ye = y4[:, 0]
    yo = y4[:, 1]
    yp = jnp.roll(yo, 1, axis=0)
    si = jax.lax.broadcasted_iota(jnp.int32, (32, 8, 512), 1)
    row = jax.lax.broadcasted_iota(jnp.int32, (256, 512), 0)
    for s1 in range(2):
        q = (2 * si - 2 + s1) % 8
        g = jnp.where(
            si == 0,
            _ta(yp, q),
            jnp.where(si <= 4, _ta(ye, q), _ta(yo, q)),
        ).reshape(256, 512)
        g = jnp.where(row == 0, jnp.broadcast_to(y[s1 : s1 + 1, :], (256, 512)), g)
        gt = jnp.broadcast_to(y[510 + s1 : 511 + s1, :], (2, 512))
        z = jnp.concatenate([g, gt], axis=0)
        for s2 in range(2):
            core = jnp.concatenate(
                [
                    z[:, 128 * s2 : 128 * s2 + 128],
                    z[:, 256 + 128 * s2 : 256 + 128 * s2 + 128],
                ],
                axis=1,
            )
            full = jnp.concatenate([core[:, 0:1], core[:, 0:255]], axis=1)
            o_ref[2 * s1 + s2] = full


def _tc_bulk(x, s):
    return pl.pallas_call(
        _tc_bulk_kernel,
        grid=(_B, _C // _CB),
        in_specs=[
            pl.BlockSpec((1, _CB, _H, _W), lambda b, c: (b, c, 0, 0)),
            pl.BlockSpec(memory_space=pl.MemorySpace.ANY),
        ],
        out_specs=pl.BlockSpec(
            (1, 4 * _CB, _HO, 256), lambda b, c: (b, c, 0, 0)
        ),
        out_shape=jax.ShapeDtypeStruct((_B, 4 * _C, _HO, _WO), jnp.float32),
        input_output_aliases={1: 0},
        compiler_params=pltpu.CompilerParams(
            dimension_semantics=("parallel", "parallel"),
        ),
    )(x, s)


def kernel(x):
    s = _sc_fill(x)
    return _tc_bulk(x, s)

# --- scband reference (transcript-rebuilt; emitter-appended) ---
"""Pipeline reference for scband-conv2d-nn-6536940224927 (READ-ONLY COPY).

The authoritative reference and input builder live on the scoring server;
editing this copy changes nothing except your own understanding.
"""

import jax, jax.numpy as jnp
import numpy as np

SHUFFLE_SCALE = 2
PADDING = 1


def pixel_unshuffle(x, s):
    # Faithful to torch.nn.PixelUnshuffle channel ordering
    B, C, H, W = x.shape
    x = x.reshape(B, C, H // s, s, W // s, s)
    x = x.transpose(0, 1, 3, 5, 2, 4)
    return x.reshape(B, C * s * s, H // s, W // s)


def setup_inputs(seed: int = 0) -> dict:
    key = jax.random.key(seed)
    x = jax.random.normal(key, (2, 96, 512, 512), dtype=jnp.float32)
    return {"x": x}


def reference(x):
    # shuffle_pattern == 'B' -> apply PixelUnshuffle before
    x = pixel_unshuffle(x, SHUFFLE_SCALE)
    # og_shape recorded (side-effect only in torch code)
    if PADDING > 0:
        # F.pad(..., mode='replicate') == jnp.pad mode='edge' on last two dims
        x = jnp.pad(x, ((0, 0), (0, 0), (PADDING, PADDING), (PADDING, PADDING)), mode='edge')
    # coordinate_encoding is False, so no coordinate channels are added.
    # The truncated torch forward ends here; return the processed tensor.
    return x

if __name__ == "__main__":
    import jax
    _d = setup_inputs()
    print(jax.jit(kernel)(*tuple(_d.values())))

</pallas_src>

<mosaic_0001>
#map = affine_map<(d0, d1) -> (0, 0, 0, 0)>
module attributes {stable_mosaic.version = 14 : i64} {
  func.func @_sc_fill_body(%arg0: i32, %arg1: i32, %arg2: memref<2x96x512x512xf32, #tpu.memory_space<hbm>>, %arg3: memref<2x384x258x258xf32, #tpu.memory_space<hbm>>, %arg4: memref<512x128xf32, #tpu.memory_space<vmem>>, %arg5: memref<272x2xf32, #tpu.memory_space<vmem>>) attributes {dimension_semantics = [#tpu.dimension_semantics<core_parallel>, #tpu.dimension_semantics<subcore_parallel>], iteration_bounds = array<i64: 2, 16>, scalar_prefetch = 0 : i64, scratch_operands = 2 : i64, tpu.core_type = #tpu.core_type<sc_vector_subcore>, window_params = [{transform_indices = #map}, {transform_indices = #map}]} {
    %mul3A = arith.constant 2 : i32
    %mul3A_0 = arith.muli %arg1, %mul3A : i32
    %add3A = arith.addi %mul3A_0, %arg0 : i32
    %scan3A = arith.constant 0 : i32
    %scan3A_1 = arith.constant 0 : i32
    %scan3A_2 = arith.constant 6 : i32
    %scan3A_3 = arith.addi %scan3A_1, %scan3A_2 : i32
    %scan3A_4 = arith.constant 1 : i32
    scf.for %scan3A_6 = %scan3A_1 to %scan3A_3 step %scan3A_4  : i32 {
      %mul3A_7 = arith.constant 6 : i32
      %mul3A_8 = arith.muli %add3A, %mul3A_7 : i32
      %add3A_9 = arith.addi %mul3A_8, %scan3A_6 : i32
      %jit3A = arith.constant 96 : i32
      %div3A = arith.divsi %add3A_9, %jit3A : i32
      %sign3A = arith.constant 0 : i32
      %sign3A_10 = arith.cmpi sgt, %add3A_9, %sign3A : i32
      %sign3A_11 = arith.extui %sign3A_10 : i1 to i32
      %sign3A_12 = arith.constant 0 : i32
      %sign3A_13 = arith.cmpi slt, %add3A_9, %sign3A_12 : i32
      %sign3A_14 = arith.extui %sign3A_13 : i1 to i32
      %sign3A_15 = arith.subi %sign3A_11, %sign3A_14 : i32
      %sign3A_16 = arith.constant 0 : i32
      %sign3A_17 = arith.cmpi sgt, %jit3A, %sign3A_16 : i32
      %sign3A_18 = arith.extui %sign3A_17 : i1 to i32
      %sign3A_19 = arith.constant 0 : i32
      %sign3A_20 = arith.cmpi slt, %jit3A, %sign3A_19 : i32
      %sign3A_21 = arith.extui %sign3A_20 : i1 to i32
      %sign3A_22 = arith.subi %sign3A_18, %sign3A_21 : i32
      %ne3A = arith.cmpi ne, %sign3A_15, %sign3A_22 : i32
      %rem3A = arith.remsi %add3A_9, %jit3A : i32
      %ne3A_23 = arith.constant 0 : i32
      %ne3A_24 = arith.cmpi ne, %rem3A, %ne3A_23 : i32
      %and3A = arith.andi %ne3A, %ne3A_24 : i1
      %sub3A = arith.constant 1 : i32
      %sub3A_25 = arith.subi %div3A, %sub3A : i32
      %select_n3A = arith.select %and3A, %sub3A_25, %div3A : i32
      %jit3A_26 = arith.constant 96 : i32
      %eq3A = arith.constant 0 : i32
      %eq3A_27 = arith.cmpi eq, %jit3A_26, %eq3A : i32
      %jit3A_28 = arith.constant 1 : i32
      %select_n3A_29 = arith.select %eq3A_27, %jit3A_28, %jit3A_26 : i32
      %rem3A_30 = arith.remsi %add3A_9, %select_n3A_29 : i32
      %ne3A_31 = arith.constant 0 : i32
      %ne3A_32 = arith.cmpi ne, %rem3A_30, %ne3A_31 : i32
      %lt3A = arith.constant 0 : i32
      %lt3A_33 = arith.cmpi slt, %rem3A_30, %lt3A : i32
      %lt3A_34 = arith.constant 0 : i32
      %lt3A_35 = arith.cmpi slt, %select_n3A_29, %lt3A_34 : i32
      %ne3A_36 = arith.xori %lt3A_33, %lt3A_35 : i1
      %and3A_37 = arith.andi %ne3A_36, %ne3A_32 : i1
      %add3A_38 = arith.addi %rem3A_30, %select_n3A_29 : i32
      %select_n3A_39 = arith.select %and3A_37, %add3A_38, %rem3A_30 : i32
      "tpu.region"() ({
        %run_scoped3A = tpu.sem_alloc : memref<!tpu.dma_semaphore, #tpu.memory_space<semaphore_mem>>
        %dma_start3A = arith.constant 0 : i32
        %dma_start3A_1827 = arith.constant 384 : i32
        %dma_start3A_1828 = tpu.memref_slice %arg2[%select_n3A, %select_n3A_39, %dma_start3A, %dma_start3A_1827] : memref<2x96x512x512xf32, #tpu.memory_space<hbm>> -> memref<1x1x512x128xf32, #tpu.memory_space<hbm>>
        %dma_start3A_1829 = tpu.memref_squeeze %dma_start3A_1828 : memref<1x1x512x128xf32, #tpu.memory_space<hbm>> -> memref<512x128xf32, #tpu.memory_space<hbm>>
        %dma_start3A_1830 = arith.constant 0 : i32
        %dma_start3A_1831 = arith.constant 384 : i32
        %dma_start3A_1832 = tpu.memref_slice %arg2[%select_n3A, %select_n3A_39, %dma_start3A_1830, %dma_start3A_1831] : memref<2x96x512x512xf32, #tpu.memory_space<hbm>> -> memref<1x1x512x128xf32, #tpu.memory_space<hbm>>
        %dma_start3A_1833 = tpu.memref_squeeze %dma_start3A_1832 : memref<1x1x512x128xf32, #tpu.memory_space<hbm>> -> memref<512x128xf32, #tpu.memory_space<hbm>>
        tpu.enqueue_dma source(%dma_start3A_1833 : memref<512x128xf32, #tpu.memory_space<hbm>>) target(%arg4 : memref<512x128xf32, #tpu.memory_space<vmem>>) target_semaphore(%run_scoped3A : memref<!tpu.dma_semaphore, #tpu.memory_space<semaphore_mem>>)
        %dma_wait3A = arith.constant 0 : i32
        %dma_wait3A_1834 = arith.constant 384 : i32
        %dma_wait3A_1835 = tpu.memref_slice %arg2[%select_n3A, %select_n3A_39, %dma_wait3A, %dma_wait3A_1834] : memref<2x96x512x512xf32, #tpu.memory_space<hbm>> -> memref<1x1x512x128xf32, #tpu.memory_space<hbm>>
        %dma_wait3A_1836 = tpu.memref_squeeze %dma_wait3A_1835 : memref<1x1x512x128xf32, #tpu.memory_space<hbm>> -> memref<512x128xf32, #tpu.memory_space<hbm>>
        %dma_wait3A_1837 = arith.constant 0 : i32
        %dma_wait3A_1838 = arith.constant 384 : i32
        %dma_wait3A_1839 = tpu.memref_slice %arg2[%select_n3A, %select_n3A_39, %dma_wait3A_1837, %dma_wait3A_1838] : memref<2x96x512x512xf32, #tpu.memory_space<hbm>> -> memref<1x1x512x128xf32, #tpu.memory_space<hbm>>
        %dma_wait3A_1840 = tpu.memref_squeeze %dma_wait3A_1839 : memref<1x1x512x128xf32, #tpu.memory_space<hbm>> -> memref<512x128xf32, #tpu.memory_space<hbm>>
        tpu.wait_dma2 semaphore(%run_scoped3A : memref<!tpu.dma_semaphore, #tpu.memory_space<semaphore_mem>>) src(%dma_wait3A_1840 : memref<512x128xf32, #tpu.memory_space<hbm>>) dst(%arg4 : memref<512x128xf32, #tpu.memory_space<vmem>>)
        tpu.yield
      }) : () -> ()
      %mul3A_40 = arith.constant 4 : i32
      %mul3A_41 = arith.muli %select_n3A_39, %mul3A_40 : i32
      %add3A_42 = arith.constant 0 : i32
      %add3A_43 = arith.addi %mul3A_41, %add3A_42 : i32
      %add3A_44 = arith.constant 0 : i32
      %add3A_45 = arith.addi %add3A_43, %add3A_44 : i32
      %iota3A = tpu.iota {dimensions = array<i32: 0>} : vector<16xi32>
      %add3A_46 = arith.constant 0 : i32
      %add3A_47 = vector.broadcast %add3A_46 : i32 to vector<16xi32>
      %add3A_48 = arith.addi %iota3A, %add3A_47 : vector<16xi32>
      %sub3A_49 = arith.constant 1 : i32
      %sub3A_50 = vector.broadcast %sub3A_49 : i32 to vector<16xi32>
      %sub3A_51 = arith.subi %add3A_48, %sub3A_50 : vector<16xi32>
      %jit3A_52 = arith.constant 0 : i32
      %jit3A_53 = arith.constant 255 : i32
      %max3A = vector.broadcast %jit3A_52 : i32 to vector<16xi32>
      %max3A_54 = arith.maxsi %max3A, %sub3A_51 : vector<16xi32>
      %min3A = vector.broadcast %jit3A_53 : i32 to vector<16xi32>
      %min3A_55 = arith.minsi %min3A, %max3A_54 : vector<16xi32>
      %mul3A_56 = arith.constant 2 : i32
      %mul3A_57 = vector.broadcast %mul3A_56 : i32 to vector<16xi32>
      %mul3A_58 = arith.muli %mul3A_57, %min3A_55 : vector<16xi32>
      %add3A_59 = arith.constant 0 : i32
      %add3A_60 = vector.broadcast %add3A_59 : i32 to vector<16xi32>
      %add3A_61 = arith.addi %mul3A_58, %add3A_60 : vector<16xi32>
      %broadcast_in_dim3A = arith.constant 126 : i32
      %broadcast_in_dim3A_62 = vector.broadcast %broadcast_in_dim3A : i32 to vector<16xi32>
      %gather3A = tpu.vector_load_idx %arg4[%add3A_61, %broadcast_in_dim3A_62] : memref<512x128xf32, #tpu.memory_space<vmem>>[vector<16xi32>, vector<16xi32>], vector<16xf32>,
      %broadcast_in_dim3A_63 = arith.constant 0 : i32
      %broadcast_in_dim3A_64 = vector.broadcast %broadcast_in_dim3A_63 : i32 to vector<16xi32>
      tpu.vector_store_idx %arg5[%add3A_48, %broadcast_in_dim3A_64], %gather3A : memref<272x2xf32, #tpu.memory_space<vmem>>[vector<16xi32>, vector<16xi32>], vector<16xf32>,
      %broadcast_in_dim3A_65 = arith.constant 1 : i32
      %broadcast_in_dim3A_66 = vector.broadcast %broadcast_in_dim3A_65 : i32 to vector<16xi32>
      tpu.vector_store_idx %arg5[%add3A_48, %broadcast_in_dim3A_66], %gather3A : memref<272x2xf32, #tpu.memory_space<vmem>>[vector<16xi32>, vector<16xi32>], vector<16xf32>,
      %iota3A_67 = tpu.iota {dimensions = array<i32: 0>} : vector<16xi32>
      %add3A_68 = arith.constant 16 : i32
      %add3A_69 = vector.broadcast %add3A_68 : i32 to vector<16xi32>
      %add3A_70 = arith.addi %iota3A_67, %add3A_69 : vector<16xi32>
      %sub3A_71 = arith.constant 1 : i32
      %sub3A_72 = vector.broadcast %sub3A_71 : i32 to vector<16xi32>
      %sub3A_73 = arith.subi %add3A_70, %sub3A_72 : vector<16xi32>
      %jit3A_74 = arith.constant 0 : i32
      %jit3A_75 = arith.constant 255 : i32
      %max3A_76 = vector.broadcast %jit3A_74 : i32 to vector<16xi32>
      %max3A_77 = arith.maxsi %max3A_76, %sub3A_73 : vector<16xi32>
      %min3A_78 = vector.broadcast %jit3A_75 : i32 to vector<16xi32>
      %min3A_79 = arith.minsi %min3A_78, %max3A_77 : vector<16xi32>
      %mul3A_80 = arith.constant 2 : i32
      %mul3A_81 = vector.broadcast %mul3A_80 : i32 to vector<16xi32>
      %mul3A_82 = arith.muli %mul3A_81, %min3A_79 : vector<16xi32>
      %add3A_83 = arith.constant 0 : i32
      %add3A_84 = vector.broadcast %add3A_83 : i32 to vector<16xi32>
      %add3A_85 = arith.addi %mul3A_82, %add3A_84 : vector<16xi32>
      %broadcast_in_dim3A_86 = arith.constant 126 : i32
      %broadcast_in_dim3A_87 = vector.broadcast %broadcast_in_dim3A_86 : i32 to vector<16xi32>
      %gather3A_88 = tpu.vector_load_idx %arg4[%add3A_85, %broadcast_in_dim3A_87] : memref<512x128xf32, #tpu.memory_space<vmem>>[vector<16xi32>, vector<16xi32>], vector<16xf32>,
      %broadcast_in_dim3A_89 = arith.constant 0 : i32
      %broadcast_in_dim3A_90 = vector.broadcast %broadcast_in_dim3A_89 : i32 to vector<16xi32>
      tpu.vector_store_idx %arg5[%add3A_70, %broadcast_in_dim3A_90], %gather3A_88 : memref<272x2xf32, #tpu.memory_space<vmem>>[vector<16xi32>, vector<16xi32>], vector<16xf32>,
      %broadcast_in_dim3A_91 = arith.constant 1 : i32
      %broadcast_in_dim3A_92 = vector.broadcast %broadcast_in_dim3A_91 : i32 to vector<16xi32>
      tpu.vector_store_idx %arg5[%add3A_70, %broadcast_in_dim3A_92], %gather3A_88 : memref<272x2xf32, #tpu.memory_space<vmem>>[vector<16xi32>, vector<16xi32>], vector<16xf32>,
      %iota3A_93 = tpu.iota {dimensions = array<i32: 0>} : vector<16xi32>
      %add3A_94 = arith.constant 32 : i32
      %add3A_95 = vector.broadcast %add3A_94 : i32 to vector<16xi32>
      %add3A_96 = arith.addi %iota3A_93, %add3A_95 : vector<16xi32>
      %sub3A_97 = arith.constant 1 : i32
      %sub3A_98 = vector.broadcast %sub3A_97 : i32 to vector<16xi32>
      %sub3A_99 = arith.subi %add3A_96, %sub3A_98 : vector<16xi32>
      %jit3A_100 = arith.constant 0 : i32
      %jit3A_101 = arith.constant 255 : i32
      %max3A_102 = vector.broadcast %jit3A_100 : i32 to vector<16xi32>
      %max3A_103 = arith.maxsi %max3A_102, %sub3A_99 : vector<16xi32>
      %min3A_104 = vector.broadcast %jit3A_101 : i32 to vector<16xi32>
      %min3A_105 = arith.minsi %min3A_104, %max3A_103 : vector<16xi32>
      %mul3A_106 = arith.constant 2 : i32
      %mul3A_107 = vector.broadcast %mul3A_106 : i32 to vector<16xi32>
      %mul3A_108 = arith.muli %mul3A_107, %min3A_105 : vector<16xi32>
      %add3A_109 = arith.constant 0 : i32
      %add3A_110 = vector.broadcast %add3A_109 : i32 to vector<16xi32>
      %add3A_111 = arith.addi %mul3A_108, %add3A_110 : vector<16xi32>
      %broadcast_in_dim3A_112 = arith.constant 126 : i32
      %broadcast_in_dim3A_113 = vector.broadcast %broadcast_in_dim3A_112 : i32 to vector<16xi32>
      %gather3A_114 = tpu.vector_load_idx %arg4[%add3A_111, %broadcast_in_dim3A_113] : memref<512x128xf32, #tpu.memory_space<vmem>>[vector<16xi32>, vector<16xi32>], vector<16xf32>,
      %broadcast_in_dim3A_115 = arith.constant 0 : i32
      %broadcast_in_dim3A_116 = vector.broadcast %broadcast_in_dim3A_115 : i32 to vector<16xi32>
      tpu.vector_store_idx %arg5[%add3A_96, %broadcast_in_dim3A_116], %gather3A_114 : memref<272x2xf32, #tpu.memory_space<vmem>>[vector<16xi32>, vector<16xi32>], vector<16xf32>,
      %broadcast_in_dim3A_117 = arith.constant 1 : i32
      %broadcast_in_dim3A_118 = vector.broadcast %broadcast_in_dim3A_117 : i32 to vector<16xi32>
      tpu.vector_store_idx %arg5[%add3A_96, %broadcast_in_dim3A_118], %gather3A_114 : memref<272x2xf32, #tpu.memory_space<vmem>>[vector<16xi32>, vector<16xi32>], vector<16xf32>,
      %iota3A_119 = tpu.iota {dimensions = array<i32: 0>} : vector<16xi32>
      %add3A_120 = arith.constant 48 : i32
      %add3A_121 = vector.broadcast %add3A_120 : i32 to vector<16xi32>
      %add3A_122 = arith.addi %iota3A_119, %add3A_121 : vector<16xi32>
      %sub3A_123 = arith.constant 1 : i32
      %sub3A_124 = vector.broadcast %sub3A_123 : i32 to vector<16xi32>
      %sub3A_125 = arith.subi %add3A_122, %sub3A_124 : vector<16xi32>
      %jit3A_126 = arith.constant 0 : i32
      %jit3A_127 = arith.constant 255 : i32
      %max3A_128 = vector.broadcast %jit3A_126 : i32 to vector<16xi32>
      %max3A_129 = arith.maxsi %max3A_128, %sub3A_125 : vector<16xi32>
      %min3A_130 = vector.broadcast %jit3A_127 : i32 to vector<16xi32>
      %min3A_131 = arith.minsi %min3A_130, %max3A_129 : vector<16xi32>
      %mul3A_132 = arith.constant 2 : i32
      %mul3A_133 = vector.broadcast %mul3A_132 : i32 to vector<16xi32>
      %mul3A_134 = arith.muli %mul3A_133, %min3A_131 : vector<16xi32>
      %add3A_135 = arith.constant 0 : i32
      %add3A_136 = vector.broadcast %add3A_135 : i32 to vector<16xi32>
      %add3A_137 = arith.addi %mul3A_134, %add3A_136 : vector<16xi32>
      %broadcast_in_dim3A_138 = arith.constant 126 : i32
      %broadcast_in_dim3A_139 = vector.broadcast %broadcast_in_dim3A_138 : i32 to vector<16xi32>
      %gather3A_140 = tpu.vector_load_idx %arg4[%add3A_137, %broadcast_in_dim3A_139] : memref<512x128xf32, #tpu.memory_space<vmem>>[vector<16xi32>, vector<16xi32>], vector<16xf32>,
      %broadcast_in_dim3A_141 = arith.constant 0 : i32
      %broadcast_in_dim3A_142 = vector.broadcast %broadcast_in_dim3A_141 : i32 to vector<16xi32>
      tpu.vector_store_idx %arg5[%add3A_122, %broadcast_in_dim3A_142], %gather3A_140 : memref<272x2xf32, #tpu.memory_space<vmem>>[vector<16xi32>, vector<16xi32>], vector<16xf32>,
      %broadcast_in_dim3A_143 = arith.constant 1 : i32
      %broadcast_in_dim3A_144 = vector.broadcast %broadcast_in_dim3A_143 : i32 to vector<16xi32>
      tpu.vector_store_idx %arg5[%add3A_122, %broadcast_in_dim3A_144], %gather3A_140 : memref<272x2xf32, #tpu.memory_space<vmem>>[vector<16xi32>, vector<16xi32>], vector<16xf32>,
      %iota3A_145 = tpu.iota {dimensions = array<i32: 0>} : vector<16xi32>
      %add3A_146 = arith.constant 64 : i32
      %add3A_147 = vector.broadcast %add3A_146 : i32 to vector<16xi32>
      %add3A_148 = arith.addi %iota3A_145, %add3A_147 : vector<16xi32>
      %sub3A_149 = arith.constant 1 : i32
      %sub3A_150 = vector.broadcast %sub3A_149 : i32 to vector<16xi32>
      %sub3A_151 = arith.subi %add3A_148, %sub3A_150 : vector<16xi32>
      %jit3A_152 = arith.constant 0 : i32
      %jit3A_153 = arith.constant 255 : i32
      %max3A_154 = vector.broadcast %jit3A_152 : i32 to vector<16xi32>
      %max3A_155 = arith.maxsi %max3A_154, %sub3A_151 : vector<16xi32>
      %min3A_156 = vector.broadcast %jit3A_153 : i32 to vector<16xi32>
      %min3A_157 = arith.minsi %min3A_156, %max3A_155 : vector<16xi32>
      %mul3A_158 = arith.constant 2 : i32
      %mul3A_159 = vector.broadcast %mul3A_158 : i32 to vector<16xi32>
      %mul3A_160 = arith.muli %mul3A_159, %min3A_157 : vector<16xi32>
      %add3A_161 = arith.constant 0 : i32
      %add3A_162 = vector.broadcast %add3A_161 : i32 to vector<16xi32>
      %add3A_163 = arith.addi %mul3A_160, %add3A_162 : vector<16xi32>
      %broadcast_in_dim3A_164 = arith.constant 126 : i32
      %broadcast_in_dim3A_165 = vector.broadcast %broadcast_in_dim3A_164 : i32 to vector<16xi32>
      %gather3A_166 = tpu.vector_load_idx %arg4[%add3A_163, %broadcast_in_dim3A_165] : memref<512x128xf32, #tpu.memory_space<vmem>>[vector<16xi32>, vector<16xi32>], vector<16xf32>,
      %broadcast_in_dim3A_167 = arith.constant 0 : i32
      %broadcast_in_dim3A_168 = vector.broadcast %broadcast_in_dim3A_167 : i32 to vector<16xi32>
      tpu.vector_store_idx %arg5[%add3A_148, %broadcast_in_dim3A_168], %gather3A_166 : memref<272x2xf32, #tpu.memory_space<vmem>>[vector<16xi32>, vector<16xi32>], vector<16xf32>,
      %broadcast_in_dim3A_169 = arith.constant 1 : i32
      %broadcast_in_dim3A_170 = vector.broadcast %broadcast_in_dim3A_169 : i32 to vector<16xi32>
      tpu.vector_store_idx %arg5[%add3A_148, %broadcast_in_dim3A_170], %gather3A_166 : memref<272x2xf32, #tpu.memory_space<vmem>>[vector<16xi32>, vector<16xi32>], vector<16xf32>,
      %iota3A_171 = tpu.iota {dimensions = array<i32: 0>} : vector<16xi32>
      %add3A_172 = arith.constant 80 : i32
      %add3A_173 = vector.broadcast %add3A_172 : i32 to vector<16xi32>
      %add3A_174 = arith.addi %iota3A_171, %add3A_173 : vector<16xi32>
      %sub3A_175 = arith.constant 1 : i32
      %sub3A_176 = vector.broadcast %sub3A_175 : i32 to vector<16xi32>
      %sub3A_177 = arith.subi %add3A_174, %sub3A_176 : vector<16xi32>
      %jit3A_178 = arith.constant 0 : i32
      %jit3A_179 = arith.constant 255 : i32
      %max3A_180 = vector.broadcast %jit3A_178 : i32 to vector<16xi32>
      %max3A_181 = arith.maxsi %max3A_180, %sub3A_177 : vector<16xi32>
      %min3A_182 = vector.broadcast %jit3A_179 : i32 to vector<16xi32>
      %min3A_183 = arith.minsi %min3A_182, %max3A_181 : vector<16xi32>
      %mul3A_184 = arith.constant 2 : i32
      %mul3A_185 = vector.broadcast %mul3A_184 : i32 to vector<16xi32>
      %mul3A_186 = arith.muli %mul3A_185, %min3A_183 : vector<16xi32>
      %add3A_187 = arith.constant 0 : i32
      %add3A_188 = vector.broadcast %add3A_187 : i32 to vector<16xi32>
      %add3A_189 = arith.addi %mul3A_186, %add3A_188 : vector<16xi32>
      %broadcast_in_dim3A_190 = arith.constant 126 : i32
      %broadcast_in_dim3A_191 = vector.broadcast %broadcast_in_dim3A_190 : i32 to vector<16xi32>
      %gather3A_192 = tpu.vector_load_idx %arg4[%add3A_189, %broadcast_in_dim3A_191] : memref<512x128xf32, #tpu.memory_space<vmem>>[vector<16xi32>, vector<16xi32>], vector<16xf32>,
      %broadcast_in_dim3A_193 = arith.constant 0 : i32
      %broadcast_in_dim3A_194 = vector.broadcast %broadcast_in_dim3A_193 : i32 to vector<16xi32>
      tpu.vector_store_idx %arg5[%add3A_174, %broadcast_in_dim3A_194], %gather3A_192 : memref<272x2xf32, #tpu.memory_space<vmem>>[vector<16xi32>, vector<16xi32>], vector<16xf32>,
      %broadcast_in_dim3A_195 = arith.constant 1 : i32
      %broadcast_in_dim3A_196 = vector.broadcast %broadcast_in_dim3A_195 : i32 to vector<16xi32>
      tpu.vector_store_idx %arg5[%add3A_174, %broadcast_in_dim3A_196], %gather3A_192 : memref<272x2xf32, #tpu.memory_space<vmem>>[vector<16xi32>, vector<16xi32>], vector<16xf32>,
      %iota3A_197 = tpu.iota {dimensions = array<i32: 0>} : vector<16xi32>
      %add3A_198 = arith.constant 96 : i32
      %add3A_199 = vector.broadcast %add3A_198 : i32 to vector<16xi32>
      %add3A_200 = arith.addi %iota3A_197, %add3A_199 : vector<16xi32>
      %sub3A_201 = arith.constant 1 : i32
      %sub3A_202 = vector.broadcast %sub3A_201 : i32 to vector<16xi32>
      %sub3A_203 = arith.subi %add3A_200, %sub3A_202 : vector<16xi32>
      %jit3A_204 = arith.constant 0 : i32
      %jit3A_205 = arith.constant 255 : i32
      %max3A_206 = vector.broadcast %jit3A_204 : i32 to vector<16xi32>
      %max3A_207 = arith.maxsi %max3A_206, %sub3A_203 : vector<16xi32>
      %min3A_208 = vector.broadcast %jit3A_205 : i32 to vector<16xi32>
      %min3A_209 = arith.minsi %min3A_208, %max3A_207 : vector<16xi32>
      %mul3A_210 = arith.constant 2 : i32
      %mul3A_211 = vector.broadcast %mul3A_210 : i32 to vector<16xi32>
      %mul3A_212 = arith.muli %mul3A_211, %min3A_209 : vector<16xi32>
      %add3A_213 = arith.constant 0 : i32
      %add3A_214 = vector.broadcast %add3A_213 : i32 to vector<16xi32>
      %add3A_215 = arith.addi %mul3A_212, %add3A_214 : vector<16xi32>
      %broadcast_in_dim3A_216 = arith.constant 126 : i32
      %broadcast_in_dim3A_217 = vector.broadcast %broadcast_in_dim3A_216 : i32 to vector<16xi32>
      %gather3A_218 = tpu.vector_load_idx %arg4[%add3A_215, %broadcast_in_dim3A_217] : memref<512x128xf32, #tpu.memory_space<vmem>>[vector<16xi32>, vector<16xi32>], vector<16xf32>,
      %broadcast_in_dim3A_219 = arith.constant 0 : i32
      %broadcast_in_dim3A_220 = vector.broadcast %broadcast_in_dim3A_219 : i32 to vector<16xi32>
      tpu.vector_store_idx %arg5[%add3A_200, %broadcast_in_dim3A_220], %gather3A_218 : memref<272x2xf32, #tpu.memory_space<vmem>>[vector<16xi32>, vector<16xi32>], vector<16xf32>,
      %broadcast_in_dim3A_221 = arith.constant 1 : i32
      %broadcast_in_dim3A_222 = vector.broadcast %broadcast_in_dim3A_221 : i32 to vector<16xi32>
      tpu.vector_store_idx %arg5[%add3A_200, %broadcast_in_dim3A_222], %gather3A_218 : memref<272x2xf32, #tpu.memory_space<vmem>>[vector<16xi32>, vector<16xi32>], vector<16xf32>,
      %iota3A_223 = tpu.iota {dimensions = array<i32: 0>} : vector<16xi32>
      %add3A_224 = arith.constant 112 : i32
      %add3A_225 = vector.broadcast %add3A_224 : i32 to vector<16xi32>
      %add3A_226 = arith.addi %iota3A_223, %add3A_225 : vector<16xi32>
      %sub3A_227 = arith.constant 1 : i32
      %sub3A_228 = vector.broadcast %sub3A_227 : i32 to vector<16xi32>
      %sub3A_229 = arith.subi %add3A_226, %sub3A_228 : vector<16xi32>
      %jit3A_230 = arith.constant 0 : i32
      %jit3A_231 = arith.constant 255 : i32
      %max3A_232 = vector.broadcast %jit3A_230 : i32 to vector<16xi32>
      %max3A_233 = arith.maxsi %max3A_232, %sub3A_229 : vector<16xi32>
      %min3A_234 = vector.broadcast %jit3A_231 : i32 to vector<16xi32>
      %min3A_235 = arith.minsi %min3A_234, %max3A_233 : vector<16xi32>
      %mul3A_236 = arith.constant 2 : i32
      %mul3A_237 = vector.broadcast %mul3A_236 : i32 to vector<16xi32>
      %mul3A_238 = arith.muli %mul3A_237, %min3A_235 : vector<16xi32>
      %add3A_239 = arith.constant 0 : i32
      %add3A_240 = vector.broadcast %add3A_239 : i32 to vector<16xi32>
      %add3A_241 = arith.addi %mul3A_238, %add3A_240 : vector<16xi32>
      %broadcast_in_dim3A_242 = arith.constant 126 : i32
      %broadcast_in_dim3A_243 = vector.broadcast %broadcast_in_dim3A_242 : i32 to vector<16xi32>
      %gather3A_244 = tpu.vector_load_idx %arg4[%add3A_241, %broadcast_in_dim3A_243] : memref<512x128xf32, #tpu.memory_space<vmem>>[vector<16xi32>, vector<16xi32>], vector<16xf32>,
      %broadcast_in_dim3A_245 = arith.constant 0 : i32
      %broadcast_in_dim3A_246 = vector.broadcast %broadcast_in_dim3A_245 : i32 to vector<16xi32>
      tpu.vector_store_idx %arg5[%add3A_226, %broadcast_in_dim3A_246], %gather3A_244 : memref<272x2xf32, #tpu.memory_space<vmem>>[vector<16xi32>, vector<16xi32>], vector<16xf32>,
      %broadcast_in_dim3A_247 = arith.constant 1 : i32
      %broadcast_in_dim3A_248 = vector.broadcast %broadcast_in_dim3A_247 : i32 to vector<16xi32>
      tpu.vector_store_idx %arg5[%add3A_226, %broadcast_in_dim3A_248], %gather3A_244 : memref<272x2xf32, #tpu.memory_space<vmem>>[vector<16xi32>, vector<16xi32>], vector<16xf32>,
      %iota3A_249 = tpu.iota {dimensions = array<i32: 0>} : vector<16xi32>
      %add3A_250 = arith.constant 128 : i32
      %add3A_251 = vector.broadcast %add3A_250 : i32 to vector<16xi32>
      %add3A_252 = arith.addi %iota3A_249, %add3A_251 : vector<16xi32>
      %sub3A_253 = arith.constant 1 : i32
      %sub3A_254 = vector.broadcast %sub3A_253 : i32 to vector<16xi32>
      %sub3A_255 = arith.subi %add3A_252, %sub3A_254 : vector<16xi32>
      %jit3A_256 = arith.constant 0 : i32
      %jit3A_257 = arith.constant 255 : i32
      %max3A_258 = vector.broadcast %jit3A_256 : i32 to vector<16xi32>
      %max3A_259 = arith.maxsi %max3A_258, %sub3A_255 : vector<16xi32>
      %min3A_260 = vector.broadcast %jit3A_257 : i32 to vector<16xi32>
      %min3A_261 = arith.minsi %min3A_260, %max3A_259 : vector<16xi32>
      %mul3A_262 = arith.constant 2 : i32
      %mul3A_263 = vector.broadcast %mul3A_262 : i32 to vector<16xi32>
      %mul3A_264 = arith.muli %mul3A_263, %min3A_261 : vector<16xi32>
      %add3A_265 = arith.constant 0 : i32
      %add3A_266 = vector.broadcast %add3A_265 : i32 to vector<16xi32>
      %add3A_267 = arith.addi %mul3A_264, %add3A_266 : vector<16xi32>
      %broadcast_in_dim3A_268 = arith.constant 126 : i32
      %broadcast_in_dim3A_269 = vector.broadcast %broadcast_in_dim3A_268 : i32 to vector<16xi32>
      %gather3A_270 = tpu.vector_load_idx %arg4[%add3A_267, %broadcast_in_dim3A_269] : memref<512x128xf32, #tpu.memory_space<vmem>>[vector<16xi32>, vector<16xi32>], vector<16xf32>,
      %broadcast_in_dim3A_271 = arith.constant 0 : i32
      %broadcast_in_dim3A_272 = vector.broadcast %broadcast_in_dim3A_271 : i32 to vector<16xi32>
      tpu.vector_store_idx %arg5[%add3A_252, %broadcast_in_dim3A_272], %gather3A_270 : memref<272x2xf32, #tpu.memory_space<vmem>>[vector<16xi32>, vector<16xi32>], vector<16xf32>,
      %broadcast_in_dim3A_273 = arith.constant 1 : i32
      %broadcast_in_dim3A_274 = vector.broadcast %broadcast_in_dim3A_273 : i32 to vector<16xi32>
      tpu.vector_store_idx %arg5[%add3A_252, %broadcast_in_dim3A_274], %gather3A_270 : memref<272x2xf32, #tpu.memory_space<vmem>>[vector<16xi32>, vector<16xi32>], vector<16xf32>,
      %iota3A_275 = tpu.iota {dimensions = array<i32: 0>} : vector<16xi32>
      %add3A_276 = arith.constant 144 : i32
      %add3A_277 = vector.broadcast %add3A_276 : i32 to vector<16xi32>
      %add3A_278 = arith.addi %iota3A_275, %add3A_277 : vector<16xi32>
      %sub3A_279 = arith.constant 1 : i32
      %sub3A_280 = vector.broadcast %sub3A_279 : i32 to vector<16xi32>
      %sub3A_281 = arith.subi %add3A_278, %sub3A_280 : vector<16xi32>
      %jit3A_282 = arith.constant 0 : i32
      %jit3A_283 = arith.constant 255 : i32
      %max3A_284 = vector.broadcast %jit3A_282 : i32 to vector<16xi32>
      %max3A_285 = arith.maxsi %max3A_284, %sub3A_281 : vector<16xi32>
      %min3A_286 = vector.broadcast %jit3A_283 : i32 to vector<16xi32>
      %min3A_287 = arith.minsi %min3A_286, %max3A_285 : vector<16xi32>
      %mul3A_288 = arith.constant 2 : i32
      %mul3A_289 = vector.broadcast %mul3A_288 : i32 to vector<16xi32>
      %mul3A_290 = arith.muli %mul3A_289, %min3A_287 : vector<16xi32>
      %add3A_291 = arith.constant 0 : i32
      %add3A_292 = vector.broadcast %add3A_291 : i32 to vector<16xi32>
      %add3A_293 = arith.addi %mul3A_290, %add3A_292 : vector<16xi32>
      %broadcast_in_dim3A_294 = arith.constant 126 : i32
      %broadcast_in_dim3A_295 = vector.broadcast %broadcast_in_dim3A_294 : i32 to vector<16xi32>
      %gather3A_296 = tpu.vector_load_idx %arg4[%add3A_293, %broadcast_in_dim3A_295] : memref<512x128xf32, #tpu.memory_space<vmem>>[vector<16xi32>, vector<16xi32>], vector<16xf32>,
      %broadcast_in_dim3A_297 = arith.constant 0 : i32
      %broadcast_in_dim3A_298 = vector.broadcast %broadcast_in_dim3A_297 : i32 to vector<16xi32>
      tpu.vector_store_idx %arg5[%add3A_278, %broadcast_in_dim3A_298], %gather3A_296 : memref<272x2xf32, #tpu.memory_space<vmem>>[vector<16xi32>, vector<16xi32>], vector<16xf32>,
      %broadcast_in_dim3A_299 = arith.constant 1 : i32
      %broadcast_in_dim3A_300 = vector.broadcast %broadcast_in_dim3A_299 : i32 to vector<16xi32>
      tpu.vector_store_idx %arg5[%add3A_278, %broadcast_in_dim3A_300], %gather3A_296 : memref<272x2xf32, #tpu.memory_space<vmem>>[vector<16xi32>, vector<16xi32>], vector<16xf32>,
      %iota3A_301 = tpu.iota {dimensions = array<i32: 0>} : vector<16xi32>
      %add3A_302 = arith.constant 160 : i32
      %add3A_303 = vector.broadcast %add3A_302 : i32 to vector<16xi32>
      %add3A_304 = arith.addi %iota3A_301, %add3A_303 : vector<16xi32>
      %sub3A_305 = arith.constant 1 : i32
      %sub3A_306 = vector.broadcast %sub3A_305 : i32 to vector<16xi32>
      %sub3A_307 = arith.subi %add3A_304, %sub3A_306 : vector<16xi32>
      %jit3A_308 = arith.constant 0 : i32
      %jit3A_309 = arith.constant 255 : i32
      %max3A_310 = vector.broadcast %jit3A_308 : i32 to vector<16xi32>
      %max3A_311 = arith.maxsi %max3A_310, %sub3A_307 : vector<16xi32>
      %min3A_312 = vector.broadcast %jit3A_309 : i32 to vector<16xi32>
      %min3A_313 = arith.minsi %min3A_312, %max3A_311 : vector<16xi32>
      %mul3A_314 = arith.constant 2 : i32
      %mul3A_315 = vector.broadcast %mul3A_314 : i32 to vector<16xi32>
      %mul3A_316 = arith.muli %mul3A_315, %min3A_313 : vector<16xi32>
      %add3A_317 = arith.constant 0 : i32
      %add3A_318 = vector.broadcast %add3A_317 : i32 to vector<16xi32>
      %add3A_319 = arith.addi %mul3A_316, %add3A_318 : vector<16xi32>
      %broadcast_in_dim3A_320 = arith.constant 126 : i32
      %broadcast_in_dim3A_321 = vector.broadcast %broadcast_in_dim3A_320 : i32 to vector<16xi32>
      %gather3A_322 = tpu.vector_load_idx %arg4[%add3A_319, %broadcast_in_dim3A_321] : memref<512x128xf32, #tpu.memory_space<vmem>>[vector<16xi32>, vector<16xi32>], vector<16xf32>,
      %broadcast_in_dim3A_323 = arith.constant 0 : i32
      %broadcast_in_dim3A_324 = vector.broadcast %broadcast_in_dim3A_323 : i32 to vector<16xi32>
      tpu.vector_store_idx %arg5[%add3A_304, %broadcast_in_dim3A_324], %gather3A_322 : memref<272x2xf32, #tpu.memory_space<vmem>>[vector<16xi32>, vector<16xi32>], vector<16xf32>,
      %broadcast_in_dim3A_325 = arith.constant 1 : i32
      %broadcast_in_dim3A_326 = vector.broadcast %broadcast_in_dim3A_325 : i32 to vector<16xi32>
      tpu.vector_store_idx %arg5[%add3A_304, %broadcast_in_dim3A_326], %gather3A_322 : memref<272x2xf32, #tpu.memory_space<vmem>>[vector<16xi32>, vector<16xi32>], vector<16xf32>,
      %iota3A_327 = tpu.iota {dimensions = array<i32: 0>} : vector<16xi32>
      %add3A_328 = arith.constant 176 : i32
      %add3A_329 = vector.broadcast %add3A_328 : i32 to vector<16xi32>
      %add3A_330 = arith.addi %iota3A_327, %add3A_329 : vector<16xi32>
      %sub3A_331 = arith.constant 1 : i32
      %sub3A_332 = vector.broadcast %sub3A_331 : i32 to vector<16xi32>
      %sub3A_333 = arith.subi %add3A_330, %sub3A_332 : vector<16xi32>
      %jit3A_334 = arith.constant 0 : i32
      %jit3A_335 = arith.constant 255 : i32
      %max3A_336 = vector.broadcast %jit3A_334 : i32 to vector<16xi32>
      %max3A_337 = arith.maxsi %max3A_336, %sub3A_333 : vector<16xi32>
      %min3A_338 = vector.broadcast %jit3A_335 : i32 to vector<16xi32>
      %min3A_339 = arith.minsi %min3A_338, %max3A_337 : vector<16xi32>
      %mul3A_340 = arith.constant 2 : i32
      %mul3A_341 = vector.broadcast %mul3A_340 : i32 to vector<16xi32>
      %mul3A_342 = arith.muli %mul3A_341, %min3A_339 : vector<16xi32>
      %add3A_343 = arith.constant 0 : i32
      %add3A_344 = vector.broadcast %add3A_343 : i32 to vector<16xi32>
      %add3A_345 = arith.addi %mul3A_342, %add3A_344 : vector<16xi32>
      %broadcast_in_dim3A_346 = arith.constant 126 : i32
      %broadcast_in_dim3A_347 = vector.broadcast %broadcast_in_dim3A_346 : i32 to vector<16xi32>
      %gather3A_348 = tpu.vector_load_idx %arg4[%add3A_345, %broadcast_in_dim3A_347] : memref<512x128xf32, #tpu.memory_space<vmem>>[vector<16xi32>, vector<16xi32>], vector<16xf32>,
      %broadcast_in_dim3A_349 = arith.constant 0 : i32
      %broadcast_in_dim3A_350 = vector.broadcast %broadcast_in_dim3A_349 : i32 to vector<16xi32>
      tpu.vector_store_idx %arg5[%add3A_330, %broadcast_in_dim3A_350], %gather3A_348 : memref<272x2xf32, #tpu.memory_space<vmem>>[vector<16xi32>, vector<16xi32>], vector<16xf32>,
      %broadcast_in_dim3A_351 = arith.constant 1 : i32
      %broadcast_in_dim3A_352 = vector.broadcast %broadcast_in_dim3A_351 : i32 to vector<16xi32>
      tpu.vector_store_idx %arg5[%add3A_330, %broadcast_in_dim3A_352], %gather3A_348 : memref<272x2xf32, #tpu.memory_space<vmem>>[vector<16xi32>, vector<16xi32>], vector<16xf32>,
      %iota3A_353 = tpu.iota {dimensions = array<i32: 0>} : vector<16xi32>
      %add3A_354 = arith.constant 192 : i32
      %add3A_355 = vector.broadcast %add3A_354 : i32 to vector<16xi32>
      %add3A_356 = arith.addi %iota3A_353, %add3A_355 : vector<16xi32>
      %sub3A_357 = arith.constant 1 : i32
      %sub3A_358 = vector.broadcast %sub3A_357 : i32 to vector<16xi32>
      %sub3A_359 = arith.subi %add3A_356, %sub3A_358 : vector<16xi32>
      %jit3A_360 = arith.constant 0 : i32
      %jit3A_361 = arith.constant 255 : i32
      %max3A_362 = vector.broadcast %jit3A_360 : i32 to vector<16xi32>
      %max3A_363 = arith.maxsi %max3A_362, %sub3A_359 : vector<16xi32>
      %min3A_364 = vector.broadcast %jit3A_361 : i32 to vector<16xi32>
      %min3A_365 = arith.minsi %min3A_364, %max3A_363 : vector<16xi32>
      %mul3A_366 = arith.constant 2 : i32
      %mul3A_367 = vector.broadcast %mul3A_366 : i32 to vector<16xi32>
      %mul3A_368 = arith.muli %mul3A_367, %min3A_365 : vector<16xi32>
      %add3A_369 = arith.constant 0 : i32
      %add3A_370 = vector.broadcast %add3A_369 : i32 to vector<16xi32>
      %add3A_371 = arith.addi %mul3A_368, %add3A_370 : vector<16xi32>
      %broadcast_in_dim3A_372 = arith.constant 126 : i32
      %broadcast_in_dim3A_373 = vector.broadcast %broadcast_in_dim3A_372 : i32 to vector<16xi32>
      %gather3A_374 = tpu.vector_load_idx %arg4[%add3A_371, %broadcast_in_dim3A_373] : memref<512x128xf32, #tpu.memory_space<vmem>>[vector<16xi32>, vector<16xi32>], vector<16xf32>,
      %broadcast_in_dim3A_375 = arith.constant 0 : i32
      %broadcast_in_dim3A_376 = vector.broadcast %broadcast_in_dim3A_375 : i32 to vector<16xi32>
      tpu.vector_store_idx %arg5[%add3A_356, %broadcast_in_dim3A_376], %gather3A_374 : memref<272x2xf32, #tpu.memory_space<vmem>>[vector<16xi32>, vector<16xi32>], vector<16xf32>,
      %broadcast_in_dim3A_377 = arith.constant 1 : i32
      %broadcast_in_dim3A_378 = vector.broadcast %broadcast_in_dim3A_377 : i32 to vector<16xi32>
      tpu.vector_store_idx %arg5[%add3A_356, %broadcast_in_dim3A_378], %gather3A_374 : memref<272x2xf32, #tpu.memory_space<vmem>>[vector<16xi32>, vector<16xi32>], vector<16xf32>,
      %iota3A_379 = tpu.iota {dimensions = array<i32: 0>} : vector<16xi32>
      %add3A_380 = arith.constant 208 : i32
      %add3A_381 = vector.broadcast %add3A_380 : i32 to vector<16xi32>
      %add3A_382 = arith.addi %iota3A_379, %add3A_381 : vector<16xi32>
      %sub3A_383 = arith.constant 1 : i32
      %sub3A_384 = vector.broadcast %sub3A_383 : i32 to vector<16xi32>
      %sub3A_385 = arith.subi %add3A_382, %sub3A_384 : vector<16xi32>
      %jit3A_386 = arith.constant 0 : i32
      %jit3A_387 = arith.constant 255 : i32
      %max3A_388 = vector.broadcast %jit3A_386 : i32 to vector<16xi32>
      %max3A_389 = arith.maxsi %max3A_388, %sub3A_385 : vector<16xi32>
      %min3A_390 = vector.broadcast %jit3A_387 : i32 to vector<16xi32>
      %min3A_391 = arith.minsi %min3A_390, %max3A_389 : vector<16xi32>
      %mul3A_392 = arith.constant 2 : i32
      %mul3A_393 = vector.broadcast %mul3A_392 : i32 to vector<16xi32>
      %mul3A_394 = arith.muli %mul3A_393, %min3A_391 : vector<16xi32>
      %add3A_395 = arith.constant 0 : i32
      %add3A_396 = vector.broadcast %add3A_395 : i32 to vector<16xi32>
      %add3A_397 = arith.addi %mul3A_394, %add3A_396 : vector<16xi32>
      %broadcast_in_dim3A_398 = arith.constant 126 : i32
      %broadcast_in_dim3A_399 = vector.broadcast %broadcast_in_dim3A_398 : i32 to vector<16xi32>
      %gather3A_400 = tpu.vector_load_idx %arg4[%add3A_397, %broadcast_in_dim3A_399] : memref<512x128xf32, #tpu.memory_space<vmem>>[vector<16xi32>, vector<16xi32>], vector<16xf32>,
      %broadcast_in_dim3A_401 = arith.constant 0 : i32
      %broadcast_in_dim3A_402 = vector.broadcast %broadcast_in_dim3A_401 : i32 to vector<16xi32>
      tpu.vector_store_idx %arg5[%add3A_382, %broadcast_in_dim3A_402], %gather3A_400 : memref<272x2xf32, #tpu.memory_space<vmem>>[vector<16xi32>, vector<16xi32>], vector<16xf32>,
      %broadcast_in_dim3A_403 = arith.constant 1 : i32
      %broadcast_in_dim3A_404 = vector.broadcast %broadcast_in_dim3A_403 : i32 to vector<16xi32>
      tpu.vector_store_idx %arg5[%add3A_382, %broadcast_in_dim3A_404], %gather3A_400 : memref<272x2xf32, #tpu.memory_space<vmem>>[vector<16xi32>, vector<16xi32>], vector<16xf32>,
      %iota3A_405 = tpu.iota {dimensions = array<i32: 0>} : vector<16xi32>
      %add3A_406 = arith.constant 224 : i32
      %add3A_407 = vector.broadcast %add3A_406 : i32 to vector<16xi32>
      %add3A_408 = arith.addi %iota3A_405, %add3A_407 : vector<16xi32>
      %sub3A_409 = arith.constant 1 : i32
      %sub3A_410 = vector.broadcast %sub3A_409 : i32 to vector<16xi32>
      %sub3A_411 = arith.subi %add3A_408, %sub3A_410 : vector<16xi32>
      %jit3A_412 = arith.constant 0 : i32
      %jit3A_413 = arith.constant 255 : i32
      %max3A_414 = vector.broadcast %jit3A_412 : i32 to vector<16xi32>
      %max3A_415 = arith.maxsi %max3A_414, %sub3A_411 : vector<16xi32>
      %min3A_416 = vector.broadcast %jit3A_413 : i32 to vector<16xi32>
      %min3A_417 = arith.minsi %min3A_416, %max3A_415 : vector<16xi32>
      %mul3A_418 = arith.constant 2 : i32
      %mul3A_419 = vector.broadcast %mul3A_418 : i32 to vector<16xi32>
      %mul3A_420 = arith.muli %mul3A_419, %min3A_417 : vector<16xi32>
      %add3A_421 = arith.constant 0 : i32
      %add3A_422 = vector.broadcast %add3A_421 : i32 to vector<16xi32>
      %add3A_423 = arith.addi %mul3A_420, %add3A_422 : vector<16xi32>
      %broadcast_in_dim3A_424 = arith.constant 126 : i32
      %broadcast_in_dim3A_425 = vector.broadcast %broadcast_in_dim3A_424 : i32 to vector<16xi32>
      %gather3A_426 = tpu.vector_load_idx %arg4[%add3A_423, %broadcast_in_dim3A_425] : memref<512x128xf32, #tpu.memory_space<vmem>>[vector<16xi32>, vector<16xi32>], vector<16xf32>,
      %broadcast_in_dim3A_427 = arith.constant 0 : i32
      %broadcast_in_dim3A_428 = vector.broadcast %broadcast_in_dim3A_427 : i32 to vector<16xi32>
      tpu.vector_store_idx %arg5[%add3A_408, %broadcast_in_dim3A_428], %gather3A_426 : memref<272x2xf32, #tpu.memory_space<vmem>>[vector<16xi32>, vector<16xi32>], vector<16xf32>,
      %broadcast_in_dim3A_429 = arith.constant 1 : i32
      %broadcast_in_dim3A_430 = vector.broadcast %broadcast_in_dim3A_429 : i32 to vector<16xi32>
      tpu.vector_store_idx %arg5[%add3A_408, %broadcast_in_dim3A_430], %gather3A_426 : memref<272x2xf32, #tpu.memory_space<vmem>>[vector<16xi32>, vector<16xi32>], vector<16xf32>,
      %iota3A_431 = tpu.iota {dimensions = array<i32: 0>} : vector<16xi32>
      %add3A_432 = arith.constant 240 : i32
      %add3A_433 = vector.broadcast %add3A_432 : i32 to vector<16xi32>
      %add3A_434 = arith.addi %iota3A_431, %add3A_433 : vector<16xi32>
      %sub3A_435 = arith.constant 1 : i32
      %sub3A_436 = vector.broadcast %sub3A_435 : i32 to vector<16xi32>
      %sub3A_437 = arith.subi %add3A_434, %sub3A_436 : vector<16xi32>
      %jit3A_438 = arith.constant 0 : i32
      %jit3A_439 = arith.constant 255 : i32
      %max3A_440 = vector.broadcast %jit3A_438 : i32 to vector<16xi32>
      %max3A_441 = arith.maxsi %max3A_440, %sub3A_437 : vector<16xi32>
      %min3A_442 = vector.broadcast %jit3A_439 : i32 to vector<16xi32>
      %min3A_443 = arith.minsi %min3A_442, %max3A_441 : vector<16xi32>
      %mul3A_444 = arith.constant 2 : i32
      %mul3A_445 = vector.broadcast %mul3A_444 : i32 to vector<16xi32>
      %mul3A_446 = arith.muli %mul3A_445, %min3A_443 : vector<16xi32>
      %add3A_447 = arith.constant 0 : i32
      %add3A_448 = vector.broadcast %add3A_447 : i32 to vector<16xi32>
      %add3A_449 = arith.addi %mul3A_446, %add3A_448 : vector<16xi32>
      %broadcast_in_dim3A_450 = arith.constant 126 : i32
      %broadcast_in_dim3A_451 = vector.broadcast %broadcast_in_dim3A_450 : i32 to vector<16xi32>
      %gather3A_452 = tpu.vector_load_idx %arg4[%add3A_449, %broadcast_in_dim3A_451] : memref<512x128xf32, #tpu.memory_space<vmem>>[vector<16xi32>, vector<16xi32>], vector<16xf32>,
      %broadcast_in_dim3A_453 = arith.constant 0 : i32
      %broadcast_in_dim3A_454 = vector.broadcast %broadcast_in_dim3A_453 : i32 to vector<16xi32>
      tpu.vector_store_idx %arg5[%add3A_434, %broadcast_in_dim3A_454], %gather3A_452 : memref<272x2xf32, #tpu.memory_space<vmem>>[vector<16xi32>, vector<16xi32>], vector<16xf32>,
      %broadcast_in_dim3A_455 = arith.constant 1 : i32
      %broadcast_in_dim3A_456 = vector.broadcast %broadcast_in_dim3A_455 : i32 to vector<16xi32>
      tpu.vector_store_idx %arg5[%add3A_434, %broadcast_in_dim3A_456], %gather3A_452 : memref<272x2xf32, #tpu.memory_space<vmem>>[vector<16xi32>, vector<16xi32>], vector<16xf32>,
      %iota3A_457 = tpu.iota {dimensions = array<i32: 0>} : vector<16xi32>
      %add3A_458 = arith.constant 256 : i32
      %add3A_459 = vector.broadcast %add3A_458 : i32 to vector<16xi32>
      %add3A_460 = arith.addi %iota3A_457, %add3A_459 : vector<16xi32>
      %sub3A_461 = arith.constant 1 : i32
      %sub3A_462 = vector.broadcast %sub3A_461 : i32 to vector<16xi32>
      %sub3A_463 = arith.subi %add3A_460, %sub3A_462 : vector<16xi32>
      %jit3A_464 = arith.constant 0 : i32
      %jit3A_465 = arith.constant 255 : i32
      %max3A_466 = vector.broadcast %jit3A_464 : i32 to vector<16xi32>
      %max3A_467 = arith.maxsi %max3A_466, %sub3A_463 : vector<16xi32>
      %min3A_468 = vector.broadcast %jit3A_465 : i32 to vector<16xi32>
      %min3A_469 = arith.minsi %min3A_468, %max3A_467 : vector<16xi32>
      %mul3A_470 = arith.constant 2 : i32
      %mul3A_471 = vector.broadcast %mul3A_470 : i32 to vector<16xi32>
      %mul3A_472 = arith.muli %mul3A_471, %min3A_469 : vector<16xi32>
      %add3A_473 = arith.constant 0 : i32
      %add3A_474 = vector.broadcast %add3A_473 : i32 to vector<16xi32>
      %add3A_475 = arith.addi %mul3A_472, %add3A_474 : vector<16xi32>
      %broadcast_in_dim3A_476 = arith.constant 126 : i32
      %broadcast_in_dim3A_477 = vector.broadcast %broadcast_in_dim3A_476 : i32 to vector<16xi32>
      %gather3A_478 = tpu.vector_load_idx %arg4[%add3A_475, %broadcast_in_dim3A_477] : memref<512x128xf32, #tpu.memory_space<vmem>>[vector<16xi32>, vector<16xi32>], vector<16xf32>,
      %broadcast_in_dim3A_479 = arith.constant 0 : i32
      %broadcast_in_dim3A_480 = vector.broadcast %broadcast_in_dim3A_479 : i32 to vector<16xi32>
      tpu.vector_store_idx %arg5[%add3A_460, %broadcast_in_dim3A_480], %gather3A_478 : memref<272x2xf32, #tpu.memory_space<vmem>>[vector<16xi32>, vector<16xi32>], vector<16xf32>,
      %broadcast_in_dim3A_481 = arith.constant 1 : i32
      %broadcast_in_dim3A_482 = vector.broadcast %broadcast_in_dim3A_481 : i32 to vector<16xi32>
      tpu.vector_store_idx %arg5[%add3A_460, %broadcast_in_dim3A_482], %gather3A_478 : memref<272x2xf32, #tpu.memory_space<vmem>>[vector<16xi32>, vector<16xi32>], vector<16xf32>,
      "tpu.region"() ({
        %run_scoped3A = tpu.sem_alloc : memref<!tpu.dma_semaphore, #tpu.memory_space<semaphore_mem>>
        %dma_start3A = arith.constant 0 : i32
        %dma_start3A_1827 = arith.constant 0 : i32
        %dma_start3A_1828 = tpu.memref_slice %arg5[%dma_start3A, %dma_start3A_1827] : memref<272x2xf32, #tpu.memory_space<vmem>> -> memref<258x2xf32, #tpu.memory_space<vmem>>
        %dma_start3A_1829 = arith.constant 0 : i32
        %dma_start3A_1830 = arith.constant 256 : i32
        %dma_start3A_1831 = tpu.memref_slice %arg3[%select_n3A, %add3A_45, %dma_start3A_1829, %dma_start3A_1830] : memref<2x384x258x258xf32, #tpu.memory_space<hbm>> -> memref<1x1x258x2xf32, #tpu.memory_space<hbm>>
        %dma_start3A_1832 = tpu.memref_squeeze %dma_start3A_1831 : memref<1x1x258x2xf32, #tpu.memory_space<hbm>> -> memref<258x2xf32, #tpu.memory_space<hbm>>
        %dma_start3A_1833 = arith.constant 0 : i32
        %dma_start3A_1834 = arith.constant 256 : i32
        %dma_start3A_1835 = tpu.memref_slice %arg3[%select_n3A, %add3A_45, %dma_start3A_1833, %dma_start3A_1834] : memref<2x384x258x258xf32, #tpu.memory_space<hbm>> -> memref<1x1x258x2xf32, #tpu.memory_space<hbm>>
        %dma_start3A_1836 = tpu.memref_squeeze %dma_start3A_1835 : memref<1x1x258x2xf32, #tpu.memory_space<hbm>> -> memref<258x2xf32, #tpu.memory_space<hbm>>
        %dma_start3A_1837 = arith.constant 0 : i32
        %dma_start3A_1838 = arith.constant 0 : i32
        %dma_start3A_1839 = tpu.memref_slice %arg5[%dma_start3A_1837, %dma_start3A_1838] : memref<272x2xf32, #tpu.memory_space<vmem>> -> memref<258x2xf32, #tpu.memory_space<vmem>>
        tpu.enqueue_dma source(%dma_start3A_1839 : memref<258x2xf32, #tpu.memory_space<vmem>>) target(%dma_start3A_1836 : memref<258x2xf32, #tpu.memory_space<hbm>>) target_semaphore(%run_scoped3A : memref<!tpu.dma_semaphore, #tpu.memory_space<semaphore_mem>>)
        %dma_wait3A = arith.constant 0 : i32
        %dma_wait3A_1840 = arith.constant 0 : i32
        %dma_wait3A_1841 = tpu.memref_slice %arg5[%dma_wait3A, %dma_wait3A_1840] : memref<272x2xf32, #tpu.memory_space<vmem>> -> memref<258x2xf32, #tpu.memory_space<vmem>>
        %dma_wait3A_1842 = arith.constant 0 : i32
        %dma_wait3A_1843 = arith.constant 256 : i32
        %dma_wait3A_1844 = tpu.memref_slice %arg3[%select_n3A, %add3A_45, %dma_wait3A_1842, %dma_wait3A_1843] : memref<2x384x258x258xf32, #tpu.memory_space<hbm>> -> memref<1x1x258x2xf32, #tpu.memory_space<hbm>>
        %dma_wait3A_1845 = tpu.memref_squeeze %dma_wait3A_1844 : memref<1x1x258x2xf32, #tpu.memory_space<hbm>> -> memref<258x2xf32, #tpu.memory_space<hbm>>
        %dma_wait3A_1846 = arith.constant 0 : i32
        %dma_wait3A_1847 = arith.constant 256 : i32
        %dma_wait3A_1848 = tpu.memref_slice %arg3[%select_n3A, %add3A_45, %dma_wait3A_1846, %dma_wait3A_1847] : memref<2x384x258x258xf32, #tpu.memory_space<hbm>> -> memref<1x1x258x2xf32, #tpu.memory_space<hbm>>
        %dma_wait3A_1849 = tpu.memref_squeeze %dma_wait3A_1848 : memref<1x1x258x2xf32, #tpu.memory_space<hbm>> -> memref<258x2xf32, #tpu.memory_space<hbm>>
        %dma_wait3A_1850 = arith.constant 0 : i32
        %dma_wait3A_1851 = arith.constant 0 : i32
        %dma_wait3A_1852 = tpu.memref_slice %arg5[%dma_wait3A_1850, %dma_wait3A_1851] : memref<272x2xf32, #tpu.memory_space<vmem>> -> memref<258x2xf32, #tpu.memory_space<vmem>>
        tpu.wait_dma2 semaphore(%run_scoped3A : memref<!tpu.dma_semaphore, #tpu.memory_space<semaphore_mem>>) src(%dma_wait3A_1852 : memref<258x2xf32, #tpu.memory_space<vmem>>) dst(%dma_wait3A_1849 : memref<258x2xf32, #tpu.memory_space<hbm>>)
        tpu.yield
      }) : () -> ()
      %mul3A_483 = arith.constant 4 : i32
      %mul3A_484 = arith.muli %select_n3A_39, %mul3A_483 : i32
      %add3A_485 = arith.constant 0 : i32
      %add3A_486 = arith.addi %mul3A_484, %add3A_485 : i32
      %add3A_487 = arith.constant 1 : i32
      %add3A_488 = arith.addi %add3A_486, %add3A_487 : i32
      %iota3A_489 = tpu.iota {dimensions = array<i32: 0>} : vector<16xi32>
      %add3A_490 = arith.constant 0 : i32
      %add3A_491 = vector.broadcast %add3A_490 : i32 to vector<16xi32>
      %add3A_492 = arith.addi %iota3A_489, %add3A_491 : vector<16xi32>
      %sub3A_493 = arith.constant 1 : i32
      %sub3A_494 = vector.broadcast %sub3A_493 : i32 to vector<16xi32>
      %sub3A_495 = arith.subi %add3A_492, %sub3A_494 : vector<16xi32>
      %jit3A_496 = arith.constant 0 : i32
      %jit3A_497 = arith.constant 255 : i32
      %max3A_498 = vector.broadcast %jit3A_496 : i32 to vector<16xi32>
      %max3A_499 = arith.maxsi %max3A_498, %sub3A_495 : vector<16xi32>
      %min3A_500 = vector.broadcast %jit3A_497 : i32 to vector<16xi32>
      %min3A_501 = arith.minsi %min3A_500, %max3A_499 : vector<16xi32>
      %mul3A_502 = arith.constant 2 : i32
      %mul3A_503 = vector.broadcast %mul3A_502 : i32 to vector<16xi32>
      %mul3A_504 = arith.muli %mul3A_503, %min3A_501 : vector<16xi32>
      %add3A_505 = arith.constant 0 : i32
      %add3A_506 = vector.broadcast %add3A_505 : i32 to vector<16xi32>
      %add3A_507 = arith.addi %mul3A_504, %add3A_506 : vector<16xi32>
      %broadcast_in_dim3A_508 = arith.constant 127 : i32
      %broadcast_in_dim3A_509 = vector.broadcast %broadcast_in_dim3A_508 : i32 to vector<16xi32>
      %gather3A_510 = tpu.vector_load_idx %arg4[%add3A_507, %broadcast_in_dim3A_509] : memref<512x128xf32, #tpu.memory_space<vmem>>[vector<16xi32>, vector<16xi32>], vector<16xf32>,
      %broadcast_in_dim3A_511 = arith.constant 0 : i32
      %broadcast_in_dim3A_512 = vector.broadcast %broadcast_in_dim3A_511 : i32 to vector<16xi32>
      tpu.vector_store_idx %arg5[%add3A_492, %broadcast_in_dim3A_512], %gather3A_510 : memref<272x2xf32, #tpu.memory_space<vmem>>[vector<16xi32>, vector<16xi32>], vector<16xf32>,
      %broadcast_in_dim3A_513 = arith.constant 1 : i32
      %broadcast_in_dim3A_514 = vector.broadcast %broadcast_in_dim3A_513 : i32 to vector<16xi32>
      tpu.vector_store_idx %arg5[%add3A_492, %broadcast_in_dim3A_514], %gather3A_510 : memref<272x2xf32, #tpu.memory_space<vmem>>[vector<16xi32>, vector<16xi32>], vector<16xf32>,
      %iota3A_515 = tpu.iota {dimensions = array<i32: 0>} : vector<16xi32>
      %add3A_516 = arith.constant 16 : i32
      %add3A_517 = vector.broadcast %add3A_516 : i32 to vector<16xi32>
      %add3A_518 = arith.addi %iota3A_515, %add3A_517 : vector<16xi32>
      %sub3A_519 = arith.constant 1 : i32
      %sub3A_520 = vector.broadcast %sub3A_519 : i32 to vector<16xi32>
      %sub3A_521 = arith.subi %add3A_518, %sub3A_520 : vector<16xi32>
      %jit3A_522 = arith.constant 0 : i32
      %jit3A_523 = arith.constant 255 : i32
      %max3A_524 = vector.broadcast %jit3A_522 : i32 to vector<16xi32>
      %max3A_525 = arith.maxsi %max3A_524, %sub3A_521 : vector<16xi32>
      %min3A_526 = vector.broadcast %jit3A_523 : i32 to vector<16xi32>
      %min3A_527 = arith.minsi %min3A_526, %max3A_525 : vector<16xi32>
      %mul3A_528 = arith.constant 2 : i32
      %mul3A_529 = vector.broadcast %mul3A_528 : i32 to vector<16xi32>
      %mul3A_530 = arith.muli %mul3A_529, %min3A_527 : vector<16xi32>
      %add3A_531 = arith.constant 0 : i32
      %add3A_532 = vector.broadcast %add3A_531 : i32 to vector<16xi32>
      %add3A_533 = arith.addi %mul3A_530, %add3A_532 : vector<16xi32>
      %broadcast_in_dim3A_534 = arith.constant 127 : i32
      %broadcast_in_dim3A_535 = vector.broadcast %broadcast_in_dim3A_534 : i32 to vector<16xi32>
      %gather3A_536 = tpu.vector_load_idx %arg4[%add3A_533, %broadcast_in_dim3A_535] : memref<512x128xf32, #tpu.memory_space<vmem>>[vector<16xi32>, vector<16xi32>], vector<16xf32>,
      %broadcast_in_dim3A_537 = arith.constant 0 : i32
      %broadcast_in_dim3A_538 = vector.broadcast %broadcast_in_dim3A_537 : i32 to vector<16xi32>
      tpu.vector_store_idx %arg5[%add3A_518, %broadcast_in_dim3A_538], %gather3A_536 : memref<272x2xf32, #tpu.memory_space<vmem>>[vector<16xi32>, vector<16xi32>], vector<16xf32>,
      %broadcast_in_dim3A_539 = arith.constant 1 : i32
      %broadcast_in_dim3A_540 = vector.broadcast %broadcast_in_dim3A_539 : i32 to vector<16xi32>
      tpu.vector_store_idx %arg5[%add3A_518, %broadcast_in_dim3A_540], %gather3A_536 : memref<272x2xf32, #tpu.memory_space<vmem>>[vector<16xi32>, vector<16xi32>], vector<16xf32>,
      %iota3A_541 = tpu.iota {dimensions = array<i32: 0>} : vector<16xi32>
      %add3A_542 = arith.constant 32 : i32
      %add3A_543 = vector.broadcast %add3A_542 : i32 to vector<16xi32>
      %add3A_544 = arith.addi %iota3A_541, %add3A_543 : vector<16xi32>
      %sub3A_545 = arith.constant 1 : i32
      %sub3A_546 = vector.broadcast %sub3A_545 : i32 to vector<16xi32>
      %sub3A_547 = arith.subi %add3A_544, %sub3A_546 : vector<16xi32>
      %jit3A_548 = arith.constant 0 : i32
      %jit3A_549 = arith.constant 255 : i32
      %max3A_550 = vector.broadcast %jit3A_548 : i32 to vector<16xi32>
      %max3A_551 = arith.maxsi %max3A_550, %sub3A_547 : vector<16xi32>
      %min3A_552 = vector.broadcast %jit3A_549 : i32 to vector<16xi32>
      %min3A_553 = arith.minsi %min3A_552, %max3A_551 : vector<16xi32>
      %mul3A_554 = arith.constant 2 : i32
      %mul3A_555 = vector.broadcast %mul3A_554 : i32 to vector<16xi32>
      %mul3A_556 = arith.muli %mul3A_555, %min3A_553 : vector<16xi32>
      %add3A_557 = arith.constant 0 : i32
      %add3A_558 = vector.broadcast %add3A_557 : i32 to vector<16xi32>
      %add3A_559 = arith.addi %mul3A_556, %add3A_558 : vector<16xi32>
      %broadcast_in_dim3A_560 = arith.constant 127 : i32
      %broadcast_in_dim3A_561 = vector.broadcast %broadcast_in_dim3A_560 : i32 to vector<16xi32>
      %gather3A_562 = tpu.vector_load_idx %arg4[%add3A_559, %broadcast_in_dim3A_561] : memref<512x128xf32, #tpu.memory_space<vmem>>[vector<16xi32>, vector<16xi32>], vector<16xf32>,
      %broadcast_in_dim3A_563 = arith.constant 0 : i32
      %broadcast_in_dim3A_564 = vector.broadcast %broadcast_in_dim3A_563 : i32 to vector<16xi32>
      tpu.vector_store_idx %arg5[%add3A_544, %broadcast_in_dim3A_564], %gather3A_562 : memref<272x2xf32, #tpu.memory_space<vmem>>[vector<16xi32>, vector<16xi32>], vector<16xf32>,
      %broadcast_in_dim3A_565 = arith.constant 1 : i32
      %broadcast_in_dim3A_566 = vector.broadcast %broadcast_in_dim3A_565 : i32 to vector<16xi32>
      tpu.vector_store_idx %arg5[%add3A_544, %broadcast_in_dim3A_566], %gather3A_562 : memref<272x2xf32, #tpu.memory_space<vmem>>[vector<16xi32>, vector<16xi32>], vector<16xf32>,
      %iota3A_567 = tpu.iota {dimensions = array<i32: 0>} : vector<16xi32>
      %add3A_568 = arith.constant 48 : i32
      %add3A_569 = vector.broadcast %add3A_568 : i32 to vector<16xi32>
      %add3A_570 = arith.addi %iota3A_567, %add3A_569 : vector<16xi32>
      %sub3A_571 = arith.constant 1 : i32
      %sub3A_572 = vector.broadcast %sub3A_571 : i32 to vector<16xi32>
      %sub3A_573 = arith.subi %add3A_570, %sub3A_572 : vector<16xi32>
      %jit3A_574 = arith.constant 0 : i32
      %jit3A_575 = arith.constant 255 : i32
      %max3A_576 = vector.broadcast %jit3A_574 : i32 to vector<16xi32>
      %max3A_577 = arith.maxsi %max3A_576, %sub3A_573 : vector<16xi32>
      %min3A_578 = vector.broadcast %jit3A_575 : i32 to vector<16xi32>
      %min3A_579 = arith.minsi %min3A_578, %max3A_577 : vector<16xi32>
      %mul3A_580 = arith.constant 2 : i32
      %mul3A_581 = vector.broadcast %mul3A_580 : i32 to vector<16xi32>
      %mul3A_582 = arith.muli %mul3A_581, %min3A_579 : vector<16xi32>
      %add3A_583 = arith.constant 0 : i32
      %add3A_584 = vector.broadcast %add3A_583 : i32 to vector<16xi32>
      %add3A_585 = arith.addi %mul3A_582, %add3A_584 : vector<16xi32>
      %broadcast_in_dim3A_586 = arith.constant 127 : i32
      %broadcast_in_dim3A_587 = vector.broadcast %broadcast_in_dim3A_586 : i32 to vector<16xi32>
      %gather3A_588 = tpu.vector_load_idx %arg4[%add3A_585, %broadcast_in_dim3A_587] : memref<512x128xf32, #tpu.memory_space<vmem>>[vector<16xi32>, vector<16xi32>], vector<16xf32>,
      %broadcast_in_dim3A_589 = arith.constant 0 : i32
      %broadcast_in_dim3A_590 = vector.broadcast %broadcast_in_dim3A_589 : i32 to vector<16xi32>
      tpu.vector_store_idx %arg5[%add3A_570, %broadcast_in_dim3A_590], %gather3A_588 : memref<272x2xf32, #tpu.memory_space<vmem>>[vector<16xi32>, vector<16xi32>], vector<16xf32>,
      %broadcast_in_dim3A_591 = arith.constant 1 : i32
      %broadcast_in_dim3A_592 = vector.broadcast %broadcast_in_dim3A_591 : i32 to vector<16xi32>
      tpu.vector_store_idx %arg5[%add3A_570, %broadcast_in_dim3A_592], %gather3A_588 : memref<272x2xf32, #tpu.memory_space<vmem>>[vector<16xi32>, vector<16xi32>], vector<16xf32>,
      %iota3A_593 = tpu.iota {dimensions = array<i32: 0>} : vector<16xi32>
      %add3A_594 = arith.constant 64 : i32
      %add3A_595 = vector.broadcast %add3A_594 : i32 to vector<16xi32>
      %add3A_596 = arith.addi %iota3A_593, %add3A_595 : vector<16xi32>
      %sub3A_597 = arith.constant 1 : i32
      %sub3A_598 = vector.broadcast %sub3A_597 : i32 to vector<16xi32>
      %sub3A_599 = arith.subi %add3A_596, %sub3A_598 : vector<16xi32>
      %jit3A_600 = arith.constant 0 : i32
      %jit3A_601 = arith.constant 255 : i32
      %max3A_602 = vector.broadcast %jit3A_600 : i32 to vector<16xi32>
      %max3A_603 = arith.maxsi %max3A_602, %sub3A_599 : vector<16xi32>
      %min3A_604 = vector.broadcast %jit3A_601 : i32 to vector<16xi32>
      %min3A_605 = arith.minsi %min3A_604, %max3A_603 : vector<16xi32>
      %mul3A_606 = arith.constant 2 : i32
      %mul3A_607 = vector.broadcast %mul3A_606 : i32 to vector<16xi32>
      %mul3A_608 = arith.muli %mul3A_607, %min3A_605 : vector<16xi32>
      %add3A_609 = arith.constant 0 : i32
      %add3A_610 = vector.broadcast %add3A_609 : i32 to vector<16xi32>
      %add3A_611 = arith.addi %mul3A_608, %add3A_610 : vector<16xi32>
      %broadcast_in_dim3A_612 = arith.constant 127 : i32
      %broadcast_in_dim3A_613 = vector.broadcast %broadcast_in_dim3A_612 : i32 to vector<16xi32>
      %gather3A_614 = tpu.vector_load_idx %arg4[%add3A_611, %broadcast_in_dim3A_613] : memref<512x128xf32, #tpu.memory_space<vmem>>[vector<16xi32>, vector<16xi32>], vector<16xf32>,
      %broadcast_in_dim3A_615 = arith.constant 0 : i32
      %broadcast_in_dim3A_616 = vector.broadcast %broadcast_in_dim3A_615 : i32 to vector<16xi32>
      tpu.vector_store_idx %arg5[%add3A_596, %broadcast_in_dim3A_616], %gather3A_614 : memref<272x2xf32, #tpu.memory_space<vmem>>[vector<16xi32>, vector<16xi32>], vector<16xf32>,
      %broadcast_in_dim3A_617 = arith.constant 1 : i32
      %broadcast_in_dim3A_618 = vector.broadcast %broadcast_in_dim3A_617 : i32 to vector<16xi32>
      tpu.vector_store_idx %arg5[%add3A_596, %broadcast_in_dim3A_618], %gather3A_614 : memref<272x2xf32, #tpu.memory_space<vmem>>[vector<16xi32>, vector<16xi32>], vector<16xf32>,
      %iota3A_619 = tpu.iota {dimensions = array<i32: 0>} : vector<16xi32>
      %add3A_620 = arith.constant 80 : i32
      %add3A_621 = vector.broadcast %add3A_620 : i32 to vector<16xi32>
      %add3A_622 = arith.addi %iota3A_619, %add3A_621 : vector<16xi32>
      %sub3A_623 = arith.constant 1 : i32
      %sub3A_624 = vector.broadcast %sub3A_623 : i32 to vector<16xi32>
      %sub3A_625 = arith.subi %add3A_622, %sub3A_624 : vector<16xi32>
      %jit3A_626 = arith.constant 0 : i32
      %jit3A_627 = arith.constant 255 : i32
      %max3A_628 = vector.broadcast %jit3A_626 : i32 to vector<16xi32>
      %max3A_629 = arith.maxsi %max3A_628, %sub3A_625 : vector<16xi32>
      %min3A_630 = vector.broadcast %jit3A_627 : i32 to vector<16xi32>
      %min3A_631 = arith.minsi %min3A_630, %max3A_629 : vector<16xi32>
      %mul3A_632 = arith.constant 2 : i32
      %mul3A_633 = vector.broadcast %mul3A_632 : i32 to vector<16xi32>
      %mul3A_634 = arith.muli %mul3A_633, %min3A_631 : vector<16xi32>
      %add3A_635 = arith.constant 0 : i32
      %add3A_636 = vector.broadcast %add3A_635 : i32 to vector<16xi32>
      %add3A_637 = arith.addi %mul3A_634, %add3A_636 : vector<16xi32>
      %broadcast_in_dim3A_638 = arith.constant 127 : i32
      %broadcast_in_dim3A_639 = vector.broadcast %broadcast_in_dim3A_638 : i32 to vector<16xi32>
      %gather3A_640 = tpu.vector_load_idx %arg4[%add3A_637, %broadcast_in_dim3A_639] : memref<512x128xf32, #tpu.memory_space<vmem>>[vector<16xi32>, vector<16xi32>], vector<16xf32>,
      %broadcast_in_dim3A_641 = arith.constant 0 : i32
      %broadcast_in_dim3A_642 = vector.broadcast %broadcast_in_dim3A_641 : i32 to vector<16xi32>
      tpu.vector_store_idx %arg5[%add3A_622, %broadcast_in_dim3A_642], %gather3A_640 : memref<272x2xf32, #tpu.memory_space<vmem>>[vector<16xi32>, vector<16xi32>], vector<16xf32>,
      %broadcast_in_dim3A_643 = arith.constant 1 : i32
      %broadcast_in_dim3A_644 = vector.broadcast %broadcast_in_dim3A_643 : i32 to vector<16xi32>
      tpu.vector_store_idx %arg5[%add3A_622, %broadcast_in_dim3A_644], %gather3A_640 : memref<272x2xf32, #tpu.memory_space<vmem>>[vector<16xi32>, vector<16xi32>], vector<16xf32>,
      %iota3A_645 = tpu.iota {dimensions = array<i32: 0>} : vector<16xi32>
      %add3A_646 = arith.constant 96 : i32
      %add3A_647 = vector.broadcast %add3A_646 : i32 to vector<16xi32>
      %add3A_648 = arith.addi %iota3A_645, %add3A_647 : vector<16xi32>
      %sub3A_649 = arith.constant 1 : i32
      %sub3A_650 = vector.broadcast %sub3A_649 : i32 to vector<16xi32>
      %sub3A_651 = arith.subi %add3A_648, %sub3A_650 : vector<16xi32>
      %jit3A_652 = arith.constant 0 : i32
      %jit3A_653 = arith.constant 255 : i32
      %max3A_654 = vector.broadcast %jit3A_652 : i32 to vector<16xi32>
      %max3A_655 = arith.maxsi %max3A_654, %sub3A_651 : vector<16xi32>
      %min3A_656 = vector.broadcast %jit3A_653 : i32 to vector<16xi32>
      %min3A_657 = arith.minsi %min3A_656, %max3A_655 : vector<16xi32>
      %mul3A_658 = arith.constant 2 : i32
      %mul3A_659 = vector.broadcast %mul3A_658 : i32 to vector<16xi32>
      %mul3A_660 = arith.muli %mul3A_659, %min3A_657 : vector<16xi32>
      %add3A_661 = arith.constant 0 : i32
      %add3A_662 = vector.broadcast %add3A_661 : i32 to vector<16xi32>
      %add3A_663 = arith.addi %mul3A_660, %add3A_662 : vector<16xi32>
      %broadcast_in_dim3A_664 = arith.constant 127 : i32
      %broadcast_in_dim3A_665 = vector.broadcast %broadcast_in_dim3A_664 : i32 to vector<16xi32>
      %gather3A_666 = tpu.vector_load_idx %arg4[%add3A_663, %broadcast_in_dim3A_665] : memref<512x128xf32, #tpu.memory_space<vmem>>[vector<16xi32>, vector<16xi32>], vector<16xf32>,
      %broadcast_in_dim3A_667 = arith.constant 0 : i32
      %broadcast_in_dim3A_668 = vector.broadcast %broadcast_in_dim3A_667 : i32 to vector<16xi32>
      tpu.vector_store_idx %arg5[%add3A_648, %broadcast_in_dim3A_668], %gather3A_666 : memref<272x2xf32, #tpu.memory_space<vmem>>[vector<16xi32>, vector<16xi32>], vector<16xf32>,
      %broadcast_in_dim3A_669 = arith.constant 1 : i32
      %broadcast_in_dim3A_670 = vector.broadcast %broadcast_in_dim3A_669 : i32 to vector<16xi32>
      tpu.vector_store_idx %arg5[%add3A_648, %broadcast_in_dim3A_670], %gather3A_666 : memref<272x2xf32, #tpu.memory_space<vmem>>[vector<16xi32>, vector<16xi32>], vector<16xf32>,
      %iota3A_671 = tpu.iota {dimensions = array<i32: 0>} : vector<16xi32>
      %add3A_672 = arith.constant 112 : i32
      %add3A_673 = vector.broadcast %add3A_672 : i32 to vector<16xi32>
      %add3A_674 = arith.addi %iota3A_671, %add3A_673 : vector<16xi32>
      %sub3A_675 = arith.constant 1 : i32
      %sub3A_676 = vector.broadcast %sub3A_675 : i32 to vector<16xi32>
      %sub3A_677 = arith.subi %add3A_674, %sub3A_676 : vector<16xi32>
      %jit3A_678 = arith.constant 0 : i32
      %jit3A_679 = arith.constant 255 : i32
      %max3A_680 = vector.broadcast %jit3A_678 : i32 to vector<16xi32>
      %max3A_681 = arith.maxsi %max3A_680, %sub3A_677 : vector<16xi32>
      %min3A_682 = vector.broadcast %jit3A_679 : i32 to vector<16xi32>
      %min3A_683 = arith.minsi %min3A_682, %max3A_681 : vector<16xi32>
      %mul3A_684 = arith.constant 2 : i32
      %mul3A_685 = vector.broadcast %mul3A_684 : i32 to vector<16xi32>
      %mul3A_686 = arith.muli %mul3A_685, %min3A_683 : vector<16xi32>
      %add3A_687 = arith.constant 0 : i32
      %add3A_688 = vector.broadcast %add3A_687 : i32 to vector<16xi32>
      %add3A_689 = arith.addi %mul3A_686, %add3A_688 : vector<16xi32>
      %broadcast_in_dim3A_690 = arith.constant 127 : i32
      %broadcast_in_dim3A_691 = vector.broadcast %broadcast_in_dim3A_690 : i32 to vector<16xi32>
      %gather3A_692 = tpu.vector_load_idx %arg4[%add3A_689, %broadcast_in_dim3A_691] : memref<512x128xf32, #tpu.memory_space<vmem>>[vector<16xi32>, vector<16xi32>], vector<16xf32>,
      %broadcast_in_dim3A_693 = arith.constant 0 : i32
      %broadcast_in_dim3A_694 = vector.broadcast %broadcast_in_dim3A_693 : i32 to vector<16xi32>
      tpu.vector_store_idx %arg5[%add3A_674, %broadcast_in_dim3A_694], %gather3A_692 : memref<272x2xf32, #tpu.memory_space<vmem>>[vector<16xi32>, vector<16xi32>], vector<16xf32>,
      %broadcast_in_dim3A_695 = arith.constant 1 : i32
      %broadcast_in_dim3A_696 = vector.broadcast %broadcast_in_dim3A_695 : i32 to vector<16xi32>
      tpu.vector_store_idx %arg5[%add3A_674, %broadcast_in_dim3A_696], %gather3A_692 : memref<272x2xf32, #tpu.memory_space<vmem>>[vector<16xi32>, vector<16xi32>], vector<16xf32>,
      %iota3A_697 = tpu.iota {dimensions = array<i32: 0>} : vector<16xi32>
      %add3A_698 = arith.constant 128 : i32
      %add3A_699 = vector.broadcast %add3A_698 : i32 to vector<16xi32>
      %add3A_700 = arith.addi %iota3A_697, %add3A_699 : vector<16xi32>
      %sub3A_701 = arith.constant 1 : i32
      %sub3A_702 = vector.broadcast %sub3A_701 : i32 to vector<16xi32>
      %sub3A_703 = arith.subi %add3A_700, %sub3A_702 : vector<16xi32>
      %jit3A_704 = arith.constant 0 : i32
      %jit3A_705 = arith.constant 255 : i32
      %max3A_706 = vector.broadcast %jit3A_704 : i32 to vector<16xi32>
      %max3A_707 = arith.maxsi %max3A_706, %sub3A_703 : vector<16xi32>
      %min3A_708 = vector.broadcast %jit3A_705 : i32 to vector<16xi32>
      %min3A_709 = arith.minsi %min3A_708, %max3A_707 : vector<16xi32>
      %mul3A_710 = arith.constant 2 : i32
      %mul3A_711 = vector.broadcast %mul3A_710 : i32 to vector<16xi32>
      %mul3A_712 = arith.muli %mul3A_711, %min3A_709 : vector<16xi32>
      %add3A_713 = arith.constant 0 : i32
      %add3A_714 = vector.broadcast %add3A_713 : i32 to vector<16xi32>
      %add3A_715 = arith.addi %mul3A_712, %add3A_714 : vector<16xi32>
      %broadcast_in_dim3A_716 = arith.constant 127 : i32
      %broadcast_in_dim3A_717 = vector.broadcast %broadcast_in_dim3A_716 : i32 to vector<16xi32>
      %gather3A_718 = tpu.vector_load_idx %arg4[%add3A_715, %broadcast_in_dim3A_717] : memref<512x128xf32, #tpu.memory_space<vmem>>[vector<16xi32>, vector<16xi32>], vector<16xf32>,
      %broadcast_in_dim3A_719 = arith.constant 0 : i32
      %broadcast_in_dim3A_720 = vector.broadcast %broadcast_in_dim3A_719 : i32 to vector<16xi32>
      tpu.vector_store_idx %arg5[%add3A_700, %broadcast_in_dim3A_720], %gather3A_718 : memref<272x2xf32, #tpu.memory_space<vmem>>[vector<16xi32>, vector<16xi32>], vector<16xf32>,
      %broadcast_in_dim3A_721 = arith.constant 1 : i32
      %broadcast_in_dim3A_722 = vector.broadcast %broadcast_in_dim3A_721 : i32 to vector<16xi32>
      tpu.vector_store_idx %arg5[%add3A_700, %broadcast_in_dim3A_722], %gather3A_718 : memref<272x2xf32, #tpu.memory_space<vmem>>[vector<16xi32>, vector<16xi32>], vector<16xf32>,
      %iota3A_723 = tpu.iota {dimensions = array<i32: 0>} : vector<16xi32>
      %add3A_724 = arith.constant 144 : i32
      %add3A_725 = vector.broadcast %add3A_724 : i32 to vector<16xi32>
      %add3A_726 = arith.addi %iota3A_723, %add3A_725 : vector<16xi32>
      %sub3A_727 = arith.constant 1 : i32
      %sub3A_728 = vector.broadcast %sub3A_727 : i32 to vector<16xi32>
      %sub3A_729 = arith.subi %add3A_726, %sub3A_728 : vector<16xi32>
      %jit3A_730 = arith.constant 0 : i32
      %jit3A_731 = arith.constant 255 : i32
      %max3A_732 = vector.broadcast %jit3A_730 : i32 to vector<16xi32>
      %max3A_733 = arith.maxsi %max3A_732, %sub3A_729 : vector<16xi32>
      %min3A_734 = vector.broadcast %jit3A_731 : i32 to vector<16xi32>
      %min3A_735 = arith.minsi %min3A_734, %max3A_733 : vector<16xi32>
      %mul3A_736 = arith.constant 2 : i32
      %mul3A_737 = vector.broadcast %mul3A_736 : i32 to vector<16xi32>
      %mul3A_738 = arith.muli %mul3A_737, %min3A_735 : vector<16xi32>
      %add3A_739 = arith.constant 0 : i32
      %add3A_740 = vector.broadcast %add3A_739 : i32 to vector<16xi32>
      %add3A_741 = arith.addi %mul3A_738, %add3A_740 : vector<16xi32>
      %broadcast_in_dim3A_742 = arith.constant 127 : i32
      %broadcast_in_dim3A_743 = vector.broadcast %broadcast_in_dim3A_742 : i32 to vector<16xi32>
      %gather3A_744 = tpu.vector_load_idx %arg4[%add3A_741, %broadcast_in_dim3A_743] : memref<512x128xf32, #tpu.memory_space<vmem>>[vector<16xi32>, vector<16xi32>], vector<16xf32>,
      %broadcast_in_dim3A_745 = arith.constant 0 : i32
      %broadcast_in_dim3A_746 = vector.broadcast %broadcast_in_dim3A_745 : i32 to vector<16xi32>
      tpu.vector_store_idx %arg5[%add3A_726, %broadcast_in_dim3A_746], %gather3A_744 : memref<272x2xf32, #tpu.memory_space<vmem>>[vector<16xi32>, vector<16xi32>], vector<16xf32>,
      %broadcast_in_dim3A_747 = arith.constant 1 : i32
      %broadcast_in_dim3A_748 = vector.broadcast %broadcast_in_dim3A_747 : i32 to vector<16xi32>
      tpu.vector_store_idx %arg5[%add3A_726, %broadcast_in_dim3A_748], %gather3A_744 : memref<272x2xf32, #tpu.memory_space<vmem>>[vector<16xi32>, vector<16xi32>], vector<16xf32>,
      %iota3A_749 = tpu.iota {dimensions = array<i32: 0>} : vector<16xi32>
      %add3A_750 = arith.constant 160 : i32
      %add3A_751 = vector.broadcast %add3A_750 : i32 to vector<16xi32>
      %add3A_752 = arith.addi %iota3A_749, %add3A_751 : vector<16xi32>
      %sub3A_753 = arith.constant 1 : i32
      %sub3A_754 = vector.broadcast %sub3A_753 : i32 to vector<16xi32>
      %sub3A_755 = arith.subi %add3A_752, %sub3A_754 : vector<16xi32>
      %jit3A_756 = arith.constant 0 : i32
      %jit3A_757 = arith.constant 255 : i32
      %max3A_758 = vector.broadcast %jit3A_756 : i32 to vector<16xi32>
      %max3A_759 = arith.maxsi %max3A_758, %sub3A_755 : vector<16xi32>
      %min3A_760 = vector.broadcast %jit3A_757 : i32 to vector<16xi32>
      %min3A_761 = arith.minsi %min3A_760, %max3A_759 : vector<16xi32>
      %mul3A_762 = arith.constant 2 : i32
      %mul3A_763 = vector.broadcast %mul3A_762 : i32 to vector<16xi32>
      %mul3A_764 = arith.muli %mul3A_763, %min3A_761 : vector<16xi32>
      %add3A_765 = arith.constant 0 : i32
      %add3A_766 = vector.broadcast %add3A_765 : i32 to vector<16xi32>
      %add3A_767 = arith.addi %mul3A_764, %add3A_766 : vector<16xi32>
      %broadcast_in_dim3A_768 = arith.constant 127 : i32
      %broadcast_in_dim3A_769 = vector.broadcast %broadcast_in_dim3A_768 : i32 to vector<16xi32>
      %gather3A_770 = tpu.vector_load_idx %arg4[%add3A_767, %broadcast_in_dim3A_769] : memref<512x128xf32, #tpu.memory_space<vmem>>[vector<16xi32>, vector<16xi32>], vector<16xf32>,
      %broadcast_in_dim3A_771 = arith.constant 0 : i32
      %broadcast_in_dim3A_772 = vector.broadcast %broadcast_in_dim3A_771 : i32 to vector<16xi32>
      tpu.vector_store_idx %arg5[%add3A_752, %broadcast_in_dim3A_772], %gather3A_770 : memref<272x2xf32, #tpu.memory_space<vmem>>[vector<16xi32>, vector<16xi32>], vector<16xf32>,
      %broadcast_in_dim3A_773 = arith.constant 1 : i32
      %broadcast_in_dim3A_774 = vector.broadcast %broadcast_in_dim3A_773 : i32 to vector<16xi32>
      tpu.vector_store_idx %arg5[%add3A_752, %broadcast_in_dim3A_774], %gather3A_770 : memref<272x2xf32, #tpu.memory_space<vmem>>[vector<16xi32>, vector<16xi32>], vector<16xf32>,
      %iota3A_775 = tpu.iota {dimensions = array<i32: 0>} : vector<16xi32>
      %add3A_776 = arith.constant 176 : i32
      %add3A_777 = vector.broadcast %add3A_776 : i32 to vector<16xi32>
      %add3A_778 = arith.addi %iota3A_775, %add3A_777 : vector<16xi32>
      %sub3A_779 = arith.constant 1 : i32
      %sub3A_780 = vector.broadcast %sub3A_779 : i32 to vector<16xi32>
      %sub3A_781 = arith.subi %add3A_778, %sub3A_780 : vector<16xi32>
      %jit3A_782 = arith.constant 0 : i32
      %jit3A_783 = arith.constant 255 : i32
      %max3A_784 = vector.broadcast %jit3A_782 : i32 to vector<16xi32>
      %max3A_785 = arith.maxsi %max3A_784, %sub3A_781 : vector<16xi32>
      %min3A_786 = vector.broadcast %jit3A_783 : i32 to vector<16xi32>
      %min3A_787 = arith.minsi %min3A_786, %max3A_785 : vector<16xi32>
      %mul3A_788 = arith.constant 2 : i32
      %mul3A_789 = vector.broadcast %mul3A_788 : i32 to vector<16xi32>
      %mul3A_790 = arith.muli %mul3A_789, %min3A_787 : vector<16xi32>
      %add3A_791 = arith.constant 0 : i32
      %add3A_792 = vector.broadcast %add3A_791 : i32 to vector<16xi32>
      %add3A_793 = arith.addi %mul3A_790, %add3A_792 : vector<16xi32>
      %broadcast_in_dim3A_794 = arith.constant 127 : i32
      %broadcast_in_dim3A_795 = vector.broadcast %broadcast_in_dim3A_794 : i32 to vector<16xi32>
      %gather3A_796 = tpu.vector_load_idx %arg4[%add3A_793, %broadcast_in_dim3A_795] : memref<512x128xf32, #tpu.memory_space<vmem>>[vector<16xi32>, vector<16xi32>], vector<16xf32>,
      %broadcast_in_dim3A_797 = arith.constant 0 : i32
      %broadcast_in_dim3A_798 = vector.broadcast %broadcast_in_dim3A_797 : i32 to vector<16xi32>
      tpu.vector_store_idx %arg5[%add3A_778, %broadcast_in_dim3A_798], %gather3A_796 : memref<272x2xf32, #tpu.memory_space<vmem>>[vector<16xi32>, vector<16xi32>], vector<16xf32>,
      %broadcast_in_dim3A_799 = arith.constant 1 : i32
      %broadcast_in_dim3A_800 = vector.broadcast %broadcast_in_dim3A_799 : i32 to vector<16xi32>
      tpu.vector_store_idx %arg5[%add3A_778, %broadcast_in_dim3A_800], %gather3A_796 : memref<272x2xf32, #tpu.memory_space<vmem>>[vector<16xi32>, vector<16xi32>], vector<16xf32>,
      %iota3A_801 = tpu.iota {dimensions = array<i32: 0>} : vector<16xi32>
      %add3A_802 = arith.constant 192 : i32
      %add3A_803 = vector.broadcast %add3A_802 : i32 to vector<16xi32>
      %add3A_804 = arith.addi %iota3A_801, %add3A_803 : vector<16xi32>
      %sub3A_805 = arith.constant 1 : i32
      %sub3A_806 = vector.broadcast %sub3A_805 : i32 to vector<16xi32>
      %sub3A_807 = arith.subi %add3A_804, %sub3A_806 : vector<16xi32>
      %jit3A_808 = arith.constant 0 : i32
      %jit3A_809 = arith.constant 255 : i32
      %max3A_810 = vector.broadcast %jit3A_808 : i32 to vector<16xi32>
      %max3A_811 = arith.maxsi %max3A_810, %sub3A_807 : vector<16xi32>
      %min3A_812 = vector.broadcast %jit3A_809 : i32 to vector<16xi32>
      %min3A_813 = arith.minsi %min3A_812, %max3A_811 : vector<16xi32>
      %mul3A_814 = arith.constant 2 : i32
      %mul3A_815 = vector.broadcast %mul3A_814 : i32 to vector<16xi32>
      %mul3A_816 = arith.muli %mul3A_815, %min3A_813 : vector<16xi32>
      %add3A_817 = arith.constant 0 : i32
      %add3A_818 = vector.broadcast %add3A_817 : i32 to vector<16xi32>
      %add3A_819 = arith.addi %mul3A_816, %add3A_818 : vector<16xi32>
      %broadcast_in_dim3A_820 = arith.constant 127 : i32
      %broadcast_in_dim3A_821 = vector.broadcast %broadcast_in_dim3A_820 : i32 to vector<16xi32>
      %gather3A_822 = tpu.vector_load_idx %arg4[%add3A_819, %broadcast_in_dim3A_821] : memref<512x128xf32, #tpu.memory_space<vmem>>[vector<16xi32>, vector<16xi32>], vector<16xf32>,
      %broadcast_in_dim3A_823 = arith.constant 0 : i32
      %broadcast_in_dim3A_824 = vector.broadcast %broadcast_in_dim3A_823 : i32 to vector<16xi32>
      tpu.vector_store_idx %arg5[%add3A_804, %broadcast_in_dim3A_824], %gather3A_822 : memref<272x2xf32, #tpu.memory_space<vmem>>[vector<16xi32>, vector<16xi32>], vector<16xf32>,
      %broadcast_in_dim3A_825 = arith.constant 1 : i32
      %broadcast_in_dim3A_826 = vector.broadcast %broadcast_in_dim3A_825 : i32 to vector<16xi32>
      tpu.vector_store_idx %arg5[%add3A_804, %broadcast_in_dim3A_826], %gather3A_822 : memref<272x2xf32, #tpu.memory_space<vmem>>[vector<16xi32>, vector<16xi32>], vector<16xf32>,
      %iota3A_827 = tpu.iota {dimensions = array<i32: 0>} : vector<16xi32>
      %add3A_828 = arith.constant 208 : i32
      %add3A_829 = vector.broadcast %add3A_828 : i32 to vector<16xi32>
      %add3A_830 = arith.addi %iota3A_827, %add3A_829 : vector<16xi32>
      %sub3A_831 = arith.constant 1 : i32
      %sub3A_832 = vector.broadcast %sub3A_831 : i32 to vector<16xi32>
      %sub3A_833 = arith.subi %add3A_830, %sub3A_832 : vector<16xi32>
      %jit3A_834 = arith.constant 0 : i32
      %jit3A_835 = arith.constant 255 : i32
      %max3A_836 = vector.broadcast %jit3A_834 : i32 to vector<16xi32>
      %max3A_837 = arith.maxsi %max3A_836, %sub3A_833 : vector<16xi32>
      %min3A_838 = vector.broadcast %jit3A_835 : i32 to vector<16xi32>
      %min3A_839 = arith.minsi %min3A_838, %max3A_837 : vector<16xi32>
      %mul3A_840 = arith.constant 2 : i32
      %mul3A_841 = vector.broadcast %mul3A_840 : i32 to vector<16xi32>
      %mul3A_842 = arith.muli %mul3A_841, %min3A_839 : vector<16xi32>
      %add3A_843 = arith.constant 0 : i32
      %add3A_844 = vector.broadcast %add3A_843 : i32 to vector<16xi32>
      %add3A_845 = arith.addi %mul3A_842, %add3A_844 : vector<16xi32>
      %broadcast_in_dim3A_846 = arith.constant 127 : i32
      %broadcast_in_dim3A_847 = vector.broadcast %broadcast_in_dim3A_846 : i32 to vector<16xi32>
      %gather3A_848 = tpu.vector_load_idx %arg4[%add3A_845, %broadcast_in_dim3A_847] : memref<512x128xf32, #tpu.memory_space<vmem>>[vector<16xi32>, vector<16xi32>], vector<16xf32>,
      %broadcast_in_dim3A_849 = arith.constant 0 : i32
      %broadcast_in_dim3A_850 = vector.broadcast %broadcast_in_dim3A_849 : i32 to vector<16xi32>
      tpu.vector_store_idx %arg5[%add3A_830, %broadcast_in_dim3A_850], %gather3A_848 : memref<272x2xf32, #tpu.memory_space<vmem>>[vector<16xi32>, vector<16xi32>], vector<16xf32>,
      %broadcast_in_dim3A_851 = arith.constant 1 : i32
      %broadcast_in_dim3A_852 = vector.broadcast %broadcast_in_dim3A_851 : i32 to vector<16xi32>
      tpu.vector_store_idx %arg5[%add3A_830, %broadcast_in_dim3A_852], %gather3A_848 : memref<272x2xf32, #tpu.memory_space<vmem>>[vector<16xi32>, vector<16xi32>], vector<16xf32>,
      %iota3A_853 = tpu.iota {dimensions = array<i32: 0>} : vector<16xi32>
      %add3A_854 = arith.constant 224 : i32
      %add3A_855 = vector.broadcast %add3A_854 : i32 to vector<16xi32>
      %add3A_856 = arith.addi %iota3A_853, %add3A_855 : vector<16xi32>
      %sub3A_857 = arith.constant 1 : i32
      %sub3A_858 = vector.broadcast %sub3A_857 : i32 to vector<16xi32>
      %sub3A_859 = arith.subi %add3A_856, %sub3A_858 : vector<16xi32>
      %jit3A_860 = arith.constant 0 : i32
      %jit3A_861 = arith.constant 255 : i32
      %max3A_862 = vector.broadcast %jit3A_860 : i32 to vector<16xi32>
      %max3A_863 = arith.maxsi %max3A_862, %sub3A_859 : vector<16xi32>
      %min3A_864 = vector.broadcast %jit3A_861 : i32 to vector<16xi32>
      %min3A_865 = arith.minsi %min3A_864, %max3A_863 : vector<16xi32>
      %mul3A_866 = arith.constant 2 : i32
      %mul3A_867 = vector.broadcast %mul3A_866 : i32 to vector<16xi32>
      %mul3A_868 = arith.muli %mul3A_867, %min3A_865 : vector<16xi32>
      %add3A_869 = arith.constant 0 : i32
      %add3A_870 = vector.broadcast %add3A_869 : i32 to vector<16xi32>
      %add3A_871 = arith.addi %mul3A_868, %add3A_870 : vector<16xi32>
      %broadcast_in_dim3A_872 = arith.constant 127 : i32
      %broadcast_in_dim3A_873 = vector.broadcast %broadcast_in_dim3A_872 : i32 to vector<16xi32>
      %gather3A_874 = tpu.vector_load_idx %arg4[%add3A_871, %broadcast_in_dim3A_873] : memref<512x128xf32, #tpu.memory_space<vmem>>[vector<16xi32>, vector<16xi32>], vector<16xf32>,
      %broadcast_in_dim3A_875 = arith.constant 0 : i32
      %broadcast_in_dim3A_876 = vector.broadcast %broadcast_in_dim3A_875 : i32 to vector<16xi32>
      tpu.vector_store_idx %arg5[%add3A_856, %broadcast_in_dim3A_876], %gather3A_874 : memref<272x2xf32, #tpu.memory_space<vmem>>[vector<16xi32>, vector<16xi32>], vector<16xf32>,
      %broadcast_in_dim3A_877 = arith.constant 1 : i32
      %broadcast_in_dim3A_878 = vector.broadcast %broadcast_in_dim3A_877 : i32 to vector<16xi32>
      tpu.vector_store_idx %arg5[%add3A_856, %broadcast_in_dim3A_878], %gather3A_874 : memref<272x2xf32, #tpu.memory_space<vmem>>[vector<16xi32>, vector<16xi32>], vector<16xf32>,
      %iota3A_879 = tpu.iota {dimensions = array<i32: 0>} : vector<16xi32>
      %add3A_880 = arith.constant 240 : i32
      %add3A_881 = vector.broadcast %add3A_880 : i32 to vector<16xi32>
      %add3A_882 = arith.addi %iota3A_879, %add3A_881 : vector<16xi32>
      %sub3A_883 = arith.constant 1 : i32
      %sub3A_884 = vector.broadcast %sub3A_883 : i32 to vector<16xi32>
      %sub3A_885 = arith.subi %add3A_882, %sub3A_884 : vector<16xi32>
      %jit3A_886 = arith.constant 0 : i32
      %jit3A_887 = arith.constant 255 : i32
      %max3A_888 = vector.broadcast %jit3A_886 : i32 to vector<16xi32>
      %max3A_889 = arith.maxsi %max3A_888, %sub3A_885 : vector<16xi32>
      %min3A_890 = vector.broadcast %jit3A_887 : i32 to vector<16xi32>
      %min3A_891 = arith.minsi %min3A_890, %max3A_889 : vector<16xi32>
      %mul3A_892 = arith.constant 2 : i32
      %mul3A_893 = vector.broadcast %mul3A_892 : i32 to vector<16xi32>
      %mul3A_894 = arith.muli %mul3A_893, %min3A_891 : vector<16xi32>
      %add3A_895 = arith.constant 0 : i32
      %add3A_896 = vector.broadcast %add3A_895 : i32 to vector<16xi32>
      %add3A_897 = arith.addi %mul3A_894, %add3A_896 : vector<16xi32>
      %broadcast_in_dim3A_898 = arith.constant 127 : i32
      %broadcast_in_dim3A_899 = vector.broadcast %broadcast_in_dim3A_898 : i32 to vector<16xi32>
      %gather3A_900 = tpu.vector_load_idx %arg4[%add3A_897, %broadcast_in_dim3A_899] : memref<512x128xf32, #tpu.memory_space<vmem>>[vector<16xi32>, vector<16xi32>], vector<16xf32>,
      %broadcast_in_dim3A_901 = arith.constant 0 : i32
      %broadcast_in_dim3A_902 = vector.broadcast %broadcast_in_dim3A_901 : i32 to vector<16xi32>
      tpu.vector_store_idx %arg5[%add3A_882, %broadcast_in_dim3A_902], %gather3A_900 : memref<272x2xf32, #tpu.memory_space<vmem>>[vector<16xi32>, vector<16xi32>], vector<16xf32>,
      %broadcast_in_dim3A_903 = arith.constant 1 : i32
      %broadcast_in_dim3A_904 = vector.broadcast %broadcast_in_dim3A_903 : i32 to vector<16xi32>
      tpu.vector_store_idx %arg5[%add3A_882, %broadcast_in_dim3A_904], %gather3A_900 : memref<272x2xf32, #tpu.memory_space<vmem>>[vector<16xi32>, vector<16xi32>], vector<16xf32>,
      %iota3A_905 = tpu.iota {dimensions = array<i32: 0>} : vector<16xi32>
      %add3A_906 = arith.constant 256 : i32
      %add3A_907 = vector.broadcast %add3A_906 : i32 to vector<16xi32>
      %add3A_908 = arith.addi %iota3A_905, %add3A_907 : vector<16xi32>
      %sub3A_909 = arith.constant 1 : i32
      %sub3A_910 = vector.broadcast %sub3A_909 : i32 to vector<16xi32>
      %sub3A_911 = arith.subi %add3A_908, %sub3A_910 : vector<16xi32>
      %jit3A_912 = arith.constant 0 : i32
      %jit3A_913 = arith.constant 255 : i32
      %max3A_914 = vector.broadcast %jit3A_912 : i32 to vector<16xi32>
      %max3A_915 = arith.maxsi %max3A_914, %sub3A_911 : vector<16xi32>
      %min3A_916 = vector.broadcast %jit3A_913 : i32 to vector<16xi32>
      %min3A_917 = arith.minsi %min3A_916, %max3A_915 : vector<16xi32>
      %mul3A_918 = arith.constant 2 : i32
      %mul3A_919 = vector.broadcast %mul3A_918 : i32 to vector<16xi32>
      %mul3A_920 = arith.muli %mul3A_919, %min3A_917 : vector<16xi32>
      %add3A_921 = arith.constant 0 : i32
      %add3A_922 = vector.broadcast %add3A_921 : i32 to vector<16xi32>
      %add3A_923 = arith.addi %mul3A_920, %add3A_922 : vector<16xi32>
      %broadcast_in_dim3A_924 = arith.constant 127 : i32
      %broadcast_in_dim3A_925 = vector.broadcast %broadcast_in_dim3A_924 : i32 to vector<16xi32>
      %gather3A_926 = tpu.vector_load_idx %arg4[%add3A_923, %broadcast_in_dim3A_925] : memref<512x128xf32, #tpu.memory_space<vmem>>[vector<16xi32>, vector<16xi32>], vector<16xf32>,
      %broadcast_in_dim3A_927 = arith.constant 0 : i32
      %broadcast_in_dim3A_928 = vector.broadcast %broadcast_in_dim3A_927 : i32 to vector<16xi32>
      tpu.vector_store_idx %arg5[%add3A_908, %broadcast_in_dim3A_928], %gather3A_926 : memref<272x2xf32, #tpu.memory_space<vmem>>[vector<16xi32>, vector<16xi32>], vector<16xf32>,
      %broadcast_in_dim3A_929 = arith.constant 1 : i32
      %broadcast_in_dim3A_930 = vector.broadcast %broadcast_in_dim3A_929 : i32 to vector<16xi32>
      tpu.vector_store_idx %arg5[%add3A_908, %broadcast_in_dim3A_930], %gather3A_926 : memref<272x2xf32, #tpu.memory_space<vmem>>[vector<16xi32>, vector<16xi32>], vector<16xf32>,
      "tpu.region"() ({
        %run_scoped3A = tpu.sem_alloc : memref<!tpu.dma_semaphore, #tpu.memory_space<semaphore_mem>>
        %dma_start3A = arith.constant 0 : i32
        %dma_start3A_1827 = arith.constant 0 : i32
        %dma_start3A_1828 = tpu.memref_slice %arg5[%dma_start3A, %dma_start3A_1827] : memref<272x2xf32, #tpu.memory_space<vmem>> -> memref<258x2xf32, #tpu.memory_space<vmem>>
        %dma_start3A_1829 = arith.constant 0 : i32
        %dma_start3A_1830 = arith.constant 256 : i32
        %dma_start3A_1831 = tpu.memref_slice %arg3[%select_n3A, %add3A_488, %dma_start3A_1829, %dma_start3A_1830] : memref<2x384x258x258xf32, #tpu.memory_space<hbm>> -> memref<1x1x258x2xf32, #tpu.memory_space<hbm>>
        %dma_start3A_1832 = tpu.memref_squeeze %dma_start3A_1831 : memref<1x1x258x2xf32, #tpu.memory_space<hbm>> -> memref<258x2xf32, #tpu.memory_space<hbm>>
        %dma_start3A_1833 = arith.constant 0 : i32
        %dma_start3A_1834 = arith.constant 256 : i32
        %dma_start3A_1835 = tpu.memref_slice %arg3[%select_n3A, %add3A_488, %dma_start3A_1833, %dma_start3A_1834] : memref<2x384x258x258xf32, #tpu.memory_space<hbm>> -> memref<1x1x258x2xf32, #tpu.memory_space<hbm>>
        %dma_start3A_1836 = tpu.memref_squeeze %dma_start3A_1835 : memref<1x1x258x2xf32, #tpu.memory_space<hbm>> -> memref<258x2xf32, #tpu.memory_space<hbm>>
        %dma_start3A_1837 = arith.constant 0 : i32
        %dma_start3A_1838 = arith.constant 0 : i32
        %dma_start3A_1839 = tpu.memref_slice %arg5[%dma_start3A_1837, %dma_start3A_1838] : memref<272x2xf32, #tpu.memory_space<vmem>> -> memref<258x2xf32, #tpu.memory_space<vmem>>
        tpu.enqueue_dma source(%dma_start3A_1839 : memref<258x2xf32, #tpu.memory_space<vmem>>) target(%dma_start3A_1836 : memref<258x2xf32, #tpu.memory_space<hbm>>) target_semaphore(%run_scoped3A : memref<!tpu.dma_semaphore, #tpu.memory_space<semaphore_mem>>)
        %dma_wait3A = arith.constant 0 : i32
        %dma_wait3A_1840 = arith.constant 0 : i32
        %dma_wait3A_1841 = tpu.memref_slice %arg5[%dma_wait3A, %dma_wait3A_1840] : memref<272x2xf32, #tpu.memory_space<vmem>> -> memref<258x2xf32, #tpu.memory_space<vmem>>
        %dma_wait3A_1842 = arith.constant 0 : i32
        %dma_wait3A_1843 = arith.constant 256 : i32
        %dma_wait3A_1844 = tpu.memref_slice %arg3[%select_n3A, %add3A_488, %dma_wait3A_1842, %dma_wait3A_1843] : memref<2x384x258x258xf32, #tpu.memory_space<hbm>> -> memref<1x1x258x2xf32, #tpu.memory_space<hbm>>
        %dma_wait3A_1845 = tpu.memref_squeeze %dma_wait3A_1844 : memref<1x1x258x2xf32, #tpu.memory_space<hbm>> -> memref<258x2xf32, #tpu.memory_space<hbm>>
        %dma_wait3A_1846 = arith.constant 0 : i32
        %dma_wait3A_1847 = arith.constant 256 : i32
        %dma_wait3A_1848 = tpu.memref_slice %arg3[%select_n3A, %add3A_488, %dma_wait3A_1846, %dma_wait3A_1847] : memref<2x384x258x258xf32, #tpu.memory_space<hbm>> -> memref<1x1x258x2xf32, #tpu.memory_space<hbm>>
        %dma_wait3A_1849 = tpu.memref_squeeze %dma_wait3A_1848 : memref<1x1x258x2xf32, #tpu.memory_space<hbm>> -> memref<258x2xf32, #tpu.memory_space<hbm>>
        %dma_wait3A_1850 = arith.constant 0 : i32
        %dma_wait3A_1851 = arith.constant 0 : i32
        %dma_wait3A_1852 = tpu.memref_slice %arg5[%dma_wait3A_1850, %dma_wait3A_1851] : memref<272x2xf32, #tpu.memory_space<vmem>> -> memref<258x2xf32, #tpu.memory_space<vmem>>
        tpu.wait_dma2 semaphore(%run_scoped3A : memref<!tpu.dma_semaphore, #tpu.memory_space<semaphore_mem>>) src(%dma_wait3A_1852 : memref<258x2xf32, #tpu.memory_space<vmem>>) dst(%dma_wait3A_1849 : memref<258x2xf32, #tpu.memory_space<hbm>>)
        tpu.yield
      }) : () -> ()
      %mul3A_931 = arith.constant 4 : i32
      %mul3A_932 = arith.muli %select_n3A_39, %mul3A_931 : i32
      %add3A_933 = arith.constant 2 : i32
      %add3A_934 = arith.addi %mul3A_932, %add3A_933 : i32
      %add3A_935 = arith.constant 0 : i32
      %add3A_936 = arith.addi %add3A_934, %add3A_935 : i32
      %iota3A_937 = tpu.iota {dimensions = array<i32: 0>} : vector<16xi32>
      %add3A_938 = arith.constant 0 : i32
      %add3A_939 = vector.broadcast %add3A_938 : i32 to vector<16xi32>
      %add3A_940 = arith.addi %iota3A_937, %add3A_939 : vector<16xi32>
      %sub3A_941 = arith.constant 1 : i32
      %sub3A_942 = vector.broadcast %sub3A_941 : i32 to vector<16xi32>
      %sub3A_943 = arith.subi %add3A_940, %sub3A_942 : vector<16xi32>
      %jit3A_944 = arith.constant 0 : i32
      %jit3A_945 = arith.constant 255 : i32
      %max3A_946 = vector.broadcast %jit3A_944 : i32 to vector<16xi32>
      %max3A_947 = arith.maxsi %max3A_946, %sub3A_943 : vector<16xi32>
      %min3A_948 = vector.broadcast %jit3A_945 : i32 to vector<16xi32>
      %min3A_949 = arith.minsi %min3A_948, %max3A_947 : vector<16xi32>
      %mul3A_950 = arith.constant 2 : i32
      %mul3A_951 = vector.broadcast %mul3A_950 : i32 to vector<16xi32>
      %mul3A_952 = arith.muli %mul3A_951, %min3A_949 : vector<16xi32>
      %add3A_953 = arith.constant 1 : i32
      %add3A_954 = vector.broadcast %add3A_953 : i32 to vector<16xi32>
      %add3A_955 = arith.addi %mul3A_952, %add3A_954 : vector<16xi32>
      %broadcast_in_dim3A_956 = arith.constant 126 : i32
      %broadcast_in_dim3A_957 = vector.broadcast %broadcast_in_dim3A_956 : i32 to vector<16xi32>
      %gather3A_958 = tpu.vector_load_idx %arg4[%add3A_955, %broadcast_in_dim3A_957] : memref<512x128xf32, #tpu.memory_space<vmem>>[vector<16xi32>, vector<16xi32>], vector<16xf32>,
      %broadcast_in_dim3A_959 = arith.constant 0 : i32
      %broadcast_in_dim3A_960 = vector.broadcast %broadcast_in_dim3A_959 : i32 to vector<16xi32>
      tpu.vector_store_idx %arg5[%add3A_940, %broadcast_in_dim3A_960], %gather3A_958 : memref<272x2xf32, #tpu.memory_space<vmem>>[vector<16xi32>, vector<16xi32>], vector<16xf32>,
      %broadcast_in_dim3A_961 = arith.constant 1 : i32
      %broadcast_in_dim3A_962 = vector.broadcast %broadcast_in_dim3A_961 : i32 to vector<16xi32>
      tpu.vector_store_idx %arg5[%add3A_940, %broadcast_in_dim3A_962], %gather3A_958 : memref<272x2xf32, #tpu.memory_space<vmem>>[vector<16xi32>, vector<16xi32>], vector<16xf32>,
      %iota3A_963 = tpu.iota {dimensions = array<i32: 0>} : vector<16xi32>
      %add3A_964 = arith.constant 16 : i32
      %add3A_965 = vector.broadcast %add3A_964 : i32 to vector<16xi32>
      %add3A_966 = arith.addi %iota3A_963, %add3A_965 : vector<16xi32>
      %sub3A_967 = arith.constant 1 : i32
      %sub3A_968 = vector.broadcast %sub3A_967 : i32 to vector<16xi32>
      %sub3A_969 = arith.subi %add3A_966, %sub3A_968 : vector<16xi32>
      %jit3A_970 = arith.constant 0 : i32
      %jit3A_971 = arith.constant 255 : i32
      %max3A_972 = vector.broadcast %jit3A_970 : i32 to vector<16xi32>
      %max3A_973 = arith.maxsi %max3A_972, %sub3A_969 : vector<16xi32>
      %min3A_974 = vector.broadcast %jit3A_971 : i32 to vector<16xi32>
      %min3A_975 = arith.minsi %min3A_974, %max3A_973 : vector<16xi32>
      %mul3A_976 = arith.constant 2 : i32
      %mul3A_977 = vector.broadcast %mul3A_976 : i32 to vector<16xi32>
      %mul3A_978 = arith.muli %mul3A_977, %min3A_975 : vector<16xi32>
      %add3A_979 = arith.constant 1 : i32
      %add3A_980 = vector.broadcast %add3A_979 : i32 to vector<16xi32>
      %add3A_981 = arith.addi %mul3A_978, %add3A_980 : vector<16xi32>
      %broadcast_in_dim3A_982 = arith.constant 126 : i32
      %broadcast_in_dim3A_983 = vector.broadcast %broadcast_in_dim3A_982 : i32 to vector<16xi32>
      %gather3A_984 = tpu.vector_load_idx %arg4[%add3A_981, %broadcast_in_dim3A_983] : memref<512x128xf32, #tpu.memory_space<vmem>>[vector<16xi32>, vector<16xi32>], vector<16xf32>,
      %broadcast_in_dim3A_985 = arith.constant 0 : i32
      %broadcast_in_dim3A_986 = vector.broadcast %broadcast_in_dim3A_985 : i32 to vector<16xi32>
      tpu.vector_store_idx %arg5[%add3A_966, %broadcast_in_dim3A_986], %gather3A_984 : memref<272x2xf32, #tpu.memory_space<vmem>>[vector<16xi32>, vector<16xi32>], vector<16xf32>,
      %broadcast_in_dim3A_987 = arith.constant 1 : i32
      %broadcast_in_dim3A_988 = vector.broadcast %broadcast_in_dim3A_987 : i32 to vector<16xi32>
      tpu.vector_store_idx %arg5[%add3A_966, %broadcast_in_dim3A_988], %gather3A_984 : memref<272x2xf32, #tpu.memory_space<vmem>>[vector<16xi32>, vector<16xi32>], vector<16xf32>,
      %iota3A_989 = tpu.iota {dimensions = array<i32: 0>} : vector<16xi32>
      %add3A_990 = arith.constant 32 : i32
      %add3A_991 = vector.broadcast %add3A_990 : i32 to vector<16xi32>
      %add3A_992 = arith.addi %iota3A_989, %add3A_991 : vector<16xi32>
      %sub3A_993 = arith.constant 1 : i32
      %sub3A_994 = vector.broadcast %sub3A_993 : i32 to vector<16xi32>
      %sub3A_995 = arith.subi %add3A_992, %sub3A_994 : vector<16xi32>
      %jit3A_996 = arith.constant 0 : i32
      %jit3A_997 = arith.constant 255 : i32
      %max3A_998 = vector.broadcast %jit3A_996 : i32 to vector<16xi32>
      %max3A_999 = arith.maxsi %max3A_998, %sub3A_995 : vector<16xi32>
      %min3A_1000 = vector.broadcast %jit3A_997 : i32 to vector<16xi32>
      %min3A_1001 = arith.minsi %min3A_1000, %max3A_999 : vector<16xi32>
      %mul3A_1002 = arith.constant 2 : i32
      %mul3A_1003 = vector.broadcast %mul3A_1002 : i32 to vector<16xi32>
      %mul3A_1004 = arith.muli %mul3A_1003, %min3A_1001 : vector<16xi32>
      %add3A_1005 = arith.constant 1 : i32
      %add3A_1006 = vector.broadcast %add3A_1005 : i32 to vector<16xi32>
      %add3A_1007 = arith.addi %mul3A_1004, %add3A_1006 : vector<16xi32>
      %broadcast_in_dim3A_1008 = arith.constant 126 : i32
      %broadcast_in_dim3A_1009 = vector.broadcast %broadcast_in_dim3A_1008 : i32 to vector<16xi32>
      %gather3A_1010 = tpu.vector_load_idx %arg4[%add3A_1007, %broadcast_in_dim3A_1009] : memref<512x128xf32, #tpu.memory_space<vmem>>[vector<16xi32>, vector<16xi32>], vector<16xf32>,
      %broadcast_in_dim3A_1011 = arith.constant 0 : i32
      %broadcast_in_dim3A_1012 = vector.broadcast %broadcast_in_dim3A_1011 : i32 to vector<16xi32>
      tpu.vector_store_idx %arg5[%add3A_992, %broadcast_in_dim3A_1012], %gather3A_1010 : memref<272x2xf32, #tpu.memory_space<vmem>>[vector<16xi32>, vector<16xi32>], vector<16xf32>,
      %broadcast_in_dim3A_1013 = arith.constant 1 : i32
      %broadcast_in_dim3A_1014 = vector.broadcast %broadcast_in_dim3A_1013 : i32 to vector<16xi32>
      tpu.vector_store_idx %arg5[%add3A_992, %broadcast_in_dim3A_1014], %gather3A_1010 : memref<272x2xf32, #tpu.memory_space<vmem>>[vector<16xi32>, vector<16xi32>], vector<16xf32>,
      %iota3A_1015 = tpu.iota {dimensions = array<i32: 0>} : vector<16xi32>
      %add3A_1016 = arith.constant 48 : i32
      %add3A_1017 = vector.broadcast %add3A_1016 : i32 to vector<16xi32>
      %add3A_1018 = arith.addi %iota3A_1015, %add3A_1017 : vector<16xi32>
      %sub3A_1019 = arith.constant 1 : i32
      %sub3A_1020 = vector.broadcast %sub3A_1019 : i32 to vector<16xi32>
      %sub3A_1021 = arith.subi %add3A_1018, %sub3A_1020 : vector<16xi32>
      %jit3A_1022 = arith.constant 0 : i32
      %jit3A_1023 = arith.constant 255 : i32
      %max3A_1024 = vector.broadcast %jit3A_1022 : i32 to vector<16xi32>
      %max3A_1025 = arith.maxsi %max3A_1024, %sub3A_1021 : vector<16xi32>
      %min3A_1026 = vector.broadcast %jit3A_1023 : i32 to vector<16xi32>
      %min3A_1027 = arith.minsi %min3A_1026, %max3A_1025 : vector<16xi32>
      %mul3A_1028 = arith.constant 2 : i32
      %mul3A_1029 = vector.broadcast %mul3A_1028 : i32 to vector<16xi32>
      %mul3A_1030 = arith.muli %mul3A_1029, %min3A_1027 : vector<16xi32>
      %add3A_1031 = arith.constant 1 : i32
      %add3A_1032 = vector.broadcast %add3A_1031 : i32 to vector<16xi32>
      %add3A_1033 = arith.addi %mul3A_1030, %add3A_1032 : vector<16xi32>
      %broadcast_in_dim3A_1034 = arith.constant 126 : i32
      %broadcast_in_dim3A_1035 = vector.broadcast %broadcast_in_dim3A_1034 : i32 to vector<16xi32>
      %gather3A_1036 = tpu.vector_load_idx %arg4[%add3A_1033, %broadcast_in_dim3A_1035] : memref<512x128xf32, #tpu.memory_space<vmem>>[vector<16xi32>, vector<16xi32>], vector<16xf32>,
      %broadcast_in_dim3A_1037 = arith.constant 0 : i32
      %broadcast_in_dim3A_1038 = vector.broadcast %broadcast_in_dim3A_1037 : i32 to vector<16xi32>
      tpu.vector_store_idx %arg5[%add3A_1018, %broadcast_in_dim3A_1038], %gather3A_1036 : memref<272x2xf32, #tpu.memory_space<vmem>>[vector<16xi32>, vector<16xi32>], vector<16xf32>,
      %broadcast_in_dim3A_1039 = arith.constant 1 : i32
      %broadcast_in_dim3A_1040 = vector.broadcast %broadcast_in_dim3A_1039 : i32 to vector<16xi32>
      tpu.vector_store_idx %arg5[%add3A_1018, %broadcast_in_dim3A_1040], %gather3A_1036 : memref<272x2xf32, #tpu.memory_space<vmem>>[vector<16xi32>, vector<16xi32>], vector<16xf32>,
      %iota3A_1041 = tpu.iota {dimensions = array<i32: 0>} : vector<16xi32>
      %add3A_1042 = arith.constant 64 : i32
      %add3A_1043 = vector.broadcast %add3A_1042 : i32 to vector<16xi32>
      %add3A_1044 = arith.addi %iota3A_1041, %add3A_1043 : vector<16xi32>
      %sub3A_1045 = arith.constant 1 : i32
      %sub3A_1046 = vector.broadcast %sub3A_1045 : i32 to vector<16xi32>
      %sub3A_1047 = arith.subi %add3A_1044, %sub3A_1046 : vector<16xi32>
      %jit3A_1048 = arith.constant 0 : i32
      %jit3A_1049 = arith.constant 255 : i32
      %max3A_1050 = vector.broadcast %jit3A_1048 : i32 to vector<16xi32>
      %max3A_1051 = arith.maxsi %max3A_1050, %sub3A_1047 : vector<16xi32>
      %min3A_1052 = vector.broadcast %jit3A_1049 : i32 to vector<16xi32>
      %min3A_1053 = arith.minsi %min3A_1052, %max3A_1051 : vector<16xi32>
      %mul3A_1054 = arith.constant 2 : i32
      %mul3A_1055 = vector.broadcast %mul3A_1054 : i32 to vector<16xi32>
      %mul3A_1056 = arith.muli %mul3A_1055, %min3A_1053 : vector<16xi32>
      %add3A_1057 = arith.constant 1 : i32
      %add3A_1058 = vector.broadcast %add3A_1057 : i32 to vector<16xi32>
      %add3A_1059 = arith.addi %mul3A_1056, %add3A_1058 : vector<16xi32>
      %broadcast_in_dim3A_1060 = arith.constant 126 : i32
      %broadcast_in_dim3A_1061 = vector.broadcast %broadcast_in_dim3A_1060 : i32 to vector<16xi32>
      %gather3A_1062 = tpu.vector_load_idx %arg4[%add3A_1059, %broadcast_in_dim3A_1061] : memref<512x128xf32, #tpu.memory_space<vmem>>[vector<16xi32>, vector<16xi32>], vector<16xf32>,
      %broadcast_in_dim3A_1063 = arith.constant 0 : i32
      %broadcast_in_dim3A_1064 = vector.broadcast %broadcast_in_dim3A_1063 : i32 to vector<16xi32>
      tpu.vector_store_idx %arg5[%add3A_1044, %broadcast_in_dim3A_1064], %gather3A_1062 : memref<272x2xf32, #tpu.memory_space<vmem>>[vector<16xi32>, vector<16xi32>], vector<16xf32>,
      %broadcast_in_dim3A_1065 = arith.constant 1 : i32
      %broadcast_in_dim3A_1066 = vector.broadcast %broadcast_in_dim3A_1065 : i32 to vector<16xi32>
      tpu.vector_store_idx %arg5[%add3A_1044, %broadcast_in_dim3A_1066], %gather3A_1062 : memref<272x2xf32, #tpu.memory_space<vmem>>[vector<16xi32>, vector<16xi32>], vector<16xf32>,
      %iota3A_1067 = tpu.iota {dimensions = array<i32: 0>} : vector<16xi32>
      %add3A_1068 = arith.constant 80 : i32
      %add3A_1069 = vector.broadcast %add3A_1068 : i32 to vector<16xi32>
      %add3A_1070 = arith.addi %iota3A_1067, %add3A_1069 : vector<16xi32>
      %sub3A_1071 = arith.constant 1 : i32
      %sub3A_1072 = vector.broadcast %sub3A_1071 : i32 to vector<16xi32>
      %sub3A_1073 = arith.subi %add3A_1070, %sub3A_1072 : vector<16xi32>
      %jit3A_1074 = arith.constant 0 : i32
      %jit3A_1075 = arith.constant 255 : i32
      %max3A_1076 = vector.broadcast %jit3A_1074 : i32 to vector<16xi32>
      %max3A_1077 = arith.maxsi %max3A_1076, %sub3A_1073 : vector<16xi32>
      %min3A_1078 = vector.broadcast %jit3A_1075 : i32 to vector<16xi32>
      %min3A_1079 = arith.minsi %min3A_1078, %max3A_1077 : vector<16xi32>
      %mul3A_1080 = arith.constant 2 : i32
      %mul3A_1081 = vector.broadcast %mul3A_1080 : i32 to vector<16xi32>
      %mul3A_1082 = arith.muli %mul3A_1081, %min3A_1079 : vector<16xi32>
      %add3A_1083 = arith.constant 1 : i32
      %add3A_1084 = vector.broadcast %add3A_1083 : i32 to vector<16xi32>
      %add3A_1085 = arith.addi %mul3A_1082, %add3A_1084 : vector<16xi32>
      %broadcast_in_dim3A_1086 = arith.constant 126 : i32
      %broadcast_in_dim3A_1087 = vector.broadcast %broadcast_in_dim3A_1086 : i32 to vector<16xi32>
      %gather3A_1088 = tpu.vector_load_idx %arg4[%add3A_1085, %broadcast_in_dim3A_1087] : memref<512x128xf32, #tpu.memory_space<vmem>>[vector<16xi32>, vector<16xi32>], vector<16xf32>,
      %broadcast_in_dim3A_1089 = arith.constant 0 : i32
      %broadcast_in_dim3A_1090 = vector.broadcast %broadcast_in_dim3A_1089 : i32 to vector<16xi32>
      tpu.vector_store_idx %arg5[%add3A_1070, %broadcast_in_dim3A_1090], %gather3A_1088 : memref<272x2xf32, #tpu.memory_space<vmem>>[vector<16xi32>, vector<16xi32>], vector<16xf32>,
      %broadcast_in_dim3A_1091 = arith.constant 1 : i32
      %broadcast_in_dim3A_1092 = vector.broadcast %broadcast_in_dim3A_1091 : i32 to vector<16xi32>
      tpu.vector_store_idx %arg5[%add3A_1070, %broadcast_in_dim3A_1092], %gather3A_1088 : memref<272x2xf32, #tpu.memory_space<vmem>>[vector<16xi32>, vector<16xi32>], vector<16xf32>,
      %iota3A_1093 = tpu.iota {dimensions = array<i32: 0>} : vector<16xi32>
      %add3A_1094 = arith.constant 96 : i32
      %add3A_1095 = vector.broadcast %add3A_1094 : i32 to vector<16xi32>
      %add3A_1096 = arith.addi %iota3A_1093, %add3A_1095 : vector<16xi32>
      %sub3A_1097 = arith.constant 1 : i32
      %sub3A_1098 = vector.broadcast %sub3A_1097 : i32 to vector<16xi32>
      %sub3A_1099 = arith.subi %add3A_1096, %sub3A_1098 : vector<16xi32>
      %jit3A_1100 = arith.constant 0 : i32
      %jit3A_1101 = arith.constant 255 : i32
      %max3A_1102 = vector.broadcast %jit3A_1100 : i32 to vector<16xi32>
      %max3A_1103 = arith.maxsi %max3A_1102, %sub3A_1099 : vector<16xi32>
      %min3A_1104 = vector.broadcast %jit3A_1101 : i32 to vector<16xi32>
      %min3A_1105 = arith.minsi %min3A_1104, %max3A_1103 : vector<16xi32>
      %mul3A_1106 = arith.constant 2 : i32
      %mul3A_1107 = vector.broadcast %mul3A_1106 : i32 to vector<16xi32>
      %mul3A_1108 = arith.muli %mul3A_1107, %min3A_1105 : vector<16xi32>
      %add3A_1109 = arith.constant 1 : i32
      %add3A_1110 = vector.broadcast %add3A_1109 : i32 to vector<16xi32>
      %add3A_1111 = arith.addi %mul3A_1108, %add3A_1110 : vector<16xi32>
      %broadcast_in_dim3A_1112 = arith.constant 126 : i32
      %broadcast_in_dim3A_1113 = vector.broadcast %broadcast_in_dim3A_1112 : i32 to vector<16xi32>
      %gather3A_1114 = tpu.vector_load_idx %arg4[%add3A_1111, %broadcast_in_dim3A_1113] : memref<512x128xf32, #tpu.memory_space<vmem>>[vector<16xi32>, vector<16xi32>], vector<16xf32>,
      %broadcast_in_dim3A_1115 = arith.constant 0 : i32
      %broadcast_in_dim3A_1116 = vector.broadcast %broadcast_in_dim3A_1115 : i32 to vector<16xi32>
      tpu.vector_store_idx %arg5[%add3A_1096, %broadcast_in_dim3A_1116], %gather3A_1114 : memref<272x2xf32, #tpu.memory_space<vmem>>[vector<16xi32>, vector<16xi32>], vector<16xf32>,
      %broadcast_in_dim3A_1117 = arith.constant 1 : i32
      %broadcast_in_dim3A_1118 = vector.broadcast %broadcast_in_dim3A_1117 : i32 to vector<16xi32>
      tpu.vector_store_idx %arg5[%add3A_1096, %broadcast_in_dim3A_1118], %gather3A_1114 : memref<272x2xf32, #tpu.memory_space<vmem>>[vector<16xi32>, vector<16xi32>], vector<16xf32>,
      %iota3A_1119 = tpu.iota {dimensions = array<i32: 0>} : vector<16xi32>
      %add3A_1120 = arith.constant 112 : i32
      %add3A_1121 = vector.broadcast %add3A_1120 : i32 to vector<16xi32>
      %add3A_1122 = arith.addi %iota3A_1119, %add3A_1121 : vector<16xi32>
      %sub3A_1123 = arith.constant 1 : i32
      %sub3A_1124 = vector.broadcast %sub3A_1123 : i32 to vector<16xi32>
      %sub3A_1125 = arith.subi %add3A_1122, %sub3A_1124 : vector<16xi32>
      %jit3A_1126 = arith.constant 0 : i32
      %jit3A_1127 = arith.constant 255 : i32
      %max3A_1128 = vector.broadcast %jit3A_1126 : i32 to vector<16xi32>
      %max3A_1129 = arith.maxsi %max3A_1128, %sub3A_1125 : vector<16xi32>
      %min3A_1130 = vector.broadcast %jit3A_1127 : i32 to vector<16xi32>
      %min3A_1131 = arith.minsi %min3A_1130, %max3A_1129 : vector<16xi32>
      %mul3A_1132 = arith.constant 2 : i32
      %mul3A_1133 = vector.broadcast %mul3A_1132 : i32 to vector<16xi32>
      %mul3A_1134 = arith.muli %mul3A_1133, %min3A_1131 : vector<16xi32>
      %add3A_1135 = arith.constant 1 : i32
      %add3A_1136 = vector.broadcast %add3A_1135 : i32 to vector<16xi32>
      %add3A_1137 = arith.addi %mul3A_1134, %add3A_1136 : vector<16xi32>
      %broadcast_in_dim3A_1138 = arith.constant 126 : i32
      %broadcast_in_dim3A_1139 = vector.broadcast %broadcast_in_dim3A_1138 : i32 to vector<16xi32>
      %gather3A_1140 = tpu.vector_load_idx %arg4[%add3A_1137, %broadcast_in_dim3A_1139] : memref<512x128xf32, #tpu.memory_space<vmem>>[vector<16xi32>, vector<16xi32>], vector<16xf32>,
      %broadcast_in_dim3A_1141 = arith.constant 0 : i32
      %broadcast_in_dim3A_1142 = vector.broadcast %broadcast_in_dim3A_1141 : i32 to vector<16xi32>
      tpu.vector_store_idx %arg5[%add3A_1122, %broadcast_in_dim3A_1142], %gather3A_1140 : memref<272x2xf32, #tpu.memory_space<vmem>>[vector<16xi32>, vector<16xi32>], vector<16xf32>,
      %broadcast_in_dim3A_1143 = arith.constant 1 : i32
      %broadcast_in_dim3A_1144 = vector.broadcast %broadcast_in_dim3A_1143 : i32 to vector<16xi32>
      tpu.vector_store_idx %arg5[%add3A_1122, %broadcast_in_dim3A_1144], %gather3A_1140 : memref<272x2xf32, #tpu.memory_space<vmem>>[vector<16xi32>, vector<16xi32>], vector<16xf32>,
      %iota3A_1145 = tpu.iota {dimensions = array<i32: 0>} : vector<16xi32>
      %add3A_1146 = arith.constant 128 : i32
      %add3A_1147 = vector.broadcast %add3A_1146 : i32 to vector<16xi32>
      %add3A_1148 = arith.addi %iota3A_1145, %add3A_1147 : vector<16xi32>
      %sub3A_1149 = arith.constant 1 : i32
      %sub3A_1150 = vector.broadcast %sub3A_1149 : i32 to vector<16xi32>
      %sub3A_1151 = arith.subi %add3A_1148, %sub3A_1150 : vector<16xi32>
      %jit3A_1152 = arith.constant 0 : i32
      %jit3A_1153 = arith.constant 255 : i32
      %max3A_1154 = vector.broadcast %jit3A_1152 : i32 to vector<16xi32>
      %max3A_1155 = arith.maxsi %max3A_1154, %sub3A_1151 : vector<16xi32>
      %min3A_1156 = vector.broadcast %jit3A_1153 : i32 to vector<16xi32>
      %min3A_1157 = arith.minsi %min3A_1156, %max3A_1155 : vector<16xi32>
      %mul3A_1158 = arith.constant 2 : i32
      %mul3A_1159 = vector.broadcast %mul3A_1158 : i32 to vector<16xi32>
      %mul3A_1160 = arith.muli %mul3A_1159, %min3A_1157 : vector<16xi32>
      %add3A_1161 = arith.constant 1 : i32
      %add3A_1162 = vector.broadcast %add3A_1161 : i32 to vector<16xi32>
      %add3A_1163 = arith.addi %mul3A_1160, %add3A_1162 : vector<16xi32>
      %broadcast_in_dim3A_1164 = arith.constant 126 : i32
      %broadcast_in_dim3A_1165 = vector.broadcast %broadcast_in_dim3A_1164 : i32 to vector<16xi32>
      %gather3A_1166 = tpu.vector_load_idx %arg4[%add3A_1163, %broadcast_in_dim3A_1165] : memref<512x128xf32, #tpu.memory_space<vmem>>[vector<16xi32>, vector<16xi32>], vector<16xf32>,
      %broadcast_in_dim3A_1167 = arith.constant 0 : i32
      %broadcast_in_dim3A_1168 = vector.broadcast %broadcast_in_dim3A_1167 : i32 to vector<16xi32>
      tpu.vector_store_idx %arg5[%add3A_1148, %broadcast_in_dim3A_1168], %gather3A_1166 : memref<272x2xf32, #tpu.memory_space<vmem>>[vector<16xi32>, vector<16xi32>], vector<16xf32>,
      %broadcast_in_dim3A_1169 = arith.constant 1 : i32
      %broadcast_in_dim3A_1170 = vector.broadcast %broadcast_in_dim3A_1169 : i32 to vector<16xi32>
      tpu.vector_store_idx %arg5[%add3A_1148, %broadcast_in_dim3A_1170], %gather3A_1166 : memref<272x2xf32, #tpu.memory_space<vmem>>[vector<16xi32>, vector<16xi32>], vector<16xf32>,
      %iota3A_1171 = tpu.iota {dimensions = array<i32: 0>} : vector<16xi32>
      %add3A_1172 = arith.constant 144 : i32
      %add3A_1173 = vector.broadcast %add3A_1172 : i32 to vector<16xi32>
      %add3A_1174 = arith.addi %iota3A_1171, %add3A_1173 : vector<16xi32>
      %sub3A_1175 = arith.constant 1 : i32
      %sub3A_1176 = vector.broadcast %sub3A_1175 : i32 to vector<16xi32>
      %sub3A_1177 = arith.subi %add3A_1174, %sub3A_1176 : vector<16xi32>
      %jit3A_1178 = arith.constant 0 : i32
      %jit3A_1179 = arith.constant 255 : i32
      %max3A_1180 = vector.broadcast %jit3A_1178 : i32 to vector<16xi32>
      %max3A_1181 = arith.maxsi %max3A_1180, %sub3A_1177 : vector<16xi32>
      %min3A_1182 = vector.broadcast %jit3A_1179 : i32 to vector<16xi32>
      %min3A_1183 = arith.minsi %min3A_1182, %max3A_1181 : vector<16xi32>
      %mul3A_1184 = arith.constant 2 : i32
      %mul3A_1185 = vector.broadcast %mul3A_1184 : i32 to vector<16xi32>
      %mul3A_1186 = arith.muli %mul3A_1185, %min3A_1183 : vector<16xi32>
      %add3A_1187 = arith.constant 1 : i32
      %add3A_1188 = vector.broadcast %add3A_1187 : i32 to vector<16xi32>
      %add3A_1189 = arith.addi %mul3A_1186, %add3A_1188 : vector<16xi32>
      %broadcast_in_dim3A_1190 = arith.constant 126 : i32
      %broadcast_in_dim3A_1191 = vector.broadcast %broadcast_in_dim3A_1190 : i32 to vector<16xi32>
      %gather3A_1192 = tpu.vector_load_idx %arg4[%add3A_1189, %broadcast_in_dim3A_1191] : memref<512x128xf32, #tpu.memory_space<vmem>>[vector<16xi32>, vector<16xi32>], vector<16xf32>,
      %broadcast_in_dim3A_1193 = arith.constant 0 : i32
      %broadcast_in_dim3A_1194 = vector.broadcast %broadcast_in_dim3A_1193 : i32 to vector<16xi32>
      tpu.vector_store_idx %arg5[%add3A_1174, %broadcast_in_dim3A_1194], %gather3A_1192 : memref<272x2xf32, #tpu.memory_space<vmem>>[vector<16xi32>, vector<16xi32>], vector<16xf32>,
      %broadcast_in_dim3A_1195 = arith.constant 1 : i32
      %broadcast_in_dim3A_1196 = vector.broadcast %broadcast_in_dim3A_1195 : i32 to vector<16xi32>
      tpu.vector_store_idx %arg5[%add3A_1174, %broadcast_in_dim3A_1196], %gather3A_1192 : memref<272x2xf32, #tpu.memory_space<vmem>>[vector<16xi32>, vector<16xi32>], vector<16xf32>,
      %iota3A_1197 = tpu.iota {dimensions = array<i32: 0>} : vector<16xi32>
      %add3A_1198 = arith.constant 160 : i32
      %add3A_1199 = vector.broadcast %add3A_1198 : i32 to vector<16xi32>
      %add3A_1200 = arith.addi %iota3A_1197, %add3A_1199 : vector<16xi32>
      %sub3A_1201 = arith.constant 1 : i32
      %sub3A_1202 = vector.broadcast %sub3A_1201 : i32 to vector<16xi32>
      %sub3A_1203 = arith.subi %add3A_1200, %sub3A_1202 : vector<16xi32>
      %jit3A_1204 = arith.constant 0 : i32
      %jit3A_1205 = arith.constant 255 : i32
      %max3A_1206 = vector.broadcast %jit3A_1204 : i32 to vector<16xi32>
      %max3A_1207 = arith.maxsi %max3A_1206, %sub3A_1203 : vector<16xi32>
      %min3A_1208 = vector.broadcast %jit3A_1205 : i32 to vector<16xi32>
      %min3A_1209 = arith.minsi %min3A_1208, %max3A_1207 : vector<16xi32>
      %mul3A_1210 = arith.constant 2 : i32
      %mul3A_1211 = vector.broadcast %mul3A_1210 : i32 to vector<16xi32>
      %mul3A_1212 = arith.muli %mul3A_1211, %min3A_1209 : vector<16xi32>
      %add3A_1213 = arith.constant 1 : i32
      %add3A_1214 = vector.broadcast %add3A_1213 : i32 to vector<16xi32>
      %add3A_1215 = arith.addi %mul3A_1212, %add3A_1214 : vector<16xi32>
      %broadcast_in_dim3A_1216 = arith.constant 126 : i32
      %broadcast_in_dim3A_1217 = vector.broadcast %broadcast_in_dim3A_1216 : i32 to vector<16xi32>
      %gather3A_1218 = tpu.vector_load_idx %arg4[%add3A_1215, %broadcast_in_dim3A_1217] : memref<512x128xf32, #tpu.memory_space<vmem>>[vector<16xi32>, vector<16xi32>], vector<16xf32>,
      %broadcast_in_dim3A_1219 = arith.constant 0 : i32
      %broadcast_in_dim3A_1220 = vector.broadcast %broadcast_in_dim3A_1219 : i32 to vector<16xi32>
      tpu.vector_store_idx %arg5[%add3A_1200, %broadcast_in_dim3A_1220], %gather3A_1218 : memref<272x2xf32, #tpu.memory_space<vmem>>[vector<16xi32>, vector<16xi32>], vector<16xf32>,
      %broadcast_in_dim3A_1221 = arith.constant 1 : i32
      %broadcast_in_dim3A_1222 = vector.broadcast %broadcast_in_dim3A_1221 : i32 to vector<16xi32>
      tpu.vector_store_idx %arg5[%add3A_1200, %broadcast_in_dim3A_1222], %gather3A_1218 : memref<272x2xf32, #tpu.memory_space<vmem>>[vector<16xi32>, vector<16xi32>], vector<16xf32>,
      %iota3A_1223 = tpu.iota {dimensions = array<i32: 0>} : vector<16xi32>
      %add3A_1224 = arith.constant 176 : i32
      %add3A_1225 = vector.broadcast %add3A_1224 : i32 to vector<16xi32>
      %add3A_1226 = arith.addi %iota3A_1223, %add3A_1225 : vector<16xi32>
      %sub3A_1227 = arith.constant 1 : i32
      %sub3A_1228 = vector.broadcast %sub3A_1227 : i32 to vector<16xi32>
      %sub3A_1229 = arith.subi %add3A_1226, %sub3A_1228 : vector<16xi32>
      %jit3A_1230 = arith.constant 0 : i32
      %jit3A_1231 = arith.constant 255 : i32
      %max3A_1232 = vector.broadcast %jit3A_1230 : i32 to vector<16xi32>
      %max3A_1233 = arith.maxsi %max3A_1232, %sub3A_1229 : vector<16xi32>
      %min3A_1234 = vector.broadcast %jit3A_1231 : i32 to vector<16xi32>
      %min3A_1235 = arith.minsi %min3A_1234, %max3A_1233 : vector<16xi32>
      %mul3A_1236 = arith.constant 2 : i32
      %mul3A_1237 = vector.broadcast %mul3A_1236 : i32 to vector<16xi32>
      %mul3A_1238 = arith.muli %mul3A_1237, %min3A_1235 : vector<16xi32>
      %add3A_1239 = arith.constant 1 : i32
      %add3A_1240 = vector.broadcast %add3A_1239 : i32 to vector<16xi32>
      %add3A_1241 = arith.addi %mul3A_1238, %add3A_1240 : vector<16xi32>
      %broadcast_in_dim3A_1242 = arith.constant 126 : i32
      %broadcast_in_dim3A_1243 = vector.broadcast %broadcast_in_dim3A_1242 : i32 to vector<16xi32>
      %gather3A_1244 = tpu.vector_load_idx %arg4[%add3A_1241, %broadcast_in_dim3A_1243] : memref<512x128xf32, #tpu.memory_space<vmem>>[vector<16xi32>, vector<16xi32>], vector<16xf32>,
      %broadcast_in_dim3A_1245 = arith.constant 0 : i32
      %broadcast_in_dim3A_1246 = vector.broadcast %broadcast_in_dim3A_1245 : i32 to vector<16xi32>
      tpu.vector_store_idx %arg5[%add3A_1226, %broadcast_in_dim3A_1246], %gather3A_1244 : memref<272x2xf32, #tpu.memory_space<vmem>>[vector<16xi32>, vector<16xi32>], vector<16xf32>,
      %broadcast_in_dim3A_1247 = arith.constant 1 : i32
      %broadcast_in_dim3A_1248 = vector.broadcast %broadcast_in_dim3A_1247 : i32 to vector<16xi32>
      tpu.vector_store_idx %arg5[%add3A_1226, %broadcast_in_dim3A_1248], %gather3A_1244 : memref<272x2xf32, #tpu.memory_space<vmem>>[vector<16xi32>, vector<16xi32>], vector<16xf32>,
      %iota3A_1249 = tpu.iota {dimensions = array<i32: 0>} : vector<16xi32>
      %add3A_1250 = arith.constant 192 : i32
      %add3A_1251 = vector.broadcast %add3A_1250 : i32 to vector<16xi32>
      %add3A_1252 = arith.addi %iota3A_1249, %add3A_1251 : vector<16xi32>
      %sub3A_1253 = arith.constant 1 : i32
      %sub3A_1254 = vector.broadcast %sub3A_1253 : i32 to vector<16xi32>
      %sub3A_1255 = arith.subi %add3A_1252, %sub3A_1254 : vector<16xi32>
      %jit3A_1256 = arith.constant 0 : i32
      %jit3A_1257 = arith.constant 255 : i32
      %max3A_1258 = vector.broadcast %jit3A_1256 : i32 to vector<16xi32>
      %max3A_1259 = arith.maxsi %max3A_1258, %sub3A_1255 : vector<16xi32>
      %min3A_1260 = vector.broadcast %jit3A_1257 : i32 to vector<16xi32>
      %min3A_1261 = arith.minsi %min3A_1260, %max3A_1259 : vector<16xi32>
      %mul3A_1262 = arith.constant 2 : i32
      %mul3A_1263 = vector.broadcast %mul3A_1262 : i32 to vector<16xi32>
      %mul3A_1264 = arith.muli %mul3A_1263, %min3A_1261 : vector<16xi32>
      %add3A_1265 = arith.constant 1 : i32
      %add3A_1266 = vector.broadcast %add3A_1265 : i32 to vector<16xi32>
      %add3A_1267 = arith.addi %mul3A_1264, %add3A_1266 : vector<16xi32>
      %broadcast_in_dim3A_1268 = arith.constant 126 : i32
      %broadcast_in_dim3A_1269 = vector.broadcast %broadcast_in_dim3A_1268 : i32 to vector<16xi32>
      %gather3A_1270 = tpu.vector_load_idx %arg4[%add3A_1267, %broadcast_in_dim3A_1269] : memref<512x128xf32, #tpu.memory_space<vmem>>[vector<16xi32>, vector<16xi32>], vector<16xf32>,
      %broadcast_in_dim3A_1271 = arith.constant 0 : i32
      %broadcast_in_dim3A_1272 = vector.broadcast %broadcast_in_dim3A_1271 : i32 to vector<16xi32>
      tpu.vector_store_idx %arg5[%add3A_1252, %broadcast_in_dim3A_1272], %gather3A_1270 : memref<272x2xf32, #tpu.memory_space<vmem>>[vector<16xi32>, vector<16xi32>], vector<16xf32>,
      %broadcast_in_dim3A_1273 = arith.constant 1 : i32
      %broadcast_in_dim3A_1274 = vector.broadcast %broadcast_in_dim3A_1273 : i32 to vector<16xi32>
      tpu.vector_store_idx %arg5[%add3A_1252, %broadcast_in_dim3A_1274], %gather3A_1270 : memref<272x2xf32, #tpu.memory_space<vmem>>[vector<16xi32>, vector<16xi32>], vector<16xf32>,
      %iota3A_1275 = tpu.iota {dimensions = array<i32: 0>} : vector<16xi32>
      %add3A_1276 = arith.constant 208 : i32
      %add3A_1277 = vector.broadcast %add3A_1276 : i32 to vector<16xi32>
      %add3A_1278 = arith.addi %iota3A_1275, %add3A_1277 : vector<16xi32>
      %sub3A_1279 = arith.constant 1 : i32
      %sub3A_1280 = vector.broadcast %sub3A_1279 : i32 to vector<16xi32>
      %sub3A_1281 = arith.subi %add3A_1278, %sub3A_1280 : vector<16xi32>
      %jit3A_1282 = arith.constant 0 : i32
      %jit3A_1283 = arith.constant 255 : i32
      %max3A_1284 = vector.broadcast %jit3A_1282 : i32 to vector<16xi32>
      %max3A_1285 = arith.maxsi %max3A_1284, %sub3A_1281 : vector<16xi32>
      %min3A_1286 = vector.broadcast %jit3A_1283 : i32 to vector<16xi32>
      %min3A_1287 = arith.minsi %min3A_1286, %max3A_1285 : vector<16xi32>
      %mul3A_1288 = arith.constant 2 : i32
      %mul3A_1289 = vector.broadcast %mul3A_1288 : i32 to vector<16xi32>
      %mul3A_1290 = arith.muli %mul3A_1289, %min3A_1287 : vector<16xi32>
      %add3A_1291 = arith.constant 1 : i32
      %add3A_1292 = vector.broadcast %add3A_1291 : i32 to vector<16xi32>
      %add3A_1293 = arith.addi %mul3A_1290, %add3A_1292 : vector<16xi32>
      %broadcast_in_dim3A_1294 = arith.constant 126 : i32
      %broadcast_in_dim3A_1295 = vector.broadcast %broadcast_in_dim3A_1294 : i32 to vector<16xi32>
      %gather3A_1296 = tpu.vector_load_idx %arg4[%add3A_1293, %broadcast_in_dim3A_1295] : memref<512x128xf32, #tpu.memory_space<vmem>>[vector<16xi32>, vector<16xi32>], vector<16xf32>,
      %broadcast_in_dim3A_1297 = arith.constant 0 : i32
      %broadcast_in_dim3A_1298 = vector.broadcast %broadcast_in_dim3A_1297 : i32 to vector<16xi32>
      tpu.vector_store_idx %arg5[%add3A_1278, %broadcast_in_dim3A_1298], %gather3A_1296 : memref<272x2xf32, #tpu.memory_space<vmem>>[vector<16xi32>, vector<16xi32>], vector<16xf32>,
      %broadcast_in_dim3A_1299 = arith.constant 1 : i32
      %broadcast_in_dim3A_1300 = vector.broadcast %broadcast_in_dim3A_1299 : i32 to vector<16xi32>
      tpu.vector_store_idx %arg5[%add3A_1278, %broadcast_in_dim3A_1300], %gather3A_1296 : memref<272x2xf32, #tpu.memory_space<vmem>>[vector<16xi32>, vector<16xi32>], vector<16xf32>,
      %iota3A_1301 = tpu.iota {dimensions = array<i32: 0>} : vector<16xi32>
      %add3A_1302 = arith.constant 224 : i32
      %add3A_1303 = vector.broadcast %add3A_1302 : i32 to vector<16xi32>
      %add3A_1304 = arith.addi %iota3A_1301, %add3A_1303 : vector<16xi32>
      %sub3A_1305 = arith.constant 1 : i32
      %sub3A_1306 = vector.broadcast %sub3A_1305 : i32 to vector<16xi32>
      %sub3A_1307 = arith.subi %add3A_1304, %sub3A_1306 : vector<16xi32>
      %jit3A_1308 = arith.constant 0 : i32
      %jit3A_1309 = arith.constant 255 : i32
      %max3A_1310 = vector.broadcast %jit3A_1308 : i32 to vector<16xi32>
      %max3A_1311 = arith.maxsi %max3A_1310, %sub3A_1307 : vector<16xi32>
      %min3A_1312 = vector.broadcast %jit3A_1309 : i32 to vector<16xi32>
      %min3A_1313 = arith.minsi %min3A_1312, %max3A_1311 : vector<16xi32>
      %mul3A_1314 = arith.constant 2 : i32
      %mul3A_1315 = vector.broadcast %mul3A_1314 : i32 to vector<16xi32>
      %mul3A_1316 = arith.muli %mul3A_1315, %min3A_1313 : vector<16xi32>
      %add3A_1317 = arith.constant 1 : i32
      %add3A_1318 = vector.broadcast %add3A_1317 : i32 to vector<16xi32>
      %add3A_1319 = arith.addi %mul3A_1316, %add3A_1318 : vector<16xi32>
      %broadcast_in_dim3A_1320 = arith.constant 126 : i32
      %broadcast_in_dim3A_1321 = vector.broadcast %broadcast_in_dim3A_1320 : i32 to vector<16xi32>
      %gather3A_1322 = tpu.vector_load_idx %arg4[%add3A_1319, %broadcast_in_dim3A_1321] : memref<512x128xf32, #tpu.memory_space<vmem>>[vector<16xi32>, vector<16xi32>], vector<16xf32>,
      %broadcast_in_dim3A_1323 = arith.constant 0 : i32
      %broadcast_in_dim3A_1324 = vector.broadcast %broadcast_in_dim3A_1323 : i32 to vector<16xi32>
      tpu.vector_store_idx %arg5[%add3A_1304, %broadcast_in_dim3A_1324], %gather3A_1322 : memref<272x2xf32, #tpu.memory_space<vmem>>[vector<16xi32>, vector<16xi32>], vector<16xf32>,
      %broadcast_in_dim3A_1325 = arith.constant 1 : i32
      %broadcast_in_dim3A_1326 = vector.broadcast %broadcast_in_dim3A_1325 : i32 to vector<16xi32>
      tpu.vector_store_idx %arg5[%add3A_1304, %broadcast_in_dim3A_1326], %gather3A_1322 : memref<272x2xf32, #tpu.memory_space<vmem>>[vector<16xi32>, vector<16xi32>], vector<16xf32>,
      %iota3A_1327 = tpu.iota {dimensions = array<i32: 0>} : vector<16xi32>
      %add3A_1328 = arith.constant 240 : i32
      %add3A_1329 = vector.broadcast %add3A_1328 : i32 to vector<16xi32>
      %add3A_1330 = arith.addi %iota3A_1327, %add3A_1329 : vector<16xi32>
      %sub3A_1331 = arith.constant 1 : i32
      %sub3A_1332 = vector.broadcast %sub3A_1331 : i32 to vector<16xi32>
      %sub3A_1333 = arith.subi %add3A_1330, %sub3A_1332 : vector<16xi32>
      %jit3A_1334 = arith.constant 0 : i32
      %jit3A_1335 = arith.constant 255 : i32
      %max3A_1336 = vector.broadcast %jit3A_1334 : i32 to vector<16xi32>
      %max3A_1337 = arith.maxsi %max3A_1336, %sub3A_1333 : vector<16xi32>
      %min3A_1338 = vector.broadcast %jit3A_1335 : i32 to vector<16xi32>
      %min3A_1339 = arith.minsi %min3A_1338, %max3A_1337 : vector<16xi32>
      %mul3A_1340 = arith.constant 2 : i32
      %mul3A_1341 = vector.broadcast %mul3A_1340 : i32 to vector<16xi32>
      %mul3A_1342 = arith.muli %mul3A_1341, %min3A_1339 : vector<16xi32>
      %add3A_1343 = arith.constant 1 : i32
      %add3A_1344 = vector.broadcast %add3A_1343 : i32 to vector<16xi32>
      %add3A_1345 = arith.addi %mul3A_1342, %add3A_1344 : vector<16xi32>
      %broadcast_in_dim3A_1346 = arith.constant 126 : i32
      %broadcast_in_dim3A_1347 = vector.broadcast %broadcast_in_dim3A_1346 : i32 to vector<16xi32>
      %gather3A_1348 = tpu.vector_load_idx %arg4[%add3A_1345, %broadcast_in_dim3A_1347] : memref<512x128xf32, #tpu.memory_space<vmem>>[vector<16xi32>, vector<16xi32>], vector<16xf32>,
      %broadcast_in_dim3A_1349 = arith.constant 0 : i32
      %broadcast_in_dim3A_1350 = vector.broadcast %broadcast_in_dim3A_1349 : i32 to vector<16xi32>
      tpu.vector_store_idx %arg5[%add3A_1330, %broadcast_in_dim3A_1350], %gather3A_1348 : memref<272x2xf32, #tpu.memory_space<vmem>>[vector<16xi32>, vector<16xi32>], vector<16xf32>,
      %broadcast_in_dim3A_1351 = arith.constant 1 : i32
      %broadcast_in_dim3A_1352 = vector.broadcast %broadcast_in_dim3A_1351 : i32 to vector<16xi32>
      tpu.vector_store_idx %arg5[%add3A_1330, %broadcast_in_dim3A_1352], %gather3A_1348 : memref<272x2xf32, #tpu.memory_space<vmem>>[vector<16xi32>, vector<16xi32>], vector<16xf32>,
      %iota3A_1353 = tpu.iota {dimensions = array<i32: 0>} : vector<16xi32>
      %add3A_1354 = arith.constant 256 : i32
      %add3A_1355 = vector.broadcast %add3A_1354 : i32 to vector<16xi32>
      %add3A_1356 = arith.addi %iota3A_1353, %add3A_1355 : vector<16xi32>
      %sub3A_1357 = arith.constant 1 : i32
      %sub3A_1358 = vector.broadcast %sub3A_1357 : i32 to vector<16xi32>
      %sub3A_1359 = arith.subi %add3A_1356, %sub3A_1358 : vector<16xi32>
      %jit3A_1360 = arith.constant 0 : i32
      %jit3A_1361 = arith.constant 255 : i32
      %max3A_1362 = vector.broadcast %jit3A_1360 : i32 to vector<16xi32>
      %max3A_1363 = arith.maxsi %max3A_1362, %sub3A_1359 : vector<16xi32>
      %min3A_1364 = vector.broadcast %jit3A_1361 : i32 to vector<16xi32>
      %min3A_1365 = arith.minsi %min3A_1364, %max3A_1363 : vector<16xi32>
      %mul3A_1366 = arith.constant 2 : i32
      %mul3A_1367 = vector.broadcast %mul3A_1366 : i32 to vector<16xi32>
      %mul3A_1368 = arith.muli %mul3A_1367, %min3A_1365 : vector<16xi32>
      %add3A_1369 = arith.constant 1 : i32
      %add3A_1370 = vector.broadcast %add3A_1369 : i32 to vector<16xi32>
      %add3A_1371 = arith.addi %mul3A_1368, %add3A_1370 : vector<16xi32>
      %broadcast_in_dim3A_1372 = arith.constant 126 : i32
      %broadcast_in_dim3A_1373 = vector.broadcast %broadcast_in_dim3A_1372 : i32 to vector<16xi32>
      %gather3A_1374 = tpu.vector_load_idx %arg4[%add3A_1371, %broadcast_in_dim3A_1373] : memref<512x128xf32, #tpu.memory_space<vmem>>[vector<16xi32>, vector<16xi32>], vector<16xf32>,
      %broadcast_in_dim3A_1375 = arith.constant 0 : i32
      %broadcast_in_dim3A_1376 = vector.broadcast %broadcast_in_dim3A_1375 : i32 to vector<16xi32>
      tpu.vector_store_idx %arg5[%add3A_1356, %broadcast_in_dim3A_1376], %gather3A_1374 : memref<272x2xf32, #tpu.memory_space<vmem>>[vector<16xi32>, vector<16xi32>], vector<16xf32>,
      %broadcast_in_dim3A_1377 = arith.constant 1 : i32
      %broadcast_in_dim3A_1378 = vector.broadcast %broadcast_in_dim3A_1377 : i32 to vector<16xi32>
      tpu.vector_store_idx %arg5[%add3A_1356, %broadcast_in_dim3A_1378], %gather3A_1374 : memref<272x2xf32, #tpu.memory_space<vmem>>[vector<16xi32>, vector<16xi32>], vector<16xf32>,
      "tpu.region"() ({
        %run_scoped3A = tpu.sem_alloc : memref<!tpu.dma_semaphore, #tpu.memory_space<semaphore_mem>>
        %dma_start3A = arith.constant 0 : i32
        %dma_start3A_1827 = arith.constant 0 : i32
        %dma_start3A_1828 = tpu.memref_slice %arg5[%dma_start3A, %dma_start3A_1827] : memref<272x2xf32, #tpu.memory_space<vmem>> -> memref<258x2xf32, #tpu.memory_space<vmem>>
        %dma_start3A_1829 = arith.constant 0 : i32
        %dma_start3A_1830 = arith.constant 256 : i32
        %dma_start3A_1831 = tpu.memref_slice %arg3[%select_n3A, %add3A_936, %dma_start3A_1829, %dma_start3A_1830] : memref<2x384x258x258xf32, #tpu.memory_space<hbm>> -> memref<1x1x258x2xf32, #tpu.memory_space<hbm>>
        %dma_start3A_1832 = tpu.memref_squeeze %dma_start3A_1831 : memref<1x1x258x2xf32, #tpu.memory_space<hbm>> -> memref<258x2xf32, #tpu.memory_space<hbm>>
        %dma_start3A_1833 = arith.constant 0 : i32
        %dma_start3A_1834 = arith.constant 256 : i32
        %dma_start3A_1835 = tpu.memref_slice %arg3[%select_n3A, %add3A_936, %dma_start3A_1833, %dma_start3A_1834] : memref<2x384x258x258xf32, #tpu.memory_space<hbm>> -> memref<1x1x258x2xf32, #tpu.memory_space<hbm>>
        %dma_start3A_1836 = tpu.memref_squeeze %dma_start3A_1835 : memref<1x1x258x2xf32, #tpu.memory_space<hbm>> -> memref<258x2xf32, #tpu.memory_space<hbm>>
        %dma_start3A_1837 = arith.constant 0 : i32
        %dma_start3A_1838 = arith.constant 0 : i32
        %dma_start3A_1839 = tpu.memref_slice %arg5[%dma_start3A_1837, %dma_start3A_1838] : memref<272x2xf32, #tpu.memory_space<vmem>> -> memref<258x2xf32, #tpu.memory_space<vmem>>
        tpu.enqueue_dma source(%dma_start3A_1839 : memref<258x2xf32, #tpu.memory_space<vmem>>) target(%dma_start3A_1836 : memref<258x2xf32, #tpu.memory_space<hbm>>) target_semaphore(%run_scoped3A : memref<!tpu.dma_semaphore, #tpu.memory_space<semaphore_mem>>)
        %dma_wait3A = arith.constant 0 : i32
        %dma_wait3A_1840 = arith.constant 0 : i32
        %dma_wait3A_1841 = tpu.memref_slice %arg5[%dma_wait3A, %dma_wait3A_1840] : memref<272x2xf32, #tpu.memory_space<vmem>> -> memref<258x2xf32, #tpu.memory_space<vmem>>
        %dma_wait3A_1842 = arith.constant 0 : i32
        %dma_wait3A_1843 = arith.constant 256 : i32
        %dma_wait3A_1844 = tpu.memref_slice %arg3[%select_n3A, %add3A_936, %dma_wait3A_1842, %dma_wait3A_1843] : memref<2x384x258x258xf32, #tpu.memory_space<hbm>> -> memref<1x1x258x2xf32, #tpu.memory_space<hbm>>
        %dma_wait3A_1845 = tpu.memref_squeeze %dma_wait3A_1844 : memref<1x1x258x2xf32, #tpu.memory_space<hbm>> -> memref<258x2xf32, #tpu.memory_space<hbm>>
        %dma_wait3A_1846 = arith.constant 0 : i32
        %dma_wait3A_1847 = arith.constant 256 : i32
        %dma_wait3A_1848 = tpu.memref_slice %arg3[%select_n3A, %add3A_936, %dma_wait3A_1846, %dma_wait3A_1847] : memref<2x384x258x258xf32, #tpu.memory_space<hbm>> -> memref<1x1x258x2xf32, #tpu.memory_space<hbm>>
        %dma_wait3A_1849 = tpu.memref_squeeze %dma_wait3A_1848 : memref<1x1x258x2xf32, #tpu.memory_space<hbm>> -> memref<258x2xf32, #tpu.memory_space<hbm>>
        %dma_wait3A_1850 = arith.constant 0 : i32
        %dma_wait3A_1851 = arith.constant 0 : i32
        %dma_wait3A_1852 = tpu.memref_slice %arg5[%dma_wait3A_1850, %dma_wait3A_1851] : memref<272x2xf32, #tpu.memory_space<vmem>> -> memref<258x2xf32, #tpu.memory_space<vmem>>
        tpu.wait_dma2 semaphore(%run_scoped3A : memref<!tpu.dma_semaphore, #tpu.memory_space<semaphore_mem>>) src(%dma_wait3A_1852 : memref<258x2xf32, #tpu.memory_space<vmem>>) dst(%dma_wait3A_1849 : memref<258x2xf32, #tpu.memory_space<hbm>>)
        tpu.yield
      }) : () -> ()
      %mul3A_1379 = arith.constant 4 : i32
      %mul3A_1380 = arith.muli %select_n3A_39, %mul3A_1379 : i32
      %add3A_1381 = arith.constant 2 : i32
      %add3A_1382 = arith.addi %mul3A_1380, %add3A_1381 : i32
      %add3A_1383 = arith.constant 1 : i32
      %add3A_1384 = arith.addi %add3A_1382, %add3A_1383 : i32
      %iota3A_1385 = tpu.iota {dimensions = array<i32: 0>} : vector<16xi32>
      %add3A_1386 = arith.constant 0 : i32
      %add3A_1387 = vector.broadcast %add3A_1386 : i32 to vector<16xi32>
      %add3A_1388 = arith.addi %iota3A_1385, %add3A_1387 : vector<16xi32>
      %sub3A_1389 = arith.constant 1 : i32
      %sub3A_1390 = vector.broadcast %sub3A_1389 : i32 to vector<16xi32>
      %sub3A_1391 = arith.subi %add3A_1388, %sub3A_1390 : vector<16xi32>
      %jit3A_1392 = arith.constant 0 : i32
      %jit3A_1393 = arith.constant 255 : i32
      %max3A_1394 = vector.broadcast %jit3A_1392 : i32 to vector<16xi32>
      %max3A_1395 = arith.maxsi %max3A_1394, %sub3A_1391 : vector<16xi32>
      %min3A_1396 = vector.broadcast %jit3A_1393 : i32 to vector<16xi32>
      %min3A_1397 = arith.minsi %min3A_1396, %max3A_1395 : vector<16xi32>
      %mul3A_1398 = arith.constant 2 : i32
      %mul3A_1399 = vector.broadcast %mul3A_1398 : i32 to vector<16xi32>
      %mul3A_1400 = arith.muli %mul3A_1399, %min3A_1397 : vector<16xi32>
      %add3A_1401 = arith.constant 1 : i32
      %add3A_1402 = vector.broadcast %add3A_1401 : i32 to vector<16xi32>
      %add3A_1403 = arith.addi %mul3A_1400, %add3A_1402 : vector<16xi32>
      %broadcast_in_dim3A_1404 = arith.constant 127 : i32
      %broadcast_in_dim3A_1405 = vector.broadcast %broadcast_in_dim3A_1404 : i32 to vector<16xi32>
      %gather3A_1406 = tpu.vector_load_idx %arg4[%add3A_1403, %broadcast_in_dim3A_1405] : memref<512x128xf32, #tpu.memory_space<vmem>>[vector<16xi32>, vector<16xi32>], vector<16xf32>,
      %broadcast_in_dim3A_1407 = arith.constant 0 : i32
      %broadcast_in_dim3A_1408 = vector.broadcast %broadcast_in_dim3A_1407 : i32 to vector<16xi32>
      tpu.vector_store_idx %arg5[%add3A_1388, %broadcast_in_dim3A_1408], %gather3A_1406 : memref<272x2xf32, #tpu.memory_space<vmem>>[vector<16xi32>, vector<16xi32>], vector<16xf32>,
      %broadcast_in_dim3A_1409 = arith.constant 1 : i32
      %broadcast_in_dim3A_1410 = vector.broadcast %broadcast_in_dim3A_1409 : i32 to vector<16xi32>
      tpu.vector_store_idx %arg5[%add3A_1388, %broadcast_in_dim3A_1410], %gather3A_1406 : memref<272x2xf32, #tpu.memory_space<vmem>>[vector<16xi32>, vector<16xi32>], vector<16xf32>,
      %iota3A_1411 = tpu.iota {dimensions = array<i32: 0>} : vector<16xi32>
      %add3A_1412 = arith.constant 16 : i32
      %add3A_1413 = vector.broadcast %add3A_1412 : i32 to vector<16xi32>
      %add3A_1414 = arith.addi %iota3A_1411, %add3A_1413 : vector<16xi32>
      %sub3A_1415 = arith.constant 1 : i32
      %sub3A_1416 = vector.broadcast %sub3A_1415 : i32 to vector<16xi32>
      %sub3A_1417 = arith.subi %add3A_1414, %sub3A_1416 : vector<16xi32>
      %jit3A_1418 = arith.constant 0 : i32
      %jit3A_1419 = arith.constant 255 : i32
      %max3A_1420 = vector.broadcast %jit3A_1418 : i32 to vector<16xi32>
      %max3A_1421 = arith.maxsi %max3A_1420, %sub3A_1417 : vector<16xi32>
      %min3A_1422 = vector.broadcast %jit3A_1419 : i32 to vector<16xi32>
      %min3A_1423 = arith.minsi %min3A_1422, %max3A_1421 : vector<16xi32>
      %mul3A_1424 = arith.constant 2 : i32
      %mul3A_1425 = vector.broadcast %mul3A_1424 : i32 to vector<16xi32>
      %mul3A_1426 = arith.muli %mul3A_1425, %min3A_1423 : vector<16xi32>
      %add3A_1427 = arith.constant 1 : i32
      %add3A_1428 = vector.broadcast %add3A_1427 : i32 to vector<16xi32>
      %add3A_1429 = arith.addi %mul3A_1426, %add3A_1428 : vector<16xi32>
      %broadcast_in_dim3A_1430 = arith.constant 127 : i32
      %broadcast_in_dim3A_1431 = vector.broadcast %broadcast_in_dim3A_1430 : i32 to vector<16xi32>
      %gather3A_1432 = tpu.vector_load_idx %arg4[%add3A_1429, %broadcast_in_dim3A_1431] : memref<512x128xf32, #tpu.memory_space<vmem>>[vector<16xi32>, vector<16xi32>], vector<16xf32>,
      %broadcast_in_dim3A_1433 = arith.constant 0 : i32
      %broadcast_in_dim3A_1434 = vector.broadcast %broadcast_in_dim3A_1433 : i32 to vector<16xi32>
      tpu.vector_store_idx %arg5[%add3A_1414, %broadcast_in_dim3A_1434], %gather3A_1432 : memref<272x2xf32, #tpu.memory_space<vmem>>[vector<16xi32>, vector<16xi32>], vector<16xf32>,
      %broadcast_in_dim3A_1435 = arith.constant 1 : i32
      %broadcast_in_dim3A_1436 = vector.broadcast %broadcast_in_dim3A_1435 : i32 to vector<16xi32>
      tpu.vector_store_idx %arg5[%add3A_1414, %broadcast_in_dim3A_1436], %gather3A_1432 : memref<272x2xf32, #tpu.memory_space<vmem>>[vector<16xi32>, vector<16xi32>], vector<16xf32>,
      %iota3A_1437 = tpu.iota {dimensions = array<i32: 0>} : vector<16xi32>
      %add3A_1438 = arith.constant 32 : i32
      %add3A_1439 = vector.broadcast %add3A_1438 : i32 to vector<16xi32>
      %add3A_1440 = arith.addi %iota3A_1437, %add3A_1439 : vector<16xi32>
      %sub3A_1441 = arith.constant 1 : i32
      %sub3A_1442 = vector.broadcast %sub3A_1441 : i32 to vector<16xi32>
      %sub3A_1443 = arith.subi %add3A_1440, %sub3A_1442 : vector<16xi32>
      %jit3A_1444 = arith.constant 0 : i32
      %jit3A_1445 = arith.constant 255 : i32
      %max3A_1446 = vector.broadcast %jit3A_1444 : i32 to vector<16xi32>
      %max3A_1447 = arith.maxsi %max3A_1446, %sub3A_1443 : vector<16xi32>
      %min3A_1448 = vector.broadcast %jit3A_1445 : i32 to vector<16xi32>
      %min3A_1449 = arith.minsi %min3A_1448, %max3A_1447 : vector<16xi32>
      %mul3A_1450 = arith.constant 2 : i32
      %mul3A_1451 = vector.broadcast %mul3A_1450 : i32 to vector<16xi32>
      %mul3A_1452 = arith.muli %mul3A_1451, %min3A_1449 : vector<16xi32>
      %add3A_1453 = arith.constant 1 : i32
      %add3A_1454 = vector.broadcast %add3A_1453 : i32 to vector<16xi32>
      %add3A_1455 = arith.addi %mul3A_1452, %add3A_1454 : vector<16xi32>
      %broadcast_in_dim3A_1456 = arith.constant 127 : i32
      %broadcast_in_dim3A_1457 = vector.broadcast %broadcast_in_dim3A_1456 : i32 to vector<16xi32>
      %gather3A_1458 = tpu.vector_load_idx %arg4[%add3A_1455, %broadcast_in_dim3A_1457] : memref<512x128xf32, #tpu.memory_space<vmem>>[vector<16xi32>, vector<16xi32>], vector<16xf32>,
      %broadcast_in_dim3A_1459 = arith.constant 0 : i32
      %broadcast_in_dim3A_1460 = vector.broadcast %broadcast_in_dim3A_1459 : i32 to vector<16xi32>
      tpu.vector_store_idx %arg5[%add3A_1440, %broadcast_in_dim3A_1460], %gather3A_1458 : memref<272x2xf32, #tpu.memory_space<vmem>>[vector<16xi32>, vector<16xi32>], vector<16xf32>,
      %broadcast_in_dim3A_1461 = arith.constant 1 : i32
      %broadcast_in_dim3A_1462 = vector.broadcast %broadcast_in_dim3A_1461 : i32 to vector<16xi32>
      tpu.vector_store_idx %arg5[%add3A_1440, %broadcast_in_dim3A_1462], %gather3A_1458 : memref<272x2xf32, #tpu.memory_space<vmem>>[vector<16xi32>, vector<16xi32>], vector<16xf32>,
      %iota3A_1463 = tpu.iota {dimensions = array<i32: 0>} : vector<16xi32>
      %add3A_1464 = arith.constant 48 : i32
      %add3A_1465 = vector.broadcast %add3A_1464 : i32 to vector<16xi32>
      %add3A_1466 = arith.addi %iota3A_1463, %add3A_1465 : vector<16xi32>
      %sub3A_1467 = arith.constant 1 : i32
      %sub3A_1468 = vector.broadcast %sub3A_1467 : i32 to vector<16xi32>
      %sub3A_1469 = arith.subi %add3A_1466, %sub3A_1468 : vector<16xi32>
      %jit3A_1470 = arith.constant 0 : i32
      %jit3A_1471 = arith.constant 255 : i32
      %max3A_1472 = vector.broadcast %jit3A_1470 : i32 to vector<16xi32>
      %max3A_1473 = arith.maxsi %max3A_1472, %sub3A_1469 : vector<16xi32>
      %min3A_1474 = vector.broadcast %jit3A_1471 : i32 to vector<16xi32>
      %min3A_1475 = arith.minsi %min3A_1474, %max3A_1473 : vector<16xi32>
      %mul3A_1476 = arith.constant 2 : i32
      %mul3A_1477 = vector.broadcast %mul3A_1476 : i32 to vector<16xi32>
      %mul3A_1478 = arith.muli %mul3A_1477, %min3A_1475 : vector<16xi32>
      %add3A_1479 = arith.constant 1 : i32
      %add3A_1480 = vector.broadcast %add3A_1479 : i32 to vector<16xi32>
      %add3A_1481 = arith.addi %mul3A_1478, %add3A_1480 : vector<16xi32>
      %broadcast_in_dim3A_1482 = arith.constant 127 : i32
      %broadcast_in_dim3A_1483 = vector.broadcast %broadcast_in_dim3A_1482 : i32 to vector<16xi32>
      %gather3A_1484 = tpu.vector_load_idx %arg4[%add3A_1481, %broadcast_in_dim3A_1483] : memref<512x128xf32, #tpu.memory_space<vmem>>[vector<16xi32>, vector<16xi32>], vector<16xf32>,
      %broadcast_in_dim3A_1485 = arith.constant 0 : i32
      %broadcast_in_dim3A_1486 = vector.broadcast %broadcast_in_dim3A_1485 : i32 to vector<16xi32>
      tpu.vector_store_idx %arg5[%add3A_1466, %broadcast_in_dim3A_1486], %gather3A_1484 : memref<272x2xf32, #tpu.memory_space<vmem>>[vector<16xi32>, vector<16xi32>], vector<16xf32>,
      %broadcast_in_dim3A_1487 = arith.constant 1 : i32
      %broadcast_in_dim3A_1488 = vector.broadcast %broadcast_in_dim3A_1487 : i32 to vector<16xi32>
      tpu.vector_store_idx %arg5[%add3A_1466, %broadcast_in_dim3A_1488], %gather3A_1484 : memref<272x2xf32, #tpu.memory_space<vmem>>[vector<16xi32>, vector<16xi32>], vector<16xf32>,
      %iota3A_1489 = tpu.iota {dimensions = array<i32: 0>} : vector<16xi32>
      %add3A_1490 = arith.constant 64 : i32
      %add3A_1491 = vector.broadcast %add3A_1490 : i32 to vector<16xi32>
      %add3A_1492 = arith.addi %iota3A_1489, %add3A_1491 : vector<16xi32>
      %sub3A_1493 = arith.constant 1 : i32
      %sub3A_1494 = vector.broadcast %sub3A_1493 : i32 to vector<16xi32>
      %sub3A_1495 = arith.subi %add3A_1492, %sub3A_1494 : vector<16xi32>
      %jit3A_1496 = arith.constant 0 : i32
      %jit3A_1497 = arith.constant 255 : i32
      %max3A_1498 = vector.broadcast %jit3A_1496 : i32 to vector<16xi32>
      %max3A_1499 = arith.maxsi %max3A_1498, %sub3A_1495 : vector<16xi32>
      %min3A_1500 = vector.broadcast %jit3A_1497 : i32 to vector<16xi32>
      %min3A_1501 = arith.minsi %min3A_1500, %max3A_1499 : vector<16xi32>
      %mul3A_1502 = arith.constant 2 : i32
      %mul3A_1503 = vector.broadcast %mul3A_1502 : i32 to vector<16xi32>
      %mul3A_1504 = arith.muli %mul3A_1503, %min3A_1501 : vector<16xi32>
      %add3A_1505 = arith.constant 1 : i32
      %add3A_1506 = vector.broadcast %add3A_1505 : i32 to vector<16xi32>
      %add3A_1507 = arith.addi %mul3A_1504, %add3A_1506 : vector<16xi32>
      %broadcast_in_dim3A_1508 = arith.constant 127 : i32
      %broadcast_in_dim3A_1509 = vector.broadcast %broadcast_in_dim3A_1508 : i32 to vector<16xi32>
      %gather3A_1510 = tpu.vector_load_idx %arg4[%add3A_1507, %broadcast_in_dim3A_1509] : memref<512x128xf32, #tpu.memory_space<vmem>>[vector<16xi32>, vector<16xi32>], vector<16xf32>,
      %broadcast_in_dim3A_1511 = arith.constant 0 : i32
      %broadcast_in_dim3A_1512 = vector.broadcast %broadcast_in_dim3A_1511 : i32 to vector<16xi32>
      tpu.vector_store_idx %arg5[%add3A_1492, %broadcast_in_dim3A_1512], %gather3A_1510 : memref<272x2xf32, #tpu.memory_space<vmem>>[vector<16xi32>, vector<16xi32>], vector<16xf32>,
      %broadcast_in_dim3A_1513 = arith.constant 1 : i32
      %broadcast_in_dim3A_1514 = vector.broadcast %broadcast_in_dim3A_1513 : i32 to vector<16xi32>
      tpu.vector_store_idx %arg5[%add3A_1492, %broadcast_in_dim3A_1514], %gather3A_1510 : memref<272x2xf32, #tpu.memory_space<vmem>>[vector<16xi32>, vector<16xi32>], vector<16xf32>,
      %iota3A_1515 = tpu.iota {dimensions = array<i32: 0>} : vector<16xi32>
      %add3A_1516 = arith.constant 80 : i32
      %add3A_1517 = vector.broadcast %add3A_1516 : i32 to vector<16xi32>
      %add3A_1518 = arith.addi %iota3A_1515, %add3A_1517 : vector<16xi32>
      %sub3A_1519 = arith.constant 1 : i32
      %sub3A_1520 = vector.broadcast %sub3A_1519 : i32 to vector<16xi32>
      %sub3A_1521 = arith.subi %add3A_1518, %sub3A_1520 : vector<16xi32>
      %jit3A_1522 = arith.constant 0 : i32
      %jit3A_1523 = arith.constant 255 : i32
      %max3A_1524 = vector.broadcast %jit3A_1522 : i32 to vector<16xi32>
      %max3A_1525 = arith.maxsi %max3A_1524, %sub3A_1521 : vector<16xi32>
      %min3A_1526 = vector.broadcast %jit3A_1523 : i32 to vector<16xi32>
      %min3A_1527 = arith.minsi %min3A_1526, %max3A_1525 : vector<16xi32>
      %mul3A_1528 = arith.constant 2 : i32
      %mul3A_1529 = vector.broadcast %mul3A_1528 : i32 to vector<16xi32>
      %mul3A_1530 = arith.muli %mul3A_1529, %min3A_1527 : vector<16xi32>
      %add3A_1531 = arith.constant 1 : i32
      %add3A_1532 = vector.broadcast %add3A_1531 : i32 to vector<16xi32>
      %add3A_1533 = arith.addi %mul3A_1530, %add3A_1532 : vector<16xi32>
      %broadcast_in_dim3A_1534 = arith.constant 127 : i32
      %broadcast_in_dim3A_1535 = vector.broadcast %broadcast_in_dim3A_1534 : i32 to vector<16xi32>
      %gather3A_1536 = tpu.vector_load_idx %arg4[%add3A_1533, %broadcast_in_dim3A_1535] : memref<512x128xf32, #tpu.memory_space<vmem>>[vector<16xi32>, vector<16xi32>], vector<16xf32>,
      %broadcast_in_dim3A_1537 = arith.constant 0 : i32
      %broadcast_in_dim3A_1538 = vector.broadcast %broadcast_in_dim3A_1537 : i32 to vector<16xi32>
      tpu.vector_store_idx %arg5[%add3A_1518, %broadcast_in_dim3A_1538], %gather3A_1536 : memref<272x2xf32, #tpu.memory_space<vmem>>[vector<16xi32>, vector<16xi32>], vector<16xf32>,
      %broadcast_in_dim3A_1539 = arith.constant 1 : i32
      %broadcast_in_dim3A_1540 = vector.broadcast %broadcast_in_dim3A_1539 : i32 to vector<16xi32>
      tpu.vector_store_idx %arg5[%add3A_1518, %broadcast_in_dim3A_1540], %gather3A_1536 : memref<272x2xf32, #tpu.memory_space<vmem>>[vector<16xi32>, vector<16xi32>], vector<16xf32>,
      %iota3A_1541 = tpu.iota {dimensions = array<i32: 0>} : vector<16xi32>
      %add3A_1542 = arith.constant 96 : i32
      %add3A_1543 = vector.broadcast %add3A_1542 : i32 to vector<16xi32>
      %add3A_1544 = arith.addi %iota3A_1541, %add3A_1543 : vector<16xi32>
      %sub3A_1545 = arith.constant 1 : i32
      %sub3A_1546 = vector.broadcast %sub3A_1545 : i32 to vector<16xi32>
      %sub3A_1547 = arith.subi %add3A_1544, %sub3A_1546 : vector<16xi32>
      %jit3A_1548 = arith.constant 0 : i32
      %jit3A_1549 = arith.constant 255 : i32
      %max3A_1550 = vector.broadcast %jit3A_1548 : i32 to vector<16xi32>
      %max3A_1551 = arith.maxsi %max3A_1550, %sub3A_1547 : vector<16xi32>
      %min3A_1552 = vector.broadcast %jit3A_1549 : i32 to vector<16xi32>
      %min3A_1553 = arith.minsi %min3A_1552, %max3A_1551 : vector<16xi32>
      %mul3A_1554 = arith.constant 2 : i32
      %mul3A_1555 = vector.broadcast %mul3A_1554 : i32 to vector<16xi32>
      %mul3A_1556 = arith.muli %mul3A_1555, %min3A_1553 : vector<16xi32>
      %add3A_1557 = arith.constant 1 : i32
      %add3A_1558 = vector.broadcast %add3A_1557 : i32 to vector<16xi32>
      %add3A_1559 = arith.addi %mul3A_1556, %add3A_1558 : vector<16xi32>
      %broadcast_in_dim3A_1560 = arith.constant 127 : i32
      %broadcast_in_dim3A_1561 = vector.broadcast %broadcast_in_dim3A_1560 : i32 to vector<16xi32>
      %gather3A_1562 = tpu.vector_load_idx %arg4[%add3A_1559, %broadcast_in_dim3A_1561] : memref<512x128xf32, #tpu.memory_space<vmem>>[vector<16xi32>, vector<16xi32>], vector<16xf32>,
      %broadcast_in_dim3A_1563 = arith.constant 0 : i32
      %broadcast_in_dim3A_1564 = vector.broadcast %broadcast_in_dim3A_1563 : i32 to vector<16xi32>
      tpu.vector_store_idx %arg5[%add3A_1544, %broadcast_in_dim3A_1564], %gather3A_1562 : memref<272x2xf32, #tpu.memory_space<vmem>>[vector<16xi32>, vector<16xi32>], vector<16xf32>,
      %broadcast_in_dim3A_1565 = arith.constant 1 : i32
      %broadcast_in_dim3A_1566 = vector.broadcast %broadcast_in_dim3A_1565 : i32 to vector<16xi32>
      tpu.vector_store_idx %arg5[%add3A_1544, %broadcast_in_dim3A_1566], %gather3A_1562 : memref<272x2xf32, #tpu.memory_space<vmem>>[vector<16xi32>, vector<16xi32>], vector<16xf32>,
      %iota3A_1567 = tpu.iota {dimensions = array<i32: 0>} : vector<16xi32>
      %add3A_1568 = arith.constant 112 : i32
      %add3A_1569 = vector.broadcast %add3A_1568 : i32 to vector<16xi32>
      %add3A_1570 = arith.addi %iota3A_1567, %add3A_1569 : vector<16xi32>
      %sub3A_1571 = arith.constant 1 : i32
      %sub3A_1572 = vector.broadcast %sub3A_1571 : i32 to vector<16xi32>
      %sub3A_1573 = arith.subi %add3A_1570, %sub3A_1572 : vector<16xi32>
      %jit3A_1574 = arith.constant 0 : i32
      %jit3A_1575 = arith.constant 255 : i32
      %max3A_1576 = vector.broadcast %jit3A_1574 : i32 to vector<16xi32>
      %max3A_1577 = arith.maxsi %max3A_1576, %sub3A_1573 : vector<16xi32>
      %min3A_1578 = vector.broadcast %jit3A_1575 : i32 to vector<16xi32>
      %min3A_1579 = arith.minsi %min3A_1578, %max3A_1577 : vector<16xi32>
      %mul3A_1580 = arith.constant 2 : i32
      %mul3A_1581 = vector.broadcast %mul3A_1580 : i32 to vector<16xi32>
      %mul3A_1582 = arith.muli %mul3A_1581, %min3A_1579 : vector<16xi32>
      %add3A_1583 = arith.constant 1 : i32
      %add3A_1584 = vector.broadcast %add3A_1583 : i32 to vector<16xi32>
      %add3A_1585 = arith.addi %mul3A_1582, %add3A_1584 : vector<16xi32>
      %broadcast_in_dim3A_1586 = arith.constant 127 : i32
      %broadcast_in_dim3A_1587 = vector.broadcast %broadcast_in_dim3A_1586 : i32 to vector<16xi32>
      %gather3A_1588 = tpu.vector_load_idx %arg4[%add3A_1585, %broadcast_in_dim3A_1587] : memref<512x128xf32, #tpu.memory_space<vmem>>[vector<16xi32>, vector<16xi32>], vector<16xf32>,
      %broadcast_in_dim3A_1589 = arith.constant 0 : i32
      %broadcast_in_dim3A_1590 = vector.broadcast %broadcast_in_dim3A_1589 : i32 to vector<16xi32>
      tpu.vector_store_idx %arg5[%add3A_1570, %broadcast_in_dim3A_1590], %gather3A_1588 : memref<272x2xf32, #tpu.memory_space<vmem>>[vector<16xi32>, vector<16xi32>], vector<16xf32>,
      %broadcast_in_dim3A_1591 = arith.constant 1 : i32
      %broadcast_in_dim3A_1592 = vector.broadcast %broadcast_in_dim3A_1591 : i32 to vector<16xi32>
      tpu.vector_store_idx %arg5[%add3A_1570, %broadcast_in_dim3A_1592], %gather3A_1588 : memref<272x2xf32, #tpu.memory_space<vmem>>[vector<16xi32>, vector<16xi32>], vector<16xf32>,
      %iota3A_1593 = tpu.iota {dimensions = array<i32: 0>} : vector<16xi32>
      %add3A_1594 = arith.constant 128 : i32
      %add3A_1595 = vector.broadcast %add3A_1594 : i32 to vector<16xi32>
      %add3A_1596 = arith.addi %iota3A_1593, %add3A_1595 : vector<16xi32>
      %sub3A_1597 = arith.constant 1 : i32
      %sub3A_1598 = vector.broadcast %sub3A_1597 : i32 to vector<16xi32>
      %sub3A_1599 = arith.subi %add3A_1596, %sub3A_1598 : vector<16xi32>
      %jit3A_1600 = arith.constant 0 : i32
      %jit3A_1601 = arith.constant 255 : i32
      %max3A_1602 = vector.broadcast %jit3A_1600 : i32 to vector<16xi32>
      %max3A_1603 = arith.maxsi %max3A_1602, %sub3A_1599 : vector<16xi32>
      %min3A_1604 = vector.broadcast %jit3A_1601 : i32 to vector<16xi32>
      %min3A_1605 = arith.minsi %min3A_1604, %max3A_1603 : vector<16xi32>
      %mul3A_1606 = arith.constant 2 : i32
      %mul3A_1607 = vector.broadcast %mul3A_1606 : i32 to vector<16xi32>
      %mul3A_1608 = arith.muli %mul3A_1607, %min3A_1605 : vector<16xi32>
      %add3A_1609 = arith.constant 1 : i32
      %add3A_1610 = vector.broadcast %add3A_1609 : i32 to vector<16xi32>
      %add3A_1611 = arith.addi %mul3A_1608, %add3A_1610 : vector<16xi32>
      %broadcast_in_dim3A_1612 = arith.constant 127 : i32
      %broadcast_in_dim3A_1613 = vector.broadcast %broadcast_in_dim3A_1612 : i32 to vector<16xi32>
      %gather3A_1614 = tpu.vector_load_idx %arg4[%add3A_1611, %broadcast_in_dim3A_1613] : memref<512x128xf32, #tpu.memory_space<vmem>>[vector<16xi32>, vector<16xi32>], vector<16xf32>,
      %broadcast_in_dim3A_1615 = arith.constant 0 : i32
      %broadcast_in_dim3A_1616 = vector.broadcast %broadcast_in_dim3A_1615 : i32 to vector<16xi32>
      tpu.vector_store_idx %arg5[%add3A_1596, %broadcast_in_dim3A_1616], %gather3A_1614 : memref<272x2xf32, #tpu.memory_space<vmem>>[vector<16xi32>, vector<16xi32>], vector<16xf32>,
      %broadcast_in_dim3A_1617 = arith.constant 1 : i32
      %broadcast_in_dim3A_1618 = vector.broadcast %broadcast_in_dim3A_1617 : i32 to vector<16xi32>
      tpu.vector_store_idx %arg5[%add3A_1596, %broadcast_in_dim3A_1618], %gather3A_1614 : memref<272x2xf32, #tpu.memory_space<vmem>>[vector<16xi32>, vector<16xi32>], vector<16xf32>,
      %iota3A_1619 = tpu.iota {dimensions = array<i32: 0>} : vector<16xi32>
      %add3A_1620 = arith.constant 144 : i32
      %add3A_1621 = vector.broadcast %add3A_1620 : i32 to vector<16xi32>
      %add3A_1622 = arith.addi %iota3A_1619, %add3A_1621 : vector<16xi32>
      %sub3A_1623 = arith.constant 1 : i32
      %sub3A_1624 = vector.broadcast %sub3A_1623 : i32 to vector<16xi32>
      %sub3A_1625 = arith.subi %add3A_1622, %sub3A_1624 : vector<16xi32>
      %jit3A_1626 = arith.constant 0 : i32
      %jit3A_1627 = arith.constant 255 : i32
      %max3A_1628 = vector.broadcast %jit3A_1626 : i32 to vector<16xi32>
      %max3A_1629 = arith.maxsi %max3A_1628, %sub3A_1625 : vector<16xi32>
      %min3A_1630 = vector.broadcast %jit3A_1627 : i32 to vector<16xi32>
      %min3A_1631 = arith.minsi %min3A_1630, %max3A_1629 : vector<16xi32>
      %mul3A_1632 = arith.constant 2 : i32
      %mul3A_1633 = vector.broadcast %mul3A_1632 : i32 to vector<16xi32>
      %mul3A_1634 = arith.muli %mul3A_1633, %min3A_1631 : vector<16xi32>
      %add3A_1635 = arith.constant 1 : i32
      %add3A_1636 = vector.broadcast %add3A_1635 : i32 to vector<16xi32>
      %add3A_1637 = arith.addi %mul3A_1634, %add3A_1636 : vector<16xi32>
      %broadcast_in_dim3A_1638 = arith.constant 127 : i32
      %broadcast_in_dim3A_1639 = vector.broadcast %broadcast_in_dim3A_1638 : i32 to vector<16xi32>
      %gather3A_1640 = tpu.vector_load_idx %arg4[%add3A_1637, %broadcast_in_dim3A_1639] : memref<512x128xf32, #tpu.memory_space<vmem>>[vector<16xi32>, vector<16xi32>], vector<16xf32>,
      %broadcast_in_dim3A_1641 = arith.constant 0 : i32
      %broadcast_in_dim3A_1642 = vector.broadcast %broadcast_in_dim3A_1641 : i32 to vector<16xi32>
      tpu.vector_store_idx %arg5[%add3A_1622, %broadcast_in_dim3A_1642], %gather3A_1640 : memref<272x2xf32, #tpu.memory_space<vmem>>[vector<16xi32>, vector<16xi32>], vector<16xf32>,
      %broadcast_in_dim3A_1643 = arith.constant 1 : i32
      %broadcast_in_dim3A_1644 = vector.broadcast %broadcast_in_dim3A_1643 : i32 to vector<16xi32>
      tpu.vector_store_idx %arg5[%add3A_1622, %broadcast_in_dim3A_1644], %gather3A_1640 : memref<272x2xf32, #tpu.memory_space<vmem>>[vector<16xi32>, vector<16xi32>], vector<16xf32>,
      %iota3A_1645 = tpu.iota {dimensions = array<i32: 0>} : vector<16xi32>
      %add3A_1646 = arith.constant 160 : i32
      %add3A_1647 = vector.broadcast %add3A_1646 : i32 to vector<16xi32>
      %add3A_1648 = arith.addi %iota3A_1645, %add3A_1647 : vector<16xi32>
      %sub3A_1649 = arith.constant 1 : i32
      %sub3A_1650 = vector.broadcast %sub3A_1649 : i32 to vector<16xi32>
      %sub3A_1651 = arith.subi %add3A_1648, %sub3A_1650 : vector<16xi32>
      %jit3A_1652 = arith.constant 0 : i32
      %jit3A_1653 = arith.constant 255 : i32
      %max3A_1654 = vector.broadcast %jit3A_1652 : i32 to vector<16xi32>
      %max3A_1655 = arith.maxsi %max3A_1654, %sub3A_1651 : vector<16xi32>
      %min3A_1656 = vector.broadcast %jit3A_1653 : i32 to vector<16xi32>
      %min3A_1657 = arith.minsi %min3A_1656, %max3A_1655 : vector<16xi32>
      %mul3A_1658 = arith.constant 2 : i32
      %mul3A_1659 = vector.broadcast %mul3A_1658 : i32 to vector<16xi32>
      %mul3A_1660 = arith.muli %mul3A_1659, %min3A_1657 : vector<16xi32>
      %add3A_1661 = arith.constant 1 : i32
      %add3A_1662 = vector.broadcast %add3A_1661 : i32 to vector<16xi32>
      %add3A_1663 = arith.addi %mul3A_1660, %add3A_1662 : vector<16xi32>
      %broadcast_in_dim3A_1664 = arith.constant 127 : i32
      %broadcast_in_dim3A_1665 = vector.broadcast %broadcast_in_dim3A_1664 : i32 to vector<16xi32>
      %gather3A_1666 = tpu.vector_load_idx %arg4[%add3A_1663, %broadcast_in_dim3A_1665] : memref<512x128xf32, #tpu.memory_space<vmem>>[vector<16xi32>, vector<16xi32>], vector<16xf32>,
      %broadcast_in_dim3A_1667 = arith.constant 0 : i32
      %broadcast_in_dim3A_1668 = vector.broadcast %broadcast_in_dim3A_1667 : i32 to vector<16xi32>
      tpu.vector_store_idx %arg5[%add3A_1648, %broadcast_in_dim3A_1668], %gather3A_1666 : memref<272x2xf32, #tpu.memory_space<vmem>>[vector<16xi32>, vector<16xi32>], vector<16xf32>,
      %broadcast_in_dim3A_1669 = arith.constant 1 : i32
      %broadcast_in_dim3A_1670 = vector.broadcast %broadcast_in_dim3A_1669 : i32 to vector<16xi32>
      tpu.vector_store_idx %arg5[%add3A_1648, %broadcast_in_dim3A_1670], %gather3A_1666 : memref<272x2xf32, #tpu.memory_space<vmem>>[vector<16xi32>, vector<16xi32>], vector<16xf32>,
      %iota3A_1671 = tpu.iota {dimensions = array<i32: 0>} : vector<16xi32>
      %add3A_1672 = arith.constant 176 : i32
      %add3A_1673 = vector.broadcast %add3A_1672 : i32 to vector<16xi32>
      %add3A_1674 = arith.addi %iota3A_1671, %add3A_1673 : vector<16xi32>
      %sub3A_1675 = arith.constant 1 : i32
      %sub3A_1676 = vector.broadcast %sub3A_1675 : i32 to vector<16xi32>
      %sub3A_1677 = arith.subi %add3A_1674, %sub3A_1676 : vector<16xi32>
      %jit3A_1678 = arith.constant 0 : i32
      %jit3A_1679 = arith.constant 255 : i32
      %max3A_1680 = vector.broadcast %jit3A_1678 : i32 to vector<16xi32>
      %max3A_1681 = arith.maxsi %max3A_1680, %sub3A_1677 : vector<16xi32>
      %min3A_1682 = vector.broadcast %jit3A_1679 : i32 to vector<16xi32>
      %min3A_1683 = arith.minsi %min3A_1682, %max3A_1681 : vector<16xi32>
      %mul3A_1684 = arith.constant 2 : i32
      %mul3A_1685 = vector.broadcast %mul3A_1684 : i32 to vector<16xi32>
      %mul3A_1686 = arith.muli %mul3A_1685, %min3A_1683 : vector<16xi32>
      %add3A_1687 = arith.constant 1 : i32
      %add3A_1688 = vector.broadcast %add3A_1687 : i32 to vector<16xi32>
      %add3A_1689 = arith.addi %mul3A_1686, %add3A_1688 : vector<16xi32>
      %broadcast_in_dim3A_1690 = arith.constant 127 : i32
      %broadcast_in_dim3A_1691 = vector.broadcast %broadcast_in_dim3A_1690 : i32 to vector<16xi32>
      %gather3A_1692 = tpu.vector_load_idx %arg4[%add3A_1689, %broadcast_in_dim3A_1691] : memref<512x128xf32, #tpu.memory_space<vmem>>[vector<16xi32>, vector<16xi32>], vector<16xf32>,
      %broadcast_in_dim3A_1693 = arith.constant 0 : i32
      %broadcast_in_dim3A_1694 = vector.broadcast %broadcast_in_dim3A_1693 : i32 to vector<16xi32>
      tpu.vector_store_idx %arg5[%add3A_1674, %broadcast_in_dim3A_1694], %gather3A_1692 : memref<272x2xf32, #tpu.memory_space<vmem>>[vector<16xi32>, vector<16xi32>], vector<16xf32>,
      %broadcast_in_dim3A_1695 = arith.constant 1 : i32
      %broadcast_in_dim3A_1696 = vector.broadcast %broadcast_in_dim3A_1695 : i32 to vector<16xi32>
      tpu.vector_store_idx %arg5[%add3A_1674, %broadcast_in_dim3A_1696], %gather3A_1692 : memref<272x2xf32, #tpu.memory_space<vmem>>[vector<16xi32>, vector<16xi32>], vector<16xf32>,
      %iota3A_1697 = tpu.iota {dimensions = array<i32: 0>} : vector<16xi32>
      %add3A_1698 = arith.constant 192 : i32
      %add3A_1699 = vector.broadcast %add3A_1698 : i32 to vector<16xi32>
      %add3A_1700 = arith.addi %iota3A_1697, %add3A_1699 : vector<16xi32>
      %sub3A_1701 = arith.constant 1 : i32
      %sub3A_1702 = vector.broadcast %sub3A_1701 : i32 to vector<16xi32>
      %sub3A_1703 = arith.subi %add3A_1700, %sub3A_1702 : vector<16xi32>
      %jit3A_1704 = arith.constant 0 : i32
      %jit3A_1705 = arith.constant 255 : i32
      %max3A_1706 = vector.broadcast %jit3A_1704 : i32 to vector<16xi32>
      %max3A_1707 = arith.maxsi %max3A_1706, %sub3A_1703 : vector<16xi32>
      %min3A_1708 = vector.broadcast %jit3A_1705 : i32 to vector<16xi32>
      %min3A_1709 = arith.minsi %min3A_1708, %max3A_1707 : vector<16xi32>
      %mul3A_1710 = arith.constant 2 : i32
      %mul3A_1711 = vector.broadcast %mul3A_1710 : i32 to vector<16xi32>
      %mul3A_1712 = arith.muli %mul3A_1711, %min3A_1709 : vector<16xi32>
      %add3A_1713 = arith.constant 1 : i32
      %add3A_1714 = vector.broadcast %add3A_1713 : i32 to vector<16xi32>
      %add3A_1715 = arith.addi %mul3A_1712, %add3A_1714 : vector<16xi32>
      %broadcast_in_dim3A_1716 = arith.constant 127 : i32
      %broadcast_in_dim3A_1717 = vector.broadcast %broadcast_in_dim3A_1716 : i32 to vector<16xi32>
      %gather3A_1718 = tpu.vector_load_idx %arg4[%add3A_1715, %broadcast_in_dim3A_1717] : memref<512x128xf32, #tpu.memory_space<vmem>>[vector<16xi32>, vector<16xi32>], vector<16xf32>,
      %broadcast_in_dim3A_1719 = arith.constant 0 : i32
      %broadcast_in_dim3A_1720 = vector.broadcast %broadcast_in_dim3A_1719 : i32 to vector<16xi32>
      tpu.vector_store_idx %arg5[%add3A_1700, %broadcast_in_dim3A_1720], %gather3A_1718 : memref<272x2xf32, #tpu.memory_space<vmem>>[vector<16xi32>, vector<16xi32>], vector<16xf32>,
      %broadcast_in_dim3A_1721 = arith.constant 1 : i32
      %broadcast_in_dim3A_1722 = vector.broadcast %broadcast_in_dim3A_1721 : i32 to vector<16xi32>
      tpu.vector_store_idx %arg5[%add3A_1700, %broadcast_in_dim3A_1722], %gather3A_1718 : memref<272x2xf32, #tpu.memory_space<vmem>>[vector<16xi32>, vector<16xi32>], vector<16xf32>,
      %iota3A_1723 = tpu.iota {dimensions = array<i32: 0>} : vector<16xi32>
      %add3A_1724 = arith.constant 208 : i32
      %add3A_1725 = vector.broadcast %add3A_1724 : i32 to vector<16xi32>
      %add3A_1726 = arith.addi %iota3A_1723, %add3A_1725 : vector<16xi32>
      %sub3A_1727 = arith.constant 1 : i32
      %sub3A_1728 = vector.broadcast %sub3A_1727 : i32 to vector<16xi32>
      %sub3A_1729 = arith.subi %add3A_1726, %sub3A_1728 : vector<16xi32>
      %jit3A_1730 = arith.constant 0 : i32
      %jit3A_1731 = arith.constant 255 : i32
      %max3A_1732 = vector.broadcast %jit3A_1730 : i32 to vector<16xi32>
      %max3A_1733 = arith.maxsi %max3A_1732, %sub3A_1729 : vector<16xi32>
      %min3A_1734 = vector.broadcast %jit3A_1731 : i32 to vector<16xi32>
      %min3A_1735 = arith.minsi %min3A_1734, %max3A_1733 : vector<16xi32>
      %mul3A_1736 = arith.constant 2 : i32
      %mul3A_1737 = vector.broadcast %mul3A_1736 : i32 to vector<16xi32>
      %mul3A_1738 = arith.muli %mul3A_1737, %min3A_1735 : vector<16xi32>
      %add3A_1739 = arith.constant 1 : i32
      %add3A_1740 = vector.broadcast %add3A_1739 : i32 to vector<16xi32>
      %add3A_1741 = arith.addi %mul3A_1738, %add3A_1740 : vector<16xi32>
      %broadcast_in_dim3A_1742 = arith.constant 127 : i32
      %broadcast_in_dim3A_1743 = vector.broadcast %broadcast_in_dim3A_1742 : i32 to vector<16xi32>
      %gather3A_1744 = tpu.vector_load_idx %arg4[%add3A_1741, %broadcast_in_dim3A_1743] : memref<512x128xf32, #tpu.memory_space<vmem>>[vector<16xi32>, vector<16xi32>], vector<16xf32>,
      %broadcast_in_dim3A_1745 = arith.constant 0 : i32
      %broadcast_in_dim3A_1746 = vector.broadcast %broadcast_in_dim3A_1745 : i32 to vector<16xi32>
      tpu.vector_store_idx %arg5[%add3A_1726, %broadcast_in_dim3A_1746], %gather3A_1744 : memref<272x2xf32, #tpu.memory_space<vmem>>[vector<16xi32>, vector<16xi32>], vector<16xf32>,
      %broadcast_in_dim3A_1747 = arith.constant 1 : i32
      %broadcast_in_dim3A_1748 = vector.broadcast %broadcast_in_dim3A_1747 : i32 to vector<16xi32>
      tpu.vector_store_idx %arg5[%add3A_1726, %broadcast_in_dim3A_1748], %gather3A_1744 : memref<272x2xf32, #tpu.memory_space<vmem>>[vector<16xi32>, vector<16xi32>], vector<16xf32>,
      %iota3A_1749 = tpu.iota {dimensions = array<i32: 0>} : vector<16xi32>
      %add3A_1750 = arith.constant 224 : i32
      %add3A_1751 = vector.broadcast %add3A_1750 : i32 to vector<16xi32>
      %add3A_1752 = arith.addi %iota3A_1749, %add3A_1751 : vector<16xi32>
      %sub3A_1753 = arith.constant 1 : i32
      %sub3A_1754 = vector.broadcast %sub3A_1753 : i32 to vector<16xi32>
      %sub3A_1755 = arith.subi %add3A_1752, %sub3A_1754 : vector<16xi32>
      %jit3A_1756 = arith.constant 0 : i32
      %jit3A_1757 = arith.constant 255 : i32
      %max3A_1758 = vector.broadcast %jit3A_1756 : i32 to vector<16xi32>
      %max3A_1759 = arith.maxsi %max3A_1758, %sub3A_1755 : vector<16xi32>
      %min3A_1760 = vector.broadcast %jit3A_1757 : i32 to vector<16xi32>
      %min3A_1761 = arith.minsi %min3A_1760, %max3A_1759 : vector<16xi32>
      %mul3A_1762 = arith.constant 2 : i32
      %mul3A_1763 = vector.broadcast %mul3A_1762 : i32 to vector<16xi32>
      %mul3A_1764 = arith.muli %mul3A_1763, %min3A_1761 : vector<16xi32>
      %add3A_1765 = arith.constant 1 : i32
      %add3A_1766 = vector.broadcast %add3A_1765 : i32 to vector<16xi32>
      %add3A_1767 = arith.addi %mul3A_1764, %add3A_1766 : vector<16xi32>
      %broadcast_in_dim3A_1768 = arith.constant 127 : i32
      %broadcast_in_dim3A_1769 = vector.broadcast %broadcast_in_dim3A_1768 : i32 to vector<16xi32>
      %gather3A_1770 = tpu.vector_load_idx %arg4[%add3A_1767, %broadcast_in_dim3A_1769] : memref<512x128xf32, #tpu.memory_space<vmem>>[vector<16xi32>, vector<16xi32>], vector<16xf32>,
      %broadcast_in_dim3A_1771 = arith.constant 0 : i32
      %broadcast_in_dim3A_1772 = vector.broadcast %broadcast_in_dim3A_1771 : i32 to vector<16xi32>
      tpu.vector_store_idx %arg5[%add3A_1752, %broadcast_in_dim3A_1772], %gather3A_1770 : memref<272x2xf32, #tpu.memory_space<vmem>>[vector<16xi32>, vector<16xi32>], vector<16xf32>,
      %broadcast_in_dim3A_1773 = arith.constant 1 : i32
      %broadcast_in_dim3A_1774 = vector.broadcast %broadcast_in_dim3A_1773 : i32 to vector<16xi32>
      tpu.vector_store_idx %arg5[%add3A_1752, %broadcast_in_dim3A_1774], %gather3A_1770 : memref<272x2xf32, #tpu.memory_space<vmem>>[vector<16xi32>, vector<16xi32>], vector<16xf32>,
      %iota3A_1775 = tpu.iota {dimensions = array<i32: 0>} : vector<16xi32>
      %add3A_1776 = arith.constant 240 : i32
      %add3A_1777 = vector.broadcast %add3A_1776 : i32 to vector<16xi32>
      %add3A_1778 = arith.addi %iota3A_1775, %add3A_1777 : vector<16xi32>
      %sub3A_1779 = arith.constant 1 : i32
      %sub3A_1780 = vector.broadcast %sub3A_1779 : i32 to vector<16xi32>
      %sub3A_1781 = arith.subi %add3A_1778, %sub3A_1780 : vector<16xi32>
      %jit3A_1782 = arith.constant 0 : i32
      %jit3A_1783 = arith.constant 255 : i32
      %max3A_1784 = vector.broadcast %jit3A_1782 : i32 to vector<16xi32>
      %max3A_1785 = arith.maxsi %max3A_1784, %sub3A_1781 : vector<16xi32>
      %min3A_1786 = vector.broadcast %jit3A_1783 : i32 to vector<16xi32>
      %min3A_1787 = arith.minsi %min3A_1786, %max3A_1785 : vector<16xi32>
      %mul3A_1788 = arith.constant 2 : i32
      %mul3A_1789 = vector.broadcast %mul3A_1788 : i32 to vector<16xi32>
      %mul3A_1790 = arith.muli %mul3A_1789, %min3A_1787 : vector<16xi32>
      %add3A_1791 = arith.constant 1 : i32
      %add3A_1792 = vector.broadcast %add3A_1791 : i32 to vector<16xi32>
      %add3A_1793 = arith.addi %mul3A_1790, %add3A_1792 : vector<16xi32>
      %broadcast_in_dim3A_1794 = arith.constant 127 : i32
      %broadcast_in_dim3A_1795 = vector.broadcast %broadcast_in_dim3A_1794 : i32 to vector<16xi32>
      %gather3A_1796 = tpu.vector_load_idx %arg4[%add3A_1793, %broadcast_in_dim3A_1795] : memref<512x128xf32, #tpu.memory_space<vmem>>[vector<16xi32>, vector<16xi32>], vector<16xf32>,
      %broadcast_in_dim3A_1797 = arith.constant 0 : i32
      %broadcast_in_dim3A_1798 = vector.broadcast %broadcast_in_dim3A_1797 : i32 to vector<16xi32>
      tpu.vector_store_idx %arg5[%add3A_1778, %broadcast_in_dim3A_1798], %gather3A_1796 : memref<272x2xf32, #tpu.memory_space<vmem>>[vector<16xi32>, vector<16xi32>], vector<16xf32>,
      %broadcast_in_dim3A_1799 = arith.constant 1 : i32
      %broadcast_in_dim3A_1800 = vector.broadcast %broadcast_in_dim3A_1799 : i32 to vector<16xi32>
      tpu.vector_store_idx %arg5[%add3A_1778, %broadcast_in_dim3A_1800], %gather3A_1796 : memref<272x2xf32, #tpu.memory_space<vmem>>[vector<16xi32>, vector<16xi32>], vector<16xf32>,
      %iota3A_1801 = tpu.iota {dimensions = array<i32: 0>} : vector<16xi32>
      %add3A_1802 = arith.constant 256 : i32
      %add3A_1803 = vector.broadcast %add3A_1802 : i32 to vector<16xi32>
      %add3A_1804 = arith.addi %iota3A_1801, %add3A_1803 : vector<16xi32>
      %sub3A_1805 = arith.constant 1 : i32
      %sub3A_1806 = vector.broadcast %sub3A_1805 : i32 to vector<16xi32>
      %sub3A_1807 = arith.subi %add3A_1804, %sub3A_1806 : vector<16xi32>
      %jit3A_1808 = arith.constant 0 : i32
      %jit3A_1809 = arith.constant 255 : i32
      %max3A_1810 = vector.broadcast %jit3A_1808 : i32 to vector<16xi32>
      %max3A_1811 = arith.maxsi %max3A_1810, %sub3A_1807 : vector<16xi32>
      %min3A_1812 = vector.broadcast %jit3A_1809 : i32 to vector<16xi32>
      %min3A_1813 = arith.minsi %min3A_1812, %max3A_1811 : vector<16xi32>
      %mul3A_1814 = arith.constant 2 : i32
      %mul3A_1815 = vector.broadcast %mul3A_1814 : i32 to vector<16xi32>
      %mul3A_1816 = arith.muli %mul3A_1815, %min3A_1813 : vector<16xi32>
      %add3A_1817 = arith.constant 1 : i32
      %add3A_1818 = vector.broadcast %add3A_1817 : i32 to vector<16xi32>
      %add3A_1819 = arith.addi %mul3A_1816, %add3A_1818 : vector<16xi32>
      %broadcast_in_dim3A_1820 = arith.constant 127 : i32
      %broadcast_in_dim3A_1821 = vector.broadcast %broadcast_in_dim3A_1820 : i32 to vector<16xi32>
      %gather3A_1822 = tpu.vector_load_idx %arg4[%add3A_1819, %broadcast_in_dim3A_1821] : memref<512x128xf32, #tpu.memory_space<vmem>>[vector<16xi32>, vector<16xi32>], vector<16xf32>,
      %broadcast_in_dim3A_1823 = arith.constant 0 : i32
      %broadcast_in_dim3A_1824 = vector.broadcast %broadcast_in_dim3A_1823 : i32 to vector<16xi32>
      tpu.vector_store_idx %arg5[%add3A_1804, %broadcast_in_dim3A_1824], %gather3A_1822 : memref<272x2xf32, #tpu.memory_space<vmem>>[vector<16xi32>, vector<16xi32>], vector<16xf32>,
      %broadcast_in_dim3A_1825 = arith.constant 1 : i32
      %broadcast_in_dim3A_1826 = vector.broadcast %broadcast_in_dim3A_1825 : i32 to vector<16xi32>
      tpu.vector_store_idx %arg5[%add3A_1804, %broadcast_in_dim3A_1826], %gather3A_1822 : memref<272x2xf32, #tpu.memory_space<vmem>>[vector<16xi32>, vector<16xi32>], vector<16xf32>,
      "tpu.region"() ({
        %run_scoped3A = tpu.sem_alloc : memref<!tpu.dma_semaphore, #tpu.memory_space<semaphore_mem>>
        %dma_start3A = arith.constant 0 : i32
        %dma_start3A_1827 = arith.constant 0 : i32
        %dma_start3A_1828 = tpu.memref_slice %arg5[%dma_start3A, %dma_start3A_1827] : memref<272x2xf32, #tpu.memory_space<vmem>> -> memref<258x2xf32, #tpu.memory_space<vmem>>
        %dma_start3A_1829 = arith.constant 0 : i32
        %dma_start3A_1830 = arith.constant 256 : i32
        %dma_start3A_1831 = tpu.memref_slice %arg3[%select_n3A, %add3A_1384, %dma_start3A_1829, %dma_start3A_1830] : memref<2x384x258x258xf32, #tpu.memory_space<hbm>> -> memref<1x1x258x2xf32, #tpu.memory_space<hbm>>
        %dma_start3A_1832 = tpu.memref_squeeze %dma_start3A_1831 : memref<1x1x258x2xf32, #tpu.memory_space<hbm>> -> memref<258x2xf32, #tpu.memory_space<hbm>>
        %dma_start3A_1833 = arith.constant 0 : i32
        %dma_start3A_1834 = arith.constant 256 : i32
        %dma_start3A_1835 = tpu.memref_slice %arg3[%select_n3A, %add3A_1384, %dma_start3A_1833, %dma_start3A_1834] : memref<2x384x258x258xf32, #tpu.memory_space<hbm>> -> memref<1x1x258x2xf32, #tpu.memory_space<hbm>>
        %dma_start3A_1836 = tpu.memref_squeeze %dma_start3A_1835 : memref<1x1x258x2xf32, #tpu.memory_space<hbm>> -> memref<258x2xf32, #tpu.memory_space<hbm>>
        %dma_start3A_1837 = arith.constant 0 : i32
        %dma_start3A_1838 = arith.constant 0 : i32
        %dma_start3A_1839 = tpu.memref_slice %arg5[%dma_start3A_1837, %dma_start3A_1838] : memref<272x2xf32, #tpu.memory_space<vmem>> -> memref<258x2xf32, #tpu.memory_space<vmem>>
        tpu.enqueue_dma source(%dma_start3A_1839 : memref<258x2xf32, #tpu.memory_space<vmem>>) target(%dma_start3A_1836 : memref<258x2xf32, #tpu.memory_space<hbm>>) target_semaphore(%run_scoped3A : memref<!tpu.dma_semaphore, #tpu.memory_space<semaphore_mem>>)
        %dma_wait3A = arith.constant 0 : i32
        %dma_wait3A_1840 = arith.constant 0 : i32
        %dma_wait3A_1841 = tpu.memref_slice %arg5[%dma_wait3A, %dma_wait3A_1840] : memref<272x2xf32, #tpu.memory_space<vmem>> -> memref<258x2xf32, #tpu.memory_space<vmem>>
        %dma_wait3A_1842 = arith.constant 0 : i32
        %dma_wait3A_1843 = arith.constant 256 : i32
        %dma_wait3A_1844 = tpu.memref_slice %arg3[%select_n3A, %add3A_1384, %dma_wait3A_1842, %dma_wait3A_1843] : memref<2x384x258x258xf32, #tpu.memory_space<hbm>> -> memref<1x1x258x2xf32, #tpu.memory_space<hbm>>
        %dma_wait3A_1845 = tpu.memref_squeeze %dma_wait3A_1844 : memref<1x1x258x2xf32, #tpu.memory_space<hbm>> -> memref<258x2xf32, #tpu.memory_space<hbm>>
        %dma_wait3A_1846 = arith.constant 0 : i32
        %dma_wait3A_1847 = arith.constant 256 : i32
        %dma_wait3A_1848 = tpu.memref_slice %arg3[%select_n3A, %add3A_1384, %dma_wait3A_1846, %dma_wait3A_1847] : memref<2x384x258x258xf32, #tpu.memory_space<hbm>> -> memref<1x1x258x2xf32, #tpu.memory_space<hbm>>
        %dma_wait3A_1849 = tpu.memref_squeeze %dma_wait3A_1848 : memref<1x1x258x2xf32, #tpu.memory_space<hbm>> -> memref<258x2xf32, #tpu.memory_space<hbm>>
        %dma_wait3A_1850 = arith.constant 0 : i32
        %dma_wait3A_1851 = arith.constant 0 : i32
        %dma_wait3A_1852 = tpu.memref_slice %arg5[%dma_wait3A_1850, %dma_wait3A_1851] : memref<272x2xf32, #tpu.memory_space<vmem>> -> memref<258x2xf32, #tpu.memory_space<vmem>>
        tpu.wait_dma2 semaphore(%run_scoped3A : memref<!tpu.dma_semaphore, #tpu.memory_space<semaphore_mem>>) src(%dma_wait3A_1852 : memref<258x2xf32, #tpu.memory_space<vmem>>) dst(%dma_wait3A_1849 : memref<258x2xf32, #tpu.memory_space<hbm>>)
        tpu.yield
      }) : () -> ()
    }
    %scan3A_5 = arith.constant 6 : i32
    return
  }
}

module attributes {stable_mosaic.version = 14 : i64} {
  func.func @_tc_bulk_kernel(%arg0: i32, %arg1: i32, %arg2: memref<1x6x512x512xf32, #tpu.memory_space<vmem>>, %arg3: memref<2x384x258x258xf32, #tpu.memory_space<any>>, %arg4: memref<1x24x258x256xf32, #tpu.memory_space<vmem>>) attributes {dimension_semantics = [#tpu.dimension_semantics<parallel>, #tpu.dimension_semantics<parallel>], iteration_bounds = array<i64: 2, 16>, scalar_prefetch = 0 : i64, scratch_operands = 0 : i64, tpu.core_type = #tpu.core_type<tc>, window_params = [{transform_indices = @transform_0, window_bounds = array<i64: 1, 6, 512, 512>}, {}, {transform_indices = @transform_2, window_bounds = array<i64: 1, 24, 258, 256>}]} {
    %iota3A = tpu.iota {dimensions = array<i32: 0>} : vector<256x256xi32>
    %iota3A_0 = tpu.iota {dimensions = array<i32: 1>} : vector<256x256xi32>
    %jit3A = arith.constant 128 : i32
    %eq3A = arith.constant 0 : i32
    %eq3A_1 = arith.cmpi eq, %jit3A, %eq3A : i32
    %jit3A_2 = arith.constant 1 : i32
    %select_n3A = arith.select %eq3A_1, %jit3A_2, %jit3A : i32
    %rem3A = vector.broadcast %select_n3A : i32 to vector<256x256xi32>
    %rem3A_3 = arith.remsi %iota3A_0, %rem3A : vector<256x256xi32>
    %ne3A = arith.constant 0 : i32
    %ne3A_4 = vector.broadcast %ne3A : i32 to vector<256x256xi32>
    %ne3A_5 = arith.cmpi ne, %rem3A_3, %ne3A_4 : vector<256x256xi32>
    %lt3A = arith.constant 0 : i32
    %lt3A_6 = vector.broadcast %lt3A : i32 to vector<256x256xi32>
    %lt3A_7 = arith.cmpi slt, %rem3A_3, %lt3A_6 : vector<256x256xi32>
    %lt3A_8 = arith.constant 0 : i32
    %lt3A_9 = arith.cmpi slt, %select_n3A, %lt3A_8 : i32
    %ne3A_10 = vector.broadcast %lt3A_9 : i1 to vector<256x256xi1>
    %ne3A_11 = vector.broadcast %ne3A_10 : vector<256x256xi1> to vector<256x256xi1>
    %ne3A_12 = arith.xori %lt3A_7, %ne3A_11 : vector<256x256xi1>
    %and3A = arith.andi %ne3A_12, %ne3A_5 : vector<256x256xi1>
    %add3A = vector.broadcast %select_n3A : i32 to vector<256x256xi32>
    %add3A_13 = arith.addi %rem3A_3, %add3A : vector<256x256xi32>
    %select_n3A_14 = arith.select %and3A, %add3A_13, %rem3A_3 : vector<256x256xi1>, vector<256x256xi32>
    %mul3A = arith.constant 2 : i32
    %mul3A_15 = vector.broadcast %mul3A : i32 to vector<256x256xi32>
    %mul3A_16 = arith.muli %mul3A_15, %select_n3A_14 : vector<256x256xi32>
    %jit3A_17 = arith.constant 128 : i32
    %div3A = vector.broadcast %jit3A_17 : i32 to vector<256x256xi32>
    %div3A_18 = arith.divsi %iota3A_0, %div3A : vector<256x256xi32>
    %sign3A = arith.constant 0 : i32
    %sign3A_19 = vector.broadcast %sign3A : i32 to vector<256x256xi32>
    %sign3A_20 = arith.cmpi sgt, %iota3A_0, %sign3A_19 : vector<256x256xi32>
    %sign3A_21 = arith.extui %sign3A_20 : vector<256x256xi1> to vector<256x256xi32>
    %sign3A_22 = arith.constant 0 : i32
    %sign3A_23 = vector.broadcast %sign3A_22 : i32 to vector<256x256xi32>
    %sign3A_24 = arith.cmpi slt, %iota3A_0, %sign3A_23 : vector<256x256xi32>
    %sign3A_25 = arith.extui %sign3A_24 : vector<256x256xi1> to vector<256x256xi32>
    %sign3A_26 = arith.subi %sign3A_21, %sign3A_25 : vector<256x256xi32>
    %sign3A_27 = arith.constant 0 : i32
    %sign3A_28 = arith.cmpi sgt, %jit3A_17, %sign3A_27 : i32
    %sign3A_29 = arith.extui %sign3A_28 : i1 to i32
    %sign3A_30 = arith.constant 0 : i32
    %sign3A_31 = arith.cmpi slt, %jit3A_17, %sign3A_30 : i32
    %sign3A_32 = arith.extui %sign3A_31 : i1 to i32
    %sign3A_33 = arith.subi %sign3A_29, %sign3A_32 : i32
    %ne3A_34 = vector.broadcast %sign3A_33 : i32 to vector<256x256xi32>
    %ne3A_35 = arith.cmpi ne, %sign3A_26, %ne3A_34 : vector<256x256xi32>
    %rem3A_36 = vector.broadcast %jit3A_17 : i32 to vector<256x256xi32>
    %rem3A_37 = arith.remsi %iota3A_0, %rem3A_36 : vector<256x256xi32>
    %ne3A_38 = arith.constant 0 : i32
    %ne3A_39 = vector.broadcast %ne3A_38 : i32 to vector<256x256xi32>
    %ne3A_40 = arith.cmpi ne, %rem3A_37, %ne3A_39 : vector<256x256xi32>
    %and3A_41 = arith.andi %ne3A_35, %ne3A_40 : vector<256x256xi1>
    %sub3A = arith.constant 1 : i32
    %sub3A_42 = vector.broadcast %sub3A : i32 to vector<256x256xi32>
    %sub3A_43 = arith.subi %div3A_18, %sub3A_42 : vector<256x256xi32>
    %select_n3A_44 = arith.select %and3A_41, %sub3A_43, %div3A_18 : vector<256x256xi1>, vector<256x256xi32>
    %add3A_45 = arith.addi %mul3A_16, %select_n3A_44 : vector<256x256xi32>
    %eq3A_46 = arith.cmpi eq, %iota3A, %add3A_45 : vector<256x256xi32>
    %convert_element_type3A = arith.extui %eq3A_46 : vector<256x256xi1> to vector<256x256xi32>
    %convert_element_type3A_47 = arith.sitofp %convert_element_type3A : vector<256x256xi32> to vector<256x256xf32>
    %convert_element_type3A_48 = arith.truncf %convert_element_type3A_47 : vector<256x256xf32> to vector<256x256xbf16>
    %get3A = arith.constant 0 : index
    %get3A_49 = arith.constant 0 : index
    %get3A_50 = arith.constant 0 : index
    %get3A_51 = arith.constant 0 : index
    %get3A_52 = vector.load %arg2[%get3A, %get3A_49, %get3A_50, %get3A_51] : memref<1x6x512x512xf32, #tpu.memory_space<vmem>>, vector<1x1x512x512xf32>
    %get3A_53 = vector.shape_cast %get3A_52 : vector<1x1x512x512xf32> to vector<512x512xf32>
    %convert_element_type3A_54 = arith.truncf %get3A_53 : vector<512x512xf32> to vector<512x512xbf16>
    %convert_element_type3A_55 = arith.extf %convert_element_type3A_54 : vector<512x512xbf16> to vector<512x512xf32>
    %sub3A_56 = arith.subf %get3A_53, %convert_element_type3A_55 : vector<512x512xf32>
    %convert_element_type3A_57 = arith.truncf %sub3A_56 : vector<512x512xf32> to vector<512x512xbf16>
    %slice3A = vector.extract_strided_slice %convert_element_type3A_54 {offsets = [0, 0], sizes = [512, 256], strides = [1, 1]} : vector<512x512xbf16> to vector<512x256xbf16>
    %dot_general3A = arith.constant dense<0.000000e+00> : vector<512x256xf32>
    %dot_general3A_58 = tpu.matmul %slice3A, %convert_element_type3A_48, %dot_general3A {dimension_numbers = #tpu.dot_dimension_numbers<[1], [0], [0], [1], [0, 0, 1, 1], [], []>, transpose_lhs_hint = false} : vector<512x256xbf16>, vector<256x256xbf16>, vector<512x256xf32> -> vector<512x256xf32>
    %slice3A_59 = vector.extract_strided_slice %convert_element_type3A_57 {offsets = [0, 0], sizes = [512, 256], strides = [1, 1]} : vector<512x512xbf16> to vector<512x256xbf16>
    %dot_general3A_60 = arith.constant dense<0.000000e+00> : vector<512x256xf32>
    %dot_general3A_61 = tpu.matmul %slice3A_59, %convert_element_type3A_48, %dot_general3A_60 {dimension_numbers = #tpu.dot_dimension_numbers<[1], [0], [0], [1], [0, 0, 1, 1], [], []>, transpose_lhs_hint = false} : vector<512x256xbf16>, vector<256x256xbf16>, vector<512x256xf32> -> vector<512x256xf32>
    %add3A_62 = arith.addf %dot_general3A_58, %dot_general3A_61 : vector<512x256xf32>
    %slice3A_63 = vector.extract_strided_slice %convert_element_type3A_54 {offsets = [0, 256], sizes = [512, 256], strides = [1, 1]} : vector<512x512xbf16> to vector<512x256xbf16>
    %dot_general3A_64 = arith.constant dense<0.000000e+00> : vector<512x256xf32>
    %dot_general3A_65 = tpu.matmul %slice3A_63, %convert_element_type3A_48, %dot_general3A_64 {dimension_numbers = #tpu.dot_dimension_numbers<[1], [0], [0], [1], [0, 0, 1, 1], [], []>, transpose_lhs_hint = false} : vector<512x256xbf16>, vector<256x256xbf16>, vector<512x256xf32> -> vector<512x256xf32>
    %slice3A_66 = vector.extract_strided_slice %convert_element_type3A_57 {offsets = [0, 256], sizes = [512, 256], strides = [1, 1]} : vector<512x512xbf16> to vector<512x256xbf16>
    %dot_general3A_67 = arith.constant dense<0.000000e+00> : vector<512x256xf32>
    %dot_general3A_68 = tpu.matmul %slice3A_66, %convert_element_type3A_48, %dot_general3A_67 {dimension_numbers = #tpu.dot_dimension_numbers<[1], [0], [0], [1], [0, 0, 1, 1], [], []>, transpose_lhs_hint = false} : vector<512x256xbf16>, vector<256x256xbf16>, vector<512x256xf32> -> vector<512x256xf32>
    %add3A_69 = arith.addf %dot_general3A_65, %dot_general3A_68 : vector<512x256xf32>
    %concatenate3A = tpu.concatenate %add3A_62, %add3A_69 in 1 : vector<512x256xf32>, vector<512x256xf32> -> vector<512x512xf32>
    %reshape3A = vector.shape_cast %concatenate3A : vector<512x512xf32> to vector<32x2x8x512xf32>
    %slice3A_70 = vector.extract_strided_slice %reshape3A {offsets = [0, 0, 0, 0], sizes = [32, 1, 8, 512], strides = [1, 1, 1, 1]} : vector<32x2x8x512xf32> to vector<32x1x8x512xf32>
    %squeeze3A = vector.shape_cast %slice3A_70 : vector<32x1x8x512xf32> to vector<32x8x512xf32>
    %slice3A_71 = vector.extract_strided_slice %reshape3A {offsets = [0, 1, 0, 0], sizes = [32, 1, 8, 512], strides = [1, 1, 1, 1]} : vector<32x2x8x512xf32> to vector<32x1x8x512xf32>
    %squeeze3A_72 = vector.shape_cast %slice3A_71 : vector<32x1x8x512xf32> to vector<32x8x512xf32>
    %slice3A_73 = vector.extract_strided_slice %squeeze3A_72 {offsets = [31, 0, 0], sizes = [1, 8, 512], strides = [1, 1, 1]} : vector<32x8x512xf32> to vector<1x8x512xf32>
    %slice3A_74 = vector.extract_strided_slice %squeeze3A_72 {offsets = [0, 0, 0], sizes = [31, 8, 512], strides = [1, 1, 1]} : vector<32x8x512xf32> to vector<31x8x512xf32>
    %concatenate3A_75 = tpu.concatenate %slice3A_73, %slice3A_74 in 0 : vector<1x8x512xf32>, vector<31x8x512xf32> -> vector<32x8x512xf32>
    %iota3A_76 = tpu.iota {dimensions = array<i32: 1>} : vector<32x8x512xi32>
    %iota3A_77 = tpu.iota {dimensions = array<i32: 0>} : vector<256x512xi32>
    %mul3A_78 = arith.constant 2 : i32
    %mul3A_79 = vector.broadcast %mul3A_78 : i32 to vector<32x8x512xi32>
    %mul3A_80 = arith.muli %mul3A_79, %iota3A_76 : vector<32x8x512xi32>
    %sub3A_81 = arith.constant 2 : i32
    %sub3A_82 = vector.broadcast %sub3A_81 : i32 to vector<32x8x512xi32>
    %sub3A_83 = arith.subi %mul3A_80, %sub3A_82 : vector<32x8x512xi32>
    %add3A_84 = arith.constant 0 : i32
    %add3A_85 = vector.broadcast %add3A_84 : i32 to vector<32x8x512xi32>
    %add3A_86 = arith.addi %sub3A_83, %add3A_85 : vector<32x8x512xi32>
    %jit3A_87 = arith.constant 8 : i32
    %eq3A_88 = arith.constant 0 : i32
    %eq3A_89 = arith.cmpi eq, %jit3A_87, %eq3A_88 : i32
    %jit3A_90 = arith.constant 1 : i32
    %select_n3A_91 = arith.select %eq3A_89, %jit3A_90, %jit3A_87 : i32
    %rem3A_92 = vector.broadcast %select_n3A_91 : i32 to vector<32x8x512xi32>
    %rem3A_93 = arith.remsi %add3A_86, %rem3A_92 : vector<32x8x512xi32>
    %ne3A_94 = arith.constant 0 : i32
    %ne3A_95 = vector.broadcast %ne3A_94 : i32 to vector<32x8x512xi32>
    %ne3A_96 = arith.cmpi ne, %rem3A_93, %ne3A_95 : vector<32x8x512xi32>
    %lt3A_97 = arith.constant 0 : i32
    %lt3A_98 = vector.broadcast %lt3A_97 : i32 to vector<32x8x512xi32>
    %lt3A_99 = arith.cmpi slt, %rem3A_93, %lt3A_98 : vector<32x8x512xi32>
    %lt3A_100 = arith.constant 0 : i32
    %lt3A_101 = arith.cmpi slt, %select_n3A_91, %lt3A_100 : i32
    %ne3A_102 = vector.broadcast %lt3A_101 : i1 to vector<32x8x512xi1>
    %ne3A_103 = vector.broadcast %ne3A_102 : vector<32x8x512xi1> to vector<32x8x512xi1>
    %ne3A_104 = arith.xori %lt3A_99, %ne3A_103 : vector<32x8x512xi1>
    %and3A_105 = arith.andi %ne3A_104, %ne3A_96 : vector<32x8x512xi1>
    %add3A_106 = vector.broadcast %select_n3A_91 : i32 to vector<32x8x512xi32>
    %add3A_107 = arith.addi %rem3A_93, %add3A_106 : vector<32x8x512xi32>
    %select_n3A_108 = arith.select %and3A_105, %add3A_107, %rem3A_93 : vector<32x8x512xi1>, vector<32x8x512xi32>
    %eq3A_109 = arith.constant 0 : i32
    %eq3A_110 = vector.broadcast %eq3A_109 : i32 to vector<32x8x512xi32>
    %eq3A_111 = arith.cmpi eq, %iota3A_76, %eq3A_110 : vector<32x8x512xi32>
    %lt3A_112 = arith.constant 0 : i32
    %lt3A_113 = vector.broadcast %lt3A_112 : i32 to vector<32x8x512xi32>
    %lt3A_114 = arith.cmpi slt, %select_n3A_108, %lt3A_113 : vector<32x8x512xi32>
    %add3A_115 = arith.constant 8 : i32
    %add3A_116 = vector.broadcast %add3A_115 : i32 to vector<32x8x512xi32>
    %add3A_117 = arith.addi %select_n3A_108, %add3A_116 : vector<32x8x512xi32>
    %select_n3A_118 = arith.select %lt3A_114, %add3A_117, %select_n3A_108 : vector<32x8x512xi1>, vector<32x8x512xi32>
    %reshape3A_119 = vector.shape_cast %select_n3A_118 : vector<32x8x512xi32> to vector<32x8x512x1xi32>
    %gather3A = vector.shape_cast %reshape3A_119 : vector<32x8x512x1xi32> to vector<32x8x512xi32>
    %gather3A_120 = tpu.dynamic_gather %concatenate3A_75[%gather3A] in [1] : vector<32x8x512xf32>, vector<32x8x512xi32> -> vector<32x8x512xf32>
    %le3A = arith.constant 4 : i32
    %le3A_121 = vector.broadcast %le3A : i32 to vector<32x8x512xi32>
    %le3A_122 = arith.cmpi sle, %iota3A_76, %le3A_121 : vector<32x8x512xi32>
    %lt3A_123 = arith.constant 0 : i32
    %lt3A_124 = vector.broadcast %lt3A_123 : i32 to vector<32x8x512xi32>
    %lt3A_125 = arith.cmpi slt, %select_n3A_108, %lt3A_124 : vector<32x8x512xi32>
    %add3A_126 = arith.constant 8 : i32
    %add3A_127 = vector.broadcast %add3A_126 : i32 to vector<32x8x512xi32>
    %add3A_128 = arith.addi %select_n3A_108, %add3A_127 : vector<32x8x512xi32>
    %select_n3A_129 = arith.select %lt3A_125, %add3A_128, %select_n3A_108 : vector<32x8x512xi1>, vector<32x8x512xi32>
    %reshape3A_130 = vector.shape_cast %select_n3A_129 : vector<32x8x512xi32> to vector<32x8x512x1xi32>
    %gather3A_131 = vector.shape_cast %reshape3A_130 : vector<32x8x512x1xi32> to vector<32x8x512xi32>
    %gather3A_132 = tpu.dynamic_gather %squeeze3A[%gather3A_131] in [1] : vector<32x8x512xf32>, vector<32x8x512xi32> -> vector<32x8x512xf32>
    %lt3A_133 = arith.constant 0 : i32
    %lt3A_134 = vector.broadcast %lt3A_133 : i32 to vector<32x8x512xi32>
    %lt3A_135 = arith.cmpi slt, %select_n3A_108, %lt3A_134 : vector<32x8x512xi32>
    %add3A_136 = arith.constant 8 : i32
    %add3A_137 = vector.broadcast %add3A_136 : i32 to vector<32x8x512xi32>
    %add3A_138 = arith.addi %select_n3A_108, %add3A_137 : vector<32x8x512xi32>
    %select_n3A_139 = arith.select %lt3A_135, %add3A_138, %select_n3A_108 : vector<32x8x512xi1>, vector<32x8x512xi32>
    %reshape3A_140 = vector.shape_cast %select_n3A_139 : vector<32x8x512xi32> to vector<32x8x512x1xi32>
    %gather3A_141 = vector.shape_cast %reshape3A_140 : vector<32x8x512x1xi32> to vector<32x8x512xi32>
    %gather3A_142 = tpu.dynamic_gather %squeeze3A_72[%gather3A_141] in [1] : vector<32x8x512xf32>, vector<32x8x512xi32> -> vector<32x8x512xf32>
    %select_n3A_143 = arith.select %le3A_122, %gather3A_132, %gather3A_142 : vector<32x8x512xi1>, vector<32x8x512xf32>
    %select_n3A_144 = arith.select %eq3A_111, %gather3A_120, %select_n3A_143 : vector<32x8x512xi1>, vector<32x8x512xf32>
    %reshape3A_145 = vector.shape_cast %select_n3A_144 : vector<32x8x512xf32> to vector<256x512xf32>
    %eq3A_146 = arith.constant 0 : i32
    %eq3A_147 = vector.broadcast %eq3A_146 : i32 to vector<256x512xi32>
    %eq3A_148 = arith.cmpi eq, %iota3A_77, %eq3A_147 : vector<256x512xi32>
    %slice3A_149 = vector.extract_strided_slice %concatenate3A {offsets = [0, 0], sizes = [1, 512], strides = [1, 1]} : vector<512x512xf32> to vector<1x512xf32>
    %broadcast_in_dim3A = vector.shape_cast %slice3A_149 : vector<1x512xf32> to vector<1x512xf32>
    %broadcast_in_dim3A_150 = vector.broadcast %broadcast_in_dim3A : vector<1x512xf32> to vector<256x512xf32>
    %select_n3A_151 = arith.select %eq3A_148, %broadcast_in_dim3A_150, %reshape3A_145 : vector<256x512xi1>, vector<256x512xf32>
    %slice3A_152 = vector.extract_strided_slice %concatenate3A {offsets = [510, 0], sizes = [1, 512], strides = [1, 1]} : vector<512x512xf32> to vector<1x512xf32>
    %broadcast_in_dim3A_153 = vector.shape_cast %slice3A_152 : vector<1x512xf32> to vector<1x512xf32>
    %broadcast_in_dim3A_154 = vector.broadcast %broadcast_in_dim3A_153 : vector<1x512xf32> to vector<2x512xf32>
    %concatenate3A_155 = tpu.concatenate %select_n3A_151, %broadcast_in_dim3A_154 in 0 : vector<256x512xf32>, vector<2x512xf32> -> vector<258x512xf32>
    %slice3A_156 = vector.extract_strided_slice %concatenate3A_155 {offsets = [0, 0], sizes = [258, 128], strides = [1, 1]} : vector<258x512xf32> to vector<258x128xf32>
    %slice3A_157 = vector.extract_strided_slice %concatenate3A_155 {offsets = [0, 256], sizes = [258, 128], strides = [1, 1]} : vector<258x512xf32> to vector<258x128xf32>
    %concatenate3A_158 = tpu.concatenate %slice3A_156, %slice3A_157 in 1 : vector<258x128xf32>, vector<258x128xf32> -> vector<258x256xf32>
    %slice3A_159 = vector.extract_strided_slice %concatenate3A_158 {offsets = [0, 0], sizes = [258, 1], strides = [1, 1]} : vector<258x256xf32> to vector<258x1xf32>
    %slice3A_160 = vector.extract_strided_slice %concatenate3A_158 {offsets = [0, 0], sizes = [258, 255], strides = [1, 1]} : vector<258x256xf32> to vector<258x255xf32>
    %concatenate3A_161 = tpu.concatenate %slice3A_159, %slice3A_160 in 1 : vector<258x1xf32>, vector<258x255xf32> -> vector<258x256xf32>
    %swap3A = arith.constant 0 : i32
    %swap3A_162 = arith.constant 0 : i32
    %swap3A_163 = arith.constant 0 : i32
    %swap3A_164 = arith.constant 0 : i32
    %swap3A_165 = tpu.memref_slice %arg4[%swap3A, %swap3A_162, %swap3A_163, %swap3A_164] : memref<1x24x258x256xf32, #tpu.memory_space<vmem>> -> memref<1x4x258x256xf32, #tpu.memory_space<vmem>>
    %swap3A_166 = tpu.memref_squeeze %swap3A_165 : memref<1x4x258x256xf32, #tpu.memory_space<vmem>> -> memref<4x258x256xf32, #tpu.memory_space<vmem>>
    %swap3A_167 = arith.constant 0 : index
    %swap3A_168 = arith.constant 0 : index
    %swap3A_169 = arith.constant 0 : index
    %swap3A_170 = vector.load %swap3A_166[%swap3A_167, %swap3A_168, %swap3A_169] : memref<4x258x256xf32, #tpu.memory_space<vmem>>, vector<1x258x256xf32>
    %swap3A_171 = vector.shape_cast %swap3A_170 : vector<1x258x256xf32> to vector<258x256xf32>
    %swap3A_172 = vector.shape_cast %concatenate3A_161 : vector<258x256xf32> to vector<1x258x256xf32>
    tpu.vector_store %swap3A_166[%swap3A_167, %swap3A_168, %swap3A_169], %swap3A_172 {strides = array<i32>} : memref<4x258x256xf32, #tpu.memory_space<vmem>>, vector<1x258x256xf32>,
    %slice3A_173 = vector.extract_strided_slice %concatenate3A_155 {offsets = [0, 128], sizes = [258, 128], strides = [1, 1]} : vector<258x512xf32> to vector<258x128xf32>
    %slice3A_174 = vector.extract_strided_slice %concatenate3A_155 {offsets = [0, 384], sizes = [258, 128], strides = [1, 1]} : vector<258x512xf32> to vector<258x128xf32>
    %concatenate3A_175 = tpu.concatenate %slice3A_173, %slice3A_174 in 1 : vector<258x128xf32>, vector<258x128xf32> -> vector<258x256xf32>
    %slice3A_176 = vector.extract_strided_slice %concatenate3A_175 {offsets = [0, 0], sizes = [258, 1], strides = [1, 1]} : vector<258x256xf32> to vector<258x1xf32>
    %slice3A_177 = vector.extract_strided_slice %concatenate3A_175 {offsets = [0, 0], sizes = [258, 255], strides = [1, 1]} : vector<258x256xf32> to vector<258x255xf32>
    %concatenate3A_178 = tpu.concatenate %slice3A_176, %slice3A_177 in 1 : vector<258x1xf32>, vector<258x255xf32> -> vector<258x256xf32>
    %swap3A_179 = arith.constant 0 : i32
    %swap3A_180 = arith.constant 0 : i32
    %swap3A_181 = arith.constant 0 : i32
    %swap3A_182 = arith.constant 0 : i32
    %swap3A_183 = tpu.memref_slice %arg4[%swap3A_179, %swap3A_180, %swap3A_181, %swap3A_182] : memref<1x24x258x256xf32, #tpu.memory_space<vmem>> -> memref<1x4x258x256xf32, #tpu.memory_space<vmem>>
    %swap3A_184 = tpu.memref_squeeze %swap3A_183 : memref<1x4x258x256xf32, #tpu.memory_space<vmem>> -> memref<4x258x256xf32, #tpu.memory_space<vmem>>
    %swap3A_185 = arith.constant 1 : index
    %swap3A_186 = arith.constant 0 : index
    %swap3A_187 = arith.constant 0 : index
    %swap3A_188 = vector.load %swap3A_184[%swap3A_185, %swap3A_186, %swap3A_187] : memref<4x258x256xf32, #tpu.memory_space<vmem>>, vector<1x258x256xf32>
    %swap3A_189 = vector.shape_cast %swap3A_188 : vector<1x258x256xf32> to vector<258x256xf32>
    %swap3A_190 = vector.shape_cast %concatenate3A_178 : vector<258x256xf32> to vector<1x258x256xf32>
    tpu.vector_store %swap3A_184[%swap3A_185, %swap3A_186, %swap3A_187], %swap3A_190 {strides = array<i32>} : memref<4x258x256xf32, #tpu.memory_space<vmem>>, vector<1x258x256xf32>,
    %mul3A_191 = arith.constant 2 : i32
    %mul3A_192 = vector.broadcast %mul3A_191 : i32 to vector<32x8x512xi32>
    %mul3A_193 = arith.muli %mul3A_192, %iota3A_76 : vector<32x8x512xi32>
    %sub3A_194 = arith.constant 2 : i32
    %sub3A_195 = vector.broadcast %sub3A_194 : i32 to vector<32x8x512xi32>
    %sub3A_196 = arith.subi %mul3A_193, %sub3A_195 : vector<32x8x512xi32>
    %add3A_197 = arith.constant 1 : i32
    %add3A_198 = vector.broadcast %add3A_197 : i32 to vector<32x8x512xi32>
    %add3A_199 = arith.addi %sub3A_196, %add3A_198 : vector<32x8x512xi32>
    %jit3A_200 = arith.constant 8 : i32
    %eq3A_201 = arith.constant 0 : i32
    %eq3A_202 = arith.cmpi eq, %jit3A_200, %eq3A_201 : i32
    %jit3A_203 = arith.constant 1 : i32
    %select_n3A_204 = arith.select %eq3A_202, %jit3A_203, %jit3A_200 : i32
    %rem3A_205 = vector.broadcast %select_n3A_204 : i32 to vector<32x8x512xi32>
    %rem3A_206 = arith.remsi %add3A_199, %rem3A_205 : vector<32x8x512xi32>
    %ne3A_207 = arith.constant 0 : i32
    %ne3A_208 = vector.broadcast %ne3A_207 : i32 to vector<32x8x512xi32>
    %ne3A_209 = arith.cmpi ne, %rem3A_206, %ne3A_208 : vector<32x8x512xi32>
    %lt3A_210 = arith.constant 0 : i32
    %lt3A_211 = vector.broadcast %lt3A_210 : i32 to vector<32x8x512xi32>
    %lt3A_212 = arith.cmpi slt, %rem3A_206, %lt3A_211 : vector<32x8x512xi32>
    %lt3A_213 = arith.constant 0 : i32
    %lt3A_214 = arith.cmpi slt, %select_n3A_204, %lt3A_213 : i32
    %ne3A_215 = vector.broadcast %lt3A_214 : i1 to vector<32x8x512xi1>
    %ne3A_216 = vector.broadcast %ne3A_215 : vector<32x8x512xi1> to vector<32x8x512xi1>
    %ne3A_217 = arith.xori %lt3A_212, %ne3A_216 : vector<32x8x512xi1>
    %and3A_218 = arith.andi %ne3A_217, %ne3A_209 : vector<32x8x512xi1>
    %add3A_219 = vector.broadcast %select_n3A_204 : i32 to vector<32x8x512xi32>
    %add3A_220 = arith.addi %rem3A_206, %add3A_219 : vector<32x8x512xi32>
    %select_n3A_221 = arith.select %and3A_218, %add3A_220, %rem3A_206 : vector<32x8x512xi1>, vector<32x8x512xi32>
    %eq3A_222 = arith.constant 0 : i32
    %eq3A_223 = vector.broadcast %eq3A_222 : i32 to vector<32x8x512xi32>
    %eq3A_224 = arith.cmpi eq, %iota3A_76, %eq3A_223 : vector<32x8x512xi32>
    %lt3A_225 = arith.constant 0 : i32
    %lt3A_226 = vector.broadcast %lt3A_225 : i32 to vector<32x8x512xi32>
    %lt3A_227 = arith.cmpi slt, %select_n3A_221, %lt3A_226 : vector<32x8x512xi32>
    %add3A_228 = arith.constant 8 : i32
    %add3A_229 = vector.broadcast %add3A_228 : i32 to vector<32x8x512xi32>
    %add3A_230 = arith.addi %select_n3A_221, %add3A_229 : vector<32x8x512xi32>
    %select_n3A_231 = arith.select %lt3A_227, %add3A_230, %select_n3A_221 : vector<32x8x512xi1>, vector<32x8x512xi32>
    %reshape3A_232 = vector.shape_cast %select_n3A_231 : vector<32x8x512xi32> to vector<32x8x512x1xi32>
    %gather3A_233 = vector.shape_cast %reshape3A_232 : vector<32x8x512x1xi32> to vector<32x8x512xi32>
    %gather3A_234 = tpu.dynamic_gather %concatenate3A_75[%gather3A_233] in [1] : vector<32x8x512xf32>, vector<32x8x512xi32> -> vector<32x8x512xf32>
    %le3A_235 = arith.constant 4 : i32
    %le3A_236 = vector.broadcast %le3A_235 : i32 to vector<32x8x512xi32>
    %le3A_237 = arith.cmpi sle, %iota3A_76, %le3A_236 : vector<32x8x512xi32>
    %lt3A_238 = arith.constant 0 : i32
    %lt3A_239 = vector.broadcast %lt3A_238 : i32 to vector<32x8x512xi32>
    %lt3A_240 = arith.cmpi slt, %select_n3A_221, %lt3A_239 : vector<32x8x512xi32>
    %add3A_241 = arith.constant 8 : i32
    %add3A_242 = vector.broadcast %add3A_241 : i32 to vector<32x8x512xi32>
    %add3A_243 = arith.addi %select_n3A_221, %add3A_242 : vector<32x8x512xi32>
    %select_n3A_244 = arith.select %lt3A_240, %add3A_243, %select_n3A_221 : vector<32x8x512xi1>, vector<32x8x512xi32>
    %reshape3A_245 = vector.shape_cast %select_n3A_244 : vector<32x8x512xi32> to vector<32x8x512x1xi32>
    %gather3A_246 = vector.shape_cast %reshape3A_245 : vector<32x8x512x1xi32> to vector<32x8x512xi32>
    %gather3A_247 = tpu.dynamic_gather %squeeze3A[%gather3A_246] in [1] : vector<32x8x512xf32>, vector<32x8x512xi32> -> vector<32x8x512xf32>
    %lt3A_248 = arith.constant 0 : i32
    %lt3A_249 = vector.broadcast %lt3A_248 : i32 to vector<32x8x512xi32>
    %lt3A_250 = arith.cmpi slt, %select_n3A_221, %lt3A_249 : vector<32x8x512xi32>
    %add3A_251 = arith.constant 8 : i32
    %add3A_252 = vector.broadcast %add3A_251 : i32 to vector<32x8x512xi32>
    %add3A_253 = arith.addi %select_n3A_221, %add3A_252 : vector<32x8x512xi32>
    %select_n3A_254 = arith.select %lt3A_250, %add3A_253, %select_n3A_221 : vector<32x8x512xi1>, vector<32x8x512xi32>
    %reshape3A_255 = vector.shape_cast %select_n3A_254 : vector<32x8x512xi32> to vector<32x8x512x1xi32>
    %gather3A_256 = vector.shape_cast %reshape3A_255 : vector<32x8x512x1xi32> to vector<32x8x512xi32>
    %gather3A_257 = tpu.dynamic_gather %squeeze3A_72[%gather3A_256] in [1] : vector<32x8x512xf32>, vector<32x8x512xi32> -> vector<32x8x512xf32>
    %select_n3A_258 = arith.select %le3A_237, %gather3A_247, %gather3A_257 : vector<32x8x512xi1>, vector<32x8x512xf32>
    %select_n3A_259 = arith.select %eq3A_224, %gather3A_234, %select_n3A_258 : vector<32x8x512xi1>, vector<32x8x512xf32>
    %reshape3A_260 = vector.shape_cast %select_n3A_259 : vector<32x8x512xf32> to vector<256x512xf32>
    %eq3A_261 = arith.constant 0 : i32
    %eq3A_262 = vector.broadcast %eq3A_261 : i32 to vector<256x512xi32>
    %eq3A_263 = arith.cmpi eq, %iota3A_77, %eq3A_262 : vector<256x512xi32>
    %slice3A_264 = vector.extract_strided_slice %concatenate3A {offsets = [1, 0], sizes = [1, 512], strides = [1, 1]} : vector<512x512xf32> to vector<1x512xf32>
    %broadcast_in_dim3A_265 = vector.shape_cast %slice3A_264 : vector<1x512xf32> to vector<1x512xf32>
    %broadcast_in_dim3A_266 = vector.broadcast %broadcast_in_dim3A_265 : vector<1x512xf32> to vector<256x512xf32>
    %select_n3A_267 = arith.select %eq3A_263, %broadcast_in_dim3A_266, %reshape3A_260 : vector<256x512xi1>, vector<256x512xf32>
    %slice3A_268 = vector.extract_strided_slice %concatenate3A {offsets = [511, 0], sizes = [1, 512], strides = [1, 1]} : vector<512x512xf32> to vector<1x512xf32>
    %broadcast_in_dim3A_269 = vector.shape_cast %slice3A_268 : vector<1x512xf32> to vector<1x512xf32>
    %broadcast_in_dim3A_270 = vector.broadcast %broadcast_in_dim3A_269 : vector<1x512xf32> to vector<2x512xf32>
    %concatenate3A_271 = tpu.concatenate %select_n3A_267, %broadcast_in_dim3A_270 in 0 : vector<256x512xf32>, vector<2x512xf32> -> vector<258x512xf32>
    %slice3A_272 = vector.extract_strided_slice %concatenate3A_271 {offsets = [0, 0], sizes = [258, 128], strides = [1, 1]} : vector<258x512xf32> to vector<258x128xf32>
    %slice3A_273 = vector.extract_strided_slice %concatenate3A_271 {offsets = [0, 256], sizes = [258, 128], strides = [1, 1]} : vector<258x512xf32> to vector<258x128xf32>
    %concatenate3A_274 = tpu.concatenate %slice3A_272, %slice3A_273 in 1 : vector<258x128xf32>, vector<258x128xf32> -> vector<258x256xf32>
    %slice3A_275 = vector.extract_strided_slice %concatenate3A_274 {offsets = [0, 0], sizes = [258, 1], strides = [1, 1]} : vector<258x256xf32> to vector<258x1xf32>
    %slice3A_276 = vector.extract_strided_slice %concatenate3A_274 {offsets = [0, 0], sizes = [258, 255], strides = [1, 1]} : vector<258x256xf32> to vector<258x255xf32>
    %concatenate3A_277 = tpu.concatenate %slice3A_275, %slice3A_276 in 1 : vector<258x1xf32>, vector<258x255xf32> -> vector<258x256xf32>
    %swap3A_278 = arith.constant 0 : i32
    %swap3A_279 = arith.constant 0 : i32
    %swap3A_280 = arith.constant 0 : i32
    %swap3A_281 = arith.constant 0 : i32
    %swap3A_282 = tpu.memref_slice %arg4[%swap3A_278, %swap3A_279, %swap3A_280, %swap3A_281] : memref<1x24x258x256xf32, #tpu.memory_space<vmem>> -> memref<1x4x258x256xf32, #tpu.memory_space<vmem>>
    %swap3A_283 = tpu.memref_squeeze %swap3A_282 : memref<1x4x258x256xf32, #tpu.memory_space<vmem>> -> memref<4x258x256xf32, #tpu.memory_space<vmem>>
    %swap3A_284 = arith.constant 2 : index
    %swap3A_285 = arith.constant 0 : index
    %swap3A_286 = arith.constant 0 : index
    %swap3A_287 = vector.load %swap3A_283[%swap3A_284, %swap3A_285, %swap3A_286] : memref<4x258x256xf32, #tpu.memory_space<vmem>>, vector<1x258x256xf32>
    %swap3A_288 = vector.shape_cast %swap3A_287 : vector<1x258x256xf32> to vector<258x256xf32>
    %swap3A_289 = vector.shape_cast %concatenate3A_277 : vector<258x256xf32> to vector<1x258x256xf32>
    tpu.vector_store %swap3A_283[%swap3A_284, %swap3A_285, %swap3A_286], %swap3A_289 {strides = array<i32>} : memref<4x258x256xf32, #tpu.memory_space<vmem>>, vector<1x258x256xf32>,
    %slice3A_290 = vector.extract_strided_slice %concatenate3A_271 {offsets = [0, 128], sizes = [258, 128], strides = [1, 1]} : vector<258x512xf32> to vector<258x128xf32>
    %slice3A_291 = vector.extract_strided_slice %concatenate3A_271 {offsets = [0, 384], sizes = [258, 128], strides = [1, 1]} : vector<258x512xf32> to vector<258x128xf32>
    %concatenate3A_292 = tpu.concatenate %slice3A_290, %slice3A_291 in 1 : vector<258x128xf32>, vector<258x128xf32> -> vector<258x256xf32>
    %slice3A_293 = vector.extract_strided_slice %concatenate3A_292 {offsets = [0, 0], sizes = [258, 1], strides = [1, 1]} : vector<258x256xf32> to vector<258x1xf32>
    %slice3A_294 = vector.extract_strided_slice %concatenate3A_292 {offsets = [0, 0], sizes = [258, 255], strides = [1, 1]} : vector<258x256xf32> to vector<258x255xf32>
    %concatenate3A_295 = tpu.concatenate %slice3A_293, %slice3A_294 in 1 : vector<258x1xf32>, vector<258x255xf32> -> vector<258x256xf32>
    %swap3A_296 = arith.constant 0 : i32
    %swap3A_297 = arith.constant 0 : i32
    %swap3A_298 = arith.constant 0 : i32
    %swap3A_299 = arith.constant 0 : i32
    %swap3A_300 = tpu.memref_slice %arg4[%swap3A_296, %swap3A_297, %swap3A_298, %swap3A_299] : memref<1x24x258x256xf32, #tpu.memory_space<vmem>> -> memref<1x4x258x256xf32, #tpu.memory_space<vmem>>
    %swap3A_301 = tpu.memref_squeeze %swap3A_300 : memref<1x4x258x256xf32, #tpu.memory_space<vmem>> -> memref<4x258x256xf32, #tpu.memory_space<vmem>>
    %swap3A_302 = arith.constant 3 : index
    %swap3A_303 = arith.constant 0 : index
    %swap3A_304 = arith.constant 0 : index
    %swap3A_305 = vector.load %swap3A_301[%swap3A_302, %swap3A_303, %swap3A_304] : memref<4x258x256xf32, #tpu.memory_space<vmem>>, vector<1x258x256xf32>
    %swap3A_306 = vector.shape_cast %swap3A_305 : vector<1x258x256xf32> to vector<258x256xf32>
    %swap3A_307 = vector.shape_cast %concatenate3A_295 : vector<258x256xf32> to vector<1x258x256xf32>
    tpu.vector_store %swap3A_301[%swap3A_302, %swap3A_303, %swap3A_304], %swap3A_307 {strides = array<i32>} : memref<4x258x256xf32, #tpu.memory_space<vmem>>, vector<1x258x256xf32>,
    %get3A_308 = arith.constant 0 : index
    %get3A_309 = arith.constant 1 : index
    %get3A_310 = arith.constant 0 : index
    %get3A_311 = arith.constant 0 : index
    %get3A_312 = vector.load %arg2[%get3A_308, %get3A_309, %get3A_310, %get3A_311] : memref<1x6x512x512xf32, #tpu.memory_space<vmem>>, vector<1x1x512x512xf32>
    %get3A_313 = vector.shape_cast %get3A_312 : vector<1x1x512x512xf32> to vector<512x512xf32>
    %convert_element_type3A_314 = arith.truncf %get3A_313 : vector<512x512xf32> to vector<512x512xbf16>
    %convert_element_type3A_315 = arith.extf %convert_element_type3A_314 : vector<512x512xbf16> to vector<512x512xf32>
    %sub3A_316 = arith.subf %get3A_313, %convert_element_type3A_315 : vector<512x512xf32>
    %convert_element_type3A_317 = arith.truncf %sub3A_316 : vector<512x512xf32> to vector<512x512xbf16>
    %slice3A_318 = vector.extract_strided_slice %convert_element_type3A_314 {offsets = [0, 0], sizes = [512, 256], strides = [1, 1]} : vector<512x512xbf16> to vector<512x256xbf16>
    %dot_general3A_319 = arith.constant dense<0.000000e+00> : vector<512x256xf32>
    %dot_general3A_320 = tpu.matmul %slice3A_318, %convert_element_type3A_48, %dot_general3A_319 {dimension_numbers = #tpu.dot_dimension_numbers<[1], [0], [0], [1], [0, 0, 1, 1], [], []>, transpose_lhs_hint = false} : vector<512x256xbf16>, vector<256x256xbf16>, vector<512x256xf32> -> vector<512x256xf32>
    %slice3A_321 = vector.extract_strided_slice %convert_element_type3A_317 {offsets = [0, 0], sizes = [512, 256], strides = [1, 1]} : vector<512x512xbf16> to vector<512x256xbf16>
    %dot_general3A_322 = arith.constant dense<0.000000e+00> : vector<512x256xf32>
    %dot_general3A_323 = tpu.matmul %slice3A_321, %convert_element_type3A_48, %dot_general3A_322 {dimension_numbers = #tpu.dot_dimension_numbers<[1], [0], [0], [1], [0, 0, 1, 1], [], []>, transpose_lhs_hint = false} : vector<512x256xbf16>, vector<256x256xbf16>, vector<512x256xf32> -> vector<512x256xf32>
    %add3A_324 = arith.addf %dot_general3A_320, %dot_general3A_323 : vector<512x256xf32>
    %slice3A_325 = vector.extract_strided_slice %convert_element_type3A_314 {offsets = [0, 256], sizes = [512, 256], strides = [1, 1]} : vector<512x512xbf16> to vector<512x256xbf16>
    %dot_general3A_326 = arith.constant dense<0.000000e+00> : vector<512x256xf32>
    %dot_general3A_327 = tpu.matmul %slice3A_325, %convert_element_type3A_48, %dot_general3A_326 {dimension_numbers = #tpu.dot_dimension_numbers<[1], [0], [0], [1], [0, 0, 1, 1], [], []>, transpose_lhs_hint = false} : vector<512x256xbf16>, vector<256x256xbf16>, vector<512x256xf32> -> vector<512x256xf32>
    %slice3A_328 = vector.extract_strided_slice %convert_element_type3A_317 {offsets = [0, 256], sizes = [512, 256], strides = [1, 1]} : vector<512x512xbf16> to vector<512x256xbf16>
    %dot_general3A_329 = arith.constant dense<0.000000e+00> : vector<512x256xf32>
    %dot_general3A_330 = tpu.matmul %slice3A_328, %convert_element_type3A_48, %dot_general3A_329 {dimension_numbers = #tpu.dot_dimension_numbers<[1], [0], [0], [1], [0, 0, 1, 1], [], []>, transpose_lhs_hint = false} : vector<512x256xbf16>, vector<256x256xbf16>, vector<512x256xf32> -> vector<512x256xf32>
    %add3A_331 = arith.addf %dot_general3A_327, %dot_general3A_330 : vector<512x256xf32>
    %concatenate3A_332 = tpu.concatenate %add3A_324, %add3A_331 in 1 : vector<512x256xf32>, vector<512x256xf32> -> vector<512x512xf32>
    %reshape3A_333 = vector.shape_cast %concatenate3A_332 : vector<512x512xf32> to vector<32x2x8x512xf32>
    %slice3A_334 = vector.extract_strided_slice %reshape3A_333 {offsets = [0, 0, 0, 0], sizes = [32, 1, 8, 512], strides = [1, 1, 1, 1]} : vector<32x2x8x512xf32> to vector<32x1x8x512xf32>
    %squeeze3A_335 = vector.shape_cast %slice3A_334 : vector<32x1x8x512xf32> to vector<32x8x512xf32>
    %slice3A_336 = vector.extract_strided_slice %reshape3A_333 {offsets = [0, 1, 0, 0], sizes = [32, 1, 8, 512], strides = [1, 1, 1, 1]} : vector<32x2x8x512xf32> to vector<32x1x8x512xf32>
    %squeeze3A_337 = vector.shape_cast %slice3A_336 : vector<32x1x8x512xf32> to vector<32x8x512xf32>
    %slice3A_338 = vector.extract_strided_slice %squeeze3A_337 {offsets = [31, 0, 0], sizes = [1, 8, 512], strides = [1, 1, 1]} : vector<32x8x512xf32> to vector<1x8x512xf32>
    %slice3A_339 = vector.extract_strided_slice %squeeze3A_337 {offsets = [0, 0, 0], sizes = [31, 8, 512], strides = [1, 1, 1]} : vector<32x8x512xf32> to vector<31x8x512xf32>
    %concatenate3A_340 = tpu.concatenate %slice3A_338, %slice3A_339 in 0 : vector<1x8x512xf32>, vector<31x8x512xf32> -> vector<32x8x512xf32>
    %iota3A_341 = tpu.iota {dimensions = array<i32: 1>} : vector<32x8x512xi32>
    %iota3A_342 = tpu.iota {dimensions = array<i32: 0>} : vector<256x512xi32>
    %mul3A_343 = arith.constant 2 : i32
    %mul3A_344 = vector.broadcast %mul3A_343 : i32 to vector<32x8x512xi32>
    %mul3A_345 = arith.muli %mul3A_344, %iota3A_341 : vector<32x8x512xi32>
    %sub3A_346 = arith.constant 2 : i32
    %sub3A_347 = vector.broadcast %sub3A_346 : i32 to vector<32x8x512xi32>
    %sub3A_348 = arith.subi %mul3A_345, %sub3A_347 : vector<32x8x512xi32>
    %add3A_349 = arith.constant 0 : i32
    %add3A_350 = vector.broadcast %add3A_349 : i32 to vector<32x8x512xi32>
    %add3A_351 = arith.addi %sub3A_348, %add3A_350 : vector<32x8x512xi32>
    %jit3A_352 = arith.constant 8 : i32
    %eq3A_353 = arith.constant 0 : i32
    %eq3A_354 = arith.cmpi eq, %jit3A_352, %eq3A_353 : i32
    %jit3A_355 = arith.constant 1 : i32
    %select_n3A_356 = arith.select %eq3A_354, %jit3A_355, %jit3A_352 : i32
    %rem3A_357 = vector.broadcast %select_n3A_356 : i32 to vector<32x8x512xi32>
    %rem3A_358 = arith.remsi %add3A_351, %rem3A_357 : vector<32x8x512xi32>
    %ne3A_359 = arith.constant 0 : i32
    %ne3A_360 = vector.broadcast %ne3A_359 : i32 to vector<32x8x512xi32>
    %ne3A_361 = arith.cmpi ne, %rem3A_358, %ne3A_360 : vector<32x8x512xi32>
    %lt3A_362 = arith.constant 0 : i32
    %lt3A_363 = vector.broadcast %lt3A_362 : i32 to vector<32x8x512xi32>
    %lt3A_364 = arith.cmpi slt, %rem3A_358, %lt3A_363 : vector<32x8x512xi32>
    %lt3A_365 = arith.constant 0 : i32
    %lt3A_366 = arith.cmpi slt, %select_n3A_356, %lt3A_365 : i32
    %ne3A_367 = vector.broadcast %lt3A_366 : i1 to vector<32x8x512xi1>
    %ne3A_368 = vector.broadcast %ne3A_367 : vector<32x8x512xi1> to vector<32x8x512xi1>
    %ne3A_369 = arith.xori %lt3A_364, %ne3A_368 : vector<32x8x512xi1>
    %and3A_370 = arith.andi %ne3A_369, %ne3A_361 : vector<32x8x512xi1>
    %add3A_371 = vector.broadcast %select_n3A_356 : i32 to vector<32x8x512xi32>
    %add3A_372 = arith.addi %rem3A_358, %add3A_371 : vector<32x8x512xi32>
    %select_n3A_373 = arith.select %and3A_370, %add3A_372, %rem3A_358 : vector<32x8x512xi1>, vector<32x8x512xi32>
    %eq3A_374 = arith.constant 0 : i32
    %eq3A_375 = vector.broadcast %eq3A_374 : i32 to vector<32x8x512xi32>
    %eq3A_376 = arith.cmpi eq, %iota3A_341, %eq3A_375 : vector<32x8x512xi32>
    %lt3A_377 = arith.constant 0 : i32
    %lt3A_378 = vector.broadcast %lt3A_377 : i32 to vector<32x8x512xi32>
    %lt3A_379 = arith.cmpi slt, %select_n3A_373, %lt3A_378 : vector<32x8x512xi32>
    %add3A_380 = arith.constant 8 : i32
    %add3A_381 = vector.broadcast %add3A_380 : i32 to vector<32x8x512xi32>
    %add3A_382 = arith.addi %select_n3A_373, %add3A_381 : vector<32x8x512xi32>
    %select_n3A_383 = arith.select %lt3A_379, %add3A_382, %select_n3A_373 : vector<32x8x512xi1>, vector<32x8x512xi32>
    %reshape3A_384 = vector.shape_cast %select_n3A_383 : vector<32x8x512xi32> to vector<32x8x512x1xi32>
    %gather3A_385 = vector.shape_cast %reshape3A_384 : vector<32x8x512x1xi32> to vector<32x8x512xi32>
    %gather3A_386 = tpu.dynamic_gather %concatenate3A_340[%gather3A_385] in [1] : vector<32x8x512xf32>, vector<32x8x512xi32> -> vector<32x8x512xf32>
    %le3A_387 = arith.constant 4 : i32
    %le3A_388 = vector.broadcast %le3A_387 : i32 to vector<32x8x512xi32>
    %le3A_389 = arith.cmpi sle, %iota3A_341, %le3A_388 : vector<32x8x512xi32>
    %lt3A_390 = arith.constant 0 : i32
    %lt3A_391 = vector.broadcast %lt3A_390 : i32 to vector<32x8x512xi32>
    %lt3A_392 = arith.cmpi slt, %select_n3A_373, %lt3A_391 : vector<32x8x512xi32>
    %add3A_393 = arith.constant 8 : i32
    %add3A_394 = vector.broadcast %add3A_393 : i32 to vector<32x8x512xi32>
    %add3A_395 = arith.addi %select_n3A_373, %add3A_394 : vector<32x8x512xi32>
    %select_n3A_396 = arith.select %lt3A_392, %add3A_395, %select_n3A_373 : vector<32x8x512xi1>, vector<32x8x512xi32>
    %reshape3A_397 = vector.shape_cast %select_n3A_396 : vector<32x8x512xi32> to vector<32x8x512x1xi32>
    %gather3A_398 = vector.shape_cast %reshape3A_397 : vector<32x8x512x1xi32> to vector<32x8x512xi32>
    %gather3A_399 = tpu.dynamic_gather %squeeze3A_335[%gather3A_398] in [1] : vector<32x8x512xf32>, vector<32x8x512xi32> -> vector<32x8x512xf32>
    %lt3A_400 = arith.constant 0 : i32
    %lt3A_401 = vector.broadcast %lt3A_400 : i32 to vector<32x8x512xi32>
    %lt3A_402 = arith.cmpi slt, %select_n3A_373, %lt3A_401 : vector<32x8x512xi32>
    %add3A_403 = arith.constant 8 : i32
    %add3A_404 = vector.broadcast %add3A_403 : i32 to vector<32x8x512xi32>
    %add3A_405 = arith.addi %select_n3A_373, %add3A_404 : vector<32x8x512xi32>
    %select_n3A_406 = arith.select %lt3A_402, %add3A_405, %select_n3A_373 : vector<32x8x512xi1>, vector<32x8x512xi32>
    %reshape3A_407 = vector.shape_cast %select_n3A_406 : vector<32x8x512xi32> to vector<32x8x512x1xi32>
    %gather3A_408 = vector.shape_cast %reshape3A_407 : vector<32x8x512x1xi32> to vector<32x8x512xi32>
    %gather3A_409 = tpu.dynamic_gather %squeeze3A_337[%gather3A_408] in [1] : vector<32x8x512xf32>, vector<32x8x512xi32> -> vector<32x8x512xf32>
    %select_n3A_410 = arith.select %le3A_389, %gather3A_399, %gather3A_409 : vector<32x8x512xi1>, vector<32x8x512xf32>
    %select_n3A_411 = arith.select %eq3A_376, %gather3A_386, %select_n3A_410 : vector<32x8x512xi1>, vector<32x8x512xf32>
    %reshape3A_412 = vector.shape_cast %select_n3A_411 : vector<32x8x512xf32> to vector<256x512xf32>
    %eq3A_413 = arith.constant 0 : i32
    %eq3A_414 = vector.broadcast %eq3A_413 : i32 to vector<256x512xi32>
    %eq3A_415 = arith.cmpi eq, %iota3A_342, %eq3A_414 : vector<256x512xi32>
    %slice3A_416 = vector.extract_strided_slice %concatenate3A_332 {offsets = [0, 0], sizes = [1, 512], strides = [1, 1]} : vector<512x512xf32> to vector<1x512xf32>
    %broadcast_in_dim3A_417 = vector.shape_cast %slice3A_416 : vector<1x512xf32> to vector<1x512xf32>
    %broadcast_in_dim3A_418 = vector.broadcast %broadcast_in_dim3A_417 : vector<1x512xf32> to vector<256x512xf32>
    %select_n3A_419 = arith.select %eq3A_415, %broadcast_in_dim3A_418, %reshape3A_412 : vector<256x512xi1>, vector<256x512xf32>
    %slice3A_420 = vector.extract_strided_slice %concatenate3A_332 {offsets = [510, 0], sizes = [1, 512], strides = [1, 1]} : vector<512x512xf32> to vector<1x512xf32>
    %broadcast_in_dim3A_421 = vector.shape_cast %slice3A_420 : vector<1x512xf32> to vector<1x512xf32>
    %broadcast_in_dim3A_422 = vector.broadcast %broadcast_in_dim3A_421 : vector<1x512xf32> to vector<2x512xf32>
    %concatenate3A_423 = tpu.concatenate %select_n3A_419, %broadcast_in_dim3A_422 in 0 : vector<256x512xf32>, vector<2x512xf32> -> vector<258x512xf32>
    %slice3A_424 = vector.extract_strided_slice %concatenate3A_423 {offsets = [0, 0], sizes = [258, 128], strides = [1, 1]} : vector<258x512xf32> to vector<258x128xf32>
    %slice3A_425 = vector.extract_strided_slice %concatenate3A_423 {offsets = [0, 256], sizes = [258, 128], strides = [1, 1]} : vector<258x512xf32> to vector<258x128xf32>
    %concatenate3A_426 = tpu.concatenate %slice3A_424, %slice3A_425 in 1 : vector<258x128xf32>, vector<258x128xf32> -> vector<258x256xf32>
    %slice3A_427 = vector.extract_strided_slice %concatenate3A_426 {offsets = [0, 0], sizes = [258, 1], strides = [1, 1]} : vector<258x256xf32> to vector<258x1xf32>
    %slice3A_428 = vector.extract_strided_slice %concatenate3A_426 {offsets = [0, 0], sizes = [258, 255], strides = [1, 1]} : vector<258x256xf32> to vector<258x255xf32>
    %concatenate3A_429 = tpu.concatenate %slice3A_427, %slice3A_428 in 1 : vector<258x1xf32>, vector<258x255xf32> -> vector<258x256xf32>
    %swap3A_430 = arith.constant 0 : i32
    %swap3A_431 = arith.constant 4 : i32
    %swap3A_432 = arith.constant 0 : i32
    %swap3A_433 = arith.constant 0 : i32
    %swap3A_434 = tpu.memref_slice %arg4[%swap3A_430, %swap3A_431, %swap3A_432, %swap3A_433] : memref<1x24x258x256xf32, #tpu.memory_space<vmem>> -> memref<1x4x258x256xf32, #tpu.memory_space<vmem>>
    %swap3A_435 = tpu.memref_squeeze %swap3A_434 : memref<1x4x258x256xf32, #tpu.memory_space<vmem>> -> memref<4x258x256xf32, #tpu.memory_space<vmem>>
    %swap3A_436 = arith.constant 0 : index
    %swap3A_437 = arith.constant 0 : index
    %swap3A_438 = arith.constant 0 : index
    %swap3A_439 = vector.load %swap3A_435[%swap3A_436, %swap3A_437, %swap3A_438] : memref<4x258x256xf32, #tpu.memory_space<vmem>>, vector<1x258x256xf32>
    %swap3A_440 = vector.shape_cast %swap3A_439 : vector<1x258x256xf32> to vector<258x256xf32>
    %swap3A_441 = vector.shape_cast %concatenate3A_429 : vector<258x256xf32> to vector<1x258x256xf32>
    tpu.vector_store %swap3A_435[%swap3A_436, %swap3A_437, %swap3A_438], %swap3A_441 {strides = array<i32>} : memref<4x258x256xf32, #tpu.memory_space<vmem>>, vector<1x258x256xf32>,
    %slice3A_442 = vector.extract_strided_slice %concatenate3A_423 {offsets = [0, 128], sizes = [258, 128], strides = [1, 1]} : vector<258x512xf32> to vector<258x128xf32>
    %slice3A_443 = vector.extract_strided_slice %concatenate3A_423 {offsets = [0, 384], sizes = [258, 128], strides = [1, 1]} : vector<258x512xf32> to vector<258x128xf32>
    %concatenate3A_444 = tpu.concatenate %slice3A_442, %slice3A_443 in 1 : vector<258x128xf32>, vector<258x128xf32> -> vector<258x256xf32>
    %slice3A_445 = vector.extract_strided_slice %concatenate3A_444 {offsets = [0, 0], sizes = [258, 1], strides = [1, 1]} : vector<258x256xf32> to vector<258x1xf32>
    %slice3A_446 = vector.extract_strided_slice %concatenate3A_444 {offsets = [0, 0], sizes = [258, 255], strides = [1, 1]} : vector<258x256xf32> to vector<258x255xf32>
    %concatenate3A_447 = tpu.concatenate %slice3A_445, %slice3A_446 in 1 : vector<258x1xf32>, vector<258x255xf32> -> vector<258x256xf32>
    %swap3A_448 = arith.constant 0 : i32
    %swap3A_449 = arith.constant 4 : i32
    %swap3A_450 = arith.constant 0 : i32
    %swap3A_451 = arith.constant 0 : i32
    %swap3A_452 = tpu.memref_slice %arg4[%swap3A_448, %swap3A_449, %swap3A_450, %swap3A_451] : memref<1x24x258x256xf32, #tpu.memory_space<vmem>> -> memref<1x4x258x256xf32, #tpu.memory_space<vmem>>
    %swap3A_453 = tpu.memref_squeeze %swap3A_452 : memref<1x4x258x256xf32, #tpu.memory_space<vmem>> -> memref<4x258x256xf32, #tpu.memory_space<vmem>>
    %swap3A_454 = arith.constant 1 : index
    %swap3A_455 = arith.constant 0 : index
    %swap3A_456 = arith.constant 0 : index
    %swap3A_457 = vector.load %swap3A_453[%swap3A_454, %swap3A_455, %swap3A_456] : memref<4x258x256xf32, #tpu.memory_space<vmem>>, vector<1x258x256xf32>
    %swap3A_458 = vector.shape_cast %swap3A_457 : vector<1x258x256xf32> to vector<258x256xf32>
    %swap3A_459 = vector.shape_cast %concatenate3A_447 : vector<258x256xf32> to vector<1x258x256xf32>
    tpu.vector_store %swap3A_453[%swap3A_454, %swap3A_455, %swap3A_456], %swap3A_459 {strides = array<i32>} : memref<4x258x256xf32, #tpu.memory_space<vmem>>, vector<1x258x256xf32>,
    %mul3A_460 = arith.constant 2 : i32
    %mul3A_461 = vector.broadcast %mul3A_460 : i32 to vector<32x8x512xi32>
    %mul3A_462 = arith.muli %mul3A_461, %iota3A_341 : vector<32x8x512xi32>
    %sub3A_463 = arith.constant 2 : i32
    %sub3A_464 = vector.broadcast %sub3A_463 : i32 to vector<32x8x512xi32>
    %sub3A_465 = arith.subi %mul3A_462, %sub3A_464 : vector<32x8x512xi32>
    %add3A_466 = arith.constant 1 : i32
    %add3A_467 = vector.broadcast %add3A_466 : i32 to vector<32x8x512xi32>
    %add3A_468 = arith.addi %sub3A_465, %add3A_467 : vector<32x8x512xi32>
    %jit3A_469 = arith.constant 8 : i32
    %eq3A_470 = arith.constant 0 : i32
    %eq3A_471 = arith.cmpi eq, %jit3A_469, %eq3A_470 : i32
    %jit3A_472 = arith.constant 1 : i32
    %select_n3A_473 = arith.select %eq3A_471, %jit3A_472, %jit3A_469 : i32
    %rem3A_474 = vector.broadcast %select_n3A_473 : i32 to vector<32x8x512xi32>
    %rem3A_475 = arith.remsi %add3A_468, %rem3A_474 : vector<32x8x512xi32>
    %ne3A_476 = arith.constant 0 : i32
    %ne3A_477 = vector.broadcast %ne3A_476 : i32 to vector<32x8x512xi32>
    %ne3A_478 = arith.cmpi ne, %rem3A_475, %ne3A_477 : vector<32x8x512xi32>
    %lt3A_479 = arith.constant 0 : i32
    %lt3A_480 = vector.broadcast %lt3A_479 : i32 to vector<32x8x512xi32>
    %lt3A_481 = arith.cmpi slt, %rem3A_475, %lt3A_480 : vector<32x8x512xi32>
    %lt3A_482 = arith.constant 0 : i32
    %lt3A_483 = arith.cmpi slt, %select_n3A_473, %lt3A_482 : i32
    %ne3A_484 = vector.broadcast %lt3A_483 : i1 to vector<32x8x512xi1>
    %ne3A_485 = vector.broadcast %ne3A_484 : vector<32x8x512xi1> to vector<32x8x512xi1>
    %ne3A_486 = arith.xori %lt3A_481, %ne3A_485 : vector<32x8x512xi1>
    %and3A_487 = arith.andi %ne3A_486, %ne3A_478 : vector<32x8x512xi1>
    %add3A_488 = vector.broadcast %select_n3A_473 : i32 to vector<32x8x512xi32>
    %add3A_489 = arith.addi %rem3A_475, %add3A_488 : vector<32x8x512xi32>
    %select_n3A_490 = arith.select %and3A_487, %add3A_489, %rem3A_475 : vector<32x8x512xi1>, vector<32x8x512xi32>
    %eq3A_491 = arith.constant 0 : i32
    %eq3A_492 = vector.broadcast %eq3A_491 : i32 to vector<32x8x512xi32>
    %eq3A_493 = arith.cmpi eq, %iota3A_341, %eq3A_492 : vector<32x8x512xi32>
    %lt3A_494 = arith.constant 0 : i32
    %lt3A_495 = vector.broadcast %lt3A_494 : i32 to vector<32x8x512xi32>
    %lt3A_496 = arith.cmpi slt, %select_n3A_490, %lt3A_495 : vector<32x8x512xi32>
    %add3A_497 = arith.constant 8 : i32
    %add3A_498 = vector.broadcast %add3A_497 : i32 to vector<32x8x512xi32>
    %add3A_499 = arith.addi %select_n3A_490, %add3A_498 : vector<32x8x512xi32>
    %select_n3A_500 = arith.select %lt3A_496, %add3A_499, %select_n3A_490 : vector<32x8x512xi1>, vector<32x8x512xi32>
    %reshape3A_501 = vector.shape_cast %select_n3A_500 : vector<32x8x512xi32> to vector<32x8x512x1xi32>
    %gather3A_502 = vector.shape_cast %reshape3A_501 : vector<32x8x512x1xi32> to vector<32x8x512xi32>
    %gather3A_503 = tpu.dynamic_gather %concatenate3A_340[%gather3A_502] in [1] : vector<32x8x512xf32>, vector<32x8x512xi32> -> vector<32x8x512xf32>
    %le3A_504 = arith.constant 4 : i32
    %le3A_505 = vector.broadcast %le3A_504 : i32 to vector<32x8x512xi32>
    %le3A_506 = arith.cmpi sle, %iota3A_341, %le3A_505 : vector<32x8x512xi32>
    %lt3A_507 = arith.constant 0 : i32
    %lt3A_508 = vector.broadcast %lt3A_507 : i32 to vector<32x8x512xi32>
    %lt3A_509 = arith.cmpi slt, %select_n3A_490, %lt3A_508 : vector<32x8x512xi32>
    %add3A_510 = arith.constant 8 : i32
    %add3A_511 = vector.broadcast %add3A_510 : i32 to vector<32x8x512xi32>
    %add3A_512 = arith.addi %select_n3A_490, %add3A_511 : vector<32x8x512xi32>
    %select_n3A_513 = arith.select %lt3A_509, %add3A_512, %select_n3A_490 : vector<32x8x512xi1>, vector<32x8x512xi32>
    %reshape3A_514 = vector.shape_cast %select_n3A_513 : vector<32x8x512xi32> to vector<32x8x512x1xi32>
    %gather3A_515 = vector.shape_cast %reshape3A_514 : vector<32x8x512x1xi32> to vector<32x8x512xi32>
    %gather3A_516 = tpu.dynamic_gather %squeeze3A_335[%gather3A_515] in [1] : vector<32x8x512xf32>, vector<32x8x512xi32> -> vector<32x8x512xf32>
    %lt3A_517 = arith.constant 0 : i32
    %lt3A_518 = vector.broadcast %lt3A_517 : i32 to vector<32x8x512xi32>
    %lt3A_519 = arith.cmpi slt, %select_n3A_490, %lt3A_518 : vector<32x8x512xi32>
    %add3A_520 = arith.constant 8 : i32
    %add3A_521 = vector.broadcast %add3A_520 : i32 to vector<32x8x512xi32>
    %add3A_522 = arith.addi %select_n3A_490, %add3A_521 : vector<32x8x512xi32>
    %select_n3A_523 = arith.select %lt3A_519, %add3A_522, %select_n3A_490 : vector<32x8x512xi1>, vector<32x8x512xi32>
    %reshape3A_524 = vector.shape_cast %select_n3A_523 : vector<32x8x512xi32> to vector<32x8x512x1xi32>
    %gather3A_525 = vector.shape_cast %reshape3A_524 : vector<32x8x512x1xi32> to vector<32x8x512xi32>
    %gather3A_526 = tpu.dynamic_gather %squeeze3A_337[%gather3A_525] in [1] : vector<32x8x512xf32>, vector<32x8x512xi32> -> vector<32x8x512xf32>
    %select_n3A_527 = arith.select %le3A_506, %gather3A_516, %gather3A_526 : vector<32x8x512xi1>, vector<32x8x512xf32>
    %select_n3A_528 = arith.select %eq3A_493, %gather3A_503, %select_n3A_527 : vector<32x8x512xi1>, vector<32x8x512xf32>
    %reshape3A_529 = vector.shape_cast %select_n3A_528 : vector<32x8x512xf32> to vector<256x512xf32>
    %eq3A_530 = arith.constant 0 : i32
    %eq3A_531 = vector.broadcast %eq3A_530 : i32 to vector<256x512xi32>
    %eq3A_532 = arith.cmpi eq, %iota3A_342, %eq3A_531 : vector<256x512xi32>
    %slice3A_533 = vector.extract_strided_slice %concatenate3A_332 {offsets = [1, 0], sizes = [1, 512], strides = [1, 1]} : vector<512x512xf32> to vector<1x512xf32>
    %broadcast_in_dim3A_534 = vector.shape_cast %slice3A_533 : vector<1x512xf32> to vector<1x512xf32>
    %broadcast_in_dim3A_535 = vector.broadcast %broadcast_in_dim3A_534 : vector<1x512xf32> to vector<256x512xf32>
    %select_n3A_536 = arith.select %eq3A_532, %broadcast_in_dim3A_535, %reshape3A_529 : vector<256x512xi1>, vector<256x512xf32>
    %slice3A_537 = vector.extract_strided_slice %concatenate3A_332 {offsets = [511, 0], sizes = [1, 512], strides = [1, 1]} : vector<512x512xf32> to vector<1x512xf32>
    %broadcast_in_dim3A_538 = vector.shape_cast %slice3A_537 : vector<1x512xf32> to vector<1x512xf32>
    %broadcast_in_dim3A_539 = vector.broadcast %broadcast_in_dim3A_538 : vector<1x512xf32> to vector<2x512xf32>
    %concatenate3A_540 = tpu.concatenate %select_n3A_536, %broadcast_in_dim3A_539 in 0 : vector<256x512xf32>, vector<2x512xf32> -> vector<258x512xf32>
    %slice3A_541 = vector.extract_strided_slice %concatenate3A_540 {offsets = [0, 0], sizes = [258, 128], strides = [1, 1]} : vector<258x512xf32> to vector<258x128xf32>
    %slice3A_542 = vector.extract_strided_slice %concatenate3A_540 {offsets = [0, 256], sizes = [258, 128], strides = [1, 1]} : vector<258x512xf32> to vector<258x128xf32>
    %concatenate3A_543 = tpu.concatenate %slice3A_541, %slice3A_542 in 1 : vector<258x128xf32>, vector<258x128xf32> -> vector<258x256xf32>
    %slice3A_544 = vector.extract_strided_slice %concatenate3A_543 {offsets = [0, 0], sizes = [258, 1], strides = [1, 1]} : vector<258x256xf32> to vector<258x1xf32>
    %slice3A_545 = vector.extract_strided_slice %concatenate3A_543 {offsets = [0, 0], sizes = [258, 255], strides = [1, 1]} : vector<258x256xf32> to vector<258x255xf32>
    %concatenate3A_546 = tpu.concatenate %slice3A_544, %slice3A_545 in 1 : vector<258x1xf32>, vector<258x255xf32> -> vector<258x256xf32>
    %swap3A_547 = arith.constant 0 : i32
    %swap3A_548 = arith.constant 4 : i32
    %swap3A_549 = arith.constant 0 : i32
    %swap3A_550 = arith.constant 0 : i32
    %swap3A_551 = tpu.memref_slice %arg4[%swap3A_547, %swap3A_548, %swap3A_549, %swap3A_550] : memref<1x24x258x256xf32, #tpu.memory_space<vmem>> -> memref<1x4x258x256xf32, #tpu.memory_space<vmem>>
    %swap3A_552 = tpu.memref_squeeze %swap3A_551 : memref<1x4x258x256xf32, #tpu.memory_space<vmem>> -> memref<4x258x256xf32, #tpu.memory_space<vmem>>
    %swap3A_553 = arith.constant 2 : index
    %swap3A_554 = arith.constant 0 : index
    %swap3A_555 = arith.constant 0 : index
    %swap3A_556 = vector.load %swap3A_552[%swap3A_553, %swap3A_554, %swap3A_555] : memref<4x258x256xf32, #tpu.memory_space<vmem>>, vector<1x258x256xf32>
    %swap3A_557 = vector.shape_cast %swap3A_556 : vector<1x258x256xf32> to vector<258x256xf32>
    %swap3A_558 = vector.shape_cast %concatenate3A_546 : vector<258x256xf32> to vector<1x258x256xf32>
    tpu.vector_store %swap3A_552[%swap3A_553, %swap3A_554, %swap3A_555], %swap3A_558 {strides = array<i32>} : memref<4x258x256xf32, #tpu.memory_space<vmem>>, vector<1x258x256xf32>,
    %slice3A_559 = vector.extract_strided_slice %concatenate3A_540 {offsets = [0, 128], sizes = [258, 128], strides = [1, 1]} : vector<258x512xf32> to vector<258x128xf32>
    %slice3A_560 = vector.extract_strided_slice %concatenate3A_540 {offsets = [0, 384], sizes = [258, 128], strides = [1, 1]} : vector<258x512xf32> to vector<258x128xf32>
    %concatenate3A_561 = tpu.concatenate %slice3A_559, %slice3A_560 in 1 : vector<258x128xf32>, vector<258x128xf32> -> vector<258x256xf32>
    %slice3A_562 = vector.extract_strided_slice %concatenate3A_561 {offsets = [0, 0], sizes = [258, 1], strides = [1, 1]} : vector<258x256xf32> to vector<258x1xf32>
    %slice3A_563 = vector.extract_strided_slice %concatenate3A_561 {offsets = [0, 0], sizes = [258, 255], strides = [1, 1]} : vector<258x256xf32> to vector<258x255xf32>
    %concatenate3A_564 = tpu.concatenate %slice3A_562, %slice3A_563 in 1 : vector<258x1xf32>, vector<258x255xf32> -> vector<258x256xf32>
    %swap3A_565 = arith.constant 0 : i32
    %swap3A_566 = arith.constant 4 : i32
    %swap3A_567 = arith.constant 0 : i32
    %swap3A_568 = arith.constant 0 : i32
    %swap3A_569 = tpu.memref_slice %arg4[%swap3A_565, %swap3A_566, %swap3A_567, %swap3A_568] : memref<1x24x258x256xf32, #tpu.memory_space<vmem>> -> memref<1x4x258x256xf32, #tpu.memory_space<vmem>>
    %swap3A_570 = tpu.memref_squeeze %swap3A_569 : memref<1x4x258x256xf32, #tpu.memory_space<vmem>> -> memref<4x258x256xf32, #tpu.memory_space<vmem>>
    %swap3A_571 = arith.constant 3 : index
    %swap3A_572 = arith.constant 0 : index
    %swap3A_573 = arith.constant 0 : index
    %swap3A_574 = vector.load %swap3A_570[%swap3A_571, %swap3A_572, %swap3A_573] : memref<4x258x256xf32, #tpu.memory_space<vmem>>, vector<1x258x256xf32>
    %swap3A_575 = vector.shape_cast %swap3A_574 : vector<1x258x256xf32> to vector<258x256xf32>
    %swap3A_576 = vector.shape_cast %concatenate3A_564 : vector<258x256xf32> to vector<1x258x256xf32>
    tpu.vector_store %swap3A_570[%swap3A_571, %swap3A_572, %swap3A_573], %swap3A_576 {strides = array<i32>} : memref<4x258x256xf32, #tpu.memory_space<vmem>>, vector<1x258x256xf32>,
    %get3A_577 = arith.constant 0 : index
    %get3A_578 = arith.constant 2 : index
    %get3A_579 = arith.constant 0 : index
    %get3A_580 = arith.constant 0 : index
    %get3A_581 = vector.load %arg2[%get3A_577, %get3A_578, %get3A_579, %get3A_580] : memref<1x6x512x512xf32, #tpu.memory_space<vmem>>, vector<1x1x512x512xf32>
    %get3A_582 = vector.shape_cast %get3A_581 : vector<1x1x512x512xf32> to vector<512x512xf32>
    %convert_element_type3A_583 = arith.truncf %get3A_582 : vector<512x512xf32> to vector<512x512xbf16>
    %convert_element_type3A_584 = arith.extf %convert_element_type3A_583 : vector<512x512xbf16> to vector<512x512xf32>
    %sub3A_585 = arith.subf %get3A_582, %convert_element_type3A_584 : vector<512x512xf32>
    %convert_element_type3A_586 = arith.truncf %sub3A_585 : vector<512x512xf32> to vector<512x512xbf16>
    %slice3A_587 = vector.extract_strided_slice %convert_element_type3A_583 {offsets = [0, 0], sizes = [512, 256], strides = [1, 1]} : vector<512x512xbf16> to vector<512x256xbf16>
    %dot_general3A_588 = arith.constant dense<0.000000e+00> : vector<512x256xf32>
    %dot_general3A_589 = tpu.matmul %slice3A_587, %convert_element_type3A_48, %dot_general3A_588 {dimension_numbers = #tpu.dot_dimension_numbers<[1], [0], [0], [1], [0, 0, 1, 1], [], []>, transpose_lhs_hint = false} : vector<512x256xbf16>, vector<256x256xbf16>, vector<512x256xf32> -> vector<512x256xf32>
    %slice3A_590 = vector.extract_strided_slice %convert_element_type3A_586 {offsets = [0, 0], sizes = [512, 256], strides = [1, 1]} : vector<512x512xbf16> to vector<512x256xbf16>
    %dot_general3A_591 = arith.constant dense<0.000000e+00> : vector<512x256xf32>
    %dot_general3A_592 = tpu.matmul %slice3A_590, %convert_element_type3A_48, %dot_general3A_591 {dimension_numbers = #tpu.dot_dimension_numbers<[1], [0], [0], [1], [0, 0, 1, 1], [], []>, transpose_lhs_hint = false} : vector<512x256xbf16>, vector<256x256xbf16>, vector<512x256xf32> -> vector<512x256xf32>
    %add3A_593 = arith.addf %dot_general3A_589, %dot_general3A_592 : vector<512x256xf32>
    %slice3A_594 = vector.extract_strided_slice %convert_element_type3A_583 {offsets = [0, 256], sizes = [512, 256], strides = [1, 1]} : vector<512x512xbf16> to vector<512x256xbf16>
    %dot_general3A_595 = arith.constant dense<0.000000e+00> : vector<512x256xf32>
    %dot_general3A_596 = tpu.matmul %slice3A_594, %convert_element_type3A_48, %dot_general3A_595 {dimension_numbers = #tpu.dot_dimension_numbers<[1], [0], [0], [1], [0, 0, 1, 1], [], []>, transpose_lhs_hint = false} : vector<512x256xbf16>, vector<256x256xbf16>, vector<512x256xf32> -> vector<512x256xf32>
    %slice3A_597 = vector.extract_strided_slice %convert_element_type3A_586 {offsets = [0, 256], sizes = [512, 256], strides = [1, 1]} : vector<512x512xbf16> to vector<512x256xbf16>
    %dot_general3A_598 = arith.constant dense<0.000000e+00> : vector<512x256xf32>
    %dot_general3A_599 = tpu.matmul %slice3A_597, %convert_element_type3A_48, %dot_general3A_598 {dimension_numbers = #tpu.dot_dimension_numbers<[1], [0], [0], [1], [0, 0, 1, 1], [], []>, transpose_lhs_hint = false} : vector<512x256xbf16>, vector<256x256xbf16>, vector<512x256xf32> -> vector<512x256xf32>
    %add3A_600 = arith.addf %dot_general3A_596, %dot_general3A_599 : vector<512x256xf32>
    %concatenate3A_601 = tpu.concatenate %add3A_593, %add3A_600 in 1 : vector<512x256xf32>, vector<512x256xf32> -> vector<512x512xf32>
    %reshape3A_602 = vector.shape_cast %concatenate3A_601 : vector<512x512xf32> to vector<32x2x8x512xf32>
    %slice3A_603 = vector.extract_strided_slice %reshape3A_602 {offsets = [0, 0, 0, 0], sizes = [32, 1, 8, 512], strides = [1, 1, 1, 1]} : vector<32x2x8x512xf32> to vector<32x1x8x512xf32>
    %squeeze3A_604 = vector.shape_cast %slice3A_603 : vector<32x1x8x512xf32> to vector<32x8x512xf32>
    %slice3A_605 = vector.extract_strided_slice %reshape3A_602 {offsets = [0, 1, 0, 0], sizes = [32, 1, 8, 512], strides = [1, 1, 1, 1]} : vector<32x2x8x512xf32> to vector<32x1x8x512xf32>
    %squeeze3A_606 = vector.shape_cast %slice3A_605 : vector<32x1x8x512xf32> to vector<32x8x512xf32>
    %slice3A_607 = vector.extract_strided_slice %squeeze3A_606 {offsets = [31, 0, 0], sizes = [1, 8, 512], strides = [1, 1, 1]} : vector<32x8x512xf32> to vector<1x8x512xf32>
    %slice3A_608 = vector.extract_strided_slice %squeeze3A_606 {offsets = [0, 0, 0], sizes = [31, 8, 512], strides = [1, 1, 1]} : vector<32x8x512xf32> to vector<31x8x512xf32>
    %concatenate3A_609 = tpu.concatenate %slice3A_607, %slice3A_608 in 0 : vector<1x8x512xf32>, vector<31x8x512xf32> -> vector<32x8x512xf32>
    %iota3A_610 = tpu.iota {dimensions = array<i32: 1>} : vector<32x8x512xi32>
    %iota3A_611 = tpu.iota {dimensions = array<i32: 0>} : vector<256x512xi32>
    %mul3A_612 = arith.constant 2 : i32
    %mul3A_613 = vector.broadcast %mul3A_612 : i32 to vector<32x8x512xi32>
    %mul3A_614 = arith.muli %mul3A_613, %iota3A_610 : vector<32x8x512xi32>
    %sub3A_615 = arith.constant 2 : i32
    %sub3A_616 = vector.broadcast %sub3A_615 : i32 to vector<32x8x512xi32>
    %sub3A_617 = arith.subi %mul3A_614, %sub3A_616 : vector<32x8x512xi32>
    %add3A_618 = arith.constant 0 : i32
    %add3A_619 = vector.broadcast %add3A_618 : i32 to vector<32x8x512xi32>
    %add3A_620 = arith.addi %sub3A_617, %add3A_619 : vector<32x8x512xi32>
    %jit3A_621 = arith.constant 8 : i32
    %eq3A_622 = arith.constant 0 : i32
    %eq3A_623 = arith.cmpi eq, %jit3A_621, %eq3A_622 : i32
    %jit3A_624 = arith.constant 1 : i32
    %select_n3A_625 = arith.select %eq3A_623, %jit3A_624, %jit3A_621 : i32
    %rem3A_626 = vector.broadcast %select_n3A_625 : i32 to vector<32x8x512xi32>
    %rem3A_627 = arith.remsi %add3A_620, %rem3A_626 : vector<32x8x512xi32>
    %ne3A_628 = arith.constant 0 : i32
    %ne3A_629 = vector.broadcast %ne3A_628 : i32 to vector<32x8x512xi32>
    %ne3A_630 = arith.cmpi ne, %rem3A_627, %ne3A_629 : vector<32x8x512xi32>
    %lt3A_631 = arith.constant 0 : i32
    %lt3A_632 = vector.broadcast %lt3A_631 : i32 to vector<32x8x512xi32>
    %lt3A_633 = arith.cmpi slt, %rem3A_627, %lt3A_632 : vector<32x8x512xi32>
    %lt3A_634 = arith.constant 0 : i32
    %lt3A_635 = arith.cmpi slt, %select_n3A_625, %lt3A_634 : i32
    %ne3A_636 = vector.broadcast %lt3A_635 : i1 to vector<32x8x512xi1>
    %ne3A_637 = vector.broadcast %ne3A_636 : vector<32x8x512xi1> to vector<32x8x512xi1>
    %ne3A_638 = arith.xori %lt3A_633, %ne3A_637 : vector<32x8x512xi1>
    %and3A_639 = arith.andi %ne3A_638, %ne3A_630 : vector<32x8x512xi1>
    %add3A_640 = vector.broadcast %select_n3A_625 : i32 to vector<32x8x512xi32>
    %add3A_641 = arith.addi %rem3A_627, %add3A_640 : vector<32x8x512xi32>
    %select_n3A_642 = arith.select %and3A_639, %add3A_641, %rem3A_627 : vector<32x8x512xi1>, vector<32x8x512xi32>
    %eq3A_643 = arith.constant 0 : i32
    %eq3A_644 = vector.broadcast %eq3A_643 : i32 to vector<32x8x512xi32>
    %eq3A_645 = arith.cmpi eq, %iota3A_610, %eq3A_644 : vector<32x8x512xi32>
    %lt3A_646 = arith.constant 0 : i32
    %lt3A_647 = vector.broadcast %lt3A_646 : i32 to vector<32x8x512xi32>
    %lt3A_648 = arith.cmpi slt, %select_n3A_642, %lt3A_647 : vector<32x8x512xi32>
    %add3A_649 = arith.constant 8 : i32
    %add3A_650 = vector.broadcast %add3A_649 : i32 to vector<32x8x512xi32>
    %add3A_651 = arith.addi %select_n3A_642, %add3A_650 : vector<32x8x512xi32>
    %select_n3A_652 = arith.select %lt3A_648, %add3A_651, %select_n3A_642 : vector<32x8x512xi1>, vector<32x8x512xi32>
    %reshape3A_653 = vector.shape_cast %select_n3A_652 : vector<32x8x512xi32> to vector<32x8x512x1xi32>
    %gather3A_654 = vector.shape_cast %reshape3A_653 : vector<32x8x512x1xi32> to vector<32x8x512xi32>
    %gather3A_655 = tpu.dynamic_gather %concatenate3A_609[%gather3A_654] in [1] : vector<32x8x512xf32>, vector<32x8x512xi32> -> vector<32x8x512xf32>
    %le3A_656 = arith.constant 4 : i32
    %le3A_657 = vector.broadcast %le3A_656 : i32 to vector<32x8x512xi32>
    %le3A_658 = arith.cmpi sle, %iota3A_610, %le3A_657 : vector<32x8x512xi32>
    %lt3A_659 = arith.constant 0 : i32
    %lt3A_660 = vector.broadcast %lt3A_659 : i32 to vector<32x8x512xi32>
    %lt3A_661 = arith.cmpi slt, %select_n3A_642, %lt3A_660 : vector<32x8x512xi32>
    %add3A_662 = arith.constant 8 : i32
    %add3A_663 = vector.broadcast %add3A_662 : i32 to vector<32x8x512xi32>
    %add3A_664 = arith.addi %select_n3A_642, %add3A_663 : vector<32x8x512xi32>
    %select_n3A_665 = arith.select %lt3A_661, %add3A_664, %select_n3A_642 : vector<32x8x512xi1>, vector<32x8x512xi32>
    %reshape3A_666 = vector.shape_cast %select_n3A_665 : vector<32x8x512xi32> to vector<32x8x512x1xi32>
    %gather3A_667 = vector.shape_cast %reshape3A_666 : vector<32x8x512x1xi32> to vector<32x8x512xi32>
    %gather3A_668 = tpu.dynamic_gather %squeeze3A_604[%gather3A_667] in [1] : vector<32x8x512xf32>, vector<32x8x512xi32> -> vector<32x8x512xf32>
    %lt3A_669 = arith.constant 0 : i32
    %lt3A_670 = vector.broadcast %lt3A_669 : i32 to vector<32x8x512xi32>
    %lt3A_671 = arith.cmpi slt, %select_n3A_642, %lt3A_670 : vector<32x8x512xi32>
    %add3A_672 = arith.constant 8 : i32
    %add3A_673 = vector.broadcast %add3A_672 : i32 to vector<32x8x512xi32>
    %add3A_674 = arith.addi %select_n3A_642, %add3A_673 : vector<32x8x512xi32>
    %select_n3A_675 = arith.select %lt3A_671, %add3A_674, %select_n3A_642 : vector<32x8x512xi1>, vector<32x8x512xi32>
    %reshape3A_676 = vector.shape_cast %select_n3A_675 : vector<32x8x512xi32> to vector<32x8x512x1xi32>
    %gather3A_677 = vector.shape_cast %reshape3A_676 : vector<32x8x512x1xi32> to vector<32x8x512xi32>
    %gather3A_678 = tpu.dynamic_gather %squeeze3A_606[%gather3A_677] in [1] : vector<32x8x512xf32>, vector<32x8x512xi32> -> vector<32x8x512xf32>
    %select_n3A_679 = arith.select %le3A_658, %gather3A_668, %gather3A_678 : vector<32x8x512xi1>, vector<32x8x512xf32>
    %select_n3A_680 = arith.select %eq3A_645, %gather3A_655, %select_n3A_679 : vector<32x8x512xi1>, vector<32x8x512xf32>
    %reshape3A_681 = vector.shape_cast %select_n3A_680 : vector<32x8x512xf32> to vector<256x512xf32>
    %eq3A_682 = arith.constant 0 : i32
    %eq3A_683 = vector.broadcast %eq3A_682 : i32 to vector<256x512xi32>
    %eq3A_684 = arith.cmpi eq, %iota3A_611, %eq3A_683 : vector<256x512xi32>
    %slice3A_685 = vector.extract_strided_slice %concatenate3A_601 {offsets = [0, 0], sizes = [1, 512], strides = [1, 1]} : vector<512x512xf32> to vector<1x512xf32>
    %broadcast_in_dim3A_686 = vector.shape_cast %slice3A_685 : vector<1x512xf32> to vector<1x512xf32>
    %broadcast_in_dim3A_687 = vector.broadcast %broadcast_in_dim3A_686 : vector<1x512xf32> to vector<256x512xf32>
    %select_n3A_688 = arith.select %eq3A_684, %broadcast_in_dim3A_687, %reshape3A_681 : vector<256x512xi1>, vector<256x512xf32>
    %slice3A_689 = vector.extract_strided_slice %concatenate3A_601 {offsets = [510, 0], sizes = [1, 512], strides = [1, 1]} : vector<512x512xf32> to vector<1x512xf32>
    %broadcast_in_dim3A_690 = vector.shape_cast %slice3A_689 : vector<1x512xf32> to vector<1x512xf32>
    %broadcast_in_dim3A_691 = vector.broadcast %broadcast_in_dim3A_690 : vector<1x512xf32> to vector<2x512xf32>
    %concatenate3A_692 = tpu.concatenate %select_n3A_688, %broadcast_in_dim3A_691 in 0 : vector<256x512xf32>, vector<2x512xf32> -> vector<258x512xf32>
    %slice3A_693 = vector.extract_strided_slice %concatenate3A_692 {offsets = [0, 0], sizes = [258, 128], strides = [1, 1]} : vector<258x512xf32> to vector<258x128xf32>
    %slice3A_694 = vector.extract_strided_slice %concatenate3A_692 {offsets = [0, 256], sizes = [258, 128], strides = [1, 1]} : vector<258x512xf32> to vector<258x128xf32>
    %concatenate3A_695 = tpu.concatenate %slice3A_693, %slice3A_694 in 1 : vector<258x128xf32>, vector<258x128xf32> -> vector<258x256xf32>
    %slice3A_696 = vector.extract_strided_slice %concatenate3A_695 {offsets = [0, 0], sizes = [258, 1], strides = [1, 1]} : vector<258x256xf32> to vector<258x1xf32>
    %slice3A_697 = vector.extract_strided_slice %concatenate3A_695 {offsets = [0, 0], sizes = [258, 255], strides = [1, 1]} : vector<258x256xf32> to vector<258x255xf32>
    %concatenate3A_698 = tpu.concatenate %slice3A_696, %slice3A_697 in 1 : vector<258x1xf32>, vector<258x255xf32> -> vector<258x256xf32>
    %swap3A_699 = arith.constant 0 : i32
    %swap3A_700 = arith.constant 8 : i32
    %swap3A_701 = arith.constant 0 : i32
    %swap3A_702 = arith.constant 0 : i32
    %swap3A_703 = tpu.memref_slice %arg4[%swap3A_699, %swap3A_700, %swap3A_701, %swap3A_702] : memref<1x24x258x256xf32, #tpu.memory_space<vmem>> -> memref<1x4x258x256xf32, #tpu.memory_space<vmem>>
    %swap3A_704 = tpu.memref_squeeze %swap3A_703 : memref<1x4x258x256xf32, #tpu.memory_space<vmem>> -> memref<4x258x256xf32, #tpu.memory_space<vmem>>
    %swap3A_705 = arith.constant 0 : index
    %swap3A_706 = arith.constant 0 : index
    %swap3A_707 = arith.constant 0 : index
    %swap3A_708 = vector.load %swap3A_704[%swap3A_705, %swap3A_706, %swap3A_707] : memref<4x258x256xf32, #tpu.memory_space<vmem>>, vector<1x258x256xf32>
    %swap3A_709 = vector.shape_cast %swap3A_708 : vector<1x258x256xf32> to vector<258x256xf32>
    %swap3A_710 = vector.shape_cast %concatenate3A_698 : vector<258x256xf32> to vector<1x258x256xf32>
    tpu.vector_store %swap3A_704[%swap3A_705, %swap3A_706, %swap3A_707], %swap3A_710 {strides = array<i32>} : memref<4x258x256xf32, #tpu.memory_space<vmem>>, vector<1x258x256xf32>,
    %slice3A_711 = vector.extract_strided_slice %concatenate3A_692 {offsets = [0, 128], sizes = [258, 128], strides = [1, 1]} : vector<258x512xf32> to vector<258x128xf32>
    %slice3A_712 = vector.extract_strided_slice %concatenate3A_692 {offsets = [0, 384], sizes = [258, 128], strides = [1, 1]} : vector<258x512xf32> to vector<258x128xf32>
    %concatenate3A_713 = tpu.concatenate %slice3A_711, %slice3A_712 in 1 : vector<258x128xf32>, vector<258x128xf32> -> vector<258x256xf32>
    %slice3A_714 = vector.extract_strided_slice %concatenate3A_713 {offsets = [0, 0], sizes = [258, 1], strides = [1, 1]} : vector<258x256xf32> to vector<258x1xf32>
    %slice3A_715 = vector.extract_strided_slice %concatenate3A_713 {offsets = [0, 0], sizes = [258, 255], strides = [1, 1]} : vector<258x256xf32> to vector<258x255xf32>
    %concatenate3A_716 = tpu.concatenate %slice3A_714, %slice3A_715 in 1 : vector<258x1xf32>, vector<258x255xf32> -> vector<258x256xf32>
    %swap3A_717 = arith.constant 0 : i32
    %swap3A_718 = arith.constant 8 : i32
    %swap3A_719 = arith.constant 0 : i32
    %swap3A_720 = arith.constant 0 : i32
    %swap3A_721 = tpu.memref_slice %arg4[%swap3A_717, %swap3A_718, %swap3A_719, %swap3A_720] : memref<1x24x258x256xf32, #tpu.memory_space<vmem>> -> memref<1x4x258x256xf32, #tpu.memory_space<vmem>>
    %swap3A_722 = tpu.memref_squeeze %swap3A_721 : memref<1x4x258x256xf32, #tpu.memory_space<vmem>> -> memref<4x258x256xf32, #tpu.memory_space<vmem>>
    %swap3A_723 = arith.constant 1 : index
    %swap3A_724 = arith.constant 0 : index
    %swap3A_725 = arith.constant 0 : index
    %swap3A_726 = vector.load %swap3A_722[%swap3A_723, %swap3A_724, %swap3A_725] : memref<4x258x256xf32, #tpu.memory_space<vmem>>, vector<1x258x256xf32>
    %swap3A_727 = vector.shape_cast %swap3A_726 : vector<1x258x256xf32> to vector<258x256xf32>
    %swap3A_728 = vector.shape_cast %concatenate3A_716 : vector<258x256xf32> to vector<1x258x256xf32>
    tpu.vector_store %swap3A_722[%swap3A_723, %swap3A_724, %swap3A_725], %swap3A_728 {strides = array<i32>} : memref<4x258x256xf32, #tpu.memory_space<vmem>>, vector<1x258x256xf32>,
    %mul3A_729 = arith.constant 2 : i32
    %mul3A_730 = vector.broadcast %mul3A_729 : i32 to vector<32x8x512xi32>
    %mul3A_731 = arith.muli %mul3A_730, %iota3A_610 : vector<32x8x512xi32>
    %sub3A_732 = arith.constant 2 : i32
    %sub3A_733 = vector.broadcast %sub3A_732 : i32 to vector<32x8x512xi32>
    %sub3A_734 = arith.subi %mul3A_731, %sub3A_733 : vector<32x8x512xi32>
    %add3A_735 = arith.constant 1 : i32
    %add3A_736 = vector.broadcast %add3A_735 : i32 to vector<32x8x512xi32>
    %add3A_737 = arith.addi %sub3A_734, %add3A_736 : vector<32x8x512xi32>
    %jit3A_738 = arith.constant 8 : i32
    %eq3A_739 = arith.constant 0 : i32
    %eq3A_740 = arith.cmpi eq, %jit3A_738, %eq3A_739 : i32
    %jit3A_741 = arith.constant 1 : i32
    %select_n3A_742 = arith.select %eq3A_740, %jit3A_741, %jit3A_738 : i32
    %rem3A_743 = vector.broadcast %select_n3A_742 : i32 to vector<32x8x512xi32>
    %rem3A_744 = arith.remsi %add3A_737, %rem3A_743 : vector<32x8x512xi32>
    %ne3A_745 = arith.constant 0 : i32
    %ne3A_746 = vector.broadcast %ne3A_745 : i32 to vector<32x8x512xi32>
    %ne3A_747 = arith.cmpi ne, %rem3A_744, %ne3A_746 : vector<32x8x512xi32>
    %lt3A_748 = arith.constant 0 : i32
    %lt3A_749 = vector.broadcast %lt3A_748 : i32 to vector<32x8x512xi32>
    %lt3A_750 = arith.cmpi slt, %rem3A_744, %lt3A_749 : vector<32x8x512xi32>
    %lt3A_751 = arith.constant 0 : i32
    %lt3A_752 = arith.cmpi slt, %select_n3A_742, %lt3A_751 : i32
    %ne3A_753 = vector.broadcast %lt3A_752 : i1 to vector<32x8x512xi1>
    %ne3A_754 = vector.broadcast %ne3A_753 : vector<32x8x512xi1> to vector<32x8x512xi1>
    %ne3A_755 = arith.xori %lt3A_750, %ne3A_754 : vector<32x8x512xi1>
    %and3A_756 = arith.andi %ne3A_755, %ne3A_747 : vector<32x8x512xi1>
    %add3A_757 = vector.broadcast %select_n3A_742 : i32 to vector<32x8x512xi32>
    %add3A_758 = arith.addi %rem3A_744, %add3A_757 : vector<32x8x512xi32>
    %select_n3A_759 = arith.select %and3A_756, %add3A_758, %rem3A_744 : vector<32x8x512xi1>, vector<32x8x512xi32>
    %eq3A_760 = arith.constant 0 : i32
    %eq3A_761 = vector.broadcast %eq3A_760 : i32 to vector<32x8x512xi32>
    %eq3A_762 = arith.cmpi eq, %iota3A_610, %eq3A_761 : vector<32x8x512xi32>
    %lt3A_763 = arith.constant 0 : i32
    %lt3A_764 = vector.broadcast %lt3A_763 : i32 to vector<32x8x512xi32>
    %lt3A_765 = arith.cmpi slt, %select_n3A_759, %lt3A_764 : vector<32x8x512xi32>
    %add3A_766 = arith.constant 8 : i32
    %add3A_767 = vector.broadcast %add3A_766 : i32 to vector<32x8x512xi32>
    %add3A_768 = arith.addi %select_n3A_759, %add3A_767 : vector<32x8x512xi32>
    %select_n3A_769 = arith.select %lt3A_765, %add3A_768, %select_n3A_759 : vector<32x8x512xi1>, vector<32x8x512xi32>
    %reshape3A_770 = vector.shape_cast %select_n3A_769 : vector<32x8x512xi32> to vector<32x8x512x1xi32>
    %gather3A_771 = vector.shape_cast %reshape3A_770 : vector<32x8x512x1xi32> to vector<32x8x512xi32>
    %gather3A_772 = tpu.dynamic_gather %concatenate3A_609[%gather3A_771] in [1] : vector<32x8x512xf32>, vector<32x8x512xi32> -> vector<32x8x512xf32>
    %le3A_773 = arith.constant 4 : i32
    %le3A_774 = vector.broadcast %le3A_773 : i32 to vector<32x8x512xi32>
    %le3A_775 = arith.cmpi sle, %iota3A_610, %le3A_774 : vector<32x8x512xi32>
    %lt3A_776 = arith.constant 0 : i32
    %lt3A_777 = vector.broadcast %lt3A_776 : i32 to vector<32x8x512xi32>
    %lt3A_778 = arith.cmpi slt, %select_n3A_759, %lt3A_777 : vector<32x8x512xi32>
    %add3A_779 = arith.constant 8 : i32
    %add3A_780 = vector.broadcast %add3A_779 : i32 to vector<32x8x512xi32>
    %add3A_781 = arith.addi %select_n3A_759, %add3A_780 : vector<32x8x512xi32>
    %select_n3A_782 = arith.select %lt3A_778, %add3A_781, %select_n3A_759 : vector<32x8x512xi1>, vector<32x8x512xi32>
    %reshape3A_783 = vector.shape_cast %select_n3A_782 : vector<32x8x512xi32> to vector<32x8x512x1xi32>
    %gather3A_784 = vector.shape_cast %reshape3A_783 : vector<32x8x512x1xi32> to vector<32x8x512xi32>
    %gather3A_785 = tpu.dynamic_gather %squeeze3A_604[%gather3A_784] in [1] : vector<32x8x512xf32>, vector<32x8x512xi32> -> vector<32x8x512xf32>
    %lt3A_786 = arith.constant 0 : i32
    %lt3A_787 = vector.broadcast %lt3A_786 : i32 to vector<32x8x512xi32>
    %lt3A_788 = arith.cmpi slt, %select_n3A_759, %lt3A_787 : vector<32x8x512xi32>
    %add3A_789 = arith.constant 8 : i32
    %add3A_790 = vector.broadcast %add3A_789 : i32 to vector<32x8x512xi32>
    %add3A_791 = arith.addi %select_n3A_759, %add3A_790 : vector<32x8x512xi32>
    %select_n3A_792 = arith.select %lt3A_788, %add3A_791, %select_n3A_759 : vector<32x8x512xi1>, vector<32x8x512xi32>
    %reshape3A_793 = vector.shape_cast %select_n3A_792 : vector<32x8x512xi32> to vector<32x8x512x1xi32>
    %gather3A_794 = vector.shape_cast %reshape3A_793 : vector<32x8x512x1xi32> to vector<32x8x512xi32>
    %gather3A_795 = tpu.dynamic_gather %squeeze3A_606[%gather3A_794] in [1] : vector<32x8x512xf32>, vector<32x8x512xi32> -> vector<32x8x512xf32>
    %select_n3A_796 = arith.select %le3A_775, %gather3A_785, %gather3A_795 : vector<32x8x512xi1>, vector<32x8x512xf32>
    %select_n3A_797 = arith.select %eq3A_762, %gather3A_772, %select_n3A_796 : vector<32x8x512xi1>, vector<32x8x512xf32>
    %reshape3A_798 = vector.shape_cast %select_n3A_797 : vector<32x8x512xf32> to vector<256x512xf32>
    %eq3A_799 = arith.constant 0 : i32
    %eq3A_800 = vector.broadcast %eq3A_799 : i32 to vector<256x512xi32>
    %eq3A_801 = arith.cmpi eq, %iota3A_611, %eq3A_800 : vector<256x512xi32>
    %slice3A_802 = vector.extract_strided_slice %concatenate3A_601 {offsets = [1, 0], sizes = [1, 512], strides = [1, 1]} : vector<512x512xf32> to vector<1x512xf32>
    %broadcast_in_dim3A_803 = vector.shape_cast %slice3A_802 : vector<1x512xf32> to vector<1x512xf32>
    %broadcast_in_dim3A_804 = vector.broadcast %broadcast_in_dim3A_803 : vector<1x512xf32> to vector<256x512xf32>
    %select_n3A_805 = arith.select %eq3A_801, %broadcast_in_dim3A_804, %reshape3A_798 : vector<256x512xi1>, vector<256x512xf32>
    %slice3A_806 = vector.extract_strided_slice %concatenate3A_601 {offsets = [511, 0], sizes = [1, 512], strides = [1, 1]} : vector<512x512xf32> to vector<1x512xf32>
    %broadcast_in_dim3A_807 = vector.shape_cast %slice3A_806 : vector<1x512xf32> to vector<1x512xf32>
    %broadcast_in_dim3A_808 = vector.broadcast %broadcast_in_dim3A_807 : vector<1x512xf32> to vector<2x512xf32>
    %concatenate3A_809 = tpu.concatenate %select_n3A_805, %broadcast_in_dim3A_808 in 0 : vector<256x512xf32>, vector<2x512xf32> -> vector<258x512xf32>
    %slice3A_810 = vector.extract_strided_slice %concatenate3A_809 {offsets = [0, 0], sizes = [258, 128], strides = [1, 1]} : vector<258x512xf32> to vector<258x128xf32>
    %slice3A_811 = vector.extract_strided_slice %concatenate3A_809 {offsets = [0, 256], sizes = [258, 128], strides = [1, 1]} : vector<258x512xf32> to vector<258x128xf32>
    %concatenate3A_812 = tpu.concatenate %slice3A_810, %slice3A_811 in 1 : vector<258x128xf32>, vector<258x128xf32> -> vector<258x256xf32>
    %slice3A_813 = vector.extract_strided_slice %concatenate3A_812 {offsets = [0, 0], sizes = [258, 1], strides = [1, 1]} : vector<258x256xf32> to vector<258x1xf32>
    %slice3A_814 = vector.extract_strided_slice %concatenate3A_812 {offsets = [0, 0], sizes = [258, 255], strides = [1, 1]} : vector<258x256xf32> to vector<258x255xf32>
    %concatenate3A_815 = tpu.concatenate %slice3A_813, %slice3A_814 in 1 : vector<258x1xf32>, vector<258x255xf32> -> vector<258x256xf32>
    %swap3A_816 = arith.constant 0 : i32
    %swap3A_817 = arith.constant 8 : i32
    %swap3A_818 = arith.constant 0 : i32
    %swap3A_819 = arith.constant 0 : i32
    %swap3A_820 = tpu.memref_slice %arg4[%swap3A_816, %swap3A_817, %swap3A_818, %swap3A_819] : memref<1x24x258x256xf32, #tpu.memory_space<vmem>> -> memref<1x4x258x256xf32, #tpu.memory_space<vmem>>
    %swap3A_821 = tpu.memref_squeeze %swap3A_820 : memref<1x4x258x256xf32, #tpu.memory_space<vmem>> -> memref<4x258x256xf32, #tpu.memory_space<vmem>>
    %swap3A_822 = arith.constant 2 : index
    %swap3A_823 = arith.constant 0 : index
    %swap3A_824 = arith.constant 0 : index
    %swap3A_825 = vector.load %swap3A_821[%swap3A_822, %swap3A_823, %swap3A_824] : memref<4x258x256xf32, #tpu.memory_space<vmem>>, vector<1x258x256xf32>
    %swap3A_826 = vector.shape_cast %swap3A_825 : vector<1x258x256xf32> to vector<258x256xf32>
    %swap3A_827 = vector.shape_cast %concatenate3A_815 : vector<258x256xf32> to vector<1x258x256xf32>
    tpu.vector_store %swap3A_821[%swap3A_822, %swap3A_823, %swap3A_824], %swap3A_827 {strides = array<i32>} : memref<4x258x256xf32, #tpu.memory_space<vmem>>, vector<1x258x256xf32>,
    %slice3A_828 = vector.extract_strided_slice %concatenate3A_809 {offsets = [0, 128], sizes = [258, 128], strides = [1, 1]} : vector<258x512xf32> to vector<258x128xf32>
    %slice3A_829 = vector.extract_strided_slice %concatenate3A_809 {offsets = [0, 384], sizes = [258, 128], strides = [1, 1]} : vector<258x512xf32> to vector<258x128xf32>
    %concatenate3A_830 = tpu.concatenate %slice3A_828, %slice3A_829 in 1 : vector<258x128xf32>, vector<258x128xf32> -> vector<258x256xf32>
    %slice3A_831 = vector.extract_strided_slice %concatenate3A_830 {offsets = [0, 0], sizes = [258, 1], strides = [1, 1]} : vector<258x256xf32> to vector<258x1xf32>
    %slice3A_832 = vector.extract_strided_slice %concatenate3A_830 {offsets = [0, 0], sizes = [258, 255], strides = [1, 1]} : vector<258x256xf32> to vector<258x255xf32>
    %concatenate3A_833 = tpu.concatenate %slice3A_831, %slice3A_832 in 1 : vector<258x1xf32>, vector<258x255xf32> -> vector<258x256xf32>
    %swap3A_834 = arith.constant 0 : i32
    %swap3A_835 = arith.constant 8 : i32
    %swap3A_836 = arith.constant 0 : i32
    %swap3A_837 = arith.constant 0 : i32
    %swap3A_838 = tpu.memref_slice %arg4[%swap3A_834, %swap3A_835, %swap3A_836, %swap3A_837] : memref<1x24x258x256xf32, #tpu.memory_space<vmem>> -> memref<1x4x258x256xf32, #tpu.memory_space<vmem>>
    %swap3A_839 = tpu.memref_squeeze %swap3A_838 : memref<1x4x258x256xf32, #tpu.memory_space<vmem>> -> memref<4x258x256xf32, #tpu.memory_space<vmem>>
    %swap3A_840 = arith.constant 3 : index
    %swap3A_841 = arith.constant 0 : index
    %swap3A_842 = arith.constant 0 : index
    %swap3A_843 = vector.load %swap3A_839[%swap3A_840, %swap3A_841, %swap3A_842] : memref<4x258x256xf32, #tpu.memory_space<vmem>>, vector<1x258x256xf32>
    %swap3A_844 = vector.shape_cast %swap3A_843 : vector<1x258x256xf32> to vector<258x256xf32>
    %swap3A_845 = vector.shape_cast %concatenate3A_833 : vector<258x256xf32> to vector<1x258x256xf32>
    tpu.vector_store %swap3A_839[%swap3A_840, %swap3A_841, %swap3A_842], %swap3A_845 {strides = array<i32>} : memref<4x258x256xf32, #tpu.memory_space<vmem>>, vector<1x258x256xf32>,
    %get3A_846 = arith.constant 0 : index
    %get3A_847 = arith.constant 3 : index
    %get3A_848 = arith.constant 0 : index
    %get3A_849 = arith.constant 0 : index
    %get3A_850 = vector.load %arg2[%get3A_846, %get3A_847, %get3A_848, %get3A_849] : memref<1x6x512x512xf32, #tpu.memory_space<vmem>>, vector<1x1x512x512xf32>
    %get3A_851 = vector.shape_cast %get3A_850 : vector<1x1x512x512xf32> to vector<512x512xf32>
    %convert_element_type3A_852 = arith.truncf %get3A_851 : vector<512x512xf32> to vector<512x512xbf16>
    %convert_element_type3A_853 = arith.extf %convert_element_type3A_852 : vector<512x512xbf16> to vector<512x512xf32>
    %sub3A_854 = arith.subf %get3A_851, %convert_element_type3A_853 : vector<512x512xf32>
    %convert_element_type3A_855 = arith.truncf %sub3A_854 : vector<512x512xf32> to vector<512x512xbf16>
    %slice3A_856 = vector.extract_strided_slice %convert_element_type3A_852 {offsets = [0, 0], sizes = [512, 256], strides = [1, 1]} : vector<512x512xbf16> to vector<512x256xbf16>
    %dot_general3A_857 = arith.constant dense<0.000000e+00> : vector<512x256xf32>
    %dot_general3A_858 = tpu.matmul %slice3A_856, %convert_element_type3A_48, %dot_general3A_857 {dimension_numbers = #tpu.dot_dimension_numbers<[1], [0], [0], [1], [0, 0, 1, 1], [], []>, transpose_lhs_hint = false} : vector<512x256xbf16>, vector<256x256xbf16>, vector<512x256xf32> -> vector<512x256xf32>
    %slice3A_859 = vector.extract_strided_slice %convert_element_type3A_855 {offsets = [0, 0], sizes = [512, 256], strides = [1, 1]} : vector<512x512xbf16> to vector<512x256xbf16>
    %dot_general3A_860 = arith.constant dense<0.000000e+00> : vector<512x256xf32>
    %dot_general3A_861 = tpu.matmul %slice3A_859, %convert_element_type3A_48, %dot_general3A_860 {dimension_numbers = #tpu.dot_dimension_numbers<[1], [0], [0], [1], [0, 0, 1, 1], [], []>, transpose_lhs_hint = false} : vector<512x256xbf16>, vector<256x256xbf16>, vector<512x256xf32> -> vector<512x256xf32>
    %add3A_862 = arith.addf %dot_general3A_858, %dot_general3A_861 : vector<512x256xf32>
    %slice3A_863 = vector.extract_strided_slice %convert_element_type3A_852 {offsets = [0, 256], sizes = [512, 256], strides = [1, 1]} : vector<512x512xbf16> to vector<512x256xbf16>
    %dot_general3A_864 = arith.constant dense<0.000000e+00> : vector<512x256xf32>
    %dot_general3A_865 = tpu.matmul %slice3A_863, %convert_element_type3A_48, %dot_general3A_864 {dimension_numbers = #tpu.dot_dimension_numbers<[1], [0], [0], [1], [0, 0, 1, 1], [], []>, transpose_lhs_hint = false} : vector<512x256xbf16>, vector<256x256xbf16>, vector<512x256xf32> -> vector<512x256xf32>
    %slice3A_866 = vector.extract_strided_slice %convert_element_type3A_855 {offsets = [0, 256], sizes = [512, 256], strides = [1, 1]} : vector<512x512xbf16> to vector<512x256xbf16>
    %dot_general3A_867 = arith.constant dense<0.000000e+00> : vector<512x256xf32>
    %dot_general3A_868 = tpu.matmul %slice3A_866, %convert_element_type3A_48, %dot_general3A_867 {dimension_numbers = #tpu.dot_dimension_numbers<[1], [0], [0], [1], [0, 0, 1, 1], [], []>, transpose_lhs_hint = false} : vector<512x256xbf16>, vector<256x256xbf16>, vector<512x256xf32> -> vector<512x256xf32>
    %add3A_869 = arith.addf %dot_general3A_865, %dot_general3A_868 : vector<512x256xf32>
    %concatenate3A_870 = tpu.concatenate %add3A_862, %add3A_869 in 1 : vector<512x256xf32>, vector<512x256xf32> -> vector<512x512xf32>
    %reshape3A_871 = vector.shape_cast %concatenate3A_870 : vector<512x512xf32> to vector<32x2x8x512xf32>
    %slice3A_872 = vector.extract_strided_slice %reshape3A_871 {offsets = [0, 0, 0, 0], sizes = [32, 1, 8, 512], strides = [1, 1, 1, 1]} : vector<32x2x8x512xf32> to vector<32x1x8x512xf32>
    %squeeze3A_873 = vector.shape_cast %slice3A_872 : vector<32x1x8x512xf32> to vector<32x8x512xf32>
    %slice3A_874 = vector.extract_strided_slice %reshape3A_871 {offsets = [0, 1, 0, 0], sizes = [32, 1, 8, 512], strides = [1, 1, 1, 1]} : vector<32x2x8x512xf32> to vector<32x1x8x512xf32>
    %squeeze3A_875 = vector.shape_cast %slice3A_874 : vector<32x1x8x512xf32> to vector<32x8x512xf32>
    %slice3A_876 = vector.extract_strided_slice %squeeze3A_875 {offsets = [31, 0, 0], sizes = [1, 8, 512], strides = [1, 1, 1]} : vector<32x8x512xf32> to vector<1x8x512xf32>
    %slice3A_877 = vector.extract_strided_slice %squeeze3A_875 {offsets = [0, 0, 0], sizes = [31, 8, 512], strides = [1, 1, 1]} : vector<32x8x512xf32> to vector<31x8x512xf32>
    %concatenate3A_878 = tpu.concatenate %slice3A_876, %slice3A_877 in 0 : vector<1x8x512xf32>, vector<31x8x512xf32> -> vector<32x8x512xf32>
    %iota3A_879 = tpu.iota {dimensions = array<i32: 1>} : vector<32x8x512xi32>
    %iota3A_880 = tpu.iota {dimensions = array<i32: 0>} : vector<256x512xi32>
    %mul3A_881 = arith.constant 2 : i32
    %mul3A_882 = vector.broadcast %mul3A_881 : i32 to vector<32x8x512xi32>
    %mul3A_883 = arith.muli %mul3A_882, %iota3A_879 : vector<32x8x512xi32>
    %sub3A_884 = arith.constant 2 : i32
    %sub3A_885 = vector.broadcast %sub3A_884 : i32 to vector<32x8x512xi32>
    %sub3A_886 = arith.subi %mul3A_883, %sub3A_885 : vector<32x8x512xi32>
    %add3A_887 = arith.constant 0 : i32
    %add3A_888 = vector.broadcast %add3A_887 : i32 to vector<32x8x512xi32>
    %add3A_889 = arith.addi %sub3A_886, %add3A_888 : vector<32x8x512xi32>
    %jit3A_890 = arith.constant 8 : i32
    %eq3A_891 = arith.constant 0 : i32
    %eq3A_892 = arith.cmpi eq, %jit3A_890, %eq3A_891 : i32
    %jit3A_893 = arith.constant 1 : i32
    %select_n3A_894 = arith.select %eq3A_892, %jit3A_893, %jit3A_890 : i32
    %rem3A_895 = vector.broadcast %select_n3A_894 : i32 to vector<32x8x512xi32>
    %rem3A_896 = arith.remsi %add3A_889, %rem3A_895 : vector<32x8x512xi32>
    %ne3A_897 = arith.constant 0 : i32
    %ne3A_898 = vector.broadcast %ne3A_897 : i32 to vector<32x8x512xi32>
    %ne3A_899 = arith.cmpi ne, %rem3A_896, %ne3A_898 : vector<32x8x512xi32>
    %lt3A_900 = arith.constant 0 : i32
    %lt3A_901 = vector.broadcast %lt3A_900 : i32 to vector<32x8x512xi32>
    %lt3A_902 = arith.cmpi slt, %rem3A_896, %lt3A_901 : vector<32x8x512xi32>
    %lt3A_903 = arith.constant 0 : i32
    %lt3A_904 = arith.cmpi slt, %select_n3A_894, %lt3A_903 : i32
    %ne3A_905 = vector.broadcast %lt3A_904 : i1 to vector<32x8x512xi1>
    %ne3A_906 = vector.broadcast %ne3A_905 : vector<32x8x512xi1> to vector<32x8x512xi1>
    %ne3A_907 = arith.xori %lt3A_902, %ne3A_906 : vector<32x8x512xi1>
    %and3A_908 = arith.andi %ne3A_907, %ne3A_899 : vector<32x8x512xi1>
    %add3A_909 = vector.broadcast %select_n3A_894 : i32 to vector<32x8x512xi32>
    %add3A_910 = arith.addi %rem3A_896, %add3A_909 : vector<32x8x512xi32>
    %select_n3A_911 = arith.select %and3A_908, %add3A_910, %rem3A_896 : vector<32x8x512xi1>, vector<32x8x512xi32>
    %eq3A_912 = arith.constant 0 : i32
    %eq3A_913 = vector.broadcast %eq3A_912 : i32 to vector<32x8x512xi32>
    %eq3A_914 = arith.cmpi eq, %iota3A_879, %eq3A_913 : vector<32x8x512xi32>
    %lt3A_915 = arith.constant 0 : i32
    %lt3A_916 = vector.broadcast %lt3A_915 : i32 to vector<32x8x512xi32>
    %lt3A_917 = arith.cmpi slt, %select_n3A_911, %lt3A_916 : vector<32x8x512xi32>
    %add3A_918 = arith.constant 8 : i32
    %add3A_919 = vector.broadcast %add3A_918 : i32 to vector<32x8x512xi32>
    %add3A_920 = arith.addi %select_n3A_911, %add3A_919 : vector<32x8x512xi32>
    %select_n3A_921 = arith.select %lt3A_917, %add3A_920, %select_n3A_911 : vector<32x8x512xi1>, vector<32x8x512xi32>
    %reshape3A_922 = vector.shape_cast %select_n3A_921 : vector<32x8x512xi32> to vector<32x8x512x1xi32>
    %gather3A_923 = vector.shape_cast %reshape3A_922 : vector<32x8x512x1xi32> to vector<32x8x512xi32>
    %gather3A_924 = tpu.dynamic_gather %concatenate3A_878[%gather3A_923] in [1] : vector<32x8x512xf32>, vector<32x8x512xi32> -> vector<32x8x512xf32>
    %le3A_925 = arith.constant 4 : i32
    %le3A_926 = vector.broadcast %le3A_925 : i32 to vector<32x8x512xi32>
    %le3A_927 = arith.cmpi sle, %iota3A_879, %le3A_926 : vector<32x8x512xi32>
    %lt3A_928 = arith.constant 0 : i32
    %lt3A_929 = vector.broadcast %lt3A_928 : i32 to vector<32x8x512xi32>
    %lt3A_930 = arith.cmpi slt, %select_n3A_911, %lt3A_929 : vector<32x8x512xi32>
    %add3A_931 = arith.constant 8 : i32
    %add3A_932 = vector.broadcast %add3A_931 : i32 to vector<32x8x512xi32>
    %add3A_933 = arith.addi %select_n3A_911, %add3A_932 : vector<32x8x512xi32>
    %select_n3A_934 = arith.select %lt3A_930, %add3A_933, %select_n3A_911 : vector<32x8x512xi1>, vector<32x8x512xi32>
    %reshape3A_935 = vector.shape_cast %select_n3A_934 : vector<32x8x512xi32> to vector<32x8x512x1xi32>
    %gather3A_936 = vector.shape_cast %reshape3A_935 : vector<32x8x512x1xi32> to vector<32x8x512xi32>
    %gather3A_937 = tpu.dynamic_gather %squeeze3A_873[%gather3A_936] in [1] : vector<32x8x512xf32>, vector<32x8x512xi32> -> vector<32x8x512xf32>
    %lt3A_938 = arith.constant 0 : i32
    %lt3A_939 = vector.broadcast %lt3A_938 : i32 to vector<32x8x512xi32>
    %lt3A_940 = arith.cmpi slt, %select_n3A_911, %lt3A_939 : vector<32x8x512xi32>
    %add3A_941 = arith.constant 8 : i32
    %add3A_942 = vector.broadcast %add3A_941 : i32 to vector<32x8x512xi32>
    %add3A_943 = arith.addi %select_n3A_911, %add3A_942 : vector<32x8x512xi32>
    %select_n3A_944 = arith.select %lt3A_940, %add3A_943, %select_n3A_911 : vector<32x8x512xi1>, vector<32x8x512xi32>
    %reshape3A_945 = vector.shape_cast %select_n3A_944 : vector<32x8x512xi32> to vector<32x8x512x1xi32>
    %gather3A_946 = vector.shape_cast %reshape3A_945 : vector<32x8x512x1xi32> to vector<32x8x512xi32>
    %gather3A_947 = tpu.dynamic_gather %squeeze3A_875[%gather3A_946] in [1] : vector<32x8x512xf32>, vector<32x8x512xi32> -> vector<32x8x512xf32>
    %select_n3A_948 = arith.select %le3A_927, %gather3A_937, %gather3A_947 : vector<32x8x512xi1>, vector<32x8x512xf32>
    %select_n3A_949 = arith.select %eq3A_914, %gather3A_924, %select_n3A_948 : vector<32x8x512xi1>, vector<32x8x512xf32>
    %reshape3A_950 = vector.shape_cast %select_n3A_949 : vector<32x8x512xf32> to vector<256x512xf32>
    %eq3A_951 = arith.constant 0 : i32
    %eq3A_952 = vector.broadcast %eq3A_951 : i32 to vector<256x512xi32>
    %eq3A_953 = arith.cmpi eq, %iota3A_880, %eq3A_952 : vector<256x512xi32>
    %slice3A_954 = vector.extract_strided_slice %concatenate3A_870 {offsets = [0, 0], sizes = [1, 512], strides = [1, 1]} : vector<512x512xf32> to vector<1x512xf32>
    %broadcast_in_dim3A_955 = vector.shape_cast %slice3A_954 : vector<1x512xf32> to vector<1x512xf32>
    %broadcast_in_dim3A_956 = vector.broadcast %broadcast_in_dim3A_955 : vector<1x512xf32> to vector<256x512xf32>
    %select_n3A_957 = arith.select %eq3A_953, %broadcast_in_dim3A_956, %reshape3A_950 : vector<256x512xi1>, vector<256x512xf32>
    %slice3A_958 = vector.extract_strided_slice %concatenate3A_870 {offsets = [510, 0], sizes = [1, 512], strides = [1, 1]} : vector<512x512xf32> to vector<1x512xf32>
    %broadcast_in_dim3A_959 = vector.shape_cast %slice3A_958 : vector<1x512xf32> to vector<1x512xf32>
    %broadcast_in_dim3A_960 = vector.broadcast %broadcast_in_dim3A_959 : vector<1x512xf32> to vector<2x512xf32>
    %concatenate3A_961 = tpu.concatenate %select_n3A_957, %broadcast_in_dim3A_960 in 0 : vector<256x512xf32>, vector<2x512xf32> -> vector<258x512xf32>
    %slice3A_962 = vector.extract_strided_slice %concatenate3A_961 {offsets = [0, 0], sizes = [258, 128], strides = [1, 1]} : vector<258x512xf32> to vector<258x128xf32>
    %slice3A_963 = vector.extract_strided_slice %concatenate3A_961 {offsets = [0, 256], sizes = [258, 128], strides = [1, 1]} : vector<258x512xf32> to vector<258x128xf32>
    %concatenate3A_964 = tpu.concatenate %slice3A_962, %slice3A_963 in 1 : vector<258x128xf32>, vector<258x128xf32> -> vector<258x256xf32>
    %slice3A_965 = vector.extract_strided_slice %concatenate3A_964 {offsets = [0, 0], sizes = [258, 1], strides = [1, 1]} : vector<258x256xf32> to vector<258x1xf32>
    %slice3A_966 = vector.extract_strided_slice %concatenate3A_964 {offsets = [0, 0], sizes = [258, 255], strides = [1, 1]} : vector<258x256xf32> to vector<258x255xf32>
    %concatenate3A_967 = tpu.concatenate %slice3A_965, %slice3A_966 in 1 : vector<258x1xf32>, vector<258x255xf32> -> vector<258x256xf32>
    %swap3A_968 = arith.constant 0 : i32
    %swap3A_969 = arith.constant 12 : i32
    %swap3A_970 = arith.constant 0 : i32
    %swap3A_971 = arith.constant 0 : i32
    %swap3A_972 = tpu.memref_slice %arg4[%swap3A_968, %swap3A_969, %swap3A_970, %swap3A_971] : memref<1x24x258x256xf32, #tpu.memory_space<vmem>> -> memref<1x4x258x256xf32, #tpu.memory_space<vmem>>
    %swap3A_973 = tpu.memref_squeeze %swap3A_972 : memref<1x4x258x256xf32, #tpu.memory_space<vmem>> -> memref<4x258x256xf32, #tpu.memory_space<vmem>>
    %swap3A_974 = arith.constant 0 : index
    %swap3A_975 = arith.constant 0 : index
    %swap3A_976 = arith.constant 0 : index
    %swap3A_977 = vector.load %swap3A_973[%swap3A_974, %swap3A_975, %swap3A_976] : memref<4x258x256xf32, #tpu.memory_space<vmem>>, vector<1x258x256xf32>
    %swap3A_978 = vector.shape_cast %swap3A_977 : vector<1x258x256xf32> to vector<258x256xf32>
    %swap3A_979 = vector.shape_cast %concatenate3A_967 : vector<258x256xf32> to vector<1x258x256xf32>
    tpu.vector_store %swap3A_973[%swap3A_974, %swap3A_975, %swap3A_976], %swap3A_979 {strides = array<i32>} : memref<4x258x256xf32, #tpu.memory_space<vmem>>, vector<1x258x256xf32>,
    %slice3A_980 = vector.extract_strided_slice %concatenate3A_961 {offsets = [0, 128], sizes = [258, 128], strides = [1, 1]} : vector<258x512xf32> to vector<258x128xf32>
    %slice3A_981 = vector.extract_strided_slice %concatenate3A_961 {offsets = [0, 384], sizes = [258, 128], strides = [1, 1]} : vector<258x512xf32> to vector<258x128xf32>
    %concatenate3A_982 = tpu.concatenate %slice3A_980, %slice3A_981 in 1 : vector<258x128xf32>, vector<258x128xf32> -> vector<258x256xf32>
    %slice3A_983 = vector.extract_strided_slice %concatenate3A_982 {offsets = [0, 0], sizes = [258, 1], strides = [1, 1]} : vector<258x256xf32> to vector<258x1xf32>
    %slice3A_984 = vector.extract_strided_slice %concatenate3A_982 {offsets = [0, 0], sizes = [258, 255], strides = [1, 1]} : vector<258x256xf32> to vector<258x255xf32>
    %concatenate3A_985 = tpu.concatenate %slice3A_983, %slice3A_984 in 1 : vector<258x1xf32>, vector<258x255xf32> -> vector<258x256xf32>
    %swap3A_986 = arith.constant 0 : i32
    %swap3A_987 = arith.constant 12 : i32
    %swap3A_988 = arith.constant 0 : i32
    %swap3A_989 = arith.constant 0 : i32
    %swap3A_990 = tpu.memref_slice %arg4[%swap3A_986, %swap3A_987, %swap3A_988, %swap3A_989] : memref<1x24x258x256xf32, #tpu.memory_space<vmem>> -> memref<1x4x258x256xf32, #tpu.memory_space<vmem>>
    %swap3A_991 = tpu.memref_squeeze %swap3A_990 : memref<1x4x258x256xf32, #tpu.memory_space<vmem>> -> memref<4x258x256xf32, #tpu.memory_space<vmem>>
    %swap3A_992 = arith.constant 1 : index
    %swap3A_993 = arith.constant 0 : index
    %swap3A_994 = arith.constant 0 : index
    %swap3A_995 = vector.load %swap3A_991[%swap3A_992, %swap3A_993, %swap3A_994] : memref<4x258x256xf32, #tpu.memory_space<vmem>>, vector<1x258x256xf32>
    %swap3A_996 = vector.shape_cast %swap3A_995 : vector<1x258x256xf32> to vector<258x256xf32>
    %swap3A_997 = vector.shape_cast %concatenate3A_985 : vector<258x256xf32> to vector<1x258x256xf32>
    tpu.vector_store %swap3A_991[%swap3A_992, %swap3A_993, %swap3A_994], %swap3A_997 {strides = array<i32>} : memref<4x258x256xf32, #tpu.memory_space<vmem>>, vector<1x258x256xf32>,
    %mul3A_998 = arith.constant 2 : i32
    %mul3A_999 = vector.broadcast %mul3A_998 : i32 to vector<32x8x512xi32>
    %mul3A_1000 = arith.muli %mul3A_999, %iota3A_879 : vector<32x8x512xi32>
    %sub3A_1001 = arith.constant 2 : i32
    %sub3A_1002 = vector.broadcast %sub3A_1001 : i32 to vector<32x8x512xi32>
    %sub3A_1003 = arith.subi %mul3A_1000, %sub3A_1002 : vector<32x8x512xi32>
    %add3A_1004 = arith.constant 1 : i32
    %add3A_1005 = vector.broadcast %add3A_1004 : i32 to vector<32x8x512xi32>
    %add3A_1006 = arith.addi %sub3A_1003, %add3A_1005 : vector<32x8x512xi32>
    %jit3A_1007 = arith.constant 8 : i32
    %eq3A_1008 = arith.constant 0 : i32
    %eq3A_1009 = arith.cmpi eq, %jit3A_1007, %eq3A_1008 : i32
    %jit3A_1010 = arith.constant 1 : i32
    %select_n3A_1011 = arith.select %eq3A_1009, %jit3A_1010, %jit3A_1007 : i32
    %rem3A_1012 = vector.broadcast %select_n3A_1011 : i32 to vector<32x8x512xi32>
    %rem3A_1013 = arith.remsi %add3A_1006, %rem3A_1012 : vector<32x8x512xi32>
    %ne3A_1014 = arith.constant 0 : i32
    %ne3A_1015 = vector.broadcast %ne3A_1014 : i32 to vector<32x8x512xi32>
    %ne3A_1016 = arith.cmpi ne, %rem3A_1013, %ne3A_1015 : vector<32x8x512xi32>
    %lt3A_1017 = arith.constant 0 : i32
    %lt3A_1018 = vector.broadcast %lt3A_1017 : i32 to vector<32x8x512xi32>
    %lt3A_1019 = arith.cmpi slt, %rem3A_1013, %lt3A_1018 : vector<32x8x512xi32>
    %lt3A_1020 = arith.constant 0 : i32
    %lt3A_1021 = arith.cmpi slt, %select_n3A_1011, %lt3A_1020 : i32
    %ne3A_1022 = vector.broadcast %lt3A_1021 : i1 to vector<32x8x512xi1>
    %ne3A_1023 = vector.broadcast %ne3A_1022 : vector<32x8x512xi1> to vector<32x8x512xi1>
    %ne3A_1024 = arith.xori %lt3A_1019, %ne3A_1023 : vector<32x8x512xi1>
    %and3A_1025 = arith.andi %ne3A_1024, %ne3A_1016 : vector<32x8x512xi1>
    %add3A_1026 = vector.broadcast %select_n3A_1011 : i32 to vector<32x8x512xi32>
    %add3A_1027 = arith.addi %rem3A_1013, %add3A_1026 : vector<32x8x512xi32>
    %select_n3A_1028 = arith.select %and3A_1025, %add3A_1027, %rem3A_1013 : vector<32x8x512xi1>, vector<32x8x512xi32>
    %eq3A_1029 = arith.constant 0 : i32
    %eq3A_1030 = vector.broadcast %eq3A_1029 : i32 to vector<32x8x512xi32>
    %eq3A_1031 = arith.cmpi eq, %iota3A_879, %eq3A_1030 : vector<32x8x512xi32>
    %lt3A_1032 = arith.constant 0 : i32
    %lt3A_1033 = vector.broadcast %lt3A_1032 : i32 to vector<32x8x512xi32>
    %lt3A_1034 = arith.cmpi slt, %select_n3A_1028, %lt3A_1033 : vector<32x8x512xi32>
    %add3A_1035 = arith.constant 8 : i32
    %add3A_1036 = vector.broadcast %add3A_1035 : i32 to vector<32x8x512xi32>
    %add3A_1037 = arith.addi %select_n3A_1028, %add3A_1036 : vector<32x8x512xi32>
    %select_n3A_1038 = arith.select %lt3A_1034, %add3A_1037, %select_n3A_1028 : vector<32x8x512xi1>, vector<32x8x512xi32>
    %reshape3A_1039 = vector.shape_cast %select_n3A_1038 : vector<32x8x512xi32> to vector<32x8x512x1xi32>
    %gather3A_1040 = vector.shape_cast %reshape3A_1039 : vector<32x8x512x1xi32> to vector<32x8x512xi32>
    %gather3A_1041 = tpu.dynamic_gather %concatenate3A_878[%gather3A_1040] in [1] : vector<32x8x512xf32>, vector<32x8x512xi32> -> vector<32x8x512xf32>
    %le3A_1042 = arith.constant 4 : i32
    %le3A_1043 = vector.broadcast %le3A_1042 : i32 to vector<32x8x512xi32>
    %le3A_1044 = arith.cmpi sle, %iota3A_879, %le3A_1043 : vector<32x8x512xi32>
    %lt3A_1045 = arith.constant 0 : i32
    %lt3A_1046 = vector.broadcast %lt3A_1045 : i32 to vector<32x8x512xi32>
    %lt3A_1047 = arith.cmpi slt, %select_n3A_1028, %lt3A_1046 : vector<32x8x512xi32>
    %add3A_1048 = arith.constant 8 : i32
    %add3A_1049 = vector.broadcast %add3A_1048 : i32 to vector<32x8x512xi32>
    %add3A_1050 = arith.addi %select_n3A_1028, %add3A_1049 : vector<32x8x512xi32>
    %select_n3A_1051 = arith.select %lt3A_1047, %add3A_1050, %select_n3A_1028 : vector<32x8x512xi1>, vector<32x8x512xi32>
    %reshape3A_1052 = vector.shape_cast %select_n3A_1051 : vector<32x8x512xi32> to vector<32x8x512x1xi32>
    %gather3A_1053 = vector.shape_cast %reshape3A_1052 : vector<32x8x512x1xi32> to vector<32x8x512xi32>
    %gather3A_1054 = tpu.dynamic_gather %squeeze3A_873[%gather3A_1053] in [1] : vector<32x8x512xf32>, vector<32x8x512xi32> -> vector<32x8x512xf32>
    %lt3A_1055 = arith.constant 0 : i32
    %lt3A_1056 = vector.broadcast %lt3A_1055 : i32 to vector<32x8x512xi32>
    %lt3A_1057 = arith.cmpi slt, %select_n3A_1028, %lt3A_1056 : vector<32x8x512xi32>
    %add3A_1058 = arith.constant 8 : i32
    %add3A_1059 = vector.broadcast %add3A_1058 : i32 to vector<32x8x512xi32>
    %add3A_1060 = arith.addi %select_n3A_1028, %add3A_1059 : vector<32x8x512xi32>
    %select_n3A_1061 = arith.select %lt3A_1057, %add3A_1060, %select_n3A_1028 : vector<32x8x512xi1>, vector<32x8x512xi32>
    %reshape3A_1062 = vector.shape_cast %select_n3A_1061 : vector<32x8x512xi32> to vector<32x8x512x1xi32>
    %gather3A_1063 = vector.shape_cast %reshape3A_1062 : vector<32x8x512x1xi32> to vector<32x8x512xi32>
    %gather3A_1064 = tpu.dynamic_gather %squeeze3A_875[%gather3A_1063] in [1] : vector<32x8x512xf32>, vector<32x8x512xi32> -> vector<32x8x512xf32>
    %select_n3A_1065 = arith.select %le3A_1044, %gather3A_1054, %gather3A_1064 : vector<32x8x512xi1>, vector<32x8x512xf32>
    %select_n3A_1066 = arith.select %eq3A_1031, %gather3A_1041, %select_n3A_1065 : vector<32x8x512xi1>, vector<32x8x512xf32>
    %reshape3A_1067 = vector.shape_cast %select_n3A_1066 : vector<32x8x512xf32> to vector<256x512xf32>
    %eq3A_1068 = arith.constant 0 : i32
    %eq3A_1069 = vector.broadcast %eq3A_1068 : i32 to vector<256x512xi32>
    %eq3A_1070 = arith.cmpi eq, %iota3A_880, %eq3A_1069 : vector<256x512xi32>
    %slice3A_1071 = vector.extract_strided_slice %concatenate3A_870 {offsets = [1, 0], sizes = [1, 512], strides = [1, 1]} : vector<512x512xf32> to vector<1x512xf32>
    %broadcast_in_dim3A_1072 = vector.shape_cast %slice3A_1071 : vector<1x512xf32> to vector<1x512xf32>
    %broadcast_in_dim3A_1073 = vector.broadcast %broadcast_in_dim3A_1072 : vector<1x512xf32> to vector<256x512xf32>
    %select_n3A_1074 = arith.select %eq3A_1070, %broadcast_in_dim3A_1073, %reshape3A_1067 : vector<256x512xi1>, vector<256x512xf32>
    %slice3A_1075 = vector.extract_strided_slice %concatenate3A_870 {offsets = [511, 0], sizes = [1, 512], strides = [1, 1]} : vector<512x512xf32> to vector<1x512xf32>
    %broadcast_in_dim3A_1076 = vector.shape_cast %slice3A_1075 : vector<1x512xf32> to vector<1x512xf32>
    %broadcast_in_dim3A_1077 = vector.broadcast %broadcast_in_dim3A_1076 : vector<1x512xf32> to vector<2x512xf32>
    %concatenate3A_1078 = tpu.concatenate %select_n3A_1074, %broadcast_in_dim3A_1077 in 0 : vector<256x512xf32>, vector<2x512xf32> -> vector<258x512xf32>
    %slice3A_1079 = vector.extract_strided_slice %concatenate3A_1078 {offsets = [0, 0], sizes = [258, 128], strides = [1, 1]} : vector<258x512xf32> to vector<258x128xf32>
    %slice3A_1080 = vector.extract_strided_slice %concatenate3A_1078 {offsets = [0, 256], sizes = [258, 128], strides = [1, 1]} : vector<258x512xf32> to vector<258x128xf32>
    %concatenate3A_1081 = tpu.concatenate %slice3A_1079, %slice3A_1080 in 1 : vector<258x128xf32>, vector<258x128xf32> -> vector<258x256xf32>
    %slice3A_1082 = vector.extract_strided_slice %concatenate3A_1081 {offsets = [0, 0], sizes = [258, 1], strides = [1, 1]} : vector<258x256xf32> to vector<258x1xf32>
    %slice3A_1083 = vector.extract_strided_slice %concatenate3A_1081 {offsets = [0, 0], sizes = [258, 255], strides = [1, 1]} : vector<258x256xf32> to vector<258x255xf32>
    %concatenate3A_1084 = tpu.concatenate %slice3A_1082, %slice3A_1083 in 1 : vector<258x1xf32>, vector<258x255xf32> -> vector<258x256xf32>
    %swap3A_1085 = arith.constant 0 : i32
    %swap3A_1086 = arith.constant 12 : i32
    %swap3A_1087 = arith.constant 0 : i32
    %swap3A_1088 = arith.constant 0 : i32
    %swap3A_1089 = tpu.memref_slice %arg4[%swap3A_1085, %swap3A_1086, %swap3A_1087, %swap3A_1088] : memref<1x24x258x256xf32, #tpu.memory_space<vmem>> -> memref<1x4x258x256xf32, #tpu.memory_space<vmem>>
    %swap3A_1090 = tpu.memref_squeeze %swap3A_1089 : memref<1x4x258x256xf32, #tpu.memory_space<vmem>> -> memref<4x258x256xf32, #tpu.memory_space<vmem>>
    %swap3A_1091 = arith.constant 2 : index
    %swap3A_1092 = arith.constant 0 : index
    %swap3A_1093 = arith.constant 0 : index
    %swap3A_1094 = vector.load %swap3A_1090[%swap3A_1091, %swap3A_1092, %swap3A_1093] : memref<4x258x256xf32, #tpu.memory_space<vmem>>, vector<1x258x256xf32>
    %swap3A_1095 = vector.shape_cast %swap3A_1094 : vector<1x258x256xf32> to vector<258x256xf32>
    %swap3A_1096 = vector.shape_cast %concatenate3A_1084 : vector<258x256xf32> to vector<1x258x256xf32>
    tpu.vector_store %swap3A_1090[%swap3A_1091, %swap3A_1092, %swap3A_1093], %swap3A_1096 {strides = array<i32>} : memref<4x258x256xf32, #tpu.memory_space<vmem>>, vector<1x258x256xf32>,
    %slice3A_1097 = vector.extract_strided_slice %concatenate3A_1078 {offsets = [0, 128], sizes = [258, 128], strides = [1, 1]} : vector<258x512xf32> to vector<258x128xf32>
    %slice3A_1098 = vector.extract_strided_slice %concatenate3A_1078 {offsets = [0, 384], sizes = [258, 128], strides = [1, 1]} : vector<258x512xf32> to vector<258x128xf32>
    %concatenate3A_1099 = tpu.concatenate %slice3A_1097, %slice3A_1098 in 1 : vector<258x128xf32>, vector<258x128xf32> -> vector<258x256xf32>
    %slice3A_1100 = vector.extract_strided_slice %concatenate3A_1099 {offsets = [0, 0], sizes = [258, 1], strides = [1, 1]} : vector<258x256xf32> to vector<258x1xf32>
    %slice3A_1101 = vector.extract_strided_slice %concatenate3A_1099 {offsets = [0, 0], sizes = [258, 255], strides = [1, 1]} : vector<258x256xf32> to vector<258x255xf32>
    %concatenate3A_1102 = tpu.concatenate %slice3A_1100, %slice3A_1101 in 1 : vector<258x1xf32>, vector<258x255xf32> -> vector<258x256xf32>
    %swap3A_1103 = arith.constant 0 : i32
    %swap3A_1104 = arith.constant 12 : i32
    %swap3A_1105 = arith.constant 0 : i32
    %swap3A_1106 = arith.constant 0 : i32
    %swap3A_1107 = tpu.memref_slice %arg4[%swap3A_1103, %swap3A_1104, %swap3A_1105, %swap3A_1106] : memref<1x24x258x256xf32, #tpu.memory_space<vmem>> -> memref<1x4x258x256xf32, #tpu.memory_space<vmem>>
    %swap3A_1108 = tpu.memref_squeeze %swap3A_1107 : memref<1x4x258x256xf32, #tpu.memory_space<vmem>> -> memref<4x258x256xf32, #tpu.memory_space<vmem>>
    %swap3A_1109 = arith.constant 3 : index
    %swap3A_1110 = arith.constant 0 : index
    %swap3A_1111 = arith.constant 0 : index
    %swap3A_1112 = vector.load %swap3A_1108[%swap3A_1109, %swap3A_1110, %swap3A_1111] : memref<4x258x256xf32, #tpu.memory_space<vmem>>, vector<1x258x256xf32>
    %swap3A_1113 = vector.shape_cast %swap3A_1112 : vector<1x258x256xf32> to vector<258x256xf32>
    %swap3A_1114 = vector.shape_cast %concatenate3A_1102 : vector<258x256xf32> to vector<1x258x256xf32>
    tpu.vector_store %swap3A_1108[%swap3A_1109, %swap3A_1110, %swap3A_1111], %swap3A_1114 {strides = array<i32>} : memref<4x258x256xf32, #tpu.memory_space<vmem>>, vector<1x258x256xf32>,
    %get3A_1115 = arith.constant 0 : index
    %get3A_1116 = arith.constant 4 : index
    %get3A_1117 = arith.constant 0 : index
    %get3A_1118 = arith.constant 0 : index
    %get3A_1119 = vector.load %arg2[%get3A_1115, %get3A_1116, %get3A_1117, %get3A_1118] : memref<1x6x512x512xf32, #tpu.memory_space<vmem>>, vector<1x1x512x512xf32>
    %get3A_1120 = vector.shape_cast %get3A_1119 : vector<1x1x512x512xf32> to vector<512x512xf32>
    %convert_element_type3A_1121 = arith.truncf %get3A_1120 : vector<512x512xf32> to vector<512x512xbf16>
    %convert_element_type3A_1122 = arith.extf %convert_element_type3A_1121 : vector<512x512xbf16> to vector<512x512xf32>
    %sub3A_1123 = arith.subf %get3A_1120, %convert_element_type3A_1122 : vector<512x512xf32>
    %convert_element_type3A_1124 = arith.truncf %sub3A_1123 : vector<512x512xf32> to vector<512x512xbf16>
    %slice3A_1125 = vector.extract_strided_slice %convert_element_type3A_1121 {offsets = [0, 0], sizes = [512, 256], strides = [1, 1]} : vector<512x512xbf16> to vector<512x256xbf16>
    %dot_general3A_1126 = arith.constant dense<0.000000e+00> : vector<512x256xf32>
    %dot_general3A_1127 = tpu.matmul %slice3A_1125, %convert_element_type3A_48, %dot_general3A_1126 {dimension_numbers = #tpu.dot_dimension_numbers<[1], [0], [0], [1], [0, 0, 1, 1], [], []>, transpose_lhs_hint = false} : vector<512x256xbf16>, vector<256x256xbf16>, vector<512x256xf32> -> vector<512x256xf32>
    %slice3A_1128 = vector.extract_strided_slice %convert_element_type3A_1124 {offsets = [0, 0], sizes = [512, 256], strides = [1, 1]} : vector<512x512xbf16> to vector<512x256xbf16>
    %dot_general3A_1129 = arith.constant dense<0.000000e+00> : vector<512x256xf32>
    %dot_general3A_1130 = tpu.matmul %slice3A_1128, %convert_element_type3A_48, %dot_general3A_1129 {dimension_numbers = #tpu.dot_dimension_numbers<[1], [0], [0], [1], [0, 0, 1, 1], [], []>, transpose_lhs_hint = false} : vector<512x256xbf16>, vector<256x256xbf16>, vector<512x256xf32> -> vector<512x256xf32>
    %add3A_1131 = arith.addf %dot_general3A_1127, %dot_general3A_1130 : vector<512x256xf32>
    %slice3A_1132 = vector.extract_strided_slice %convert_element_type3A_1121 {offsets = [0, 256], sizes = [512, 256], strides = [1, 1]} : vector<512x512xbf16> to vector<512x256xbf16>
    %dot_general3A_1133 = arith.constant dense<0.000000e+00> : vector<512x256xf32>
    %dot_general3A_1134 = tpu.matmul %slice3A_1132, %convert_element_type3A_48, %dot_general3A_1133 {dimension_numbers = #tpu.dot_dimension_numbers<[1], [0], [0], [1], [0, 0, 1, 1], [], []>, transpose_lhs_hint = false} : vector<512x256xbf16>, vector<256x256xbf16>, vector<512x256xf32> -> vector<512x256xf32>
    %slice3A_1135 = vector.extract_strided_slice %convert_element_type3A_1124 {offsets = [0, 256], sizes = [512, 256], strides = [1, 1]} : vector<512x512xbf16> to vector<512x256xbf16>
    %dot_general3A_1136 = arith.constant dense<0.000000e+00> : vector<512x256xf32>
    %dot_general3A_1137 = tpu.matmul %slice3A_1135, %convert_element_type3A_48, %dot_general3A_1136 {dimension_numbers = #tpu.dot_dimension_numbers<[1], [0], [0], [1], [0, 0, 1, 1], [], []>, transpose_lhs_hint = false} : vector<512x256xbf16>, vector<256x256xbf16>, vector<512x256xf32> -> vector<512x256xf32>
    %add3A_1138 = arith.addf %dot_general3A_1134, %dot_general3A_1137 : vector<512x256xf32>
    %concatenate3A_1139 = tpu.concatenate %add3A_1131, %add3A_1138 in 1 : vector<512x256xf32>, vector<512x256xf32> -> vector<512x512xf32>
    %reshape3A_1140 = vector.shape_cast %concatenate3A_1139 : vector<512x512xf32> to vector<32x2x8x512xf32>
    %slice3A_1141 = vector.extract_strided_slice %reshape3A_1140 {offsets = [0, 0, 0, 0], sizes = [32, 1, 8, 512], strides = [1, 1, 1, 1]} : vector<32x2x8x512xf32> to vector<32x1x8x512xf32>
    %squeeze3A_1142 = vector.shape_cast %slice3A_1141 : vector<32x1x8x512xf32> to vector<32x8x512xf32>
    %slice3A_1143 = vector.extract_strided_slice %reshape3A_1140 {offsets = [0, 1, 0, 0], sizes = [32, 1, 8, 512], strides = [1, 1, 1, 1]} : vector<32x2x8x512xf32> to vector<32x1x8x512xf32>
    %squeeze3A_1144 = vector.shape_cast %slice3A_1143 : vector<32x1x8x512xf32> to vector<32x8x512xf32>
    %slice3A_1145 = vector.extract_strided_slice %squeeze3A_1144 {offsets = [31, 0, 0], sizes = [1, 8, 512], strides = [1, 1, 1]} : vector<32x8x512xf32> to vector<1x8x512xf32>
    %slice3A_1146 = vector.extract_strided_slice %squeeze3A_1144 {offsets = [0, 0, 0], sizes = [31, 8, 512], strides = [1, 1, 1]} : vector<32x8x512xf32> to vector<31x8x512xf32>
    %concatenate3A_1147 = tpu.concatenate %slice3A_1145, %slice3A_1146 in 0 : vector<1x8x512xf32>, vector<31x8x512xf32> -> vector<32x8x512xf32>
    %iota3A_1148 = tpu.iota {dimensions = array<i32: 1>} : vector<32x8x512xi32>
    %iota3A_1149 = tpu.iota {dimensions = array<i32: 0>} : vector<256x512xi32>
    %mul3A_1150 = arith.constant 2 : i32
    %mul3A_1151 = vector.broadcast %mul3A_1150 : i32 to vector<32x8x512xi32>
    %mul3A_1152 = arith.muli %mul3A_1151, %iota3A_1148 : vector<32x8x512xi32>
    %sub3A_1153 = arith.constant 2 : i32
    %sub3A_1154 = vector.broadcast %sub3A_1153 : i32 to vector<32x8x512xi32>
    %sub3A_1155 = arith.subi %mul3A_1152, %sub3A_1154 : vector<32x8x512xi32>
    %add3A_1156 = arith.constant 0 : i32
    %add3A_1157 = vector.broadcast %add3A_1156 : i32 to vector<32x8x512xi32>
    %add3A_1158 = arith.addi %sub3A_1155, %add3A_1157 : vector<32x8x512xi32>
    %jit3A_1159 = arith.constant 8 : i32
    %eq3A_1160 = arith.constant 0 : i32
    %eq3A_1161 = arith.cmpi eq, %jit3A_1159, %eq3A_1160 : i32
    %jit3A_1162 = arith.constant 1 : i32
    %select_n3A_1163 = arith.select %eq3A_1161, %jit3A_1162, %jit3A_1159 : i32
    %rem3A_1164 = vector.broadcast %select_n3A_1163 : i32 to vector<32x8x512xi32>
    %rem3A_1165 = arith.remsi %add3A_1158, %rem3A_1164 : vector<32x8x512xi32>
    %ne3A_1166 = arith.constant 0 : i32
    %ne3A_1167 = vector.broadcast %ne3A_1166 : i32 to vector<32x8x512xi32>
    %ne3A_1168 = arith.cmpi ne, %rem3A_1165, %ne3A_1167 : vector<32x8x512xi32>
    %lt3A_1169 = arith.constant 0 : i32
    %lt3A_1170 = vector.broadcast %lt3A_1169 : i32 to vector<32x8x512xi32>
    %lt3A_1171 = arith.cmpi slt, %rem3A_1165, %lt3A_1170 : vector<32x8x512xi32>
    %lt3A_1172 = arith.constant 0 : i32
    %lt3A_1173 = arith.cmpi slt, %select_n3A_1163, %lt3A_1172 : i32
    %ne3A_1174 = vector.broadcast %lt3A_1173 : i1 to vector<32x8x512xi1>
    %ne3A_1175 = vector.broadcast %ne3A_1174 : vector<32x8x512xi1> to vector<32x8x512xi1>
    %ne3A_1176 = arith.xori %lt3A_1171, %ne3A_1175 : vector<32x8x512xi1>
    %and3A_1177 = arith.andi %ne3A_1176, %ne3A_1168 : vector<32x8x512xi1>
    %add3A_1178 = vector.broadcast %select_n3A_1163 : i32 to vector<32x8x512xi32>
    %add3A_1179 = arith.addi %rem3A_1165, %add3A_1178 : vector<32x8x512xi32>
    %select_n3A_1180 = arith.select %and3A_1177, %add3A_1179, %rem3A_1165 : vector<32x8x512xi1>, vector<32x8x512xi32>
    %eq3A_1181 = arith.constant 0 : i32
    %eq3A_1182 = vector.broadcast %eq3A_1181 : i32 to vector<32x8x512xi32>
    %eq3A_1183 = arith.cmpi eq, %iota3A_1148, %eq3A_1182 : vector<32x8x512xi32>
    %lt3A_1184 = arith.constant 0 : i32
    %lt3A_1185 = vector.broadcast %lt3A_1184 : i32 to vector<32x8x512xi32>
    %lt3A_1186 = arith.cmpi slt, %select_n3A_1180, %lt3A_1185 : vector<32x8x512xi32>
    %add3A_1187 = arith.constant 8 : i32
    %add3A_1188 = vector.broadcast %add3A_1187 : i32 to vector<32x8x512xi32>
    %add3A_1189 = arith.addi %select_n3A_1180, %add3A_1188 : vector<32x8x512xi32>
    %select_n3A_1190 = arith.select %lt3A_1186, %add3A_1189, %select_n3A_1180 : vector<32x8x512xi1>, vector<32x8x512xi32>
    %reshape3A_1191 = vector.shape_cast %select_n3A_1190 : vector<32x8x512xi32> to vector<32x8x512x1xi32>
    %gather3A_1192 = vector.shape_cast %reshape3A_1191 : vector<32x8x512x1xi32> to vector<32x8x512xi32>
    %gather3A_1193 = tpu.dynamic_gather %concatenate3A_1147[%gather3A_1192] in [1] : vector<32x8x512xf32>, vector<32x8x512xi32> -> vector<32x8x512xf32>
    %le3A_1194 = arith.constant 4 : i32
    %le3A_1195 = vector.broadcast %le3A_1194 : i32 to vector<32x8x512xi32>
    %le3A_1196 = arith.cmpi sle, %iota3A_1148, %le3A_1195 : vector<32x8x512xi32>
    %lt3A_1197 = arith.constant 0 : i32
    %lt3A_1198 = vector.broadcast %lt3A_1197 : i32 to vector<32x8x512xi32>
    %lt3A_1199 = arith.cmpi slt, %select_n3A_1180, %lt3A_1198 : vector<32x8x512xi32>
    %add3A_1200 = arith.constant 8 : i32
    %add3A_1201 = vector.broadcast %add3A_1200 : i32 to vector<32x8x512xi32>
    %add3A_1202 = arith.addi %select_n3A_1180, %add3A_1201 : vector<32x8x512xi32>
    %select_n3A_1203 = arith.select %lt3A_1199, %add3A_1202, %select_n3A_1180 : vector<32x8x512xi1>, vector<32x8x512xi32>
    %reshape3A_1204 = vector.shape_cast %select_n3A_1203 : vector<32x8x512xi32> to vector<32x8x512x1xi32>
    %gather3A_1205 = vector.shape_cast %reshape3A_1204 : vector<32x8x512x1xi32> to vector<32x8x512xi32>
    %gather3A_1206 = tpu.dynamic_gather %squeeze3A_1142[%gather3A_1205] in [1] : vector<32x8x512xf32>, vector<32x8x512xi32> -> vector<32x8x512xf32>
    %lt3A_1207 = arith.constant 0 : i32
    %lt3A_1208 = vector.broadcast %lt3A_1207 : i32 to vector<32x8x512xi32>
    %lt3A_1209 = arith.cmpi slt, %select_n3A_1180, %lt3A_1208 : vector<32x8x512xi32>
    %add3A_1210 = arith.constant 8 : i32
    %add3A_1211 = vector.broadcast %add3A_1210 : i32 to vector<32x8x512xi32>
    %add3A_1212 = arith.addi %select_n3A_1180, %add3A_1211 : vector<32x8x512xi32>
    %select_n3A_1213 = arith.select %lt3A_1209, %add3A_1212, %select_n3A_1180 : vector<32x8x512xi1>, vector<32x8x512xi32>
    %reshape3A_1214 = vector.shape_cast %select_n3A_1213 : vector<32x8x512xi32> to vector<32x8x512x1xi32>
    %gather3A_1215 = vector.shape_cast %reshape3A_1214 : vector<32x8x512x1xi32> to vector<32x8x512xi32>
    %gather3A_1216 = tpu.dynamic_gather %squeeze3A_1144[%gather3A_1215] in [1] : vector<32x8x512xf32>, vector<32x8x512xi32> -> vector<32x8x512xf32>
    %select_n3A_1217 = arith.select %le3A_1196, %gather3A_1206, %gather3A_1216 : vector<32x8x512xi1>, vector<32x8x512xf32>
    %select_n3A_1218 = arith.select %eq3A_1183, %gather3A_1193, %select_n3A_1217 : vector<32x8x512xi1>, vector<32x8x512xf32>
    %reshape3A_1219 = vector.shape_cast %select_n3A_1218 : vector<32x8x512xf32> to vector<256x512xf32>
    %eq3A_1220 = arith.constant 0 : i32
    %eq3A_1221 = vector.broadcast %eq3A_1220 : i32 to vector<256x512xi32>
    %eq3A_1222 = arith.cmpi eq, %iota3A_1149, %eq3A_1221 : vector<256x512xi32>
    %slice3A_1223 = vector.extract_strided_slice %concatenate3A_1139 {offsets = [0, 0], sizes = [1, 512], strides = [1, 1]} : vector<512x512xf32> to vector<1x512xf32>
    %broadcast_in_dim3A_1224 = vector.shape_cast %slice3A_1223 : vector<1x512xf32> to vector<1x512xf32>
    %broadcast_in_dim3A_1225 = vector.broadcast %broadcast_in_dim3A_1224 : vector<1x512xf32> to vector<256x512xf32>
    %select_n3A_1226 = arith.select %eq3A_1222, %broadcast_in_dim3A_1225, %reshape3A_1219 : vector<256x512xi1>, vector<256x512xf32>
    %slice3A_1227 = vector.extract_strided_slice %concatenate3A_1139 {offsets = [510, 0], sizes = [1, 512], strides = [1, 1]} : vector<512x512xf32> to vector<1x512xf32>
    %broadcast_in_dim3A_1228 = vector.shape_cast %slice3A_1227 : vector<1x512xf32> to vector<1x512xf32>
    %broadcast_in_dim3A_1229 = vector.broadcast %broadcast_in_dim3A_1228 : vector<1x512xf32> to vector<2x512xf32>
    %concatenate3A_1230 = tpu.concatenate %select_n3A_1226, %broadcast_in_dim3A_1229 in 0 : vector<256x512xf32>, vector<2x512xf32> -> vector<258x512xf32>
    %slice3A_1231 = vector.extract_strided_slice %concatenate3A_1230 {offsets = [0, 0], sizes = [258, 128], strides = [1, 1]} : vector<258x512xf32> to vector<258x128xf32>
    %slice3A_1232 = vector.extract_strided_slice %concatenate3A_1230 {offsets = [0, 256], sizes = [258, 128], strides = [1, 1]} : vector<258x512xf32> to vector<258x128xf32>
    %concatenate3A_1233 = tpu.concatenate %slice3A_1231, %slice3A_1232 in 1 : vector<258x128xf32>, vector<258x128xf32> -> vector<258x256xf32>
    %slice3A_1234 = vector.extract_strided_slice %concatenate3A_1233 {offsets = [0, 0], sizes = [258, 1], strides = [1, 1]} : vector<258x256xf32> to vector<258x1xf32>
    %slice3A_1235 = vector.extract_strided_slice %concatenate3A_1233 {offsets = [0, 0], sizes = [258, 255], strides = [1, 1]} : vector<258x256xf32> to vector<258x255xf32>
    %concatenate3A_1236 = tpu.concatenate %slice3A_1234, %slice3A_1235 in 1 : vector<258x1xf32>, vector<258x255xf32> -> vector<258x256xf32>
    %swap3A_1237 = arith.constant 0 : i32
    %swap3A_1238 = arith.constant 16 : i32
    %swap3A_1239 = arith.constant 0 : i32
    %swap3A_1240 = arith.constant 0 : i32
    %swap3A_1241 = tpu.memref_slice %arg4[%swap3A_1237, %swap3A_1238, %swap3A_1239, %swap3A_1240] : memref<1x24x258x256xf32, #tpu.memory_space<vmem>> -> memref<1x4x258x256xf32, #tpu.memory_space<vmem>>
    %swap3A_1242 = tpu.memref_squeeze %swap3A_1241 : memref<1x4x258x256xf32, #tpu.memory_space<vmem>> -> memref<4x258x256xf32, #tpu.memory_space<vmem>>
    %swap3A_1243 = arith.constant 0 : index
    %swap3A_1244 = arith.constant 0 : index
    %swap3A_1245 = arith.constant 0 : index
    %swap3A_1246 = vector.load %swap3A_1242[%swap3A_1243, %swap3A_1244, %swap3A_1245] : memref<4x258x256xf32, #tpu.memory_space<vmem>>, vector<1x258x256xf32>
    %swap3A_1247 = vector.shape_cast %swap3A_1246 : vector<1x258x256xf32> to vector<258x256xf32>
    %swap3A_1248 = vector.shape_cast %concatenate3A_1236 : vector<258x256xf32> to vector<1x258x256xf32>
    tpu.vector_store %swap3A_1242[%swap3A_1243, %swap3A_1244, %swap3A_1245], %swap3A_1248 {strides = array<i32>} : memref<4x258x256xf32, #tpu.memory_space<vmem>>, vector<1x258x256xf32>,
    %slice3A_1249 = vector.extract_strided_slice %concatenate3A_1230 {offsets = [0, 128], sizes = [258, 128], strides = [1, 1]} : vector<258x512xf32> to vector<258x128xf32>
    %slice3A_1250 = vector.extract_strided_slice %concatenate3A_1230 {offsets = [0, 384], sizes = [258, 128], strides = [1, 1]} : vector<258x512xf32> to vector<258x128xf32>
    %concatenate3A_1251 = tpu.concatenate %slice3A_1249, %slice3A_1250 in 1 : vector<258x128xf32>, vector<258x128xf32> -> vector<258x256xf32>
    %slice3A_1252 = vector.extract_strided_slice %concatenate3A_1251 {offsets = [0, 0], sizes = [258, 1], strides = [1, 1]} : vector<258x256xf32> to vector<258x1xf32>
    %slice3A_1253 = vector.extract_strided_slice %concatenate3A_1251 {offsets = [0, 0], sizes = [258, 255], strides = [1, 1]} : vector<258x256xf32> to vector<258x255xf32>
    %concatenate3A_1254 = tpu.concatenate %slice3A_1252, %slice3A_1253 in 1 : vector<258x1xf32>, vector<258x255xf32> -> vector<258x256xf32>
    %swap3A_1255 = arith.constant 0 : i32
    %swap3A_1256 = arith.constant 16 : i32
    %swap3A_1257 = arith.constant 0 : i32
    %swap3A_1258 = arith.constant 0 : i32
    %swap3A_1259 = tpu.memref_slice %arg4[%swap3A_1255, %swap3A_1256, %swap3A_1257, %swap3A_1258] : memref<1x24x258x256xf32, #tpu.memory_space<vmem>> -> memref<1x4x258x256xf32, #tpu.memory_space<vmem>>
    %swap3A_1260 = tpu.memref_squeeze %swap3A_1259 : memref<1x4x258x256xf32, #tpu.memory_space<vmem>> -> memref<4x258x256xf32, #tpu.memory_space<vmem>>
    %swap3A_1261 = arith.constant 1 : index
    %swap3A_1262 = arith.constant 0 : index
    %swap3A_1263 = arith.constant 0 : index
    %swap3A_1264 = vector.load %swap3A_1260[%swap3A_1261, %swap3A_1262, %swap3A_1263] : memref<4x258x256xf32, #tpu.memory_space<vmem>>, vector<1x258x256xf32>
    %swap3A_1265 = vector.shape_cast %swap3A_1264 : vector<1x258x256xf32> to vector<258x256xf32>
    %swap3A_1266 = vector.shape_cast %concatenate3A_1254 : vector<258x256xf32> to vector<1x258x256xf32>
    tpu.vector_store %swap3A_1260[%swap3A_1261, %swap3A_1262, %swap3A_1263], %swap3A_1266 {strides = array<i32>} : memref<4x258x256xf32, #tpu.memory_space<vmem>>, vector<1x258x256xf32>,
    %mul3A_1267 = arith.constant 2 : i32
    %mul3A_1268 = vector.broadcast %mul3A_1267 : i32 to vector<32x8x512xi32>
    %mul3A_1269 = arith.muli %mul3A_1268, %iota3A_1148 : vector<32x8x512xi32>
    %sub3A_1270 = arith.constant 2 : i32
    %sub3A_1271 = vector.broadcast %sub3A_1270 : i32 to vector<32x8x512xi32>
    %sub3A_1272 = arith.subi %mul3A_1269, %sub3A_1271 : vector<32x8x512xi32>
    %add3A_1273 = arith.constant 1 : i32
    %add3A_1274 = vector.broadcast %add3A_1273 : i32 to vector<32x8x512xi32>
    %add3A_1275 = arith.addi %sub3A_1272, %add3A_1274 : vector<32x8x512xi32>
    %jit3A_1276 = arith.constant 8 : i32
    %eq3A_1277 = arith.constant 0 : i32
    %eq3A_1278 = arith.cmpi eq, %jit3A_1276, %eq3A_1277 : i32
    %jit3A_1279 = arith.constant 1 : i32
    %select_n3A_1280 = arith.select %eq3A_1278, %jit3A_1279, %jit3A_1276 : i32
    %rem3A_1281 = vector.broadcast %select_n3A_1280 : i32 to vector<32x8x512xi32>
    %rem3A_1282 = arith.remsi %add3A_1275, %rem3A_1281 : vector<32x8x512xi32>
    %ne3A_1283 = arith.constant 0 : i32
    %ne3A_1284 = vector.broadcast %ne3A_1283 : i32 to vector<32x8x512xi32>
    %ne3A_1285 = arith.cmpi ne, %rem3A_1282, %ne3A_1284 : vector<32x8x512xi32>
    %lt3A_1286 = arith.constant 0 : i32
    %lt3A_1287 = vector.broadcast %lt3A_1286 : i32 to vector<32x8x512xi32>
    %lt3A_1288 = arith.cmpi slt, %rem3A_1282, %lt3A_1287 : vector<32x8x512xi32>
    %lt3A_1289 = arith.constant 0 : i32
    %lt3A_1290 = arith.cmpi slt, %select_n3A_1280, %lt3A_1289 : i32
    %ne3A_1291 = vector.broadcast %lt3A_1290 : i1 to vector<32x8x512xi1>
    %ne3A_1292 = vector.broadcast %ne3A_1291 : vector<32x8x512xi1> to vector<32x8x512xi1>
    %ne3A_1293 = arith.xori %lt3A_1288, %ne3A_1292 : vector<32x8x512xi1>
    %and3A_1294 = arith.andi %ne3A_1293, %ne3A_1285 : vector<32x8x512xi1>
    %add3A_1295 = vector.broadcast %select_n3A_1280 : i32 to vector<32x8x512xi32>
    %add3A_1296 = arith.addi %rem3A_1282, %add3A_1295 : vector<32x8x512xi32>
    %select_n3A_1297 = arith.select %and3A_1294, %add3A_1296, %rem3A_1282 : vector<32x8x512xi1>, vector<32x8x512xi32>
    %eq3A_1298 = arith.constant 0 : i32
    %eq3A_1299 = vector.broadcast %eq3A_1298 : i32 to vector<32x8x512xi32>
    %eq3A_1300 = arith.cmpi eq, %iota3A_1148, %eq3A_1299 : vector<32x8x512xi32>
    %lt3A_1301 = arith.constant 0 : i32
    %lt3A_1302 = vector.broadcast %lt3A_1301 : i32 to vector<32x8x512xi32>
    %lt3A_1303 = arith.cmpi slt, %select_n3A_1297, %lt3A_1302 : vector<32x8x512xi32>
    %add3A_1304 = arith.constant 8 : i32
    %add3A_1305 = vector.broadcast %add3A_1304 : i32 to vector<32x8x512xi32>
    %add3A_1306 = arith.addi %select_n3A_1297, %add3A_1305 : vector<32x8x512xi32>
    %select_n3A_1307 = arith.select %lt3A_1303, %add3A_1306, %select_n3A_1297 : vector<32x8x512xi1>, vector<32x8x512xi32>
    %reshape3A_1308 = vector.shape_cast %select_n3A_1307 : vector<32x8x512xi32> to vector<32x8x512x1xi32>
    %gather3A_1309 = vector.shape_cast %reshape3A_1308 : vector<32x8x512x1xi32> to vector<32x8x512xi32>
    %gather3A_1310 = tpu.dynamic_gather %concatenate3A_1147[%gather3A_1309] in [1] : vector<32x8x512xf32>, vector<32x8x512xi32> -> vector<32x8x512xf32>
    %le3A_1311 = arith.constant 4 : i32
    %le3A_1312 = vector.broadcast %le3A_1311 : i32 to vector<32x8x512xi32>
    %le3A_1313 = arith.cmpi sle, %iota3A_1148, %le3A_1312 : vector<32x8x512xi32>
    %lt3A_1314 = arith.constant 0 : i32
    %lt3A_1315 = vector.broadcast %lt3A_1314 : i32 to vector<32x8x512xi32>
    %lt3A_1316 = arith.cmpi slt, %select_n3A_1297, %lt3A_1315 : vector<32x8x512xi32>
    %add3A_1317 = arith.constant 8 : i32
    %add3A_1318 = vector.broadcast %add3A_1317 : i32 to vector<32x8x512xi32>
    %add3A_1319 = arith.addi %select_n3A_1297, %add3A_1318 : vector<32x8x512xi32>
    %select_n3A_1320 = arith.select %lt3A_1316, %add3A_1319, %select_n3A_1297 : vector<32x8x512xi1>, vector<32x8x512xi32>
    %reshape3A_1321 = vector.shape_cast %select_n3A_1320 : vector<32x8x512xi32> to vector<32x8x512x1xi32>
    %gather3A_1322 = vector.shape_cast %reshape3A_1321 : vector<32x8x512x1xi32> to vector<32x8x512xi32>
    %gather3A_1323 = tpu.dynamic_gather %squeeze3A_1142[%gather3A_1322] in [1] : vector<32x8x512xf32>, vector<32x8x512xi32> -> vector<32x8x512xf32>
    %lt3A_1324 = arith.constant 0 : i32
    %lt3A_1325 = vector.broadcast %lt3A_1324 : i32 to vector<32x8x512xi32>
    %lt3A_1326 = arith.cmpi slt, %select_n3A_1297, %lt3A_1325 : vector<32x8x512xi32>
    %add3A_1327 = arith.constant 8 : i32
    %add3A_1328 = vector.broadcast %add3A_1327 : i32 to vector<32x8x512xi32>
    %add3A_1329 = arith.addi %select_n3A_1297, %add3A_1328 : vector<32x8x512xi32>
    %select_n3A_1330 = arith.select %lt3A_1326, %add3A_1329, %select_n3A_1297 : vector<32x8x512xi1>, vector<32x8x512xi32>
    %reshape3A_1331 = vector.shape_cast %select_n3A_1330 : vector<32x8x512xi32> to vector<32x8x512x1xi32>
    %gather3A_1332 = vector.shape_cast %reshape3A_1331 : vector<32x8x512x1xi32> to vector<32x8x512xi32>
    %gather3A_1333 = tpu.dynamic_gather %squeeze3A_1144[%gather3A_1332] in [1] : vector<32x8x512xf32>, vector<32x8x512xi32> -> vector<32x8x512xf32>
    %select_n3A_1334 = arith.select %le3A_1313, %gather3A_1323, %gather3A_1333 : vector<32x8x512xi1>, vector<32x8x512xf32>
    %select_n3A_1335 = arith.select %eq3A_1300, %gather3A_1310, %select_n3A_1334 : vector<32x8x512xi1>, vector<32x8x512xf32>
    %reshape3A_1336 = vector.shape_cast %select_n3A_1335 : vector<32x8x512xf32> to vector<256x512xf32>
    %eq3A_1337 = arith.constant 0 : i32
    %eq3A_1338 = vector.broadcast %eq3A_1337 : i32 to vector<256x512xi32>
    %eq3A_1339 = arith.cmpi eq, %iota3A_1149, %eq3A_1338 : vector<256x512xi32>
    %slice3A_1340 = vector.extract_strided_slice %concatenate3A_1139 {offsets = [1, 0], sizes = [1, 512], strides = [1, 1]} : vector<512x512xf32> to vector<1x512xf32>
    %broadcast_in_dim3A_1341 = vector.shape_cast %slice3A_1340 : vector<1x512xf32> to vector<1x512xf32>
    %broadcast_in_dim3A_1342 = vector.broadcast %broadcast_in_dim3A_1341 : vector<1x512xf32> to vector<256x512xf32>
    %select_n3A_1343 = arith.select %eq3A_1339, %broadcast_in_dim3A_1342, %reshape3A_1336 : vector<256x512xi1>, vector<256x512xf32>
    %slice3A_1344 = vector.extract_strided_slice %concatenate3A_1139 {offsets = [511, 0], sizes = [1, 512], strides = [1, 1]} : vector<512x512xf32> to vector<1x512xf32>
    %broadcast_in_dim3A_1345 = vector.shape_cast %slice3A_1344 : vector<1x512xf32> to vector<1x512xf32>
    %broadcast_in_dim3A_1346 = vector.broadcast %broadcast_in_dim3A_1345 : vector<1x512xf32> to vector<2x512xf32>
    %concatenate3A_1347 = tpu.concatenate %select_n3A_1343, %broadcast_in_dim3A_1346 in 0 : vector<256x512xf32>, vector<2x512xf32> -> vector<258x512xf32>
    %slice3A_1348 = vector.extract_strided_slice %concatenate3A_1347 {offsets = [0, 0], sizes = [258, 128], strides = [1, 1]} : vector<258x512xf32> to vector<258x128xf32>
    %slice3A_1349 = vector.extract_strided_slice %concatenate3A_1347 {offsets = [0, 256], sizes = [258, 128], strides = [1, 1]} : vector<258x512xf32> to vector<258x128xf32>
    %concatenate3A_1350 = tpu.concatenate %slice3A_1348, %slice3A_1349 in 1 : vector<258x128xf32>, vector<258x128xf32> -> vector<258x256xf32>
    %slice3A_1351 = vector.extract_strided_slice %concatenate3A_1350 {offsets = [0, 0], sizes = [258, 1], strides = [1, 1]} : vector<258x256xf32> to vector<258x1xf32>
    %slice3A_1352 = vector.extract_strided_slice %concatenate3A_1350 {offsets = [0, 0], sizes = [258, 255], strides = [1, 1]} : vector<258x256xf32> to vector<258x255xf32>
    %concatenate3A_1353 = tpu.concatenate %slice3A_1351, %slice3A_1352 in 1 : vector<258x1xf32>, vector<258x255xf32> -> vector<258x256xf32>
    %swap3A_1354 = arith.constant 0 : i32
    %swap3A_1355 = arith.constant 16 : i32
    %swap3A_1356 = arith.constant 0 : i32
    %swap3A_1357 = arith.constant 0 : i32
    %swap3A_1358 = tpu.memref_slice %arg4[%swap3A_1354, %swap3A_1355, %swap3A_1356, %swap3A_1357] : memref<1x24x258x256xf32, #tpu.memory_space<vmem>> -> memref<1x4x258x256xf32, #tpu.memory_space<vmem>>
    %swap3A_1359 = tpu.memref_squeeze %swap3A_1358 : memref<1x4x258x256xf32, #tpu.memory_space<vmem>> -> memref<4x258x256xf32, #tpu.memory_space<vmem>>
    %swap3A_1360 = arith.constant 2 : index
    %swap3A_1361 = arith.constant 0 : index
    %swap3A_1362 = arith.constant 0 : index
    %swap3A_1363 = vector.load %swap3A_1359[%swap3A_1360, %swap3A_1361, %swap3A_1362] : memref<4x258x256xf32, #tpu.memory_space<vmem>>, vector<1x258x256xf32>
    %swap3A_1364 = vector.shape_cast %swap3A_1363 : vector<1x258x256xf32> to vector<258x256xf32>
    %swap3A_1365 = vector.shape_cast %concatenate3A_1353 : vector<258x256xf32> to vector<1x258x256xf32>
    tpu.vector_store %swap3A_1359[%swap3A_1360, %swap3A_1361, %swap3A_1362], %swap3A_1365 {strides = array<i32>} : memref<4x258x256xf32, #tpu.memory_space<vmem>>, vector<1x258x256xf32>,
    %slice3A_1366 = vector.extract_strided_slice %concatenate3A_1347 {offsets = [0, 128], sizes = [258, 128], strides = [1, 1]} : vector<258x512xf32> to vector<258x128xf32>
    %slice3A_1367 = vector.extract_strided_slice %concatenate3A_1347 {offsets = [0, 384], sizes = [258, 128], strides = [1, 1]} : vector<258x512xf32> to vector<258x128xf32>
    %concatenate3A_1368 = tpu.concatenate %slice3A_1366, %slice3A_1367 in 1 : vector<258x128xf32>, vector<258x128xf32> -> vector<258x256xf32>
    %slice3A_1369 = vector.extract_strided_slice %concatenate3A_1368 {offsets = [0, 0], sizes = [258, 1], strides = [1, 1]} : vector<258x256xf32> to vector<258x1xf32>
    %slice3A_1370 = vector.extract_strided_slice %concatenate3A_1368 {offsets = [0, 0], sizes = [258, 255], strides = [1, 1]} : vector<258x256xf32> to vector<258x255xf32>
    %concatenate3A_1371 = tpu.concatenate %slice3A_1369, %slice3A_1370 in 1 : vector<258x1xf32>, vector<258x255xf32> -> vector<258x256xf32>
    %swap3A_1372 = arith.constant 0 : i32
    %swap3A_1373 = arith.constant 16 : i32
    %swap3A_1374 = arith.constant 0 : i32
    %swap3A_1375 = arith.constant 0 : i32
    %swap3A_1376 = tpu.memref_slice %arg4[%swap3A_1372, %swap3A_1373, %swap3A_1374, %swap3A_1375] : memref<1x24x258x256xf32, #tpu.memory_space<vmem>> -> memref<1x4x258x256xf32, #tpu.memory_space<vmem>>
    %swap3A_1377 = tpu.memref_squeeze %swap3A_1376 : memref<1x4x258x256xf32, #tpu.memory_space<vmem>> -> memref<4x258x256xf32, #tpu.memory_space<vmem>>
    %swap3A_1378 = arith.constant 3 : index
    %swap3A_1379 = arith.constant 0 : index
    %swap3A_1380 = arith.constant 0 : index
    %swap3A_1381 = vector.load %swap3A_1377[%swap3A_1378, %swap3A_1379, %swap3A_1380] : memref<4x258x256xf32, #tpu.memory_space<vmem>>, vector<1x258x256xf32>
    %swap3A_1382 = vector.shape_cast %swap3A_1381 : vector<1x258x256xf32> to vector<258x256xf32>
    %swap3A_1383 = vector.shape_cast %concatenate3A_1371 : vector<258x256xf32> to vector<1x258x256xf32>
    tpu.vector_store %swap3A_1377[%swap3A_1378, %swap3A_1379, %swap3A_1380], %swap3A_1383 {strides = array<i32>} : memref<4x258x256xf32, #tpu.memory_space<vmem>>, vector<1x258x256xf32>,
    %get3A_1384 = arith.constant 0 : index
    %get3A_1385 = arith.constant 5 : index
    %get3A_1386 = arith.constant 0 : index
    %get3A_1387 = arith.constant 0 : index
    %get3A_1388 = vector.load %arg2[%get3A_1384, %get3A_1385, %get3A_1386, %get3A_1387] : memref<1x6x512x512xf32, #tpu.memory_space<vmem>>, vector<1x1x512x512xf32>
    %get3A_1389 = vector.shape_cast %get3A_1388 : vector<1x1x512x512xf32> to vector<512x512xf32>
    %convert_element_type3A_1390 = arith.truncf %get3A_1389 : vector<512x512xf32> to vector<512x512xbf16>
    %convert_element_type3A_1391 = arith.extf %convert_element_type3A_1390 : vector<512x512xbf16> to vector<512x512xf32>
    %sub3A_1392 = arith.subf %get3A_1389, %convert_element_type3A_1391 : vector<512x512xf32>
    %convert_element_type3A_1393 = arith.truncf %sub3A_1392 : vector<512x512xf32> to vector<512x512xbf16>
    %slice3A_1394 = vector.extract_strided_slice %convert_element_type3A_1390 {offsets = [0, 0], sizes = [512, 256], strides = [1, 1]} : vector<512x512xbf16> to vector<512x256xbf16>
    %dot_general3A_1395 = arith.constant dense<0.000000e+00> : vector<512x256xf32>
    %dot_general3A_1396 = tpu.matmul %slice3A_1394, %convert_element_type3A_48, %dot_general3A_1395 {dimension_numbers = #tpu.dot_dimension_numbers<[1], [0], [0], [1], [0, 0, 1, 1], [], []>, transpose_lhs_hint = false} : vector<512x256xbf16>, vector<256x256xbf16>, vector<512x256xf32> -> vector<512x256xf32>
    %slice3A_1397 = vector.extract_strided_slice %convert_element_type3A_1393 {offsets = [0, 0], sizes = [512, 256], strides = [1, 1]} : vector<512x512xbf16> to vector<512x256xbf16>
    %dot_general3A_1398 = arith.constant dense<0.000000e+00> : vector<512x256xf32>
    %dot_general3A_1399 = tpu.matmul %slice3A_1397, %convert_element_type3A_48, %dot_general3A_1398 {dimension_numbers = #tpu.dot_dimension_numbers<[1], [0], [0], [1], [0, 0, 1, 1], [], []>, transpose_lhs_hint = false} : vector<512x256xbf16>, vector<256x256xbf16>, vector<512x256xf32> -> vector<512x256xf32>
    %add3A_1400 = arith.addf %dot_general3A_1396, %dot_general3A_1399 : vector<512x256xf32>
    %slice3A_1401 = vector.extract_strided_slice %convert_element_type3A_1390 {offsets = [0, 256], sizes = [512, 256], strides = [1, 1]} : vector<512x512xbf16> to vector<512x256xbf16>
    %dot_general3A_1402 = arith.constant dense<0.000000e+00> : vector<512x256xf32>
    %dot_general3A_1403 = tpu.matmul %slice3A_1401, %convert_element_type3A_48, %dot_general3A_1402 {dimension_numbers = #tpu.dot_dimension_numbers<[1], [0], [0], [1], [0, 0, 1, 1], [], []>, transpose_lhs_hint = false} : vector<512x256xbf16>, vector<256x256xbf16>, vector<512x256xf32> -> vector<512x256xf32>
    %slice3A_1404 = vector.extract_strided_slice %convert_element_type3A_1393 {offsets = [0, 256], sizes = [512, 256], strides = [1, 1]} : vector<512x512xbf16> to vector<512x256xbf16>
    %dot_general3A_1405 = arith.constant dense<0.000000e+00> : vector<512x256xf32>
    %dot_general3A_1406 = tpu.matmul %slice3A_1404, %convert_element_type3A_48, %dot_general3A_1405 {dimension_numbers = #tpu.dot_dimension_numbers<[1], [0], [0], [1], [0, 0, 1, 1], [], []>, transpose_lhs_hint = false} : vector<512x256xbf16>, vector<256x256xbf16>, vector<512x256xf32> -> vector<512x256xf32>
    %add3A_1407 = arith.addf %dot_general3A_1403, %dot_general3A_1406 : vector<512x256xf32>
    %concatenate3A_1408 = tpu.concatenate %add3A_1400, %add3A_1407 in 1 : vector<512x256xf32>, vector<512x256xf32> -> vector<512x512xf32>
    %reshape3A_1409 = vector.shape_cast %concatenate3A_1408 : vector<512x512xf32> to vector<32x2x8x512xf32>
    %slice3A_1410 = vector.extract_strided_slice %reshape3A_1409 {offsets = [0, 0, 0, 0], sizes = [32, 1, 8, 512], strides = [1, 1, 1, 1]} : vector<32x2x8x512xf32> to vector<32x1x8x512xf32>
    %squeeze3A_1411 = vector.shape_cast %slice3A_1410 : vector<32x1x8x512xf32> to vector<32x8x512xf32>
    %slice3A_1412 = vector.extract_strided_slice %reshape3A_1409 {offsets = [0, 1, 0, 0], sizes = [32, 1, 8, 512], strides = [1, 1, 1, 1]} : vector<32x2x8x512xf32> to vector<32x1x8x512xf32>
    %squeeze3A_1413 = vector.shape_cast %slice3A_1412 : vector<32x1x8x512xf32> to vector<32x8x512xf32>
    %slice3A_1414 = vector.extract_strided_slice %squeeze3A_1413 {offsets = [31, 0, 0], sizes = [1, 8, 512], strides = [1, 1, 1]} : vector<32x8x512xf32> to vector<1x8x512xf32>
    %slice3A_1415 = vector.extract_strided_slice %squeeze3A_1413 {offsets = [0, 0, 0], sizes = [31, 8, 512], strides = [1, 1, 1]} : vector<32x8x512xf32> to vector<31x8x512xf32>
    %concatenate3A_1416 = tpu.concatenate %slice3A_1414, %slice3A_1415 in 0 : vector<1x8x512xf32>, vector<31x8x512xf32> -> vector<32x8x512xf32>
    %iota3A_1417 = tpu.iota {dimensions = array<i32: 1>} : vector<32x8x512xi32>
    %iota3A_1418 = tpu.iota {dimensions = array<i32: 0>} : vector<256x512xi32>
    %mul3A_1419 = arith.constant 2 : i32
    %mul3A_1420 = vector.broadcast %mul3A_1419 : i32 to vector<32x8x512xi32>
    %mul3A_1421 = arith.muli %mul3A_1420, %iota3A_1417 : vector<32x8x512xi32>
    %sub3A_1422 = arith.constant 2 : i32
    %sub3A_1423 = vector.broadcast %sub3A_1422 : i32 to vector<32x8x512xi32>
    %sub3A_1424 = arith.subi %mul3A_1421, %sub3A_1423 : vector<32x8x512xi32>
    %add3A_1425 = arith.constant 0 : i32
    %add3A_1426 = vector.broadcast %add3A_1425 : i32 to vector<32x8x512xi32>
    %add3A_1427 = arith.addi %sub3A_1424, %add3A_1426 : vector<32x8x512xi32>
    %jit3A_1428 = arith.constant 8 : i32
    %eq3A_1429 = arith.constant 0 : i32
    %eq3A_1430 = arith.cmpi eq, %jit3A_1428, %eq3A_1429 : i32
    %jit3A_1431 = arith.constant 1 : i32
    %select_n3A_1432 = arith.select %eq3A_1430, %jit3A_1431, %jit3A_1428 : i32
    %rem3A_1433 = vector.broadcast %select_n3A_1432 : i32 to vector<32x8x512xi32>
    %rem3A_1434 = arith.remsi %add3A_1427, %rem3A_1433 : vector<32x8x512xi32>
    %ne3A_1435 = arith.constant 0 : i32
    %ne3A_1436 = vector.broadcast %ne3A_1435 : i32 to vector<32x8x512xi32>
    %ne3A_1437 = arith.cmpi ne, %rem3A_1434, %ne3A_1436 : vector<32x8x512xi32>
    %lt3A_1438 = arith.constant 0 : i32
    %lt3A_1439 = vector.broadcast %lt3A_1438 : i32 to vector<32x8x512xi32>
    %lt3A_1440 = arith.cmpi slt, %rem3A_1434, %lt3A_1439 : vector<32x8x512xi32>
    %lt3A_1441 = arith.constant 0 : i32
    %lt3A_1442 = arith.cmpi slt, %select_n3A_1432, %lt3A_1441 : i32
    %ne3A_1443 = vector.broadcast %lt3A_1442 : i1 to vector<32x8x512xi1>
    %ne3A_1444 = vector.broadcast %ne3A_1443 : vector<32x8x512xi1> to vector<32x8x512xi1>
    %ne3A_1445 = arith.xori %lt3A_1440, %ne3A_1444 : vector<32x8x512xi1>
    %and3A_1446 = arith.andi %ne3A_1445, %ne3A_1437 : vector<32x8x512xi1>
    %add3A_1447 = vector.broadcast %select_n3A_1432 : i32 to vector<32x8x512xi32>
    %add3A_1448 = arith.addi %rem3A_1434, %add3A_1447 : vector<32x8x512xi32>
    %select_n3A_1449 = arith.select %and3A_1446, %add3A_1448, %rem3A_1434 : vector<32x8x512xi1>, vector<32x8x512xi32>
    %eq3A_1450 = arith.constant 0 : i32
    %eq3A_1451 = vector.broadcast %eq3A_1450 : i32 to vector<32x8x512xi32>
    %eq3A_1452 = arith.cmpi eq, %iota3A_1417, %eq3A_1451 : vector<32x8x512xi32>
    %lt3A_1453 = arith.constant 0 : i32
    %lt3A_1454 = vector.broadcast %lt3A_1453 : i32 to vector<32x8x512xi32>
    %lt3A_1455 = arith.cmpi slt, %select_n3A_1449, %lt3A_1454 : vector<32x8x512xi32>
    %add3A_1456 = arith.constant 8 : i32
    %add3A_1457 = vector.broadcast %add3A_1456 : i32 to vector<32x8x512xi32>
    %add3A_1458 = arith.addi %select_n3A_1449, %add3A_1457 : vector<32x8x512xi32>
    %select_n3A_1459 = arith.select %lt3A_1455, %add3A_1458, %select_n3A_1449 : vector<32x8x512xi1>, vector<32x8x512xi32>
    %reshape3A_1460 = vector.shape_cast %select_n3A_1459 : vector<32x8x512xi32> to vector<32x8x512x1xi32>
    %gather3A_1461 = vector.shape_cast %reshape3A_1460 : vector<32x8x512x1xi32> to vector<32x8x512xi32>
    %gather3A_1462 = tpu.dynamic_gather %concatenate3A_1416[%gather3A_1461] in [1] : vector<32x8x512xf32>, vector<32x8x512xi32> -> vector<32x8x512xf32>
    %le3A_1463 = arith.constant 4 : i32
    %le3A_1464 = vector.broadcast %le3A_1463 : i32 to vector<32x8x512xi32>
    %le3A_1465 = arith.cmpi sle, %iota3A_1417, %le3A_1464 : vector<32x8x512xi32>
    %lt3A_1466 = arith.constant 0 : i32
    %lt3A_1467 = vector.broadcast %lt3A_1466 : i32 to vector<32x8x512xi32>
    %lt3A_1468 = arith.cmpi slt, %select_n3A_1449, %lt3A_1467 : vector<32x8x512xi32>
    %add3A_1469 = arith.constant 8 : i32
    %add3A_1470 = vector.broadcast %add3A_1469 : i32 to vector<32x8x512xi32>
    %add3A_1471 = arith.addi %select_n3A_1449, %add3A_1470 : vector<32x8x512xi32>
    %select_n3A_1472 = arith.select %lt3A_1468, %add3A_1471, %select_n3A_1449 : vector<32x8x512xi1>, vector<32x8x512xi32>
    %reshape3A_1473 = vector.shape_cast %select_n3A_1472 : vector<32x8x512xi32> to vector<32x8x512x1xi32>
    %gather3A_1474 = vector.shape_cast %reshape3A_1473 : vector<32x8x512x1xi32> to vector<32x8x512xi32>
    %gather3A_1475 = tpu.dynamic_gather %squeeze3A_1411[%gather3A_1474] in [1] : vector<32x8x512xf32>, vector<32x8x512xi32> -> vector<32x8x512xf32>
    %lt3A_1476 = arith.constant 0 : i32
    %lt3A_1477 = vector.broadcast %lt3A_1476 : i32 to vector<32x8x512xi32>
    %lt3A_1478 = arith.cmpi slt, %select_n3A_1449, %lt3A_1477 : vector<32x8x512xi32>
    %add3A_1479 = arith.constant 8 : i32
    %add3A_1480 = vector.broadcast %add3A_1479 : i32 to vector<32x8x512xi32>
    %add3A_1481 = arith.addi %select_n3A_1449, %add3A_1480 : vector<32x8x512xi32>
    %select_n3A_1482 = arith.select %lt3A_1478, %add3A_1481, %select_n3A_1449 : vector<32x8x512xi1>, vector<32x8x512xi32>
    %reshape3A_1483 = vector.shape_cast %select_n3A_1482 : vector<32x8x512xi32> to vector<32x8x512x1xi32>
    %gather3A_1484 = vector.shape_cast %reshape3A_1483 : vector<32x8x512x1xi32> to vector<32x8x512xi32>
    %gather3A_1485 = tpu.dynamic_gather %squeeze3A_1413[%gather3A_1484] in [1] : vector<32x8x512xf32>, vector<32x8x512xi32> -> vector<32x8x512xf32>
    %select_n3A_1486 = arith.select %le3A_1465, %gather3A_1475, %gather3A_1485 : vector<32x8x512xi1>, vector<32x8x512xf32>
    %select_n3A_1487 = arith.select %eq3A_1452, %gather3A_1462, %select_n3A_1486 : vector<32x8x512xi1>, vector<32x8x512xf32>
    %reshape3A_1488 = vector.shape_cast %select_n3A_1487 : vector<32x8x512xf32> to vector<256x512xf32>
    %eq3A_1489 = arith.constant 0 : i32
    %eq3A_1490 = vector.broadcast %eq3A_1489 : i32 to vector<256x512xi32>
    %eq3A_1491 = arith.cmpi eq, %iota3A_1418, %eq3A_1490 : vector<256x512xi32>
    %slice3A_1492 = vector.extract_strided_slice %concatenate3A_1408 {offsets = [0, 0], sizes = [1, 512], strides = [1, 1]} : vector<512x512xf32> to vector<1x512xf32>
    %broadcast_in_dim3A_1493 = vector.shape_cast %slice3A_1492 : vector<1x512xf32> to vector<1x512xf32>
    %broadcast_in_dim3A_1494 = vector.broadcast %broadcast_in_dim3A_1493 : vector<1x512xf32> to vector<256x512xf32>
    %select_n3A_1495 = arith.select %eq3A_1491, %broadcast_in_dim3A_1494, %reshape3A_1488 : vector<256x512xi1>, vector<256x512xf32>
    %slice3A_1496 = vector.extract_strided_slice %concatenate3A_1408 {offsets = [510, 0], sizes = [1, 512], strides = [1, 1]} : vector<512x512xf32> to vector<1x512xf32>
    %broadcast_in_dim3A_1497 = vector.shape_cast %slice3A_1496 : vector<1x512xf32> to vector<1x512xf32>
    %broadcast_in_dim3A_1498 = vector.broadcast %broadcast_in_dim3A_1497 : vector<1x512xf32> to vector<2x512xf32>
    %concatenate3A_1499 = tpu.concatenate %select_n3A_1495, %broadcast_in_dim3A_1498 in 0 : vector<256x512xf32>, vector<2x512xf32> -> vector<258x512xf32>
    %slice3A_1500 = vector.extract_strided_slice %concatenate3A_1499 {offsets = [0, 0], sizes = [258, 128], strides = [1, 1]} : vector<258x512xf32> to vector<258x128xf32>
    %slice3A_1501 = vector.extract_strided_slice %concatenate3A_1499 {offsets = [0, 256], sizes = [258, 128], strides = [1, 1]} : vector<258x512xf32> to vector<258x128xf32>
    %concatenate3A_1502 = tpu.concatenate %slice3A_1500, %slice3A_1501 in 1 : vector<258x128xf32>, vector<258x128xf32> -> vector<258x256xf32>
    %slice3A_1503 = vector.extract_strided_slice %concatenate3A_1502 {offsets = [0, 0], sizes = [258, 1], strides = [1, 1]} : vector<258x256xf32> to vector<258x1xf32>
    %slice3A_1504 = vector.extract_strided_slice %concatenate3A_1502 {offsets = [0, 0], sizes = [258, 255], strides = [1, 1]} : vector<258x256xf32> to vector<258x255xf32>
    %concatenate3A_1505 = tpu.concatenate %slice3A_1503, %slice3A_1504 in 1 : vector<258x1xf32>, vector<258x255xf32> -> vector<258x256xf32>
    %swap3A_1506 = arith.constant 0 : i32
    %swap3A_1507 = arith.constant 20 : i32
    %swap3A_1508 = arith.constant 0 : i32
    %swap3A_1509 = arith.constant 0 : i32
    %swap3A_1510 = tpu.memref_slice %arg4[%swap3A_1506, %swap3A_1507, %swap3A_1508, %swap3A_1509] : memref<1x24x258x256xf32, #tpu.memory_space<vmem>> -> memref<1x4x258x256xf32, #tpu.memory_space<vmem>>
    %swap3A_1511 = tpu.memref_squeeze %swap3A_1510 : memref<1x4x258x256xf32, #tpu.memory_space<vmem>> -> memref<4x258x256xf32, #tpu.memory_space<vmem>>
    %swap3A_1512 = arith.constant 0 : index
    %swap3A_1513 = arith.constant 0 : index
    %swap3A_1514 = arith.constant 0 : index
    %swap3A_1515 = vector.load %swap3A_1511[%swap3A_1512, %swap3A_1513, %swap3A_1514] : memref<4x258x256xf32, #tpu.memory_space<vmem>>, vector<1x258x256xf32>
    %swap3A_1516 = vector.shape_cast %swap3A_1515 : vector<1x258x256xf32> to vector<258x256xf32>
    %swap3A_1517 = vector.shape_cast %concatenate3A_1505 : vector<258x256xf32> to vector<1x258x256xf32>
    tpu.vector_store %swap3A_1511[%swap3A_1512, %swap3A_1513, %swap3A_1514], %swap3A_1517 {strides = array<i32>} : memref<4x258x256xf32, #tpu.memory_space<vmem>>, vector<1x258x256xf32>,
    %slice3A_1518 = vector.extract_strided_slice %concatenate3A_1499 {offsets = [0, 128], sizes = [258, 128], strides = [1, 1]} : vector<258x512xf32> to vector<258x128xf32>
    %slice3A_1519 = vector.extract_strided_slice %concatenate3A_1499 {offsets = [0, 384], sizes = [258, 128], strides = [1, 1]} : vector<258x512xf32> to vector<258x128xf32>
    %concatenate3A_1520 = tpu.concatenate %slice3A_1518, %slice3A_1519 in 1 : vector<258x128xf32>, vector<258x128xf32> -> vector<258x256xf32>
    %slice3A_1521 = vector.extract_strided_slice %concatenate3A_1520 {offsets = [0, 0], sizes = [258, 1], strides = [1, 1]} : vector<258x256xf32> to vector<258x1xf32>
    %slice3A_1522 = vector.extract_strided_slice %concatenate3A_1520 {offsets = [0, 0], sizes = [258, 255], strides = [1, 1]} : vector<258x256xf32> to vector<258x255xf32>
    %concatenate3A_1523 = tpu.concatenate %slice3A_1521, %slice3A_1522 in 1 : vector<258x1xf32>, vector<258x255xf32> -> vector<258x256xf32>
    %swap3A_1524 = arith.constant 0 : i32
    %swap3A_1525 = arith.constant 20 : i32
    %swap3A_1526 = arith.constant 0 : i32
    %swap3A_1527 = arith.constant 0 : i32
    %swap3A_1528 = tpu.memref_slice %arg4[%swap3A_1524, %swap3A_1525, %swap3A_1526, %swap3A_1527] : memref<1x24x258x256xf32, #tpu.memory_space<vmem>> -> memref<1x4x258x256xf32, #tpu.memory_space<vmem>>
    %swap3A_1529 = tpu.memref_squeeze %swap3A_1528 : memref<1x4x258x256xf32, #tpu.memory_space<vmem>> -> memref<4x258x256xf32, #tpu.memory_space<vmem>>
    %swap3A_1530 = arith.constant 1 : index
    %swap3A_1531 = arith.constant 0 : index
    %swap3A_1532 = arith.constant 0 : index
    %swap3A_1533 = vector.load %swap3A_1529[%swap3A_1530, %swap3A_1531, %swap3A_1532] : memref<4x258x256xf32, #tpu.memory_space<vmem>>, vector<1x258x256xf32>
    %swap3A_1534 = vector.shape_cast %swap3A_1533 : vector<1x258x256xf32> to vector<258x256xf32>
    %swap3A_1535 = vector.shape_cast %concatenate3A_1523 : vector<258x256xf32> to vector<1x258x256xf32>
    tpu.vector_store %swap3A_1529[%swap3A_1530, %swap3A_1531, %swap3A_1532], %swap3A_1535 {strides = array<i32>} : memref<4x258x256xf32, #tpu.memory_space<vmem>>, vector<1x258x256xf32>,
    %mul3A_1536 = arith.constant 2 : i32
    %mul3A_1537 = vector.broadcast %mul3A_1536 : i32 to vector<32x8x512xi32>
    %mul3A_1538 = arith.muli %mul3A_1537, %iota3A_1417 : vector<32x8x512xi32>
    %sub3A_1539 = arith.constant 2 : i32
    %sub3A_1540 = vector.broadcast %sub3A_1539 : i32 to vector<32x8x512xi32>
    %sub3A_1541 = arith.subi %mul3A_1538, %sub3A_1540 : vector<32x8x512xi32>
    %add3A_1542 = arith.constant 1 : i32
    %add3A_1543 = vector.broadcast %add3A_1542 : i32 to vector<32x8x512xi32>
    %add3A_1544 = arith.addi %sub3A_1541, %add3A_1543 : vector<32x8x512xi32>
    %jit3A_1545 = arith.constant 8 : i32
    %eq3A_1546 = arith.constant 0 : i32
    %eq3A_1547 = arith.cmpi eq, %jit3A_1545, %eq3A_1546 : i32
    %jit3A_1548 = arith.constant 1 : i32
    %select_n3A_1549 = arith.select %eq3A_1547, %jit3A_1548, %jit3A_1545 : i32
    %rem3A_1550 = vector.broadcast %select_n3A_1549 : i32 to vector<32x8x512xi32>
    %rem3A_1551 = arith.remsi %add3A_1544, %rem3A_1550 : vector<32x8x512xi32>
    %ne3A_1552 = arith.constant 0 : i32
    %ne3A_1553 = vector.broadcast %ne3A_1552 : i32 to vector<32x8x512xi32>
    %ne3A_1554 = arith.cmpi ne, %rem3A_1551, %ne3A_1553 : vector<32x8x512xi32>
    %lt3A_1555 = arith.constant 0 : i32
    %lt3A_1556 = vector.broadcast %lt3A_1555 : i32 to vector<32x8x512xi32>
    %lt3A_1557 = arith.cmpi slt, %rem3A_1551, %lt3A_1556 : vector<32x8x512xi32>
    %lt3A_1558 = arith.constant 0 : i32
    %lt3A_1559 = arith.cmpi slt, %select_n3A_1549, %lt3A_1558 : i32
    %ne3A_1560 = vector.broadcast %lt3A_1559 : i1 to vector<32x8x512xi1>
    %ne3A_1561 = vector.broadcast %ne3A_1560 : vector<32x8x512xi1> to vector<32x8x512xi1>
    %ne3A_1562 = arith.xori %lt3A_1557, %ne3A_1561 : vector<32x8x512xi1>
    %and3A_1563 = arith.andi %ne3A_1562, %ne3A_1554 : vector<32x8x512xi1>
    %add3A_1564 = vector.broadcast %select_n3A_1549 : i32 to vector<32x8x512xi32>
    %add3A_1565 = arith.addi %rem3A_1551, %add3A_1564 : vector<32x8x512xi32>
    %select_n3A_1566 = arith.select %and3A_1563, %add3A_1565, %rem3A_1551 : vector<32x8x512xi1>, vector<32x8x512xi32>
    %eq3A_1567 = arith.constant 0 : i32
    %eq3A_1568 = vector.broadcast %eq3A_1567 : i32 to vector<32x8x512xi32>
    %eq3A_1569 = arith.cmpi eq, %iota3A_1417, %eq3A_1568 : vector<32x8x512xi32>
    %lt3A_1570 = arith.constant 0 : i32
    %lt3A_1571 = vector.broadcast %lt3A_1570 : i32 to vector<32x8x512xi32>
    %lt3A_1572 = arith.cmpi slt, %select_n3A_1566, %lt3A_1571 : vector<32x8x512xi32>
    %add3A_1573 = arith.constant 8 : i32
    %add3A_1574 = vector.broadcast %add3A_1573 : i32 to vector<32x8x512xi32>
    %add3A_1575 = arith.addi %select_n3A_1566, %add3A_1574 : vector<32x8x512xi32>
    %select_n3A_1576 = arith.select %lt3A_1572, %add3A_1575, %select_n3A_1566 : vector<32x8x512xi1>, vector<32x8x512xi32>
    %reshape3A_1577 = vector.shape_cast %select_n3A_1576 : vector<32x8x512xi32> to vector<32x8x512x1xi32>
    %gather3A_1578 = vector.shape_cast %reshape3A_1577 : vector<32x8x512x1xi32> to vector<32x8x512xi32>
    %gather3A_1579 = tpu.dynamic_gather %concatenate3A_1416[%gather3A_1578] in [1] : vector<32x8x512xf32>, vector<32x8x512xi32> -> vector<32x8x512xf32>
    %le3A_1580 = arith.constant 4 : i32
    %le3A_1581 = vector.broadcast %le3A_1580 : i32 to vector<32x8x512xi32>
    %le3A_1582 = arith.cmpi sle, %iota3A_1417, %le3A_1581 : vector<32x8x512xi32>
    %lt3A_1583 = arith.constant 0 : i32
    %lt3A_1584 = vector.broadcast %lt3A_1583 : i32 to vector<32x8x512xi32>
    %lt3A_1585 = arith.cmpi slt, %select_n3A_1566, %lt3A_1584 : vector<32x8x512xi32>
    %add3A_1586 = arith.constant 8 : i32
    %add3A_1587 = vector.broadcast %add3A_1586 : i32 to vector<32x8x512xi32>
    %add3A_1588 = arith.addi %select_n3A_1566, %add3A_1587 : vector<32x8x512xi32>
    %select_n3A_1589 = arith.select %lt3A_1585, %add3A_1588, %select_n3A_1566 : vector<32x8x512xi1>, vector<32x8x512xi32>
    %reshape3A_1590 = vector.shape_cast %select_n3A_1589 : vector<32x8x512xi32> to vector<32x8x512x1xi32>
    %gather3A_1591 = vector.shape_cast %reshape3A_1590 : vector<32x8x512x1xi32> to vector<32x8x512xi32>
    %gather3A_1592 = tpu.dynamic_gather %squeeze3A_1411[%gather3A_1591] in [1] : vector<32x8x512xf32>, vector<32x8x512xi32> -> vector<32x8x512xf32>
    %lt3A_1593 = arith.constant 0 : i32
    %lt3A_1594 = vector.broadcast %lt3A_1593 : i32 to vector<32x8x512xi32>
    %lt3A_1595 = arith.cmpi slt, %select_n3A_1566, %lt3A_1594 : vector<32x8x512xi32>
    %add3A_1596 = arith.constant 8 : i32
    %add3A_1597 = vector.broadcast %add3A_1596 : i32 to vector<32x8x512xi32>
    %add3A_1598 = arith.addi %select_n3A_1566, %add3A_1597 : vector<32x8x512xi32>
    %select_n3A_1599 = arith.select %lt3A_1595, %add3A_1598, %select_n3A_1566 : vector<32x8x512xi1>, vector<32x8x512xi32>
    %reshape3A_1600 = vector.shape_cast %select_n3A_1599 : vector<32x8x512xi32> to vector<32x8x512x1xi32>
    %gather3A_1601 = vector.shape_cast %reshape3A_1600 : vector<32x8x512x1xi32> to vector<32x8x512xi32>
    %gather3A_1602 = tpu.dynamic_gather %squeeze3A_1413[%gather3A_1601] in [1] : vector<32x8x512xf32>, vector<32x8x512xi32> -> vector<32x8x512xf32>
    %select_n3A_1603 = arith.select %le3A_1582, %gather3A_1592, %gather3A_1602 : vector<32x8x512xi1>, vector<32x8x512xf32>
    %select_n3A_1604 = arith.select %eq3A_1569, %gather3A_1579, %select_n3A_1603 : vector<32x8x512xi1>, vector<32x8x512xf32>
    %reshape3A_1605 = vector.shape_cast %select_n3A_1604 : vector<32x8x512xf32> to vector<256x512xf32>
    %eq3A_1606 = arith.constant 0 : i32
    %eq3A_1607 = vector.broadcast %eq3A_1606 : i32 to vector<256x512xi32>
    %eq3A_1608 = arith.cmpi eq, %iota3A_1418, %eq3A_1607 : vector<256x512xi32>
    %slice3A_1609 = vector.extract_strided_slice %concatenate3A_1408 {offsets = [1, 0], sizes = [1, 512], strides = [1, 1]} : vector<512x512xf32> to vector<1x512xf32>
    %broadcast_in_dim3A_1610 = vector.shape_cast %slice3A_1609 : vector<1x512xf32> to vector<1x512xf32>
    %broadcast_in_dim3A_1611 = vector.broadcast %broadcast_in_dim3A_1610 : vector<1x512xf32> to vector<256x512xf32>
    %select_n3A_1612 = arith.select %eq3A_1608, %broadcast_in_dim3A_1611, %reshape3A_1605 : vector<256x512xi1>, vector<256x512xf32>
    %slice3A_1613 = vector.extract_strided_slice %concatenate3A_1408 {offsets = [511, 0], sizes = [1, 512], strides = [1, 1]} : vector<512x512xf32> to vector<1x512xf32>
    %broadcast_in_dim3A_1614 = vector.shape_cast %slice3A_1613 : vector<1x512xf32> to vector<1x512xf32>
    %broadcast_in_dim3A_1615 = vector.broadcast %broadcast_in_dim3A_1614 : vector<1x512xf32> to vector<2x512xf32>
    %concatenate3A_1616 = tpu.concatenate %select_n3A_1612, %broadcast_in_dim3A_1615 in 0 : vector<256x512xf32>, vector<2x512xf32> -> vector<258x512xf32>
    %slice3A_1617 = vector.extract_strided_slice %concatenate3A_1616 {offsets = [0, 0], sizes = [258, 128], strides = [1, 1]} : vector<258x512xf32> to vector<258x128xf32>
    %slice3A_1618 = vector.extract_strided_slice %concatenate3A_1616 {offsets = [0, 256], sizes = [258, 128], strides = [1, 1]} : vector<258x512xf32> to vector<258x128xf32>
    %concatenate3A_1619 = tpu.concatenate %slice3A_1617, %slice3A_1618 in 1 : vector<258x128xf32>, vector<258x128xf32> -> vector<258x256xf32>
    %slice3A_1620 = vector.extract_strided_slice %concatenate3A_1619 {offsets = [0, 0], sizes = [258, 1], strides = [1, 1]} : vector<258x256xf32> to vector<258x1xf32>
    %slice3A_1621 = vector.extract_strided_slice %concatenate3A_1619 {offsets = [0, 0], sizes = [258, 255], strides = [1, 1]} : vector<258x256xf32> to vector<258x255xf32>
    %concatenate3A_1622 = tpu.concatenate %slice3A_1620, %slice3A_1621 in 1 : vector<258x1xf32>, vector<258x255xf32> -> vector<258x256xf32>
    %swap3A_1623 = arith.constant 0 : i32
    %swap3A_1624 = arith.constant 20 : i32
    %swap3A_1625 = arith.constant 0 : i32
    %swap3A_1626 = arith.constant 0 : i32
    %swap3A_1627 = tpu.memref_slice %arg4[%swap3A_1623, %swap3A_1624, %swap3A_1625, %swap3A_1626] : memref<1x24x258x256xf32, #tpu.memory_space<vmem>> -> memref<1x4x258x256xf32, #tpu.memory_space<vmem>>
    %swap3A_1628 = tpu.memref_squeeze %swap3A_1627 : memref<1x4x258x256xf32, #tpu.memory_space<vmem>> -> memref<4x258x256xf32, #tpu.memory_space<vmem>>
    %swap3A_1629 = arith.constant 2 : index
    %swap3A_1630 = arith.constant 0 : index
    %swap3A_1631 = arith.constant 0 : index
    %swap3A_1632 = vector.load %swap3A_1628[%swap3A_1629, %swap3A_1630, %swap3A_1631] : memref<4x258x256xf32, #tpu.memory_space<vmem>>, vector<1x258x256xf32>
    %swap3A_1633 = vector.shape_cast %swap3A_1632 : vector<1x258x256xf32> to vector<258x256xf32>
    %swap3A_1634 = vector.shape_cast %concatenate3A_1622 : vector<258x256xf32> to vector<1x258x256xf32>
    tpu.vector_store %swap3A_1628[%swap3A_1629, %swap3A_1630, %swap3A_1631], %swap3A_1634 {strides = array<i32>} : memref<4x258x256xf32, #tpu.memory_space<vmem>>, vector<1x258x256xf32>,
    %slice3A_1635 = vector.extract_strided_slice %concatenate3A_1616 {offsets = [0, 128], sizes = [258, 128], strides = [1, 1]} : vector<258x512xf32> to vector<258x128xf32>
    %slice3A_1636 = vector.extract_strided_slice %concatenate3A_1616 {offsets = [0, 384], sizes = [258, 128], strides = [1, 1]} : vector<258x512xf32> to vector<258x128xf32>
    %concatenate3A_1637 = tpu.concatenate %slice3A_1635, %slice3A_1636 in 1 : vector<258x128xf32>, vector<258x128xf32> -> vector<258x256xf32>
    %slice3A_1638 = vector.extract_strided_slice %concatenate3A_1637 {offsets = [0, 0], sizes = [258, 1], strides = [1, 1]} : vector<258x256xf32> to vector<258x1xf32>
    %slice3A_1639 = vector.extract_strided_slice %concatenate3A_1637 {offsets = [0, 0], sizes = [258, 255], strides = [1, 1]} : vector<258x256xf32> to vector<258x255xf32>
    %concatenate3A_1640 = tpu.concatenate %slice3A_1638, %slice3A_1639 in 1 : vector<258x1xf32>, vector<258x255xf32> -> vector<258x256xf32>
    %swap3A_1641 = arith.constant 0 : i32
    %swap3A_1642 = arith.constant 20 : i32
    %swap3A_1643 = arith.constant 0 : i32
    %swap3A_1644 = arith.constant 0 : i32
    %swap3A_1645 = tpu.memref_slice %arg4[%swap3A_1641, %swap3A_1642, %swap3A_1643, %swap3A_1644] : memref<1x24x258x256xf32, #tpu.memory_space<vmem>> -> memref<1x4x258x256xf32, #tpu.memory_space<vmem>>
    %swap3A_1646 = tpu.memref_squeeze %swap3A_1645 : memref<1x4x258x256xf32, #tpu.memory_space<vmem>> -> memref<4x258x256xf32, #tpu.memory_space<vmem>>
    %swap3A_1647 = arith.constant 3 : index
    %swap3A_1648 = arith.constant 0 : index
    %swap3A_1649 = arith.constant 0 : index
    %swap3A_1650 = vector.load %swap3A_1646[%swap3A_1647, %swap3A_1648, %swap3A_1649] : memref<4x258x256xf32, #tpu.memory_space<vmem>>, vector<1x258x256xf32>
    %swap3A_1651 = vector.shape_cast %swap3A_1650 : vector<1x258x256xf32> to vector<258x256xf32>
    %swap3A_1652 = vector.shape_cast %concatenate3A_1640 : vector<258x256xf32> to vector<1x258x256xf32>
    tpu.vector_store %swap3A_1646[%swap3A_1647, %swap3A_1648, %swap3A_1649], %swap3A_1652 {strides = array<i32>} : memref<4x258x256xf32, #tpu.memory_space<vmem>>, vector<1x258x256xf32>,
    return
  }
  func.func @transform_0(%arg0: i32, %arg1: i32) -> (i32, i32, i32, i32) {
    %c0_i32 = arith.constant 0 : i32
    %c0_i32_0 = arith.constant 0 : i32
    %c0_i32_1 = arith.constant 0 : i32
    return %arg0, %arg1, %c0_i32, %c0_i32_0 : i32, i32, i32, i32
  }
  func.func @transform_2(%arg0: i32, %arg1: i32) -> (i32, i32, i32, i32) {
    %c0_i32 = arith.constant 0 : i32
    %c0_i32_0 = arith.constant 0 : i32
    %c0_i32_1 = arith.constant 0 : i32
    return %arg0, %arg1, %c0_i32, %c0_i32_0 : i32, i32, i32, i32
  }
}

</mosaic_0001>

<sc_bundles>
// kernel: kernel.4.cloned.1.call-start
scs
__scs_entry_jumppad:
0x0: {  	(pc) =	sbr.rel $0x88, $3  }
0x1: {  	(tag) =	ssettag $0x0;
	lr =	simm.s32 $0x1  }
0x2: {  	[smem:$0x3FA0] =	sst lr;
	_ =	strace $0xD0000000  }
0x3: {  	_ = 	snop  }
0x4: {  	_ = 	snop  }
0x5: {  	_ = 	snop  }
0x6: {  	_ = 	snop  }
0x7: {  	_ = 	snop  }
__scs_overlays_trampoline_lowered:
0x8: {  	[smem:$0x3FAF] =	sst s0  }
0x9: {  	[smem:$0x3FB0] =	sst s1  }
0xa: {  	[smem:$0x3FB1] =	sst s2  }
0xb: {  	[smem:$0x3FB2] =	sst s3  }
0xc: {  	[smem:$0x3FB3] =	sst s4  }
0xd: {  	[smem:$0x3FB4] =	sst s5  }
0xe: {  	[smem:$0x3FB5] =	sst s6  }
0xf: {  	[smem:$0x3FB6] =	sst s7  }
0x10: {  	[smem:$0x3FB7] =	sst s8  }
0x11: {  	[smem:$0x3FB8] =	sst s9;
	s0 =	simm.s32 @!p0 $0x0  }
0x12: {  	s1 =	sld [smem:$0x3F9E];
	s0 =	simm.s32 @p0 $0x1  }
0x13: {  	[smem:$0x3FB9] =	sst s0;
	s0 =	simm.s32 @!p1 $0x0  }
0x14: {  	s2 =	sld [smem:$0x3F9D];
	s0 =	simm.s32 @p1 $0x1  }
0x15: {  	[smem:$0x3FBA] =	sst s0;
	s0 =	simm.s32 @!p2 $0x0  }
0x16: {  	s3 =	sld [smem:$0x3FDB];
	s0 =	simm.s32 @p2 $0x1  }
0x17: {  	s4 =	simm.s32 $0x1BF5;
	[smem:$0x3FBC] =	sst s0  }
0x18: {  	s0 =	sld [smem:$0x3F9F];
	_ =	swait.ge [sflag:s4], $0x0  }
0x19: {  	s7 =	sld [smem:$0x3FA0]  }
0x1a: {  	s8 =	sadd.s32 $0xFFFFE003, lr  }
0x1b: {  	s9 =	sadd.s32 $0xFFFFFEF7, lr;
	s5 =	simm.s32 $0xFFFFFFFF;
	p2 =	slt.u32 s8, $0xFFFFF086  }
0x1c: {  	p1 =	slt.u32 s9, $0xF7A;
	s5 =	simm.s32 @!p2 $0x0  }
0x1d: {  	s5 =	simm.s32 @p1 $0x1;
	p0 =	seq.s32 s7, s2  }
0x1e: {  	s7 =	smul.u32 @!p0 $0xF7A, s2;
	p2 =	seq.s32 @!p0 s5, $0x0  }
0x1f: {  	s9 =	smul.u32 $0xF7A, s1;
	s8 =	simm.s32 @!p0 $0x1BF5;
	p2 =	por !p2, p0  }
0x20: {  	[sflag:s8] =	ssyncset.s32 @!p0 $0xFFFFF086;
	s6 =	sadd.s32 @!p0 s3, s7;
	s7 =	simm.s32 @!p0 $0x108  }
0x21: {  	s3 =	sadd.s32 s3, s9;
	s6 =	sadd.s32 @!p0 $0x88, s6;
	s7 =	simm.s32 @p2 $0x1082  }
0x22: {  	[simem:s7], [sflag:s8] =	dma.local @!p0 [hbm:s6], $0xF7A  }
0x23: {  	s9 =	sor.u32 $0xD0000000, s2;
	s6 =	simm.s32 $0x108;
	_ =	swait.ge @!p0 [sflag:s8], $0x0  }
0x24: {  	s3 =	sadd.s32 $0x88, s3;
	s6 =	simm.s32 @!p1 $0x1082;
	[sflag:s4] =	ssyncset.s32 $0xFFFFF086  }
0x25: {  	[simem:s6], [sflag:s4] =	dma.local [hbm:s3], $0xF7A  }
0x26: {  	[smem:$0x3FA0] =	sst s1;
	(tag) =	ssettag s2;
	_ =	strace s9  }
0x27: {  	s1 =	sld [smem:$0x3FB0]  }
0x28: {  	s2 =	sld [smem:$0x3FB1]  }
0x29: {  	s4 =	sld [smem:$0x3FB3]  }
0x2a: {  	p0 =	seq.s32 s5, $0x0;
	s5 =	sld [smem:$0x3FB4]  }
0x2b: {  	s6 =	sld [smem:$0x3FB5]  }
0x2c: {  	s7 =	sld [smem:$0x3FB6]  }
0x2d: {  	s3 =	simm.s32 $0x108;
	s8 =	sld [smem:$0x3FB7]  }
0x2e: {  	s3 =	simm.s32 @!p0 $0x1082;
	s9 =	sld [smem:$0x3FB8]  }
0x2f: {  	lr =	sadd.s32 s0, s3;
	s0 =	sld [smem:$0x3FAF]  }
0x30: {  	s3 =	sld [smem:$0x3FB2]  }
0x31: {  	[smem:$0x3FBB] =	sst s10  }
0x32: {  	s10 =	sld [smem:$0x3FB9];
	_ =	sdelay $0x3  }
0x33: {  	p0 =	seq.s32 s10, $0x1;
	s10 =	sld [smem:$0x3FBB];
	_ =	sdelay $0x3  }
0x34: {  	[smem:$0x3FBB] =	sst s10  }
0x35: {  	s10 =	sld [smem:$0x3FBA];
	_ =	sdelay $0x3  }
0x36: {  	p1 =	seq.s32 s10, $0x1;
	s10 =	sld [smem:$0x3FBB];
	_ =	sdelay $0x3  }
0x37: {  	[smem:$0x3FBB] =	sst s10  }
0x38: {  	s10 =	sld [smem:$0x3FBC]  }
0x39: {  	_ = 	snop;
	(pc) =	sbr.ind lr, $3  }
0x3a: {  	_ = 	snop  }
0x3b: {  	_ = 	snop  }
0x3c: {  	p2 =	seq.s32 s10, $0x1;
	s10 =	sld [smem:$0x3FBB]  }
0x3d: {  	_ =	shalt  }
0x3e: {  	_ =	shalt  }
0x3f: {  	_ =	shalt  }
0x40: {  	_ =	shalt  }
0x41: {  	_ =	shalt  }
0x42: {  	_ =	shalt  }
0x43: {  	_ =	shalt  }
0x44: {  	_ =	shalt  }
0x45: {  	_ =	shalt  }
0x46: {  	_ =	shalt  }
0x47: {  	_ =	shalt  }
0x48: {  	_ =	shalt  }
0x49: {  	_ =	shalt  }
0x4a: {  	_ =	shalt  }
0x4b: {  	_ =	shalt  }
0x4c: {  	_ =	shalt  }
0x4d: {  	_ =	shalt  }
0x4e: {  	_ =	shalt  }
0x4f: {  	_ =	shalt  }
0x50: {  	_ =	shalt  }
0x51: {  	_ =	shalt  }
0x52: {  	_ =	shalt  }
0x53: {  	_ =	shalt  }
0x54: {  	_ =	shalt  }
0x55: {  	_ =	shalt  }
0x56: {  	_ =	shalt  }
0x57: {  	_ =	shalt  }
0x58: {  	_ =	shalt  }
0x59: {  	_ =	shalt  }
0x5a: {  	_ =	shalt  }
0x5b: {  	_ =	shalt  }
0x5c: {  	_ =	shalt  }
0x5d: {  	_ =	shalt  }
0x5e: {  	_ =	shalt  }
0x5f: {  	_ =	shalt  }
0x60: {  	_ =	shalt  }
0x61: {  	_ =	shalt  }
0x62: {  	_ =	shalt  }
0x63: {  	_ =	shalt  }
0x64: {  	_ =	shalt  }
0x65: {  	_ =	shalt  }
0x66: {  	_ =	shalt  }
0x67: {  	_ =	shalt  }
0x68: {  	_ =	shalt  }
0x69: {  	_ =	shalt  }
0x6a: {  	_ =	shalt  }
0x6b: {  	_ =	shalt  }
0x6c: {  	_ =	shalt  }
0x6d: {  	_ =	shalt  }
0x6e: {  	_ =	shalt  }
0x6f: {  	_ =	shalt  }
0x70: {  	_ =	shalt  }
0x71: {  	_ =	shalt  }
0x72: {  	_ =	shalt  }
0x73: {  	_ =	shalt  }
0x74: {  	_ =	shalt  }
0x75: {  	_ =	shalt  }
0x76: {  	_ =	shalt  }
0x77: {  	_ =	shalt  }
0x78: {  	_ =	shalt  }
0x79: {  	_ =	shalt  }
0x7a: {  	_ =	shalt  }
0x7b: {  	_ =	shalt  }
0x7c: {  	_ =	shalt  }
0x7d: {  	_ =	shalt  }
0x7e: {  	_ =	shalt  }
0x7f: {  	_ =	shalt  }
0x80: {  	_ =	shalt  }
0x81: {  	_ =	shalt  }
0x82: {  	_ =	shalt  }
0x83: {  	_ =	shalt  }
0x84: {  	_ =	shalt  }
0x85: {  	_ =	shalt  }
0x86: {  	_ =	shalt  }
0x87: {  	_ =	shalt  }
.Lfunc_end0:
.L_simem_size_0:
called_computation_lowered:
.L_overlay_start_0:
0x88: {  	s2 =	sld [smem:$0x3FD9]  }
0x89: {  	s3 =	sld [smem:$0x3FFE];
	_ =	sdelay $0x1  }
0x8a: {  	s1 =	srdreg.scid  }
0x8b: {  	s0 =	sand.u32 $0x1, s1  }
0x8c: {  	s17 =	sshll.u32 s0, $0xA;
	s2 =	sadd.s32 s3, s2  }
0x8d: {  	s2 =	sadd.s32 s2, s17  }
0x8e: {  	[smem:$0x3FC7] =	sst s2  }
0x8f: {  	_ = 	snop  }
0x90: {  	s2 =	sld [smem:$0x3FC9];
	(tm) =	ssettm $0x1  }
0x91: {  	s18 =	sld [smem:$0x3FFB];
	_ =	sdelay $0x3  }
0x92: {  	_ =	strace s18  }
0x93: {  	s3 =	sld [smem:$0x3FFC];
	_ =	sdelay $0x3  }
0x94: {  	_ =	strace s3  }
0x95: {  	s3 =	sld [smem:$0x3FFD];
	_ =	sdelay $0x3  }
0x96: {  	_ =	strace s3  }
0x97: {  	_ =	strace $0x8FFFFFFF  }
0x98: {  	s19 =	sld [smem:$0x3FDB];
	_ =	sdelay $0x1  }
0x99: {  	s4 =	simm.s32 $_scs_section_size  }
0x9a: {  	s5 =	simm.s32 $_size__tile_overlayer_lowered;
	s6 =	simm.s32 $_tile_overlayer_lowered  }
0x9b: {  	s22 =	simm.s32 $0x1BFF;
	s21 =	sshll.u32 s6, $0x1;
	s3 =	sadd.s32 s4, s19  }
0x9c: {  	s7 =	simm.s32 $0x0;
	s20 =	sshll.u32 s5, $0x1;
	s5 =	sadd.s32 s21, s3  }
0x9d: {  	[timem:s7], [sflag:s22] =	dma.local [hbm:s5], s20  }
0x9e: {  	_ =	swait.ge [sflag:s22], s20  }
0x9f: {  	s4 =	ssub.s32 $0x0, s20;
	[sflag:s22] =	ssyncset.done $0x0  }
0xa0: {  	[sflag:s22] =	ssyncadd.s32 s4;
	_ =	sdelay $0x1  }
0xa1: {  	s23 =	simm.s32 $0x1B8B  }
0xa2: {  	_ =	swait.ge [sflag:s23], $0x1  }
0xa3: {  	[sflag:s23] =	ssyncset.done $0x0  }
0xa4: {  	s25 =	simm.s32 $0x1B8E;
	s24 =	sld [smem:$0x3FFE];
	[sflag:s23] =	ssyncadd.s32 $0xFFFFFFFF  }
0xa5: {  	s26 =	simm.s32 $execute0_lowered;
	[smem:$0x3FD2] =	sst s25  }
0xa6: {  	s5 =	sshll.u32 s26, $0x1;
	_ =	strace $0x80000046;
	[dreg:$0x1] =	wrdreg $0xFFFFFFFF  }
0xa7: {  	s28 =	simm.s32 $_size_execute0_lowered;
	s3 =	sadd.s32 s3, s5;
	[dreg:$0x0] =	wrdreg $0x0  }
0xa8: {  	s5 =	sshll.u32 s28, $0x1;
	[dreg:$0x2] =	wrdreg s3  }
0xa9: {  	[dreg:$0x3] =	wrdreg s5  }
0xaa: {  	[dreg:$0x4] =	wrdreg $0xC0  }
0xab: {  	_ =	task [dreg:s7], $0x5FFFF  }
0xac: {  	[dreg:$0x1] =	wrdreg $0xFFFFFFFF  }
0xad: {  	[dreg:$0x0] =	wrdreg $0x60  }
0xae: {  	[dreg:$0x2] =	wrdreg s2  }
0xaf: {  	[dreg:$0x3] =	wrdreg s24  }
0xb0: {  	[dreg:$0x4] =	wrdreg $0x9  }
0xb1: {  	_ =	task.clear_ibuf [dreg:s7], $0x5FFFF;
	_ =	strace $0x90000046  }
0xb2: {  	s29 =	simm.s32 $0x9;
	_ =	strace $0x80000048  }
0xb3: {  	_ =	swait.ge [sflag:s29], $0x1  }
0xb4: {  	[sflag:s29] =	ssyncadd.s32 $0xFFFFFFFF  }
0xb5: {  	_ =	strace $0x90000048  }
0xb6: {  	_ =	sfence  }
0xb7: {  	s30 =	sld [smem:$0x0];
	_ =	sdelay $0x2  }
0xb8: {  	s31 =	sshll.u32 s1, $0xD;
	s1 =	sshrl.u32 s1, $0x2  }
0xb9: {  	s3 =	sand.u32 $0x4000, s31;
	s1 =	sadd.s32 s1, s30  }
0xba: {  	s0 =	sor.u32 s3, s0;
	s1 =	sshll.u32 s1, $0x11  }
0xbb: {  	s0 =	sor.u32 s1, s0  }
0xbc: {  	s0 =	sadd.s32 $0x8F2B, s0  }
0xbd: {  	[sflag:s0] =	ssyncadd.remote.s32 $0x1  }
0xbe: {  	_ =	sfence.sel $0xFFFF  }
0xbf: {  	[dreg:$0x0] =	wrdreg $0xFFFFFFFF;
	(pc) =	sbr.abs _section_cstart, $3  }
0xc0: {  	[dreg:$0x1] =	wrdreg $0xFFFFFFFF  }
0xc1: {  	_ =	task.clear_ibuf [dreg:s7], $0x2FFFF;
	_ =	strace $0x9FFFFFFF  }
0xc2: {  	(tm) =	ssettm $0x7FFFFFFF  }
0xc3: {  	_ =	shalt  }
tec
execute0_lowered:
.L_overlay_start_1:
0x0: {  	(tag) =	ssettag $0x1  }
0x1: {  	v0 =	vimm.s32 $0xE7E;
	vm13 =	vcmask $0x700;
	vm12 =	vcmask $0xB08  }
0x2: {  	vm11 =	vcmask $0xF0C;
	vm10 =	vcmask $0x1310;
	vm9 =	vcmask $0x1714  }
0x3: {  	vm8 =	vcmask $0x1B18;
	vm7 =	vcmask $0x1F1C;
	vm6 =	vcmask $0x2320  }
0x4: {  	vm5 =	vcmask $0x2724;
	vm4 =	vcmask $0x2B28;
	vm3 =	vcmask $0x2F2C  }
0x5: {  	vm2 =	vcmask $0x3330;
	v1 =	vlaneseq.u32;
	vm1 =	vcmask $0x3734  }
0x6: {  	vm0 =	vcmask $0x3B38;
	v36 =	vimm.s32 $0xE7F;
	v52 =	vimm.s32 $0xEFE  }
0x7: {  	v53 =	vimm.s32 $0xEFF;
	v0 =	vsel vm13, $0x7E, v0;
	v38 =	vsel vm13, $0x7F, v36  }
0x8: {  	v52 =	vsel vm13, $0xFE, v52;
	v53 =	vsel vm13, $0xFF, v53;
	v0 =	vsel vm12, $0x17E, v0  }
0x9: {  	v40 =	vsel vm12, $0x17F, v38;
	v52 =	vsel vm12, $0x1FE, v52;
	v53 =	vsel vm12, $0x1FF, v53  }
0xa: {  	v0 =	vsel vm11, $0x27E, v0;
	v42 =	vsel vm11, $0x27F, v40;
	v54 =	vsel vm11, $0x2FE, v52  }
0xb: {  	v53 =	vsel vm11, $0x2FF, v53;
	v0 =	vsel vm10, $0x37E, v0;
	v44 =	vsel vm10, $0x37F, v42  }
0xc: {  	v62 =	vsel vm10, $0x3FE, v54;
	v63 =	vsel vm10, $0x3FF, v53;
	v0 =	vsel vm9, $0x47E, v0  }
0xd: {  	v46 =	vsel vm9, $0x47F, v44;
	v55 =	vsel vm9, $0x4FF, v63;
	v0 =	vsel vm8, $0x57E, v0  }
0xe: {  	v48 =	vsel vm8, $0x57F, v46;
	v56 =	vsel vm8, $0x5FF, v55;
	v0 =	vsel vm7, $0x67E, v0  }
0xf: {  	v49 =	vsel vm7, $0x67F, v48;
	v57 =	vsel vm7, $0x6FF, v56;
	v0 =	vsel vm6, $0x77E, v0  }
0x10: {  	v49 =	vsel vm6, $0x77F, v49;
	v58 =	vsel vm6, $0x7FF, v57;
	v0 =	vsel vm5, $0x87E, v0  }
0x11: {  	v49 =	vsel vm5, $0x87F, v49;
	v59 =	vsel vm5, $0x8FF, v58;
	v0 =	vsel vm4, $0x97E, v0  }
0x12: {  	v49 =	vsel vm4, $0x97F, v49;
	v60 =	vsel vm4, $0x9FF, v59;
	v0 =	vsel vm3, $0xA7E, v0  }
0x13: {  	v49 =	vsel vm3, $0xA7F, v49;
	v2 =	vsel vm2, $0xB7E, v0;
	v0 =	vmul.u32 $0x80, v1  }
0x14: {  	v1 =	vmul.u32 $0x100, v1;
	v49 =	vsel vm2, $0xB7F, v49;
	v2 =	vsel vm1, $0xC7E, v2  }
0x15: {  	v61 =	vsel vm3, $0xAFF, v60;
	v49 =	vsel vm1, $0xC7F, v49;
	v7 =	vsel vm0, $0xD7E, v2  }
0x16: {  	v3 =	vor.u32 $0x1, v0;
	v4 =	vadd.s32 $0xF7E, v1;
	v5 =	vor.u32 $0x800, v0  }
0x17: {  	v6 =	vor.u32 $0x801, v0;
	v10 =	vadd.s32 $0x1F7E, v1;
	v8 =	vor.u32 $0x1000, v0  }
0x18: {  	v9 =	vor.u32 $0x1001, v0;
	v13 =	vadd.s32 $0x2F7E, v1;
	v11 =	vor.u32 $0x1800, v0  }
0x19: {  	v12 =	vor.u32 $0x1801, v0;
	v16 =	vadd.s32 $0x3F7E, v1;
	v14 =	vor.u32 $0x2000, v0  }
0x1a: {  	v15 =	vor.u32 $0x2001, v0;
	v19 =	vadd.s32 $0x4F7E, v1;
	v17 =	vor.u32 $0x2800, v0  }
0x1b: {  	v18 =	vor.u32 $0x2801, v0;
	v22 =	vadd.s32 $0x5F7E, v1;
	v20 =	vor.u32 $0x3000, v0  }
0x1c: {  	v21 =	vor.u32 $0x3001, v0;
	v25 =	vadd.s32 $0x6F7E, v1;
	v23 =	vor.u32 $0x3800, v0  }
0x1d: {  	v24 =	vor.u32 $0x3801, v0;
	v28 =	vadd.s32 $0x7F7E, v1;
	v26 =	vor.u32 $0x4000, v0  }
0x1e: {  	s4 =	rddreg [dreg:$0x0];
	v27 =	vor.u32 $0x4001, v0;
	v31 =	vadd.s32 $0x8F7E, v1;
	v29 =	vor.u32 $0x4800, v0  }
0x1f: {  	s3 =	rddreg [dreg:$0x1];
	v30 =	vor.u32 $0x4801, v0;
	v34 =	vadd.s32 $0x9F7E, v1;
	v32 =	vor.u32 $0x5000, v0  }
0x20: {  	s0 =	rddreg [dreg:$0x2];
	s1 =	stileid.u32;
	v33 =	vor.u32 $0x5001, v0;
	v37 =	vadd.s32 $0xAF7E, v1;
	v2 =	vadd.s32 $0xBF7E, v1  }
0x21: {  	s5 =	srdreg.scid;
	s2 =	simm.s32 $0x0;
	s6 =	smul.u32 $0x300000, s1;
	v35 =	vor.u32 $0x5800, v0;
	v36 =	vor.u32 $0x5801, v0;
	[tilespmem:$0x1FF70] =	vst v2;
	v2 =	vadd.s32 $0xDF7E, v1  }
0x22: {  	s11 =	simm.s32 $0x1;
	s5 =	sand.u32 $0x1, s5;
	s7 =	smul.u32 $0x4A4000, s1;
	v38 =	vor.u32 $0x6000, v0;
	[tilespmem:$0x1FF80] =	vst v2;
	v2 =	vsel vm0, $0xD7F, v49;
	v49 =	vsel vm9, $0x4FE, v62  }
0x23: {  	s12 =	simm.s32 $0x10000;
	s13 =	simm.s32 $0xC00;
	s8 =	smul.u32 $0x252000, s5;
	v39 =	vor.u32 $0x6001, v0;
	v40 =	vadd.s32 $0xCF7E, v1;
	v49 =	vsel vm8, $0x5FE, v49  }
0x24: {  	s14 =	simm.s32 $0x18000;
	s15 =	simm.s32 $0x0;
	s9 =	smul.u32 $0x180000, s5;
	v41 =	vor.u32 $0x6800, v0;
	v42 =	vor.u32 $0x6801, v0;
	v49 =	vsel vm7, $0x6FE, v49  }
0x25: {  	[smem:$0x7FF] =	sst s2;
	s10 =	sadd.s32 $0x400, s3;
	s24 =	ssub.s32 $0x2, s5;
	v44 =	vor.u32 $0x7000, v0;
	v45 =	vor.u32 $0x7001, v0;
	v49 =	vsel vm6, $0x7FE, v49  }
0x26: {  	s5 =	sshrl.u32 s24, $0x1;
	s7 =	sadd.s32 s8, s7;
	s6 =	sadd.s32 s9, s6;
	v46 =	vadd.s32 $0xEF7E, v1;
	v47 =	vor.u32 $0x7800, v0;
	v49 =	vsel vm5, $0x8FE, v49  }
0x27: {  	s3 =	ssub.s32 s24, s5;
	s9 =	simm.s32 $0x400;
	s8 =	sadd.s32 $0x4A400, s7;
	v48 =	vor.u32 $0x7801, v0;
	[tilespmem:$0x1FF90] =	vst v2;
	v2 =	vadd.s32 $0x1F7F, v1;
	v49 =	vsel vm4, $0x9FE, v49  }
0x28: {  	s25 =	sshrl.u32 s6, $0x3;
	s3 =	smax.u32 s3, $0x1;
	v50 =	vor.u32 $0x8000, v0;
	_ =	strace $0x80000047;
	[tilespmem:$0x1FFA0] =	vst v2;
	v2 =	vadd.s32 $0x3F7F, v1;
	v49 =	vsel vm3, $0xAFE, v49  }
0x29: {  	s29 =	sadd.s32 $0x32000, s7;
	s30 =	sadd.s32 $0x19400, s7;
	s7 =	sshrl.u32 s7, $0x3;
	v51 =	vor.u32 $0x8001, v0;
	[tilespmem:$0x1FFB0] =	vst v2;
	v2 =	vadd.s32 $0x5F7F, v1;
	v49 =	vsel vm2, $0xBFE, v49  }
0x2a: {  	s26 =	sshrl.u32 s8, $0x3;
	s4 =	sadd.s32 s25, s4;
	s6 =	sshrl.u32 s29, $0x3;
	v62 =	vsel vm2, $0xBFF, v61;
	[tilespmem:$0x1FFC0] =	vst v2;
	v2 =	vadd.s32 $0x7F7F, v1;
	v49 =	vsel vm1, $0xCFE, v49  }
0x2b: {  	s8 =	sshrl.u32 s30, $0x3;
	s31 =	sadd.s32 s7, s10;
	s28 =	sadd.s32 s26, s10;
	v53 =	vadd.s32 $0xF7F, v1;
	v63 =	vsel vm1, $0xCFF, v62;
	[tilespmem:$0x1FFD0] =	vst v2;
	v2 =	vsel vm0, $0xDFE, v49  }
0x2c: {  	s4 =	sadd.s32 $0x180, s4;
	s6 =	sadd.s32 s6, s10;
	s7 =	sadd.s32 s8, s10;
	v55 =	vadd.s32 $0x2F7F, v1;
	v57 =	vadd.s32 $0x4F7F, v1;
	[tilespmem:$0x1FFE0] =	vst v2;
	v2 =	vsel vm0, $0xDFF, v63  }
0x2d: {  	s8 =	sadd.s32 $0x100, s31;
	s10 =	simm.s32 $0x1000;
	s5 =	sadd.s32 $0x100, s28;
	v59 =	vadd.s32 $0x6F7F, v1;
	v43 =	vadd.s32 $0x9F7F, v1;
	v61 =	vadd.s32 $0x8F7F, v1;
	[tilespmem:$0x1FFF0] =	vst v2  }
.LBB2_1:
0x2e: {  	v54 =	vld [tilespmem:$0x1FF90]  }
0x2f: {  	v56 =	vld [tilespmem:$0x1FFA0]  }
0x30: {  	v58 =	vld [tilespmem:$0x1FFB0]  }
0x31: {  	v60 =	vld [tilespmem:$0x1FFC0]  }
0x32: {  	v62 =	vld [tilespmem:$0x1FFD0]  }
0x33: {  	v49 =	vld [tilespmem:$0x1FFE0]  }
0x34: {  	s16 =	smov.u32 s4;
	s17 =	simm.s32 $0x0;
	v52 =	vld [tilespmem:$0x1FFF0]  }
.LBB2_2:
0x35: {  	[tilespmem:s2], [sflag:$0x1] =	stream.strided.gather [hbm4b:s16+s9], $0x10000, s10, s9, $0x38;
	[tilespmem:$0x18800] =	vst v63  }
0x36: {  	_ =	swait.ge [sflag:s11], $0x10000  }
0x37: {  	[sflag:s11] =	ssyncset.done $0x0  }
0x38: {  	[sflag:s11] =	ssyncadd.s32 $0xFFFF0000  }
0x39: {  	v2 =	vld.idx.msk [tilespmem:v7+s2+$0x0], $0xffff;
	_ =	sdelay $0x4  }
0x3a: {  	[tilespmem:v0+s12+$0x0] =	vst.idx.msk $0xffff, v2  }
0x3b: {  	[tilespmem:v3+s12+$0x0] =	vst.idx.msk $0xffff, v2  }
0x3c: {  	v2 =	vld.idx.msk [tilespmem:v4+s2+$0x0], $0xffff;
	_ =	sdelay $0x4  }
0x3d: {  	[tilespmem:v5+s12+$0x0] =	vst.idx.msk $0xffff, v2  }
0x3e: {  	[tilespmem:v6+s12+$0x0] =	vst.idx.msk $0xffff, v2  }
0x3f: {  	v2 =	vld.idx.msk [tilespmem:v10+s2+$0x0], $0xffff;
	_ =	sdelay $0x4  }
0x40: {  	[tilespmem:v8+s12+$0x0] =	vst.idx.msk $0xffff, v2  }
0x41: {  	[tilespmem:v9+s12+$0x0] =	vst.idx.msk $0xffff, v2  }
0x42: {  	v2 =	vld.idx.msk [tilespmem:v13+s2+$0x0], $0xffff;
	_ =	sdelay $0x4  }
0x43: {  	[tilespmem:v11+s12+$0x0] =	vst.idx.msk $0xffff, v2  }
0x44: {  	[tilespmem:v12+s12+$0x0] =	vst.idx.msk $0xffff, v2  }
0x45: {  	v2 =	vld.idx.msk [tilespmem:v16+s2+$0x0], $0xffff;
	_ =	sdelay $0x4  }
0x46: {  	[tilespmem:v14+s12+$0x0] =	vst.idx.msk $0xffff, v2  }
0x47: {  	[tilespmem:v15+s12+$0x0] =	vst.idx.msk $0xffff, v2  }
0x48: {  	v2 =	vld.idx.msk [tilespmem:v19+s2+$0x0], $0xffff;
	_ =	sdelay $0x4  }
0x49: {  	[tilespmem:v17+s12+$0x0] =	vst.idx.msk $0xffff, v2  }
0x4a: {  	[tilespmem:v18+s12+$0x0] =	vst.idx.msk $0xffff, v2  }
0x4b: {  	v2 =	vld.idx.msk [tilespmem:v22+s2+$0x0], $0xffff;
	_ =	sdelay $0x4  }
0x4c: {  	[tilespmem:v20+s12+$0x0] =	vst.idx.msk $0xffff, v2  }
0x4d: {  	[tilespmem:v21+s12+$0x0] =	vst.idx.msk $0xffff, v2  }
0x4e: {  	v2 =	vld.idx.msk [tilespmem:v25+s2+$0x0], $0xffff;
	_ =	sdelay $0x4  }
0x4f: {  	[tilespmem:v23+s12+$0x0] =	vst.idx.msk $0xffff, v2  }
0x50: {  	[tilespmem:v24+s12+$0x0] =	vst.idx.msk $0xffff, v2  }
0x51: {  	v2 =	vld.idx.msk [tilespmem:v28+s2+$0x0], $0xffff;
	_ =	sdelay $0x4  }
0x52: {  	[tilespmem:v26+s12+$0x0] =	vst.idx.msk $0xffff, v2  }
0x53: {  	[tilespmem:v27+s12+$0x0] =	vst.idx.msk $0xffff, v2  }
0x54: {  	v2 =	vld.idx.msk [tilespmem:v31+s2+$0x0], $0xffff;
	_ =	sdelay $0x4  }
0x55: {  	[tilespmem:v29+s12+$0x0] =	vst.idx.msk $0xffff, v2  }
0x56: {  	[tilespmem:v30+s12+$0x0] =	vst.idx.msk $0xffff, v2  }
0x57: {  	v2 =	vld.idx.msk [tilespmem:v34+s2+$0x0], $0xffff;
	_ =	sdelay $0x4  }
0x58: {  	[tilespmem:v32+s12+$0x0] =	vst.idx.msk $0xffff, v2  }
0x59: {  	[tilespmem:v33+s12+$0x0] =	vst.idx.msk $0xffff, v2  }
0x5a: {  	v2 =	vld.idx.msk [tilespmem:v37+s2+$0x0], $0xffff;
	_ =	sdelay $0x4  }
0x5b: {  	[tilespmem:v35+s12+$0x0] =	vst.idx.msk $0xffff, v2  }
0x5c: {  	[tilespmem:v36+s12+$0x0] =	vst.idx.msk $0xffff, v2;
	v2 =	vld [tilespmem:$0x1FF70];
	_ =	sdelay $0x7  }
0x5d: {  	v2 =	vld.idx.msk [tilespmem:v2+s2+$0x0], $0xffff;
	_ =	sdelay $0x4  }
0x5e: {  	[tilespmem:v38+s12+$0x0] =	vst.idx.msk $0xffff, v2  }
0x5f: {  	[tilespmem:v39+s12+$0x0] =	vst.idx.msk $0xffff, v2  }
0x60: {  	v2 =	vld.idx.msk [tilespmem:v40+s2+$0x0], $0xffff;
	_ =	sdelay $0x4  }
0x61: {  	[tilespmem:v41+s12+$0x0] =	vst.idx.msk $0xffff, v2  }
0x62: {  	[tilespmem:v42+s12+$0x0] =	vst.idx.msk $0xffff, v2;
	v2 =	vld [tilespmem:$0x1FF80];
	_ =	sdelay $0x7  }
0x63: {  	v2 =	vld.idx.msk [tilespmem:v2+s2+$0x0], $0xffff;
	_ =	sdelay $0x4  }
0x64: {  	[tilespmem:v44+s12+$0x0] =	vst.idx.msk $0xffff, v2  }
0x65: {  	[tilespmem:v45+s12+$0x0] =	vst.idx.msk $0xffff, v2  }
0x66: {  	v2 =	vld.idx.msk [tilespmem:v46+s2+$0x0], $0xffff;
	_ =	sdelay $0x4  }
0x67: {  	[tilespmem:v47+s12+$0x0] =	vst.idx.msk $0xffff, v2  }
0x68: {  	[tilespmem:v48+s12+$0x0] =	vst.idx.msk $0xffff, v2;
	v2 =	vimm.s32 $0xFF7E;
	_ =	sdelay $0x4  }
0x69: {  	v2 =	vld.idx.msk [tilespmem:v2+s2+$0x0], $0xffff;
	_ =	sdelay $0x4  }
0x6a: {  	[tilespmem:v50+s12+$0x0] =	vst.idx.msk $0xffff, v2  }
0x6b: {  	s18 =	sadd.s32 s17, s8;
	[tilespmem:v51+s12+$0x0] =	vst.idx.msk $0xffff, v2  }
0x6c: {  	[hbm4b:s18+s9] =	stream.strided.scatter [tilespmem:s12], [sflag:$0x1], $0x8000, s13, s9, $0x38;
	[tilespmem:$0x18800] =	vst v63  }
0x6d: {  	s18 =	sadd.s32 $0x3000, s18  }
0x6e: {  	[hbm4b:s18+s2] =	stream.linear.scatter [tilespmem:s14], [sflag:$0x1], $0x100, $0x38;
	[tilespmem:$0x18800] =	vst v63  }
0x6f: {  	_ =	swait.ge [sflag:s11], $0x8100  }
0x70: {  	[sflag:s11] =	ssyncset.done $0x0  }
0x71: {  	[sflag:s11] =	ssyncadd.s32 $0xFFFF7F00  }
0x72: {  	v2 =	vld.idx.msk [tilespmem:v54+s2+$0x0], $0xffff;
	_ =	sdelay $0x4  }
0x73: {  	[tilespmem:v0+s12+$0x0] =	vst.idx.msk $0xffff, v2  }
0x74: {  	[tilespmem:v3+s12+$0x0] =	vst.idx.msk $0xffff, v2  }
0x75: {  	v2 =	vld.idx.msk [tilespmem:v53+s2+$0x0], $0xffff;
	_ =	sdelay $0x4  }
0x76: {  	[tilespmem:v5+s12+$0x0] =	vst.idx.msk $0xffff, v2  }
0x77: {  	[tilespmem:v6+s12+$0x0] =	vst.idx.msk $0xffff, v2  }
0x78: {  	v2 =	vld.idx.msk [tilespmem:v56+s2+$0x0], $0xffff;
	_ =	sdelay $0x4  }
0x79: {  	[tilespmem:v8+s12+$0x0] =	vst.idx.msk $0xffff, v2  }
0x7a: {  	[tilespmem:v9+s12+$0x0] =	vst.idx.msk $0xffff, v2  }
0x7b: {  	v2 =	vld.idx.msk [tilespmem:v55+s2+$0x0], $0xffff;
	_ =	sdelay $0x4  }
0x7c: {  	[tilespmem:v11+s12+$0x0] =	vst.idx.msk $0xffff, v2  }
0x7d: {  	[tilespmem:v12+s12+$0x0] =	vst.idx.msk $0xffff, v2  }
0x7e: {  	v2 =	vld.idx.msk [tilespmem:v58+s2+$0x0], $0xffff;
	_ =	sdelay $0x4  }
0x7f: {  	[tilespmem:v14+s12+$0x0] =	vst.idx.msk $0xffff, v2  }
0x80: {  	[tilespmem:v15+s12+$0x0] =	vst.idx.msk $0xffff, v2  }
0x81: {  	v2 =	vld.idx.msk [tilespmem:v57+s2+$0x0], $0xffff;
	_ =	sdelay $0x4  }
0x82: {  	[tilespmem:v17+s12+$0x0] =	vst.idx.msk $0xffff, v2  }
0x83: {  	[tilespmem:v18+s12+$0x0] =	vst.idx.msk $0xffff, v2  }
0x84: {  	v2 =	vld.idx.msk [tilespmem:v60+s2+$0x0], $0xffff;
	_ =	sdelay $0x4  }
0x85: {  	[tilespmem:v20+s12+$0x0] =	vst.idx.msk $0xffff, v2  }
0x86: {  	[tilespmem:v21+s12+$0x0] =	vst.idx.msk $0xffff, v2  }
0x87: {  	v2 =	vld.idx.msk [tilespmem:v59+s2+$0x0], $0xffff;
	_ =	sdelay $0x4  }
0x88: {  	[tilespmem:v23+s12+$0x0] =	vst.idx.msk $0xffff, v2  }
0x89: {  	[tilespmem:v24+s12+$0x0] =	vst.idx.msk $0xffff, v2  }
0x8a: {  	v2 =	vld.idx.msk [tilespmem:v62+s2+$0x0], $0xffff;
	_ =	sdelay $0x4  }
0x8b: {  	[tilespmem:v26+s12+$0x0] =	vst.idx.msk $0xffff, v2  }
0x8c: {  	[tilespmem:v27+s12+$0x0] =	vst.idx.msk $0xffff, v2  }
0x8d: {  	v2 =	vld.idx.msk [tilespmem:v61+s2+$0x0], $0xffff;
	_ =	sdelay $0x4  }
0x8e: {  	[tilespmem:v29+s12+$0x0] =	vst.idx.msk $0xffff, v2  }
0x8f: {  	v63 =	vmovc v61;
	v61 =	vmov v59;
	v59 =	vmov v57;
	v57 =	vmov v55;
	[tilespmem:v30+s12+$0x0] =	vst.idx.msk $0xffff, v2  }
0x90: {  	v55 =	vmovc v53;
	v53 =	vmovc v46;
	v46 =	vmov v40;
	v40 =	vmov v37;
	v37 =	vmov v34;
	v2 =	vld.idx.msk [tilespmem:v43+s2+$0x0], $0xffff  }
0x91: {  	v34 =	vmovc v31;
	v31 =	vmovc v28;
	v28 =	vmov v25;
	v25 =	vmov v22;
	v22 =	vmov v19  }
0x92: {  	v19 =	vmovc v16;
	v16 =	vmovc v13;
	v13 =	vmov v10;
	v10 =	vmov v4;
	v4 =	vadd.s32 $0xAF7F, v1;
	_ =	sdelay $0x2  }
0x93: {  	[tilespmem:v32+s12+$0x0] =	vst.idx.msk $0xffff, v2  }
0x94: {  	[tilespmem:v33+s12+$0x0] =	vst.idx.msk $0xffff, v2  }
0x95: {  	v2 =	vld.idx.msk [tilespmem:v4+s2+$0x0], $0xffff;
	_ =	sdelay $0x1  }
0x96: {  	v4 =	vadd.s32 $0xBF7F, v1;
	_ =	sdelay $0x2  }
0x97: {  	[tilespmem:v35+s12+$0x0] =	vst.idx.msk $0xffff, v2  }
0x98: {  	[tilespmem:v36+s12+$0x0] =	vst.idx.msk $0xffff, v2  }
0x99: {  	v2 =	vld.idx.msk [tilespmem:v4+s2+$0x0], $0xffff;
	_ =	sdelay $0x1  }
0x9a: {  	v4 =	vadd.s32 $0xCF7F, v1;
	_ =	sdelay $0x2  }
0x9b: {  	[tilespmem:v38+s12+$0x0] =	vst.idx.msk $0xffff, v2  }
0x9c: {  	[tilespmem:v39+s12+$0x0] =	vst.idx.msk $0xffff, v2  }
0x9d: {  	v2 =	vld.idx.msk [tilespmem:v4+s2+$0x0], $0xffff;
	_ =	sdelay $0x1  }
0x9e: {  	v4 =	vadd.s32 $0xDF7F, v1;
	_ =	sdelay $0x2  }
0x9f: {  	[tilespmem:v41+s12+$0x0] =	vst.idx.msk $0xffff, v2  }
0xa0: {  	[tilespmem:v42+s12+$0x0] =	vst.idx.msk $0xffff, v2  }
0xa1: {  	v2 =	vld.idx.msk [tilespmem:v4+s2+$0x0], $0xffff;
	_ =	sdelay $0x1  }
0xa2: {  	v4 =	vadd.s32 $0xEF7F, v1;
	_ =	sdelay $0x2  }
0xa3: {  	[tilespmem:v44+s12+$0x0] =	vst.idx.msk $0xffff, v2  }
0xa4: {  	[tilespmem:v45+s12+$0x0] =	vst.idx.msk $0xffff, v2  }
0xa5: {  	v2 =	vld.idx.msk [tilespmem:v4+s2+$0x0], $0xffff;
	_ =	sdelay $0x4  }
0xa6: {  	[tilespmem:v47+s12+$0x0] =	vst.idx.msk $0xffff, v2  }
0xa7: {  	[tilespmem:v48+s12+$0x0] =	vst.idx.msk $0xffff, v2;
	v2 =	vimm.s32 $0xFF7F;
	_ =	sdelay $0x4  }
0xa8: {  	v2 =	vld.idx.msk [tilespmem:v2+s2+$0x0], $0xffff;
	_ =	sdelay $0x4  }
0xa9: {  	[tilespmem:v50+s12+$0x0] =	vst.idx.msk $0xffff, v2  }
0xaa: {  	s29 =	sadd.s32 s17, s7;
	[tilespmem:v51+s12+$0x0] =	vst.idx.msk $0xffff, v2  }
0xab: {  	[hbm4b:s29+s9] =	stream.strided.scatter [tilespmem:s12], [sflag:$0x1], $0x8000, s13, s9, $0x38;
	[tilespmem:$0x18800] =	vst v63  }
0xac: {  	s18 =	sadd.s32 $0x3000, s29  }
0xad: {  	[hbm4b:s18+s2] =	stream.linear.scatter [tilespmem:s14], [sflag:$0x1], $0x100, $0x38;
	[tilespmem:$0x18800] =	vst v63  }
0xae: {  	_ =	swait.ge [sflag:s11], $0x8100  }
0xaf: {  	[sflag:s11] =	ssyncset.done $0x0  }
0xb0: {  	[sflag:s11] =	ssyncadd.s32 $0xFFFF7F00  }
0xb1: {  	v2 =	vld.idx.msk [tilespmem:v49+s2+$0x0], $0xffff;
	_ =	sdelay $0x1  }
0xb2: {  	v4 =	vadd.s32 $0xFFE, v1;
	_ =	sdelay $0x2  }
0xb3: {  	[tilespmem:v0+s12+$0x0] =	vst.idx.msk $0xffff, v2  }
0xb4: {  	[tilespmem:v3+s12+$0x0] =	vst.idx.msk $0xffff, v2  }
0xb5: {  	v2 =	vld.idx.msk [tilespmem:v4+s2+$0x0], $0xffff;
	_ =	sdelay $0x1  }
0xb6: {  	v4 =	vadd.s32 $0x1FFE, v1;
	_ =	sdelay $0x2  }
0xb7: {  	[tilespmem:v5+s12+$0x0] =	vst.idx.msk $0xffff, v2  }
0xb8: {  	[tilespmem:v6+s12+$0x0] =	vst.idx.msk $0xffff, v2  }
0xb9: {  	v2 =	vld.idx.msk [tilespmem:v4+s2+$0x0], $0xffff;
	_ =	sdelay $0x1  }
0xba: {  	v4 =	vadd.s32 $0x2FFE, v1;
	_ =	sdelay $0x2  }
0xbb: {  	[tilespmem:v8+s12+$0x0] =	vst.idx.msk $0xffff, v2  }
0xbc: {  	[tilespmem:v9+s12+$0x0] =	vst.idx.msk $0xffff, v2  }
0xbd: {  	v2 =	vld.idx.msk [tilespmem:v4+s2+$0x0], $0xffff;
	_ =	sdelay $0x1  }
0xbe: {  	v4 =	vadd.s32 $0x3FFE, v1;
	_ =	sdelay $0x2  }
0xbf: {  	[tilespmem:v11+s12+$0x0] =	vst.idx.msk $0xffff, v2  }
0xc0: {  	[tilespmem:v12+s12+$0x0] =	vst.idx.msk $0xffff, v2  }
0xc1: {  	v2 =	vld.idx.msk [tilespmem:v4+s2+$0x0], $0xffff;
	_ =	sdelay $0x1  }
0xc2: {  	v4 =	vadd.s32 $0x4FFE, v1;
	_ =	sdelay $0x2  }
0xc3: {  	[tilespmem:v14+s12+$0x0] =	vst.idx.msk $0xffff, v2  }
0xc4: {  	[tilespmem:v15+s12+$0x0] =	vst.idx.msk $0xffff, v2  }
0xc5: {  	v2 =	vld.idx.msk [tilespmem:v4+s2+$0x0], $0xffff;
	_ =	sdelay $0x1  }
0xc6: {  	v4 =	vadd.s32 $0x5FFE, v1;
	_ =	sdelay $0x2  }
0xc7: {  	[tilespmem:v17+s12+$0x0] =	vst.idx.msk $0xffff, v2  }
0xc8: {  	[tilespmem:v18+s12+$0x0] =	vst.idx.msk $0xffff, v2  }
0xc9: {  	v2 =	vld.idx.msk [tilespmem:v4+s2+$0x0], $0xffff;
	_ =	sdelay $0x1  }
0xca: {  	v4 =	vadd.s32 $0x6FFE, v1;
	_ =	sdelay $0x2  }
0xcb: {  	[tilespmem:v20+s12+$0x0] =	vst.idx.msk $0xffff, v2  }
0xcc: {  	[tilespmem:v21+s12+$0x0] =	vst.idx.msk $0xffff, v2  }
0xcd: {  	v2 =	vld.idx.msk [tilespmem:v4+s2+$0x0], $0xffff;
	_ =	sdelay $0x1  }
0xce: {  	v4 =	vadd.s32 $0x7FFE, v1;
	_ =	sdelay $0x2  }
0xcf: {  	[tilespmem:v23+s12+$0x0] =	vst.idx.msk $0xffff, v2  }
0xd0: {  	[tilespmem:v24+s12+$0x0] =	vst.idx.msk $0xffff, v2  }
0xd1: {  	v2 =	vld.idx.msk [tilespmem:v4+s2+$0x0], $0xffff;
	_ =	sdelay $0x1  }
0xd2: {  	v4 =	vadd.s32 $0x8FFE, v1;
	_ =	sdelay $0x2  }
0xd3: {  	[tilespmem:v26+s12+$0x0] =	vst.idx.msk $0xffff, v2  }
0xd4: {  	[tilespmem:v27+s12+$0x0] =	vst.idx.msk $0xffff, v2  }
0xd5: {  	v2 =	vld.idx.msk [tilespmem:v4+s2+$0x0], $0xffff;
	_ =	sdelay $0x1  }
0xd6: {  	v4 =	vadd.s32 $0x9FFE, v1;
	_ =	sdelay $0x2  }
0xd7: {  	[tilespmem:v29+s12+$0x0] =	vst.idx.msk $0xffff, v2  }
0xd8: {  	[tilespmem:v30+s12+$0x0] =	vst.idx.msk $0xffff, v2  }
0xd9: {  	v2 =	vld.idx.msk [tilespmem:v4+s2+$0x0], $0xffff;
	_ =	sdelay $0x1  }
0xda: {  	v4 =	vadd.s32 $0xAFFE, v1;
	_ =	sdelay $0x2  }
0xdb: {  	[tilespmem:v32+s12+$0x0] =	vst.idx.msk $0xffff, v2  }
0xdc: {  	[tilespmem:v33+s12+$0x0] =	vst.idx.msk $0xffff, v2  }
0xdd: {  	v2 =	vld.idx.msk [tilespmem:v4+s2+$0x0], $0xffff;
	_ =	sdelay $0x1  }
0xde: {  	v4 =	vadd.s32 $0xBFFE, v1;
	_ =	sdelay $0x2  }
0xdf: {  	[tilespmem:v35+s12+$0x0] =	vst.idx.msk $0xffff, v2  }
0xe0: {  	[tilespmem:v36+s12+$0x0] =	vst.idx.msk $0xffff, v2  }
0xe1: {  	v2 =	vld.idx.msk [tilespmem:v4+s2+$0x0], $0xffff;
	_ =	sdelay $0x1  }
0xe2: {  	v4 =	vadd.s32 $0xCFFE, v1;
	_ =	sdelay $0x2  }
0xe3: {  	[tilespmem:v38+s12+$0x0] =	vst.idx.msk $0xffff, v2  }
0xe4: {  	[tilespmem:v39+s12+$0x0] =	vst.idx.msk $0xffff, v2  }
0xe5: {  	v2 =	vld.idx.msk [tilespmem:v4+s2+$0x0], $0xffff;
	_ =	sdelay $0x1  }
0xe6: {  	v4 =	vadd.s32 $0xDFFE, v1;
	_ =	sdelay $0x2  }
0xe7: {  	[tilespmem:v41+s12+$0x0] =	vst.idx.msk $0xffff, v2  }
0xe8: {  	[tilespmem:v42+s12+$0x0] =	vst.idx.msk $0xffff, v2  }
0xe9: {  	v2 =	vld.idx.msk [tilespmem:v4+s2+$0x0], $0xffff;
	_ =	sdelay $0x1  }
0xea: {  	v4 =	vadd.s32 $0xEFFE, v1;
	_ =	sdelay $0x2  }
0xeb: {  	[tilespmem:v44+s12+$0x0] =	vst.idx.msk $0xffff, v2  }
0xec: {  	[tilespmem:v45+s12+$0x0] =	vst.idx.msk $0xffff, v2  }
0xed: {  	v2 =	vld.idx.msk [tilespmem:v4+s2+$0x0], $0xffff;
	_ =	sdelay $0x4  }
0xee: {  	[tilespmem:v47+s12+$0x0] =	vst.idx.msk $0xffff, v2  }
0xef: {  	[tilespmem:v48+s12+$0x0] =	vst.idx.msk $0xffff, v2;
	v2 =	vimm.s32 $0xFFFE;
	_ =	sdelay $0x4  }
0xf0: {  	v2 =	vld.idx.msk [tilespmem:v2+s2+$0x0], $0xffff;
	_ =	sdelay $0x4  }
0xf1: {  	[tilespmem:v50+s12+$0x0] =	vst.idx.msk $0xffff, v2  }
0xf2: {  	s30 =	sadd.s32 s17, s6;
	[tilespmem:v51+s12+$0x0] =	vst.idx.msk $0xffff, v2  }
0xf3: {  	[hbm4b:s30+s9] =	stream.strided.scatter [tilespmem:s12], [sflag:$0x1], $0x8000, s13, s9, $0x38;
	[tilespmem:$0x18800] =	vst v63  }
0xf4: {  	s18 =	sadd.s32 $0x3000, s30  }
0xf5: {  	[hbm4b:s18+s2] =	stream.linear.scatter [tilespmem:s14], [sflag:$0x1], $0x100, $0x38;
	[tilespmem:$0x18800] =	vst v63  }
0xf6: {  	_ =	swait.ge [sflag:s11], $0x8100  }
0xf7: {  	[sflag:s11] =	ssyncset.done $0x0  }
0xf8: {  	[sflag:s11] =	ssyncadd.s32 $0xFFFF7F00  }
0xf9: {  	v2 =	vld.idx.msk [tilespmem:v52+s2+$0x0], $0xffff;
	_ =	sdelay $0x1  }
0xfa: {  	v4 =	vadd.s32 $0xFFF, v1;
	_ =	sdelay $0x2  }
0xfb: {  	[tilespmem:v0+s12+$0x0] =	vst.idx.msk $0xffff, v2  }
0xfc: {  	[tilespmem:v3+s12+$0x0] =	vst.idx.msk $0xffff, v2  }
0xfd: {  	v2 =	vld.idx.msk [tilespmem:v4+s2+$0x0], $0xffff;
	_ =	sdelay $0x1  }
0xfe: {  	v4 =	vadd.s32 $0x1FFF, v1;
	_ =	sdelay $0x2  }
0xff: {  	[tilespmem:v5+s12+$0x0] =	vst.idx.msk $0xffff, v2  }
0x100: {  	[tilespmem:v6+s12+$0x0] =	vst.idx.msk $0xffff, v2  }
0x101: {  	v2 =	vld.idx.msk [tilespmem:v4+s2+$0x0], $0xffff;
	_ =	sdelay $0x1  }
0x102: {  	v4 =	vadd.s32 $0x2FFF, v1;
	_ =	sdelay $0x2  }
0x103: {  	[tilespmem:v8+s12+$0x0] =	vst.idx.msk $0xffff, v2  }
0x104: {  	[tilespmem:v9+s12+$0x0] =	vst.idx.msk $0xffff, v2  }
0x105: {  	v2 =	vld.idx.msk [tilespmem:v4+s2+$0x0], $0xffff;
	_ =	sdelay $0x1  }
0x106: {  	v4 =	vadd.s32 $0x3FFF, v1;
	_ =	sdelay $0x2  }
0x107: {  	[tilespmem:v11+s12+$0x0] =	vst.idx.msk $0xffff, v2  }
0x108: {  	[tilespmem:v12+s12+$0x0] =	vst.idx.msk $0xffff, v2  }
0x109: {  	v2 =	vld.idx.msk [tilespmem:v4+s2+$0x0], $0xffff;
	_ =	sdelay $0x1  }
0x10a: {  	v4 =	vadd.s32 $0x4FFF, v1;
	_ =	sdelay $0x2  }
0x10b: {  	[tilespmem:v14+s12+$0x0] =	vst.idx.msk $0xffff, v2  }
0x10c: {  	[tilespmem:v15+s12+$0x0] =	vst.idx.msk $0xffff, v2  }
0x10d: {  	v2 =	vld.idx.msk [tilespmem:v4+s2+$0x0], $0xffff;
	_ =	sdelay $0x1  }
0x10e: {  	v4 =	vadd.s32 $0x5FFF, v1;
	_ =	sdelay $0x2  }
0x10f: {  	[tilespmem:v17+s12+$0x0] =	vst.idx.msk $0xffff, v2  }
0x110: {  	[tilespmem:v18+s12+$0x0] =	vst.idx.msk $0xffff, v2  }
0x111: {  	v2 =	vld.idx.msk [tilespmem:v4+s2+$0x0], $0xffff;
	_ =	sdelay $0x1  }
0x112: {  	v4 =	vadd.s32 $0x6FFF, v1;
	_ =	sdelay $0x2  }
0x113: {  	[tilespmem:v20+s12+$0x0] =	vst.idx.msk $0xffff, v2  }
0x114: {  	[tilespmem:v21+s12+$0x0] =	vst.idx.msk $0xffff, v2  }
0x115: {  	v2 =	vld.idx.msk [tilespmem:v4+s2+$0x0], $0xffff;
	_ =	sdelay $0x1  }
0x116: {  	v4 =	vadd.s32 $0x7FFF, v1;
	_ =	sdelay $0x2  }
0x117: {  	[tilespmem:v23+s12+$0x0] =	vst.idx.msk $0xffff, v2  }
0x118: {  	[tilespmem:v24+s12+$0x0] =	vst.idx.msk $0xffff, v2  }
0x119: {  	v2 =	vld.idx.msk [tilespmem:v4+s2+$0x0], $0xffff;
	_ =	sdelay $0x1  }
0x11a: {  	v4 =	vadd.s32 $0x8FFF, v1;
	_ =	sdelay $0x2  }
0x11b: {  	[tilespmem:v26+s12+$0x0] =	vst.idx.msk $0xffff, v2  }
0x11c: {  	[tilespmem:v27+s12+$0x0] =	vst.idx.msk $0xffff, v2  }
0x11d: {  	v2 =	vld.idx.msk [tilespmem:v4+s2+$0x0], $0xffff;
	_ =	sdelay $0x1  }
0x11e: {  	v4 =	vadd.s32 $0x9FFF, v1;
	_ =	sdelay $0x2  }
0x11f: {  	[tilespmem:v29+s12+$0x0] =	vst.idx.msk $0xffff, v2  }
0x120: {  	[tilespmem:v30+s12+$0x0] =	vst.idx.msk $0xffff, v2  }
0x121: {  	v2 =	vld.idx.msk [tilespmem:v4+s2+$0x0], $0xffff;
	_ =	sdelay $0x1  }
0x122: {  	v4 =	vadd.s32 $0xAFFF, v1;
	_ =	sdelay $0x2  }
0x123: {  	[tilespmem:v32+s12+$0x0] =	vst.idx.msk $0xffff, v2  }
0x124: {  	[tilespmem:v33+s12+$0x0] =	vst.idx.msk $0xffff, v2  }
0x125: {  	v2 =	vld.idx.msk [tilespmem:v4+s2+$0x0], $0xffff;
	_ =	sdelay $0x1  }
0x126: {  	v4 =	vadd.s32 $0xBFFF, v1;
	_ =	sdelay $0x2  }
0x127: {  	[tilespmem:v35+s12+$0x0] =	vst.idx.msk $0xffff, v2  }
0x128: {  	[tilespmem:v36+s12+$0x0] =	vst.idx.msk $0xffff, v2  }
0x129: {  	v2 =	vld.idx.msk [tilespmem:v4+s2+$0x0], $0xffff;
	_ =	sdelay $0x1  }
0x12a: {  	v4 =	vadd.s32 $0xCFFF, v1;
	_ =	sdelay $0x2  }
0x12b: {  	[tilespmem:v38+s12+$0x0] =	vst.idx.msk $0xffff, v2  }
0x12c: {  	[tilespmem:v39+s12+$0x0] =	vst.idx.msk $0xffff, v2  }
0x12d: {  	v2 =	vld.idx.msk [tilespmem:v4+s2+$0x0], $0xffff;
	_ =	sdelay $0x1  }
0x12e: {  	v4 =	vadd.s32 $0xDFFF, v1;
	_ =	sdelay $0x2  }
0x12f: {  	[tilespmem:v41+s12+$0x0] =	vst.idx.msk $0xffff, v2  }
0x130: {  	[tilespmem:v42+s12+$0x0] =	vst.idx.msk $0xffff, v2  }
0x131: {  	v2 =	vld.idx.msk [tilespmem:v4+s2+$0x0], $0xffff;
	_ =	sdelay $0x1  }
0x132: {  	v4 =	vadd.s32 $0xEFFF, v1;
	_ =	sdelay $0x2  }
0x133: {  	[tilespmem:v44+s12+$0x0] =	vst.idx.msk $0xffff, v2  }
0x134: {  	[tilespmem:v45+s12+$0x0] =	vst.idx.msk $0xffff, v2  }
0x135: {  	v2 =	vld.idx.msk [tilespmem:v4+s2+$0x0], $0xffff;
	v4 =	vmovc v10;
	v10 =	vmov v13;
	v13 =	vmov v16;
	v16 =	vmov v19  }
0x136: {  	v19 =	vmovc v22;
	v22 =	vmovc v25;
	v25 =	vmov v28;
	v28 =	vmov v31;
	v31 =	vmov v34  }
0x137: {  	v34 =	vmovc v37;
	v37 =	vmovc v40;
	v40 =	vmov v46;
	v46 =	vmov v53;
	v53 =	vmov v55  }
0x138: {  	v55 =	vmovc v57;
	v57 =	vmovc v59;
	v59 =	vmov v61;
	v61 =	vmov v63;
	v63 =	vimm.s32 $0xFFFF;
	_ =	sdelay $0x2  }
0x139: {  	[tilespmem:v47+s12+$0x0] =	vst.idx.msk $0xffff, v2  }
0x13a: {  	[tilespmem:v48+s12+$0x0] =	vst.idx.msk $0xffff, v2  }
0x13b: {  	v2 =	vld.idx.msk [tilespmem:v63+s2+$0x0], $0xffff;
	_ =	sdelay $0x4  }
0x13c: {  	[tilespmem:v50+s12+$0x0] =	vst.idx.msk $0xffff, v2  }
0x13d: {  	s31 =	sadd.s32 s17, s5;
	p0 =	sne.s32 s17, $0x3DE00;
	[tilespmem:v51+s12+$0x0] =	vst.idx.msk $0xffff, v2  }
0x13e: {  	[hbm4b:s31+s9] =	stream.strided.scatter [tilespmem:s12], [sflag:$0x1], $0x8000, s13, s9, $0x38;
	[tilespmem:$0x18800] =	vst v63  }
.Ltmp0:
0x13f: {  	s18 =	sadd.s32 $0x3000, s31;
	(pc) =	sbr.rel @p0 .LBB2_2-.Ltmp0, $4  }
0x140: {  	[hbm4b:s18+s2] =	stream.linear.scatter [tilespmem:s14], [sflag:$0x1], $0x100, $0x38;
	[tilespmem:$0x18800] =	vst v63  }
0x141: {  	_ =	swait.ge [sflag:s11], $0x8100  }
0x142: {  	[sflag:s11] =	ssyncset.done $0x0  }
0x143: {  	s16 =	sadd.s32 $0x8000, s16;
	s17 =	sadd.s32 $0xC600, s17;
	[sflag:s11] =	ssyncadd.s32 $0xFFFF7F00  }
0x144: {  	s15 =	sadd.s32 $0x1, s15  }
0x145: {  	p0 =	sne.s32 s15, s3  }
.Ltmp1:
0x146: {  	_ = 	snop;
	(pc) =	sbr.rel @p0 .LBB2_1-.Ltmp1, $1  }
0x147: {  	_ =	sdelay $0x3  }
0x148: {  	_ =	sfence.sel $0x180000  }
0x149: {  	[bflag:$0x0] =	sbarrier.arrive $0xFFFF  }
0x14a: {  	p0 =	sne.s32 s1, $0x0;
	_ =	strace $0x90000047  }
0x14b: {  	s0 =	sadd.s32 @!p0 $0x100000, s0;
	[bflag:$0x2] =	sbarrier.arrive $0xFFFF  }
0x14c: {  	[sflag:s0] =	ssyncadd.tile.s32 @!p0 $0x1;
	_ =	shalt  }
.Lfunc_end2:
_tile_overlayer_lowered:
.L_overlay_start_2:
0x14d: {  	(tag) =	ssettag $0x2  }
0x14e: {  	s0 =	rddreg [dreg:$0x0];
	s2 =	stileid.u32  }
0x14f: {  	s1 =	rddreg [dreg:$0x1];
	p0 =	sne.s32 s2, $0x0  }
0x150: {  	s3 =	rddreg [dreg:$0x2];
	[bflag:$0x3] =	sbarrier.arrive $0xFFFF;
	s2 =	simm.s32 @!p0 $0x1C01  }
0x151: {  	[timem:s3], [sflag:s2] =	dma.local @!p0 [hbm:s0], s1  }
0x152: {  	s0 =	simm.s32 @!p0 $0x1  }
0x153: {  	_ =	swait.ge @!p0 [sflag:s0], s1  }
0x154: {  	s1 =	ssub.s32 @!p0 $0x0, s1;
	[sflag:s0] =	ssyncset.done @!p0 $0x0  }
0x155: {  	[sflag:s0] =	ssyncadd.s32 @!p0 s1  }
0x156: {  	[bflag:$0x3] =	sbarrier.arrive $0xFFFF  }
0x157: {  	_ =	shalt  }

</sc_bundles>
